<compile_context>
chip_gen: v7x
topology: tpu7x:2x2x1
jax: 0.10.2.dev20260603
libtpu: 0.0.44.dev20260713+nightly
codegen_flags: <defaults>
</compile_context>

<pallas_src>
import math

import jax
import jax.numpy as jnp
from jax import lax
from jax.experimental import pallas as pl
from jax.experimental.pallas import tpu as pltpu
from jax.experimental.pallas import tpu_sc as plsc

NC = 2
NS = 16
NW = NC * NS
CH = 128
NB = 2


def _sc_segsum(nct, nc0_static, np_rows, d, with_deg, nb, table, gidx, sidx,
               ncin=None):
    rows_per_tile = np_rows // NS
    zch = 64
    zfull, zrem = divmod(rows_per_tile, zch)

    npd = NS * 640
    dpt = npd // NS
    out_type = [jax.ShapeDtypeStruct((NC, np_rows, d), jnp.float32)]
    if with_deg:
        out_type.append(jax.ShapeDtypeStruct((npd,), jnp.float32))
        out_type.append(jax.ShapeDtypeStruct((npd,), jnp.float32))
        out_type.append(jax.ShapeDtypeStruct((16,), jnp.float32))
        out_type.append(jax.ShapeDtypeStruct((16,), jnp.float32))
        out_type.append(jax.ShapeDtypeStruct((16,), jnp.float32))
        out_type.append(jax.ShapeDtypeStruct((16,), jnp.float32))
    scratch = [
        pltpu.VMEM((64, d), jnp.float32),
        [pltpu.VMEM((CH,), jnp.int32) for _ in range(nb)],
        [pltpu.VMEM((CH,), jnp.int32) for _ in range(nb)],
        [pltpu.VMEM((CH, d), jnp.float32) for _ in range(nb)],
        pltpu.VMEM_SHARED((np_rows, d), jnp.float32),
        [pltpu.SemaphoreType.DMA for _ in range(nb)],
        [pltpu.SemaphoreType.DMA for _ in range(nb)],
        [pltpu.SemaphoreType.DMA for _ in range(nb)],
        [pltpu.SemaphoreType.DMA for _ in range(nb)],
    ]
    if with_deg:
        scratch += [
            pltpu.VMEM((CH,), jnp.float32),
            pltpu.VMEM((dpt,), jnp.float32),
            pltpu.VMEM_SHARED((npd,), jnp.float32),
            [pltpu.SemaphoreType.DMA for _ in range(nb)],
            pltpu.VMEM((16,), jnp.float32),
            pltpu.VMEM((16,), jnp.float32),
        ]
    if ncin is not None:
        scratch.append(pltpu.VMEM((16,), jnp.int32))

    def body(table_hbm, gidx_hbm, sidx_hbm, *refs):
        ncv = None
        if ncin is not None:
            ncin_hbm, refs = refs[0], refs[1:]
            ncv = refs[-1]
            refs = refs[:-1]
        if with_deg:
            (out_hbm, outd0_hbm, outd1_hbm, tk0_hbm, tk1_hbm, fg0_hbm, fg1_hbm,
             zrows, gib, sib, rows, acc,
             gsem, ssem, gisem, sisem, ones_v, zdeg_v, dacc, dsem,
             tkv, fgv) = refs
        else:
            (out_hbm, zrows, gib, sib, rows, acc,
             gsem, ssem, gisem, sisem) = refs

        cid = lax.axis_index("c")
        sid = lax.axis_index("s")
        base = sid * rows_per_tile
        if ncin is not None:
            pltpu.sync_copy(ncin_hbm, ncv)
            nc0 = ncv[...][0]
        else:
            nc0 = nc0_static
        base_ch = jnp.where(cid == 0, 0, nc0)
        n_me = jnp.where(cid == 0, nc0, nct - nc0)
        ngroups = n_me // nb

        def zrow(i, _):
            for j in range(d // 16):
                zrows[i, pl.ds(j * 16, 16)] = jnp.zeros((16,), jnp.float32)
            return 0
        lax.fori_loop(0, zch, zrow, 0)
        for k in range(zfull):
            pltpu.sync_copy(zrows, acc.at[pl.ds(base + k * zch, zch)])
        if zrem:
            pltpu.sync_copy(zrows.at[pl.ds(0, zrem)],
                            acc.at[pl.ds(base + zfull * zch, zrem)])
        if with_deg:
            def zdeg(i, _):
                zdeg_v[pl.ds(i * 16, 16)] = jnp.zeros((16,), jnp.float32)
                return 0
            lax.fori_loop(0, dpt // 16, zdeg, 0)
            for j in range(CH // 16):
                ones_v[pl.ds(j * 16, 16)] = jnp.ones((16,), jnp.float32)
            pltpu.sync_copy(zdeg_v, dacc.at[pl.ds(sid * dpt, dpt)])

            def _zero_tok(tk):
                pltpu.sync_copy(zdeg_v.at[pl.ds(0, 16)], tk)
            @pl.when(sid == 0)
            def _():
                pl.when(cid == 0)(lambda: _zero_tok(tk0_hbm))
                pl.when(cid == 1)(lambda: _zero_tok(tk1_hbm))

        def load_gidx(j, b):
            return pltpu.async_copy(gidx_hbm.at[sid, base_ch + j], gib[b], gisem[b])

        def load_sidx(j, b):
            return pltpu.async_copy(sidx_hbm.at[sid, base_ch + j], sib[b], sisem[b])

        def start_gather(b):
            return pltpu.async_copy(table_hbm.at[gib[b]], rows[b], gsem[b])

        def wait_gather(b):
            pltpu.make_async_copy(table_hbm.at[gib[b]], rows[b], gsem[b]).wait()

        def start_scatter(b):
            return pltpu.async_copy(rows[b], acc.at[sib[b]], ssem[b], add=True)

        def wait_scatter(b):
            pltpu.make_async_copy(rows[b], acc.at[sib[b]], ssem[b]).wait()

        def start_deg(b):
            return pltpu.async_copy(ones_v, dacc.at[sib[b]], dsem[b], add=True)

        def wait_deg(b):
            pltpu.make_async_copy(ones_v, dacc.at[sib[b]], dsem[b]).wait()

        def wait_gidx(j, b):
            pltpu.make_async_copy(gidx_hbm.at[sid, base_ch + j], gib[b],
                                  gisem[b]).wait()

        def wait_sidx(j, b):
            pltpu.make_async_copy(sidx_hbm.at[sid, base_ch + j], sib[b],
                                  sisem[b]).wait()

        plsc.subcore_barrier()

        def main_work():
            for b in range(nb):
                load_gidx(b, b)
                load_sidx(b, b)
            for b in range(nb):
                wait_gidx(b, b)
                start_gather(b)

            def step(jo, _):
                j0 = nb * jo
                for b in range(nb):
                    wait_gather(b)
                    load_gidx(j0 + b + nb, b)
                    wait_sidx(j0 + b, b)
                    start_scatter(b)
                    if with_deg:
                        start_deg(b)
                for b in range(nb):
                    wait_scatter(b)
                    if with_deg:
                        wait_deg(b)
                    load_sidx(j0 + b + nb, b)
                    wait_gidx(j0 + b + nb, b)
                    start_gather(b)
                return 0
            lax.fori_loop(0, ngroups - 1, step, 0)

            jl = n_me - nb
            for b in range(nb):
                wait_gather(b)
                wait_sidx(jl + b, b)
                start_scatter(b)
                if with_deg:
                    start_deg(b)
            for b in range(nb):
                wait_scatter(b)
                if with_deg:
                    wait_deg(b)

        main_work()

        plsc.subcore_barrier()

        if with_deg:
            def _probe(tk_me, tk_other, fg_me):
                pltpu.sync_copy(ones_v.at[pl.ds(0, 16)], tk_me)
                pltpu.sync_copy(tk_other, tkv)
                fgv[...] = jnp.where(tkv[...] == 0.0,
                                     jnp.ones((16,), jnp.float32),
                                     jnp.zeros((16,), jnp.float32))
                pltpu.sync_copy(fgv, fg_me)
            @pl.when(sid == 0)
            def _():
                pl.when(cid == 0)(lambda: _probe(tk0_hbm, tk1_hbm, fg0_hbm))
                pl.when(cid == 1)(lambda: _probe(tk1_hbm, tk0_hbm, fg1_hbm))

        for k in range(zfull):
            pltpu.sync_copy(acc.at[pl.ds(base + k * zch, zch)],
                            out_hbm.at[cid, pl.ds(base + k * zch, zch)])
        if zrem:
            pltpu.sync_copy(acc.at[pl.ds(base + zfull * zch, zrem)],
                            out_hbm.at[cid, pl.ds(base + zfull * zch, zrem)])
        if with_deg:
            def copy_deg(outd):
                pltpu.sync_copy(dacc.at[pl.ds(sid * dpt, dpt)],
                                outd.at[pl.ds(sid * dpt, dpt)])
            pl.when(cid == 0)(lambda: copy_deg(outd0_hbm))
            pl.when(cid == 1)(lambda: copy_deg(outd1_hbm))

    mesh = plsc.VectorSubcoreMesh(core_axis_name="c", subcore_axis_name="s",
                                  num_cores=NC, num_subcores=NS)
    run = pl.kernel(body, out_type=out_type, mesh=mesh, scratch_types=scratch)
    args = (table, gidx, sidx) if ncin is None else (table, gidx, sidx, ncin)
    res = run(*args)
    return res if with_deg else res[0]


def _tc_layer(n, d, ph, pr, degm, h, W, b8, L):
    bn = 1000
    grid = n // bn

    def body(ph_ref, pr_ref, degm_ref, h_ref, W_ref, b_ref, L_ref, o_ref):
        agg = (ph_ref[0] + ph_ref[1] + pr_ref[0] + pr_ref[1]) / degm_ref[...]
        o = jnp.dot(agg, W_ref[...], preferred_element_type=jnp.float32)
        o = o + jnp.dot(h_ref[...], L_ref[...], preferred_element_type=jnp.float32)
        o = o + b_ref[0:1, :]
        o_ref[...] = jnp.maximum(o, 0.0)

    return pl.pallas_call(
        body,
        grid=(grid,),
        in_specs=[
            pl.BlockSpec((NC, bn, d), lambda i: (0, i, 0)),
            pl.BlockSpec((NC, bn, d), lambda i: (0, i, 0)),
            pl.BlockSpec((bn, d), lambda i: (i, 0)),
            pl.BlockSpec((bn, d), lambda i: (i, 0)),
            pl.BlockSpec((d, d), lambda i: (0, 0)),
            pl.BlockSpec((8, d), lambda i: (0, 0)),
            pl.BlockSpec((d, d), lambda i: (0, 0)),
        ],
        out_specs=pl.BlockSpec((bn, d), lambda i: (i, 0)),
        out_shape=jax.ShapeDtypeStruct((n, d), jnp.float32),
    )(ph, pr, degm, h, W, b8, L)


def kernel(input_h, relation_embed, edges, W1, b1, L1, W2, b2, L2):
    n, d = input_h.shape
    e = edges.shape[0]

    nct = 4 * math.ceil(e / (NS * CH * 4))
    ep = NS * nct * CH
    np_rows = NS * 128 * math.ceil((n + 1) / (NS * 128))

    pad = ep - e
    src = jnp.concatenate([edges[:, 0], jnp.zeros((pad,), jnp.int32)])
    rel = jnp.concatenate([edges[:, 1], jnp.zeros((pad,), jnp.int32)])
    dst = jnp.concatenate([edges[:, 2], jnp.full((pad,), n, jnp.int32)])
    src3 = src.reshape(NS, nct, CH)
    rel3 = rel.reshape(NS, nct, CH)
    dst3 = dst.reshape(NS, nct, CH)

    pr, pdeg0, pdeg1, _tk0, _tk1, fg0, fg1 = _sc_segsum(
        nct, nct // 2, np_rows, d, True, 2, relation_embed, rel3, dst3)

    big = min(nct - 2, 2 * round(nct * 0.373))
    small = nct - big
    f0 = fg0[0] > 0.5
    f1 = fg1[0] > 0.5
    nc0_dyn = jnp.where(jnp.logical_and(f0, jnp.logical_not(f1)), big,
                        jnp.where(jnp.logical_and(f1, jnp.logical_not(f0)),
                                  small, nct // 2)).astype(jnp.int32)
    ncin = jnp.broadcast_to(jnp.reshape(nc0_dyn, (1,)), (16,))

    ph1 = _sc_segsum(nct, None, np_rows, d, False, 2, input_h, src3, dst3,
                     ncin=ncin)

    deg = pdeg0[:n] + pdeg1[:n]
    degm = jnp.broadcast_to(jnp.maximum(deg, 1.0)[:, None], (n, d))
    b1p = jnp.broadcast_to(b1[None, :], (8, d))
    b2p = jnp.broadcast_to(b2[None, :], (8, d))

    out1 = _tc_layer(n, d, ph1, pr, degm, input_h, W1, b1p, L1)
    ph2 = _sc_segsum(nct, None, np_rows, d, False, 2, out1, src3, dst3,
                     ncin=ncin)
    out2 = _tc_layer(n, d, ph2, pr, degm, out1, W2, b2p, L2)
    return out2

# --- scband reference (transcript-rebuilt; emitter-appended) ---
"""Pipeline reference for scband-urgcnbase-64854006169655 (READ-ONLY COPY).

The authoritative reference and input builder live on the scoring server;
editing this copy changes nothing except your own understanding.
"""

import jax, jax.numpy as jnp
import numpy as np

N = 10000
E = 320000
D = 128
R = 10000


def setup_inputs(seed: int = 0) -> dict:
    key = jax.random.key(seed)
    ks = jax.random.split(key, 10)
    s = 1.0 / np.sqrt(D)
    return {
        "input_h": jax.random.normal(ks[0], (N, D), dtype=jnp.float32),
        "relation_embed": jax.random.normal(ks[1], (R, D), dtype=jnp.float32),
        "edges": jax.random.randint(ks[2], (E, 3), 0, N, dtype=jnp.int32),
        "W1": jax.random.normal(ks[3], (D, D), dtype=jnp.float32) * s,
        "b1": jnp.zeros((D,), dtype=jnp.float32),
        "L1": jax.random.normal(ks[4], (D, D), dtype=jnp.float32) * s,
        "W2": jax.random.normal(ks[5], (D, D), dtype=jnp.float32) * s,
        "b2": jnp.zeros((D,), dtype=jnp.float32),
        "L2": jax.random.normal(ks[6], (D, D), dtype=jnp.float32) * s,
    }


def _urgcn_layer(h, rel_emb, edges, W, b, Wloop):
    # edges: [E, 3] rows of (src, rel, dst)
    src = edges[:, 0]
    rel = edges[:, 1]
    dst = edges[:, 2]
    # gather node features and relation embeddings (memory-bound gathers)
    msg = jnp.take(h, src, axis=0) + jnp.take(rel_emb, rel, axis=0)
    # scatter-add aggregation to destination nodes, mean-normalized by degree
    agg = jax.ops.segment_sum(msg, dst, num_segments=h.shape[0])
    deg = jax.ops.segment_sum(jnp.ones((edges.shape[0],), h.dtype), dst, num_segments=h.shape[0])
    agg = agg / jnp.maximum(deg, 1.0)[:, None]
    # linear transform + self-loop transform
    out = agg @ W + b + h @ Wloop
    # active=True -> relu; dropout=0.0 -> identity
    return jax.nn.relu(out)


def reference(input_h, relation_embed, edges, W1, b1, L1, W2, b2, L2):
    h = _urgcn_layer(input_h, relation_embed, edges, W1, b1, L1)
    h = _urgcn_layer(h, relation_embed, edges, W2, b2, L2)
    return h

if __name__ == "__main__":
    import jax
    _d = setup_inputs()
    print(jax.jit(kernel)(*tuple(_d.values())))

</pallas_src>

<mosaic_0001>
#map = affine_map<(d0, d1) -> (0, 0)>
#map1 = affine_map<(d0, d1) -> (0, 0, 0)>
#map2 = affine_map<(d0, d1) -> (0)>
module attributes {stable_mosaic.version = 14 : i64} {
  func.func @body(%arg0: i32, %arg1: i32, %arg2: memref<10000x128xf32, #tpu.memory_space<hbm>>, %arg3: memref<16x160x128xi32, #tpu.memory_space<hbm>>, %arg4: memref<16x160x128xi32, #tpu.memory_space<hbm>>, %arg5: memref<16xi32, #tpu.memory_space<hbm>>, %arg6: memref<2x10240x128xf32, #tpu.memory_space<hbm>>, %arg7: memref<64x128xf32, #tpu.memory_space<vmem>>, %arg8: memref<128xi32, #tpu.memory_space<vmem>>, %arg9: memref<128xi32, #tpu.memory_space<vmem>>, %arg10: memref<128xi32, #tpu.memory_space<vmem>>, %arg11: memref<128xi32, #tpu.memory_space<vmem>>, %arg12: memref<128x128xf32, #tpu.memory_space<vmem>>, %arg13: memref<128x128xf32, #tpu.memory_space<vmem>>, %arg14: memref<10240x128xf32, #tpu.memory_space<vmem_shared>>, %arg15: memref<!tpu.dma_semaphore, #tpu.memory_space<semaphore_mem>>, %arg16: memref<!tpu.dma_semaphore, #tpu.memory_space<semaphore_mem>>, %arg17: memref<!tpu.dma_semaphore, #tpu.memory_space<semaphore_mem>>, %arg18: memref<!tpu.dma_semaphore, #tpu.memory_space<semaphore_mem>>, %arg19: memref<!tpu.dma_semaphore, #tpu.memory_space<semaphore_mem>>, %arg20: memref<!tpu.dma_semaphore, #tpu.memory_space<semaphore_mem>>, %arg21: memref<!tpu.dma_semaphore, #tpu.memory_space<semaphore_mem>>, %arg22: memref<!tpu.dma_semaphore, #tpu.memory_space<semaphore_mem>>, %arg23: memref<16xi32, #tpu.memory_space<vmem>>) attributes {dimension_semantics = [#tpu.dimension_semantics<core_parallel>, #tpu.dimension_semantics<subcore_parallel>], iteration_bounds = array<i64: 2, 16>, scalar_prefetch = 0 : i64, scratch_operands = 17 : i64, tpu.core_type = #tpu.core_type<sc_vector_subcore>, window_params = [{transform_indices = #map}, {transform_indices = #map1}, {transform_indices = #map1}, {transform_indices = #map2}, {transform_indices = #map1}]} {
    %mul3A = arith.constant 640 : i32
    %mul3A_0 = arith.muli %arg1, %mul3A : i32
    "tpu.region"() ({
      %run_scoped3A = tpu.sem_alloc : memref<!tpu.dma_semaphore, #tpu.memory_space<semaphore_mem>>
      tpu.enqueue_dma source(%arg5 : memref<16xi32, #tpu.memory_space<hbm>>) target(%arg23 : memref<16xi32, #tpu.memory_space<vmem>>) target_semaphore(%run_scoped3A : memref<!tpu.dma_semaphore, #tpu.memory_space<semaphore_mem>>)
      tpu.wait_dma2 semaphore(%run_scoped3A : memref<!tpu.dma_semaphore, #tpu.memory_space<semaphore_mem>>) src(%arg5 : memref<16xi32, #tpu.memory_space<hbm>>) dst(%arg23 : memref<16xi32, #tpu.memory_space<vmem>>)
      tpu.yield
    }) : () -> ()
    %get3A = arith.constant 0 : index
    %get3A_1 = tpu.vector_load %arg23[%get3A] {strides = array<i32>} : memref<16xi32, #tpu.memory_space<vmem>>, vector<16xi32>,
    %get3A_2 = vector.shape_cast %get3A_1 : vector<16xi32> to vector<16xi32>
    %slice3A = vector.extract_strided_slice %get3A_2 {offsets = [0], sizes = [1], strides = [1]} : vector<16xi32> to vector<1xi32>
    %squeeze3A = vector.extract %slice3A[0] : i32 from vector<1xi32>
    %eq3A = arith.constant 0 : i32
    %eq3A_3 = arith.cmpi eq, %arg0, %eq3A : i32
    %jit3A = arith.constant 0 : i32
    %select_n3A = arith.select %eq3A_3, %jit3A, %squeeze3A : i32
    %eq3A_4 = arith.constant 0 : i32
    %eq3A_5 = arith.cmpi eq, %arg0, %eq3A_4 : i32
    %sub3A = arith.constant 160 : i32
    %sub3A_6 = arith.subi %sub3A, %squeeze3A : i32
    %select_n3A_7 = arith.select %eq3A_5, %squeeze3A, %sub3A_6 : i32
    %jit3A_8 = arith.constant 2 : i32
    %div3A = arith.divsi %select_n3A_7, %jit3A_8 : i32
    %sign3A = arith.constant 0 : i32
    %sign3A_9 = arith.cmpi sgt, %select_n3A_7, %sign3A : i32
    %sign3A_10 = arith.extui %sign3A_9 : i1 to i32
    %sign3A_11 = arith.constant 0 : i32
    %sign3A_12 = arith.cmpi slt, %select_n3A_7, %sign3A_11 : i32
    %sign3A_13 = arith.extui %sign3A_12 : i1 to i32
    %sign3A_14 = arith.subi %sign3A_10, %sign3A_13 : i32
    %sign3A_15 = arith.constant 0 : i32
    %sign3A_16 = arith.cmpi sgt, %jit3A_8, %sign3A_15 : i32
    %sign3A_17 = arith.extui %sign3A_16 : i1 to i32
    %sign3A_18 = arith.constant 0 : i32
    %sign3A_19 = arith.cmpi slt, %jit3A_8, %sign3A_18 : i32
    %sign3A_20 = arith.extui %sign3A_19 : i1 to i32
    %sign3A_21 = arith.subi %sign3A_17, %sign3A_20 : i32
    %ne3A = arith.cmpi ne, %sign3A_14, %sign3A_21 : i32
    %rem3A = arith.remsi %select_n3A_7, %jit3A_8 : i32
    %ne3A_22 = arith.constant 0 : i32
    %ne3A_23 = arith.cmpi ne, %rem3A, %ne3A_22 : i32
    %and3A = arith.andi %ne3A, %ne3A_23 : i1
    %sub3A_24 = arith.constant 1 : i32
    %sub3A_25 = arith.subi %div3A, %sub3A_24 : i32
    %select_n3A_26 = arith.select %and3A, %sub3A_25, %div3A : i32
    %scan3A = arith.constant 0 : i32
    %scan3A_27 = arith.constant 0 : i32
    %scan3A_28 = arith.constant 64 : i32
    %scan3A_29 = arith.addi %scan3A_27, %scan3A_28 : i32
    %scan3A_30 = arith.constant 1 : i32
    %scan3A_31 = scf.for %scan3A_196 = %scan3A_27 to %scan3A_29 step %scan3A_30 iter_args(%scan3A_197 = %scan3A) -> (i32)  : i32 {
      %broadcast_in_dim3A = arith.constant 0.000000e+00 : f32
      %broadcast_in_dim3A_198 = vector.broadcast %broadcast_in_dim3A : f32 to vector<16xf32>
      %swap3A = arith.index_cast %scan3A_196 : i32 to index
      %swap3A_199 = arith.constant 0 : index
      %swap3A_200 = tpu.vector_load %arg7[%swap3A, %swap3A_199] {strides = array<i32>} : memref<64x128xf32, #tpu.memory_space<vmem>>, vector<1x16xf32>,
      %swap3A_201 = vector.shape_cast %swap3A_200 : vector<1x16xf32> to vector<16xf32>
      %swap3A_202 = vector.shape_cast %broadcast_in_dim3A_198 : vector<16xf32> to vector<1x16xf32>
      tpu.vector_store %arg7[%swap3A, %swap3A_199], %swap3A_202 {strides = array<i32>} : memref<64x128xf32, #tpu.memory_space<vmem>>, vector<1x16xf32>,
      %broadcast_in_dim3A_203 = arith.constant 0.000000e+00 : f32
      %broadcast_in_dim3A_204 = vector.broadcast %broadcast_in_dim3A_203 : f32 to vector<16xf32>
      %swap3A_205 = arith.index_cast %scan3A_196 : i32 to index
      %swap3A_206 = arith.constant 16 : index
      %swap3A_207 = tpu.vector_load %arg7[%swap3A_205, %swap3A_206] {strides = array<i32>} : memref<64x128xf32, #tpu.memory_space<vmem>>, vector<1x16xf32>,
      %swap3A_208 = vector.shape_cast %swap3A_207 : vector<1x16xf32> to vector<16xf32>
      %swap3A_209 = vector.shape_cast %broadcast_in_dim3A_204 : vector<16xf32> to vector<1x16xf32>
      tpu.vector_store %arg7[%swap3A_205, %swap3A_206], %swap3A_209 {strides = array<i32>} : memref<64x128xf32, #tpu.memory_space<vmem>>, vector<1x16xf32>,
      %broadcast_in_dim3A_210 = arith.constant 0.000000e+00 : f32
      %broadcast_in_dim3A_211 = vector.broadcast %broadcast_in_dim3A_210 : f32 to vector<16xf32>
      %swap3A_212 = arith.index_cast %scan3A_196 : i32 to index
      %swap3A_213 = arith.constant 32 : index
      %swap3A_214 = tpu.vector_load %arg7[%swap3A_212, %swap3A_213] {strides = array<i32>} : memref<64x128xf32, #tpu.memory_space<vmem>>, vector<1x16xf32>,
      %swap3A_215 = vector.shape_cast %swap3A_214 : vector<1x16xf32> to vector<16xf32>
      %swap3A_216 = vector.shape_cast %broadcast_in_dim3A_211 : vector<16xf32> to vector<1x16xf32>
      tpu.vector_store %arg7[%swap3A_212, %swap3A_213], %swap3A_216 {strides = array<i32>} : memref<64x128xf32, #tpu.memory_space<vmem>>, vector<1x16xf32>,
      %broadcast_in_dim3A_217 = arith.constant 0.000000e+00 : f32
      %broadcast_in_dim3A_218 = vector.broadcast %broadcast_in_dim3A_217 : f32 to vector<16xf32>
      %swap3A_219 = arith.index_cast %scan3A_196 : i32 to index
      %swap3A_220 = arith.constant 48 : index
      %swap3A_221 = tpu.vector_load %arg7[%swap3A_219, %swap3A_220] {strides = array<i32>} : memref<64x128xf32, #tpu.memory_space<vmem>>, vector<1x16xf32>,
      %swap3A_222 = vector.shape_cast %swap3A_221 : vector<1x16xf32> to vector<16xf32>
      %swap3A_223 = vector.shape_cast %broadcast_in_dim3A_218 : vector<16xf32> to vector<1x16xf32>
      tpu.vector_store %arg7[%swap3A_219, %swap3A_220], %swap3A_223 {strides = array<i32>} : memref<64x128xf32, #tpu.memory_space<vmem>>, vector<1x16xf32>,
      %broadcast_in_dim3A_224 = arith.constant 0.000000e+00 : f32
      %broadcast_in_dim3A_225 = vector.broadcast %broadcast_in_dim3A_224 : f32 to vector<16xf32>
      %swap3A_226 = arith.index_cast %scan3A_196 : i32 to index
      %swap3A_227 = arith.constant 64 : index
      %swap3A_228 = tpu.vector_load %arg7[%swap3A_226, %swap3A_227] {strides = array<i32>} : memref<64x128xf32, #tpu.memory_space<vmem>>, vector<1x16xf32>,
      %swap3A_229 = vector.shape_cast %swap3A_228 : vector<1x16xf32> to vector<16xf32>
      %swap3A_230 = vector.shape_cast %broadcast_in_dim3A_225 : vector<16xf32> to vector<1x16xf32>
      tpu.vector_store %arg7[%swap3A_226, %swap3A_227], %swap3A_230 {strides = array<i32>} : memref<64x128xf32, #tpu.memory_space<vmem>>, vector<1x16xf32>,
      %broadcast_in_dim3A_231 = arith.constant 0.000000e+00 : f32
      %broadcast_in_dim3A_232 = vector.broadcast %broadcast_in_dim3A_231 : f32 to vector<16xf32>
      %swap3A_233 = arith.index_cast %scan3A_196 : i32 to index
      %swap3A_234 = arith.constant 80 : index
      %swap3A_235 = tpu.vector_load %arg7[%swap3A_233, %swap3A_234] {strides = array<i32>} : memref<64x128xf32, #tpu.memory_space<vmem>>, vector<1x16xf32>,
      %swap3A_236 = vector.shape_cast %swap3A_235 : vector<1x16xf32> to vector<16xf32>
      %swap3A_237 = vector.shape_cast %broadcast_in_dim3A_232 : vector<16xf32> to vector<1x16xf32>
      tpu.vector_store %arg7[%swap3A_233, %swap3A_234], %swap3A_237 {strides = array<i32>} : memref<64x128xf32, #tpu.memory_space<vmem>>, vector<1x16xf32>,
      %broadcast_in_dim3A_238 = arith.constant 0.000000e+00 : f32
      %broadcast_in_dim3A_239 = vector.broadcast %broadcast_in_dim3A_238 : f32 to vector<16xf32>
      %swap3A_240 = arith.index_cast %scan3A_196 : i32 to index
      %swap3A_241 = arith.constant 96 : index
      %swap3A_242 = tpu.vector_load %arg7[%swap3A_240, %swap3A_241] {strides = array<i32>} : memref<64x128xf32, #tpu.memory_space<vmem>>, vector<1x16xf32>,
      %swap3A_243 = vector.shape_cast %swap3A_242 : vector<1x16xf32> to vector<16xf32>
      %swap3A_244 = vector.shape_cast %broadcast_in_dim3A_239 : vector<16xf32> to vector<1x16xf32>
      tpu.vector_store %arg7[%swap3A_240, %swap3A_241], %swap3A_244 {strides = array<i32>} : memref<64x128xf32, #tpu.memory_space<vmem>>, vector<1x16xf32>,
      %broadcast_in_dim3A_245 = arith.constant 0.000000e+00 : f32
      %broadcast_in_dim3A_246 = vector.broadcast %broadcast_in_dim3A_245 : f32 to vector<16xf32>
      %swap3A_247 = arith.index_cast %scan3A_196 : i32 to index
      %swap3A_248 = arith.constant 112 : index
      %swap3A_249 = tpu.vector_load %arg7[%swap3A_247, %swap3A_248] {strides = array<i32>} : memref<64x128xf32, #tpu.memory_space<vmem>>, vector<1x16xf32>,
      %swap3A_250 = vector.shape_cast %swap3A_249 : vector<1x16xf32> to vector<16xf32>
      %swap3A_251 = vector.shape_cast %broadcast_in_dim3A_246 : vector<16xf32> to vector<1x16xf32>
      tpu.vector_store %arg7[%swap3A_247, %swap3A_248], %swap3A_251 {strides = array<i32>} : memref<64x128xf32, #tpu.memory_space<vmem>>, vector<1x16xf32>,
      %scan3A_252 = arith.constant 0 : i32
      scf.yield %scan3A_252 : i32
    }
    %scan3A_32 = arith.constant 64 : i32
    %add3A = arith.constant 0 : i32
    %add3A_33 = arith.addi %mul3A_0, %add3A : i32
    "tpu.region"() ({
      %run_scoped3A = tpu.sem_alloc : memref<!tpu.dma_semaphore, #tpu.memory_space<semaphore_mem>>
      %dma_start3A_196 = arith.constant 0 : i32
      %dma_start3A_197 = tpu.memref_slice %arg14[%add3A_33, %dma_start3A_196] : memref<10240x128xf32, #tpu.memory_space<vmem_shared>> -> memref<64x128xf32, #tpu.memory_space<vmem_shared>>
      %dma_start3A_198 = arith.constant 0 : i32
      %dma_start3A_199 = tpu.memref_slice %arg14[%add3A_33, %dma_start3A_198] : memref<10240x128xf32, #tpu.memory_space<vmem_shared>> -> memref<64x128xf32, #tpu.memory_space<vmem_shared>>
      tpu.enqueue_dma source(%arg7 : memref<64x128xf32, #tpu.memory_space<vmem>>) target(%dma_start3A_199 : memref<64x128xf32, #tpu.memory_space<vmem_shared>>) target_semaphore(%run_scoped3A : memref<!tpu.dma_semaphore, #tpu.memory_space<semaphore_mem>>)
      %dma_wait3A_200 = arith.constant 0 : i32
      %dma_wait3A_201 = tpu.memref_slice %arg14[%add3A_33, %dma_wait3A_200] : memref<10240x128xf32, #tpu.memory_space<vmem_shared>> -> memref<64x128xf32, #tpu.memory_space<vmem_shared>>
      %dma_wait3A_202 = arith.constant 0 : i32
      %dma_wait3A_203 = tpu.memref_slice %arg14[%add3A_33, %dma_wait3A_202] : memref<10240x128xf32, #tpu.memory_space<vmem_shared>> -> memref<64x128xf32, #tpu.memory_space<vmem_shared>>
      tpu.wait_dma2 semaphore(%run_scoped3A : memref<!tpu.dma_semaphore, #tpu.memory_space<semaphore_mem>>) src(%arg7 : memref<64x128xf32, #tpu.memory_space<vmem>>) dst(%dma_wait3A_203 : memref<64x128xf32, #tpu.memory_space<vmem_shared>>)
      tpu.yield
    }) : () -> ()
    %add3A_34 = arith.constant 64 : i32
    %add3A_35 = arith.addi %mul3A_0, %add3A_34 : i32
    "tpu.region"() ({
      %run_scoped3A = tpu.sem_alloc : memref<!tpu.dma_semaphore, #tpu.memory_space<semaphore_mem>>
      %dma_start3A_196 = arith.constant 0 : i32
      %dma_start3A_197 = tpu.memref_slice %arg14[%add3A_35, %dma_start3A_196] : memref<10240x128xf32, #tpu.memory_space<vmem_shared>> -> memref<64x128xf32, #tpu.memory_space<vmem_shared>>
      %dma_start3A_198 = arith.constant 0 : i32
      %dma_start3A_199 = tpu.memref_slice %arg14[%add3A_35, %dma_start3A_198] : memref<10240x128xf32, #tpu.memory_space<vmem_shared>> -> memref<64x128xf32, #tpu.memory_space<vmem_shared>>
      tpu.enqueue_dma source(%arg7 : memref<64x128xf32, #tpu.memory_space<vmem>>) target(%dma_start3A_199 : memref<64x128xf32, #tpu.memory_space<vmem_shared>>) target_semaphore(%run_scoped3A : memref<!tpu.dma_semaphore, #tpu.memory_space<semaphore_mem>>)
      %dma_wait3A_200 = arith.constant 0 : i32
      %dma_wait3A_201 = tpu.memref_slice %arg14[%add3A_35, %dma_wait3A_200] : memref<10240x128xf32, #tpu.memory_space<vmem_shared>> -> memref<64x128xf32, #tpu.memory_space<vmem_shared>>
      %dma_wait3A_202 = arith.constant 0 : i32
      %dma_wait3A_203 = tpu.memref_slice %arg14[%add3A_35, %dma_wait3A_202] : memref<10240x128xf32, #tpu.memory_space<vmem_shared>> -> memref<64x128xf32, #tpu.memory_space<vmem_shared>>
      tpu.wait_dma2 semaphore(%run_scoped3A : memref<!tpu.dma_semaphore, #tpu.memory_space<semaphore_mem>>) src(%arg7 : memref<64x128xf32, #tpu.memory_space<vmem>>) dst(%dma_wait3A_203 : memref<64x128xf32, #tpu.memory_space<vmem_shared>>)
      tpu.yield
    }) : () -> ()
    %add3A_36 = arith.constant 128 : i32
    %add3A_37 = arith.addi %mul3A_0, %add3A_36 : i32
    "tpu.region"() ({
      %run_scoped3A = tpu.sem_alloc : memref<!tpu.dma_semaphore, #tpu.memory_space<semaphore_mem>>
      %dma_start3A_196 = arith.constant 0 : i32
      %dma_start3A_197 = tpu.memref_slice %arg14[%add3A_37, %dma_start3A_196] : memref<10240x128xf32, #tpu.memory_space<vmem_shared>> -> memref<64x128xf32, #tpu.memory_space<vmem_shared>>
      %dma_start3A_198 = arith.constant 0 : i32
      %dma_start3A_199 = tpu.memref_slice %arg14[%add3A_37, %dma_start3A_198] : memref<10240x128xf32, #tpu.memory_space<vmem_shared>> -> memref<64x128xf32, #tpu.memory_space<vmem_shared>>
      tpu.enqueue_dma source(%arg7 : memref<64x128xf32, #tpu.memory_space<vmem>>) target(%dma_start3A_199 : memref<64x128xf32, #tpu.memory_space<vmem_shared>>) target_semaphore(%run_scoped3A : memref<!tpu.dma_semaphore, #tpu.memory_space<semaphore_mem>>)
      %dma_wait3A_200 = arith.constant 0 : i32
      %dma_wait3A_201 = tpu.memref_slice %arg14[%add3A_37, %dma_wait3A_200] : memref<10240x128xf32, #tpu.memory_space<vmem_shared>> -> memref<64x128xf32, #tpu.memory_space<vmem_shared>>
      %dma_wait3A_202 = arith.constant 0 : i32
      %dma_wait3A_203 = tpu.memref_slice %arg14[%add3A_37, %dma_wait3A_202] : memref<10240x128xf32, #tpu.memory_space<vmem_shared>> -> memref<64x128xf32, #tpu.memory_space<vmem_shared>>
      tpu.wait_dma2 semaphore(%run_scoped3A : memref<!tpu.dma_semaphore, #tpu.memory_space<semaphore_mem>>) src(%arg7 : memref<64x128xf32, #tpu.memory_space<vmem>>) dst(%dma_wait3A_203 : memref<64x128xf32, #tpu.memory_space<vmem_shared>>)
      tpu.yield
    }) : () -> ()
    %add3A_38 = arith.constant 192 : i32
    %add3A_39 = arith.addi %mul3A_0, %add3A_38 : i32
    "tpu.region"() ({
      %run_scoped3A = tpu.sem_alloc : memref<!tpu.dma_semaphore, #tpu.memory_space<semaphore_mem>>
      %dma_start3A_196 = arith.constant 0 : i32
      %dma_start3A_197 = tpu.memref_slice %arg14[%add3A_39, %dma_start3A_196] : memref<10240x128xf32, #tpu.memory_space<vmem_shared>> -> memref<64x128xf32, #tpu.memory_space<vmem_shared>>
      %dma_start3A_198 = arith.constant 0 : i32
      %dma_start3A_199 = tpu.memref_slice %arg14[%add3A_39, %dma_start3A_198] : memref<10240x128xf32, #tpu.memory_space<vmem_shared>> -> memref<64x128xf32, #tpu.memory_space<vmem_shared>>
      tpu.enqueue_dma source(%arg7 : memref<64x128xf32, #tpu.memory_space<vmem>>) target(%dma_start3A_199 : memref<64x128xf32, #tpu.memory_space<vmem_shared>>) target_semaphore(%run_scoped3A : memref<!tpu.dma_semaphore, #tpu.memory_space<semaphore_mem>>)
      %dma_wait3A_200 = arith.constant 0 : i32
      %dma_wait3A_201 = tpu.memref_slice %arg14[%add3A_39, %dma_wait3A_200] : memref<10240x128xf32, #tpu.memory_space<vmem_shared>> -> memref<64x128xf32, #tpu.memory_space<vmem_shared>>
      %dma_wait3A_202 = arith.constant 0 : i32
      %dma_wait3A_203 = tpu.memref_slice %arg14[%add3A_39, %dma_wait3A_202] : memref<10240x128xf32, #tpu.memory_space<vmem_shared>> -> memref<64x128xf32, #tpu.memory_space<vmem_shared>>
      tpu.wait_dma2 semaphore(%run_scoped3A : memref<!tpu.dma_semaphore, #tpu.memory_space<semaphore_mem>>) src(%arg7 : memref<64x128xf32, #tpu.memory_space<vmem>>) dst(%dma_wait3A_203 : memref<64x128xf32, #tpu.memory_space<vmem_shared>>)
      tpu.yield
    }) : () -> ()
    %add3A_40 = arith.constant 256 : i32
    %add3A_41 = arith.addi %mul3A_0, %add3A_40 : i32
    "tpu.region"() ({
      %run_scoped3A = tpu.sem_alloc : memref<!tpu.dma_semaphore, #tpu.memory_space<semaphore_mem>>
      %dma_start3A_196 = arith.constant 0 : i32
      %dma_start3A_197 = tpu.memref_slice %arg14[%add3A_41, %dma_start3A_196] : memref<10240x128xf32, #tpu.memory_space<vmem_shared>> -> memref<64x128xf32, #tpu.memory_space<vmem_shared>>
      %dma_start3A_198 = arith.constant 0 : i32
      %dma_start3A_199 = tpu.memref_slice %arg14[%add3A_41, %dma_start3A_198] : memref<10240x128xf32, #tpu.memory_space<vmem_shared>> -> memref<64x128xf32, #tpu.memory_space<vmem_shared>>
      tpu.enqueue_dma source(%arg7 : memref<64x128xf32, #tpu.memory_space<vmem>>) target(%dma_start3A_199 : memref<64x128xf32, #tpu.memory_space<vmem_shared>>) target_semaphore(%run_scoped3A : memref<!tpu.dma_semaphore, #tpu.memory_space<semaphore_mem>>)
      %dma_wait3A_200 = arith.constant 0 : i32
      %dma_wait3A_201 = tpu.memref_slice %arg14[%add3A_41, %dma_wait3A_200] : memref<10240x128xf32, #tpu.memory_space<vmem_shared>> -> memref<64x128xf32, #tpu.memory_space<vmem_shared>>
      %dma_wait3A_202 = arith.constant 0 : i32
      %dma_wait3A_203 = tpu.memref_slice %arg14[%add3A_41, %dma_wait3A_202] : memref<10240x128xf32, #tpu.memory_space<vmem_shared>> -> memref<64x128xf32, #tpu.memory_space<vmem_shared>>
      tpu.wait_dma2 semaphore(%run_scoped3A : memref<!tpu.dma_semaphore, #tpu.memory_space<semaphore_mem>>) src(%arg7 : memref<64x128xf32, #tpu.memory_space<vmem>>) dst(%dma_wait3A_203 : memref<64x128xf32, #tpu.memory_space<vmem_shared>>)
      tpu.yield
    }) : () -> ()
    %add3A_42 = arith.constant 320 : i32
    %add3A_43 = arith.addi %mul3A_0, %add3A_42 : i32
    "tpu.region"() ({
      %run_scoped3A = tpu.sem_alloc : memref<!tpu.dma_semaphore, #tpu.memory_space<semaphore_mem>>
      %dma_start3A_196 = arith.constant 0 : i32
      %dma_start3A_197 = tpu.memref_slice %arg14[%add3A_43, %dma_start3A_196] : memref<10240x128xf32, #tpu.memory_space<vmem_shared>> -> memref<64x128xf32, #tpu.memory_space<vmem_shared>>
      %dma_start3A_198 = arith.constant 0 : i32
      %dma_start3A_199 = tpu.memref_slice %arg14[%add3A_43, %dma_start3A_198] : memref<10240x128xf32, #tpu.memory_space<vmem_shared>> -> memref<64x128xf32, #tpu.memory_space<vmem_shared>>
      tpu.enqueue_dma source(%arg7 : memref<64x128xf32, #tpu.memory_space<vmem>>) target(%dma_start3A_199 : memref<64x128xf32, #tpu.memory_space<vmem_shared>>) target_semaphore(%run_scoped3A : memref<!tpu.dma_semaphore, #tpu.memory_space<semaphore_mem>>)
      %dma_wait3A_200 = arith.constant 0 : i32
      %dma_wait3A_201 = tpu.memref_slice %arg14[%add3A_43, %dma_wait3A_200] : memref<10240x128xf32, #tpu.memory_space<vmem_shared>> -> memref<64x128xf32, #tpu.memory_space<vmem_shared>>
      %dma_wait3A_202 = arith.constant 0 : i32
      %dma_wait3A_203 = tpu.memref_slice %arg14[%add3A_43, %dma_wait3A_202] : memref<10240x128xf32, #tpu.memory_space<vmem_shared>> -> memref<64x128xf32, #tpu.memory_space<vmem_shared>>
      tpu.wait_dma2 semaphore(%run_scoped3A : memref<!tpu.dma_semaphore, #tpu.memory_space<semaphore_mem>>) src(%arg7 : memref<64x128xf32, #tpu.memory_space<vmem>>) dst(%dma_wait3A_203 : memref<64x128xf32, #tpu.memory_space<vmem_shared>>)
      tpu.yield
    }) : () -> ()
    %add3A_44 = arith.constant 384 : i32
    %add3A_45 = arith.addi %mul3A_0, %add3A_44 : i32
    "tpu.region"() ({
      %run_scoped3A = tpu.sem_alloc : memref<!tpu.dma_semaphore, #tpu.memory_space<semaphore_mem>>
      %dma_start3A_196 = arith.constant 0 : i32
      %dma_start3A_197 = tpu.memref_slice %arg14[%add3A_45, %dma_start3A_196] : memref<10240x128xf32, #tpu.memory_space<vmem_shared>> -> memref<64x128xf32, #tpu.memory_space<vmem_shared>>
      %dma_start3A_198 = arith.constant 0 : i32
      %dma_start3A_199 = tpu.memref_slice %arg14[%add3A_45, %dma_start3A_198] : memref<10240x128xf32, #tpu.memory_space<vmem_shared>> -> memref<64x128xf32, #tpu.memory_space<vmem_shared>>
      tpu.enqueue_dma source(%arg7 : memref<64x128xf32, #tpu.memory_space<vmem>>) target(%dma_start3A_199 : memref<64x128xf32, #tpu.memory_space<vmem_shared>>) target_semaphore(%run_scoped3A : memref<!tpu.dma_semaphore, #tpu.memory_space<semaphore_mem>>)
      %dma_wait3A_200 = arith.constant 0 : i32
      %dma_wait3A_201 = tpu.memref_slice %arg14[%add3A_45, %dma_wait3A_200] : memref<10240x128xf32, #tpu.memory_space<vmem_shared>> -> memref<64x128xf32, #tpu.memory_space<vmem_shared>>
      %dma_wait3A_202 = arith.constant 0 : i32
      %dma_wait3A_203 = tpu.memref_slice %arg14[%add3A_45, %dma_wait3A_202] : memref<10240x128xf32, #tpu.memory_space<vmem_shared>> -> memref<64x128xf32, #tpu.memory_space<vmem_shared>>
      tpu.wait_dma2 semaphore(%run_scoped3A : memref<!tpu.dma_semaphore, #tpu.memory_space<semaphore_mem>>) src(%arg7 : memref<64x128xf32, #tpu.memory_space<vmem>>) dst(%dma_wait3A_203 : memref<64x128xf32, #tpu.memory_space<vmem_shared>>)
      tpu.yield
    }) : () -> ()
    %add3A_46 = arith.constant 448 : i32
    %add3A_47 = arith.addi %mul3A_0, %add3A_46 : i32
    "tpu.region"() ({
      %run_scoped3A = tpu.sem_alloc : memref<!tpu.dma_semaphore, #tpu.memory_space<semaphore_mem>>
      %dma_start3A_196 = arith.constant 0 : i32
      %dma_start3A_197 = tpu.memref_slice %arg14[%add3A_47, %dma_start3A_196] : memref<10240x128xf32, #tpu.memory_space<vmem_shared>> -> memref<64x128xf32, #tpu.memory_space<vmem_shared>>
      %dma_start3A_198 = arith.constant 0 : i32
      %dma_start3A_199 = tpu.memref_slice %arg14[%add3A_47, %dma_start3A_198] : memref<10240x128xf32, #tpu.memory_space<vmem_shared>> -> memref<64x128xf32, #tpu.memory_space<vmem_shared>>
      tpu.enqueue_dma source(%arg7 : memref<64x128xf32, #tpu.memory_space<vmem>>) target(%dma_start3A_199 : memref<64x128xf32, #tpu.memory_space<vmem_shared>>) target_semaphore(%run_scoped3A : memref<!tpu.dma_semaphore, #tpu.memory_space<semaphore_mem>>)
      %dma_wait3A_200 = arith.constant 0 : i32
      %dma_wait3A_201 = tpu.memref_slice %arg14[%add3A_47, %dma_wait3A_200] : memref<10240x128xf32, #tpu.memory_space<vmem_shared>> -> memref<64x128xf32, #tpu.memory_space<vmem_shared>>
      %dma_wait3A_202 = arith.constant 0 : i32
      %dma_wait3A_203 = tpu.memref_slice %arg14[%add3A_47, %dma_wait3A_202] : memref<10240x128xf32, #tpu.memory_space<vmem_shared>> -> memref<64x128xf32, #tpu.memory_space<vmem_shared>>
      tpu.wait_dma2 semaphore(%run_scoped3A : memref<!tpu.dma_semaphore, #tpu.memory_space<semaphore_mem>>) src(%arg7 : memref<64x128xf32, #tpu.memory_space<vmem>>) dst(%dma_wait3A_203 : memref<64x128xf32, #tpu.memory_space<vmem_shared>>)
      tpu.yield
    }) : () -> ()
    %add3A_48 = arith.constant 512 : i32
    %add3A_49 = arith.addi %mul3A_0, %add3A_48 : i32
    "tpu.region"() ({
      %run_scoped3A = tpu.sem_alloc : memref<!tpu.dma_semaphore, #tpu.memory_space<semaphore_mem>>
      %dma_start3A_196 = arith.constant 0 : i32
      %dma_start3A_197 = tpu.memref_slice %arg14[%add3A_49, %dma_start3A_196] : memref<10240x128xf32, #tpu.memory_space<vmem_shared>> -> memref<64x128xf32, #tpu.memory_space<vmem_shared>>
      %dma_start3A_198 = arith.constant 0 : i32
      %dma_start3A_199 = tpu.memref_slice %arg14[%add3A_49, %dma_start3A_198] : memref<10240x128xf32, #tpu.memory_space<vmem_shared>> -> memref<64x128xf32, #tpu.memory_space<vmem_shared>>
      tpu.enqueue_dma source(%arg7 : memref<64x128xf32, #tpu.memory_space<vmem>>) target(%dma_start3A_199 : memref<64x128xf32, #tpu.memory_space<vmem_shared>>) target_semaphore(%run_scoped3A : memref<!tpu.dma_semaphore, #tpu.memory_space<semaphore_mem>>)
      %dma_wait3A_200 = arith.constant 0 : i32
      %dma_wait3A_201 = tpu.memref_slice %arg14[%add3A_49, %dma_wait3A_200] : memref<10240x128xf32, #tpu.memory_space<vmem_shared>> -> memref<64x128xf32, #tpu.memory_space<vmem_shared>>
      %dma_wait3A_202 = arith.constant 0 : i32
      %dma_wait3A_203 = tpu.memref_slice %arg14[%add3A_49, %dma_wait3A_202] : memref<10240x128xf32, #tpu.memory_space<vmem_shared>> -> memref<64x128xf32, #tpu.memory_space<vmem_shared>>
      tpu.wait_dma2 semaphore(%run_scoped3A : memref<!tpu.dma_semaphore, #tpu.memory_space<semaphore_mem>>) src(%arg7 : memref<64x128xf32, #tpu.memory_space<vmem>>) dst(%dma_wait3A_203 : memref<64x128xf32, #tpu.memory_space<vmem_shared>>)
      tpu.yield
    }) : () -> ()
    %add3A_50 = arith.constant 576 : i32
    %add3A_51 = arith.addi %mul3A_0, %add3A_50 : i32
    "tpu.region"() ({
      %run_scoped3A = tpu.sem_alloc : memref<!tpu.dma_semaphore, #tpu.memory_space<semaphore_mem>>
      %dma_start3A_196 = arith.constant 0 : i32
      %dma_start3A_197 = tpu.memref_slice %arg14[%add3A_51, %dma_start3A_196] : memref<10240x128xf32, #tpu.memory_space<vmem_shared>> -> memref<64x128xf32, #tpu.memory_space<vmem_shared>>
      %dma_start3A_198 = arith.constant 0 : i32
      %dma_start3A_199 = tpu.memref_slice %arg14[%add3A_51, %dma_start3A_198] : memref<10240x128xf32, #tpu.memory_space<vmem_shared>> -> memref<64x128xf32, #tpu.memory_space<vmem_shared>>
      tpu.enqueue_dma source(%arg7 : memref<64x128xf32, #tpu.memory_space<vmem>>) target(%dma_start3A_199 : memref<64x128xf32, #tpu.memory_space<vmem_shared>>) target_semaphore(%run_scoped3A : memref<!tpu.dma_semaphore, #tpu.memory_space<semaphore_mem>>)
      %dma_wait3A_200 = arith.constant 0 : i32
      %dma_wait3A_201 = tpu.memref_slice %arg14[%add3A_51, %dma_wait3A_200] : memref<10240x128xf32, #tpu.memory_space<vmem_shared>> -> memref<64x128xf32, #tpu.memory_space<vmem_shared>>
      %dma_wait3A_202 = arith.constant 0 : i32
      %dma_wait3A_203 = tpu.memref_slice %arg14[%add3A_51, %dma_wait3A_202] : memref<10240x128xf32, #tpu.memory_space<vmem_shared>> -> memref<64x128xf32, #tpu.memory_space<vmem_shared>>
      tpu.wait_dma2 semaphore(%run_scoped3A : memref<!tpu.dma_semaphore, #tpu.memory_space<semaphore_mem>>) src(%arg7 : memref<64x128xf32, #tpu.memory_space<vmem>>) dst(%dma_wait3A_203 : memref<64x128xf32, #tpu.memory_space<vmem_shared>>)
      tpu.yield
    }) : () -> ()
    %barrier3A = arith.constant 0 : index
    tpu.barrier barrier_id(%barrier3A)
    %add3A_52 = arith.constant 0 : i32
    %add3A_53 = arith.addi %select_n3A, %add3A_52 : i32
    %dma_start3A = arith.constant 0 : i32
    %dma_start3A_54 = tpu.memref_slice %arg3[%arg1, %add3A_53, %dma_start3A] : memref<16x160x128xi32, #tpu.memory_space<hbm>> -> memref<1x1x128xi32, #tpu.memory_space<hbm>>
    %dma_start3A_55 = tpu.memref_squeeze %dma_start3A_54 : memref<1x1x128xi32, #tpu.memory_space<hbm>> -> memref<128xi32, #tpu.memory_space<hbm>>
    %dma_start3A_56 = arith.constant 0 : i32
    %dma_start3A_57 = tpu.memref_slice %arg3[%arg1, %add3A_53, %dma_start3A_56] : memref<16x160x128xi32, #tpu.memory_space<hbm>> -> memref<1x1x128xi32, #tpu.memory_space<hbm>>
    %dma_start3A_58 = tpu.memref_squeeze %dma_start3A_57 : memref<1x1x128xi32, #tpu.memory_space<hbm>> -> memref<128xi32, #tpu.memory_space<hbm>>
    tpu.enqueue_dma source(%dma_start3A_58 : memref<128xi32, #tpu.memory_space<hbm>>) target(%arg8 : memref<128xi32, #tpu.memory_space<vmem>>) target_semaphore(%arg19 : memref<!tpu.dma_semaphore, #tpu.memory_space<semaphore_mem>>)
    %add3A_59 = arith.constant 0 : i32
    %add3A_60 = arith.addi %select_n3A, %add3A_59 : i32
    %dma_start3A_61 = arith.constant 0 : i32
    %dma_start3A_62 = tpu.memref_slice %arg4[%arg1, %add3A_60, %dma_start3A_61] : memref<16x160x128xi32, #tpu.memory_space<hbm>> -> memref<1x1x128xi32, #tpu.memory_space<hbm>>
    %dma_start3A_63 = tpu.memref_squeeze %dma_start3A_62 : memref<1x1x128xi32, #tpu.memory_space<hbm>> -> memref<128xi32, #tpu.memory_space<hbm>>
    %dma_start3A_64 = arith.constant 0 : i32
    %dma_start3A_65 = tpu.memref_slice %arg4[%arg1, %add3A_60, %dma_start3A_64] : memref<16x160x128xi32, #tpu.memory_space<hbm>> -> memref<1x1x128xi32, #tpu.memory_space<hbm>>
    %dma_start3A_66 = tpu.memref_squeeze %dma_start3A_65 : memref<1x1x128xi32, #tpu.memory_space<hbm>> -> memref<128xi32, #tpu.memory_space<hbm>>
    tpu.enqueue_dma source(%dma_start3A_66 : memref<128xi32, #tpu.memory_space<hbm>>) target(%arg10 : memref<128xi32, #tpu.memory_space<vmem>>) target_semaphore(%arg21 : memref<!tpu.dma_semaphore, #tpu.memory_space<semaphore_mem>>)
    %add3A_67 = arith.constant 1 : i32
    %add3A_68 = arith.addi %select_n3A, %add3A_67 : i32
    %dma_start3A_69 = arith.constant 0 : i32
    %dma_start3A_70 = tpu.memref_slice %arg3[%arg1, %add3A_68, %dma_start3A_69] : memref<16x160x128xi32, #tpu.memory_space<hbm>> -> memref<1x1x128xi32, #tpu.memory_space<hbm>>
    %dma_start3A_71 = tpu.memref_squeeze %dma_start3A_70 : memref<1x1x128xi32, #tpu.memory_space<hbm>> -> memref<128xi32, #tpu.memory_space<hbm>>
    %dma_start3A_72 = arith.constant 0 : i32
    %dma_start3A_73 = tpu.memref_slice %arg3[%arg1, %add3A_68, %dma_start3A_72] : memref<16x160x128xi32, #tpu.memory_space<hbm>> -> memref<1x1x128xi32, #tpu.memory_space<hbm>>
    %dma_start3A_74 = tpu.memref_squeeze %dma_start3A_73 : memref<1x1x128xi32, #tpu.memory_space<hbm>> -> memref<128xi32, #tpu.memory_space<hbm>>
    tpu.enqueue_dma source(%dma_start3A_74 : memref<128xi32, #tpu.memory_space<hbm>>) target(%arg9 : memref<128xi32, #tpu.memory_space<vmem>>) target_semaphore(%arg20 : memref<!tpu.dma_semaphore, #tpu.memory_space<semaphore_mem>>)
    %add3A_75 = arith.constant 1 : i32
    %add3A_76 = arith.addi %select_n3A, %add3A_75 : i32
    %dma_start3A_77 = arith.constant 0 : i32
    %dma_start3A_78 = tpu.memref_slice %arg4[%arg1, %add3A_76, %dma_start3A_77] : memref<16x160x128xi32, #tpu.memory_space<hbm>> -> memref<1x1x128xi32, #tpu.memory_space<hbm>>
    %dma_start3A_79 = tpu.memref_squeeze %dma_start3A_78 : memref<1x1x128xi32, #tpu.memory_space<hbm>> -> memref<128xi32, #tpu.memory_space<hbm>>
    %dma_start3A_80 = arith.constant 0 : i32
    %dma_start3A_81 = tpu.memref_slice %arg4[%arg1, %add3A_76, %dma_start3A_80] : memref<16x160x128xi32, #tpu.memory_space<hbm>> -> memref<1x1x128xi32, #tpu.memory_space<hbm>>
    %dma_start3A_82 = tpu.memref_squeeze %dma_start3A_81 : memref<1x1x128xi32, #tpu.memory_space<hbm>> -> memref<128xi32, #tpu.memory_space<hbm>>
    tpu.enqueue_dma source(%dma_start3A_82 : memref<128xi32, #tpu.memory_space<hbm>>) target(%arg11 : memref<128xi32, #tpu.memory_space<vmem>>) target_semaphore(%arg22 : memref<!tpu.dma_semaphore, #tpu.memory_space<semaphore_mem>>)
    %add3A_83 = arith.constant 0 : i32
    %add3A_84 = arith.addi %select_n3A, %add3A_83 : i32
    %dma_wait3A = arith.constant 0 : i32
    %dma_wait3A_85 = tpu.memref_slice %arg3[%arg1, %add3A_84, %dma_wait3A] : memref<16x160x128xi32, #tpu.memory_space<hbm>> -> memref<1x1x128xi32, #tpu.memory_space<hbm>>
    %dma_wait3A_86 = tpu.memref_squeeze %dma_wait3A_85 : memref<1x1x128xi32, #tpu.memory_space<hbm>> -> memref<128xi32, #tpu.memory_space<hbm>>
    %dma_wait3A_87 = arith.constant 0 : i32
    %dma_wait3A_88 = tpu.memref_slice %arg3[%arg1, %add3A_84, %dma_wait3A_87] : memref<16x160x128xi32, #tpu.memory_space<hbm>> -> memref<1x1x128xi32, #tpu.memory_space<hbm>>
    %dma_wait3A_89 = tpu.memref_squeeze %dma_wait3A_88 : memref<1x1x128xi32, #tpu.memory_space<hbm>> -> memref<128xi32, #tpu.memory_space<hbm>>
    tpu.wait_dma2 semaphore(%arg19 : memref<!tpu.dma_semaphore, #tpu.memory_space<semaphore_mem>>) src(%dma_wait3A_89 : memref<128xi32, #tpu.memory_space<hbm>>) dst(%arg8 : memref<128xi32, #tpu.memory_space<vmem>>)
    %dma_start3A_90 = arith.constant 0 : i32
    %dma_start3A_91 = arith.constant 0 : i32
    %dma_start3A_92 = tpu.memref_slice %arg2[%dma_start3A_90, %dma_start3A_91] : memref<10000x128xf32, #tpu.memory_space<hbm>> -> memref<10000x128xf32, #tpu.memory_space<hbm>>
    tpu.enqueue_indirect_dma source(%dma_start3A_92 : memref<10000x128xf32, #tpu.memory_space<hbm>>) target(%arg12 : memref<128x128xf32, #tpu.memory_space<vmem>>) offsets(%arg8 : memref<128xi32, #tpu.memory_space<vmem>>) semaphore(%arg15 : memref<!tpu.dma_semaphore, #tpu.memory_space<semaphore_mem>>)
    %add3A_93 = arith.constant 1 : i32
    %add3A_94 = arith.addi %select_n3A, %add3A_93 : i32
    %dma_wait3A_95 = arith.constant 0 : i32
    %dma_wait3A_96 = tpu.memref_slice %arg3[%arg1, %add3A_94, %dma_wait3A_95] : memref<16x160x128xi32, #tpu.memory_space<hbm>> -> memref<1x1x128xi32, #tpu.memory_space<hbm>>
    %dma_wait3A_97 = tpu.memref_squeeze %dma_wait3A_96 : memref<1x1x128xi32, #tpu.memory_space<hbm>> -> memref<128xi32, #tpu.memory_space<hbm>>
    %dma_wait3A_98 = arith.constant 0 : i32
    %dma_wait3A_99 = tpu.memref_slice %arg3[%arg1, %add3A_94, %dma_wait3A_98] : memref<16x160x128xi32, #tpu.memory_space<hbm>> -> memref<1x1x128xi32, #tpu.memory_space<hbm>>
    %dma_wait3A_100 = tpu.memref_squeeze %dma_wait3A_99 : memref<1x1x128xi32, #tpu.memory_space<hbm>> -> memref<128xi32, #tpu.memory_space<hbm>>
    tpu.wait_dma2 semaphore(%arg20 : memref<!tpu.dma_semaphore, #tpu.memory_space<semaphore_mem>>) src(%dma_wait3A_100 : memref<128xi32, #tpu.memory_space<hbm>>) dst(%arg9 : memref<128xi32, #tpu.memory_space<vmem>>)
    %dma_start3A_101 = arith.constant 0 : i32
    %dma_start3A_102 = arith.constant 0 : i32
    %dma_start3A_103 = tpu.memref_slice %arg2[%dma_start3A_101, %dma_start3A_102] : memref<10000x128xf32, #tpu.memory_space<hbm>> -> memref<10000x128xf32, #tpu.memory_space<hbm>>
    tpu.enqueue_indirect_dma source(%dma_start3A_103 : memref<10000x128xf32, #tpu.memory_space<hbm>>) target(%arg13 : memref<128x128xf32, #tpu.memory_space<vmem>>) offsets(%arg9 : memref<128xi32, #tpu.memory_space<vmem>>) semaphore(%arg16 : memref<!tpu.dma_semaphore, #tpu.memory_space<semaphore_mem>>)
    %sub3A_104 = arith.constant 1 : i32
    %sub3A_105 = arith.subi %select_n3A_26, %sub3A_104 : i32
    %while3A = arith.constant 0 : i32
    %while3A_106 = arith.constant 0 : i32
    %while3A_107 = arith.subi %sub3A_105, %while3A : i32
    %while3A_108 = arith.addi %while3A, %while3A_107 : i32
    %while3A_109 = arith.constant 1 : i32
    %while3A_110 = arith.divsi %while3A_107, %while3A_109 : i32
    %while3A_111 = arith.muli %while3A_110, %while3A_109 : i32
    %while3A_112 = arith.addi %while3A, %while3A_111 : i32
    %while3A_113 = arith.constant 1 : i32
    %while3A_114 = scf.for %while3A_196 = %while3A to %while3A_112 step %while3A_113 iter_args(%while3A_197 = %while3A_106) -> (i32)  : i32 {
      %mul3A_198 = arith.constant 2 : i32
      %mul3A_199 = arith.muli %mul3A_198, %while3A_196 : i32
      %dma_wait3A_200 = arith.constant 0 : i32
      %dma_wait3A_201 = arith.constant 0 : i32
      %dma_wait3A_202 = tpu.memref_slice %arg2[%dma_wait3A_200, %dma_wait3A_201] : memref<10000x128xf32, #tpu.memory_space<hbm>> -> memref<10000x128xf32, #tpu.memory_space<hbm>>
      tpu.wait_indirect_dma semaphore(%arg15 : memref<!tpu.dma_semaphore, #tpu.memory_space<semaphore_mem>>) src(%dma_wait3A_202 : memref<10000x128xf32, #tpu.memory_space<hbm>>) dst(%arg12 : memref<128x128xf32, #tpu.memory_space<vmem>>)
      %add3A_203 = arith.constant 0 : i32
      %add3A_204 = arith.addi %mul3A_199, %add3A_203 : i32
      %add3A_205 = arith.constant 2 : i32
      %add3A_206 = arith.addi %add3A_204, %add3A_205 : i32
      %add3A_207 = arith.addi %select_n3A, %add3A_206 : i32
      %dma_start3A_208 = arith.constant 0 : i32
      %dma_start3A_209 = tpu.memref_slice %arg3[%arg1, %add3A_207, %dma_start3A_208] : memref<16x160x128xi32, #tpu.memory_space<hbm>> -> memref<1x1x128xi32, #tpu.memory_space<hbm>>
      %dma_start3A_210 = tpu.memref_squeeze %dma_start3A_209 : memref<1x1x128xi32, #tpu.memory_space<hbm>> -> memref<128xi32, #tpu.memory_space<hbm>>
      %dma_start3A_211 = arith.constant 0 : i32
      %dma_start3A_212 = tpu.memref_slice %arg3[%arg1, %add3A_207, %dma_start3A_211] : memref<16x160x128xi32, #tpu.memory_space<hbm>> -> memref<1x1x128xi32, #tpu.memory_space<hbm>>
      %dma_start3A_213 = tpu.memref_squeeze %dma_start3A_212 : memref<1x1x128xi32, #tpu.memory_space<hbm>> -> memref<128xi32, #tpu.memory_space<hbm>>
      tpu.enqueue_dma source(%dma_start3A_213 : memref<128xi32, #tpu.memory_space<hbm>>) target(%arg8 : memref<128xi32, #tpu.memory_space<vmem>>) target_semaphore(%arg19 : memref<!tpu.dma_semaphore, #tpu.memory_space<semaphore_mem>>)
      %add3A_214 = arith.constant 0 : i32
      %add3A_215 = arith.addi %mul3A_199, %add3A_214 : i32
      %add3A_216 = arith.addi %select_n3A, %add3A_215 : i32
      %dma_wait3A_217 = arith.constant 0 : i32
      %dma_wait3A_218 = tpu.memref_slice %arg4[%arg1, %add3A_216, %dma_wait3A_217] : memref<16x160x128xi32, #tpu.memory_space<hbm>> -> memref<1x1x128xi32, #tpu.memory_space<hbm>>
      %dma_wait3A_219 = tpu.memref_squeeze %dma_wait3A_218 : memref<1x1x128xi32, #tpu.memory_space<hbm>> -> memref<128xi32, #tpu.memory_space<hbm>>
      %dma_wait3A_220 = arith.constant 0 : i32
      %dma_wait3A_221 = tpu.memref_slice %arg4[%arg1, %add3A_216, %dma_wait3A_220] : memref<16x160x128xi32, #tpu.memory_space<hbm>> -> memref<1x1x128xi32, #tpu.memory_space<hbm>>
      %dma_wait3A_222 = tpu.memref_squeeze %dma_wait3A_221 : memref<1x1x128xi32, #tpu.memory_space<hbm>> -> memref<128xi32, #tpu.memory_space<hbm>>
      tpu.wait_dma2 semaphore(%arg21 : memref<!tpu.dma_semaphore, #tpu.memory_space<semaphore_mem>>) src(%dma_wait3A_222 : memref<128xi32, #tpu.memory_space<hbm>>) dst(%arg10 : memref<128xi32, #tpu.memory_space<vmem>>)
      %dma_start3A_223 = arith.constant 0 : i32
      %dma_start3A_224 = arith.constant 0 : i32
      %dma_start3A_225 = tpu.memref_slice %arg14[%dma_start3A_223, %dma_start3A_224] : memref<10240x128xf32, #tpu.memory_space<vmem_shared>> -> memref<10240x128xf32, #tpu.memory_space<vmem_shared>>
      tpu.enqueue_indirect_dma source(%arg12 : memref<128x128xf32, #tpu.memory_space<vmem>>) target(%dma_start3A_225 : memref<10240x128xf32, #tpu.memory_space<vmem_shared>>) offsets(%arg10 : memref<128xi32, #tpu.memory_space<vmem>>) semaphore(%arg17 : memref<!tpu.dma_semaphore, #tpu.memory_space<semaphore_mem>>) {add = true}
      %dma_wait3A_226 = arith.constant 0 : i32
      %dma_wait3A_227 = arith.constant 0 : i32
      %dma_wait3A_228 = tpu.memref_slice %arg2[%dma_wait3A_226, %dma_wait3A_227] : memref<10000x128xf32, #tpu.memory_space<hbm>> -> memref<10000x128xf32, #tpu.memory_space<hbm>>
      tpu.wait_indirect_dma semaphore(%arg16 : memref<!tpu.dma_semaphore, #tpu.memory_space<semaphore_mem>>) src(%dma_wait3A_228 : memref<10000x128xf32, #tpu.memory_space<hbm>>) dst(%arg13 : memref<128x128xf32, #tpu.memory_space<vmem>>)
      %add3A_229 = arith.constant 1 : i32
      %add3A_230 = arith.addi %mul3A_199, %add3A_229 : i32
      %add3A_231 = arith.constant 2 : i32
      %add3A_232 = arith.addi %add3A_230, %add3A_231 : i32
      %add3A_233 = arith.addi %select_n3A, %add3A_232 : i32
      %dma_start3A_234 = arith.constant 0 : i32
      %dma_start3A_235 = tpu.memref_slice %arg3[%arg1, %add3A_233, %dma_start3A_234] : memref<16x160x128xi32, #tpu.memory_space<hbm>> -> memref<1x1x128xi32, #tpu.memory_space<hbm>>
      %dma_start3A_236 = tpu.memref_squeeze %dma_start3A_235 : memref<1x1x128xi32, #tpu.memory_space<hbm>> -> memref<128xi32, #tpu.memory_space<hbm>>
      %dma_start3A_237 = arith.constant 0 : i32
      %dma_start3A_238 = tpu.memref_slice %arg3[%arg1, %add3A_233, %dma_start3A_237] : memref<16x160x128xi32, #tpu.memory_space<hbm>> -> memref<1x1x128xi32, #tpu.memory_space<hbm>>
      %dma_start3A_239 = tpu.memref_squeeze %dma_start3A_238 : memref<1x1x128xi32, #tpu.memory_space<hbm>> -> memref<128xi32, #tpu.memory_space<hbm>>
      tpu.enqueue_dma source(%dma_start3A_239 : memref<128xi32, #tpu.memory_space<hbm>>) target(%arg9 : memref<128xi32, #tpu.memory_space<vmem>>) target_semaphore(%arg20 : memref<!tpu.dma_semaphore, #tpu.memory_space<semaphore_mem>>)
      %add3A_240 = arith.constant 1 : i32
      %add3A_241 = arith.addi %mul3A_199, %add3A_240 : i32
      %add3A_242 = arith.addi %select_n3A, %add3A_241 : i32
      %dma_wait3A_243 = arith.constant 0 : i32
      %dma_wait3A_244 = tpu.memref_slice %arg4[%arg1, %add3A_242, %dma_wait3A_243] : memref<16x160x128xi32, #tpu.memory_space<hbm>> -> memref<1x1x128xi32, #tpu.memory_space<hbm>>
      %dma_wait3A_245 = tpu.memref_squeeze %dma_wait3A_244 : memref<1x1x128xi32, #tpu.memory_space<hbm>> -> memref<128xi32, #tpu.memory_space<hbm>>
      %dma_wait3A_246 = arith.constant 0 : i32
      %dma_wait3A_247 = tpu.memref_slice %arg4[%arg1, %add3A_242, %dma_wait3A_246] : memref<16x160x128xi32, #tpu.memory_space<hbm>> -> memref<1x1x128xi32, #tpu.memory_space<hbm>>
      %dma_wait3A_248 = tpu.memref_squeeze %dma_wait3A_247 : memref<1x1x128xi32, #tpu.memory_space<hbm>> -> memref<128xi32, #tpu.memory_space<hbm>>
      tpu.wait_dma2 semaphore(%arg22 : memref<!tpu.dma_semaphore, #tpu.memory_space<semaphore_mem>>) src(%dma_wait3A_248 : memref<128xi32, #tpu.memory_space<hbm>>) dst(%arg11 : memref<128xi32, #tpu.memory_space<vmem>>)
      %dma_start3A_249 = arith.constant 0 : i32
      %dma_start3A_250 = arith.constant 0 : i32
      %dma_start3A_251 = tpu.memref_slice %arg14[%dma_start3A_249, %dma_start3A_250] : memref<10240x128xf32, #tpu.memory_space<vmem_shared>> -> memref<10240x128xf32, #tpu.memory_space<vmem_shared>>
      tpu.enqueue_indirect_dma source(%arg13 : memref<128x128xf32, #tpu.memory_space<vmem>>) target(%dma_start3A_251 : memref<10240x128xf32, #tpu.memory_space<vmem_shared>>) offsets(%arg11 : memref<128xi32, #tpu.memory_space<vmem>>) semaphore(%arg18 : memref<!tpu.dma_semaphore, #tpu.memory_space<semaphore_mem>>) {add = true}
      %dma_wait3A_252 = arith.constant 0 : i32
      %dma_wait3A_253 = arith.constant 0 : i32
      %dma_wait3A_254 = tpu.memref_slice %arg14[%dma_wait3A_252, %dma_wait3A_253] : memref<10240x128xf32, #tpu.memory_space<vmem_shared>> -> memref<10240x128xf32, #tpu.memory_space<vmem_shared>>
      tpu.wait_indirect_dma semaphore(%arg17 : memref<!tpu.dma_semaphore, #tpu.memory_space<semaphore_mem>>) src(%arg12 : memref<128x128xf32, #tpu.memory_space<vmem>>) dst(%dma_wait3A_254 : memref<10240x128xf32, #tpu.memory_space<vmem_shared>>)
      %add3A_255 = arith.constant 0 : i32
      %add3A_256 = arith.addi %mul3A_199, %add3A_255 : i32
      %add3A_257 = arith.constant 2 : i32
      %add3A_258 = arith.addi %add3A_256, %add3A_257 : i32
      %add3A_259 = arith.addi %select_n3A, %add3A_258 : i32
      %dma_start3A_260 = arith.constant 0 : i32
      %dma_start3A_261 = tpu.memref_slice %arg4[%arg1, %add3A_259, %dma_start3A_260] : memref<16x160x128xi32, #tpu.memory_space<hbm>> -> memref<1x1x128xi32, #tpu.memory_space<hbm>>
      %dma_start3A_262 = tpu.memref_squeeze %dma_start3A_261 : memref<1x1x128xi32, #tpu.memory_space<hbm>> -> memref<128xi32, #tpu.memory_space<hbm>>
      %dma_start3A_263 = arith.constant 0 : i32
      %dma_start3A_264 = tpu.memref_slice %arg4[%arg1, %add3A_259, %dma_start3A_263] : memref<16x160x128xi32, #tpu.memory_space<hbm>> -> memref<1x1x128xi32, #tpu.memory_space<hbm>>
      %dma_start3A_265 = tpu.memref_squeeze %dma_start3A_264 : memref<1x1x128xi32, #tpu.memory_space<hbm>> -> memref<128xi32, #tpu.memory_space<hbm>>
      tpu.enqueue_dma source(%dma_start3A_265 : memref<128xi32, #tpu.memory_space<hbm>>) target(%arg10 : memref<128xi32, #tpu.memory_space<vmem>>) target_semaphore(%arg21 : memref<!tpu.dma_semaphore, #tpu.memory_space<semaphore_mem>>)
      %add3A_266 = arith.constant 0 : i32
      %add3A_267 = arith.addi %mul3A_199, %add3A_266 : i32
      %add3A_268 = arith.constant 2 : i32
      %add3A_269 = arith.addi %add3A_267, %add3A_268 : i32
      %add3A_270 = arith.addi %select_n3A, %add3A_269 : i32
      %dma_wait3A_271 = arith.constant 0 : i32
      %dma_wait3A_272 = tpu.memref_slice %arg3[%arg1, %add3A_270, %dma_wait3A_271] : memref<16x160x128xi32, #tpu.memory_space<hbm>> -> memref<1x1x128xi32, #tpu.memory_space<hbm>>
      %dma_wait3A_273 = tpu.memref_squeeze %dma_wait3A_272 : memref<1x1x128xi32, #tpu.memory_space<hbm>> -> memref<128xi32, #tpu.memory_space<hbm>>
      %dma_wait3A_274 = arith.constant 0 : i32
      %dma_wait3A_275 = tpu.memref_slice %arg3[%arg1, %add3A_270, %dma_wait3A_274] : memref<16x160x128xi32, #tpu.memory_space<hbm>> -> memref<1x1x128xi32, #tpu.memory_space<hbm>>
      %dma_wait3A_276 = tpu.memref_squeeze %dma_wait3A_275 : memref<1x1x128xi32, #tpu.memory_space<hbm>> -> memref<128xi32, #tpu.memory_space<hbm>>
      tpu.wait_dma2 semaphore(%arg19 : memref<!tpu.dma_semaphore, #tpu.memory_space<semaphore_mem>>) src(%dma_wait3A_276 : memref<128xi32, #tpu.memory_space<hbm>>) dst(%arg8 : memref<128xi32, #tpu.memory_space<vmem>>)
      %dma_start3A_277 = arith.constant 0 : i32
      %dma_start3A_278 = arith.constant 0 : i32
      %dma_start3A_279 = tpu.memref_slice %arg2[%dma_start3A_277, %dma_start3A_278] : memref<10000x128xf32, #tpu.memory_space<hbm>> -> memref<10000x128xf32, #tpu.memory_space<hbm>>
      tpu.enqueue_indirect_dma source(%dma_start3A_279 : memref<10000x128xf32, #tpu.memory_space<hbm>>) target(%arg12 : memref<128x128xf32, #tpu.memory_space<vmem>>) offsets(%arg8 : memref<128xi32, #tpu.memory_space<vmem>>) semaphore(%arg15 : memref<!tpu.dma_semaphore, #tpu.memory_space<semaphore_mem>>)
      %dma_wait3A_280 = arith.constant 0 : i32
      %dma_wait3A_281 = arith.constant 0 : i32
      %dma_wait3A_282 = tpu.memref_slice %arg14[%dma_wait3A_280, %dma_wait3A_281] : memref<10240x128xf32, #tpu.memory_space<vmem_shared>> -> memref<10240x128xf32, #tpu.memory_space<vmem_shared>>
      tpu.wait_indirect_dma semaphore(%arg18 : memref<!tpu.dma_semaphore, #tpu.memory_space<semaphore_mem>>) src(%arg13 : memref<128x128xf32, #tpu.memory_space<vmem>>) dst(%dma_wait3A_282 : memref<10240x128xf32, #tpu.memory_space<vmem_shared>>)
      %add3A_283 = arith.constant 1 : i32
      %add3A_284 = arith.addi %mul3A_199, %add3A_283 : i32
      %add3A_285 = arith.constant 2 : i32
      %add3A_286 = arith.addi %add3A_284, %add3A_285 : i32
      %add3A_287 = arith.addi %select_n3A, %add3A_286 : i32
      %dma_start3A_288 = arith.constant 0 : i32
      %dma_start3A_289 = tpu.memref_slice %arg4[%arg1, %add3A_287, %dma_start3A_288] : memref<16x160x128xi32, #tpu.memory_space<hbm>> -> memref<1x1x128xi32, #tpu.memory_space<hbm>>
      %dma_start3A_290 = tpu.memref_squeeze %dma_start3A_289 : memref<1x1x128xi32, #tpu.memory_space<hbm>> -> memref<128xi32, #tpu.memory_space<hbm>>
      %dma_start3A_291 = arith.constant 0 : i32
      %dma_start3A_292 = tpu.memref_slice %arg4[%arg1, %add3A_287, %dma_start3A_291] : memref<16x160x128xi32, #tpu.memory_space<hbm>> -> memref<1x1x128xi32, #tpu.memory_space<hbm>>
      %dma_start3A_293 = tpu.memref_squeeze %dma_start3A_292 : memref<1x1x128xi32, #tpu.memory_space<hbm>> -> memref<128xi32, #tpu.memory_space<hbm>>
      tpu.enqueue_dma source(%dma_start3A_293 : memref<128xi32, #tpu.memory_space<hbm>>) target(%arg11 : memref<128xi32, #tpu.memory_space<vmem>>) target_semaphore(%arg22 : memref<!tpu.dma_semaphore, #tpu.memory_space<semaphore_mem>>)
      %add3A_294 = arith.constant 1 : i32
      %add3A_295 = arith.addi %mul3A_199, %add3A_294 : i32
      %add3A_296 = arith.constant 2 : i32
      %add3A_297 = arith.addi %add3A_295, %add3A_296 : i32
      %add3A_298 = arith.addi %select_n3A, %add3A_297 : i32
      %dma_wait3A_299 = arith.constant 0 : i32
      %dma_wait3A_300 = tpu.memref_slice %arg3[%arg1, %add3A_298, %dma_wait3A_299] : memref<16x160x128xi32, #tpu.memory_space<hbm>> -> memref<1x1x128xi32, #tpu.memory_space<hbm>>
      %dma_wait3A_301 = tpu.memref_squeeze %dma_wait3A_300 : memref<1x1x128xi32, #tpu.memory_space<hbm>> -> memref<128xi32, #tpu.memory_space<hbm>>
      %dma_wait3A_302 = arith.constant 0 : i32
      %dma_wait3A_303 = tpu.memref_slice %arg3[%arg1, %add3A_298, %dma_wait3A_302] : memref<16x160x128xi32, #tpu.memory_space<hbm>> -> memref<1x1x128xi32, #tpu.memory_space<hbm>>
      %dma_wait3A_304 = tpu.memref_squeeze %dma_wait3A_303 : memref<1x1x128xi32, #tpu.memory_space<hbm>> -> memref<128xi32, #tpu.memory_space<hbm>>
      tpu.wait_dma2 semaphore(%arg20 : memref<!tpu.dma_semaphore, #tpu.memory_space<semaphore_mem>>) src(%dma_wait3A_304 : memref<128xi32, #tpu.memory_space<hbm>>) dst(%arg9 : memref<128xi32, #tpu.memory_space<vmem>>)
      %dma_start3A_305 = arith.constant 0 : i32
      %dma_start3A_306 = arith.constant 0 : i32
      %dma_start3A_307 = tpu.memref_slice %arg2[%dma_start3A_305, %dma_start3A_306] : memref<10000x128xf32, #tpu.memory_space<hbm>> -> memref<10000x128xf32, #tpu.memory_space<hbm>>
      tpu.enqueue_indirect_dma source(%dma_start3A_307 : memref<10000x128xf32, #tpu.memory_space<hbm>>) target(%arg13 : memref<128x128xf32, #tpu.memory_space<vmem>>) offsets(%arg9 : memref<128xi32, #tpu.memory_space<vmem>>) semaphore(%arg16 : memref<!tpu.dma_semaphore, #tpu.memory_space<semaphore_mem>>)
      %while3A_308 = arith.constant 0 : i32
      scf.yield %while3A_308 : i32
    }
    %while3A_115 = arith.constant 1 : i32
    %while3A_116 = scf.for %while3A_196 = %while3A_112 to %while3A_108 step %while3A_115 iter_args(%while3A_197 = %while3A_114) -> (i32)  : i32 {
      %mul3A_198 = arith.constant 2 : i32
      %mul3A_199 = arith.muli %mul3A_198, %while3A_196 : i32
      %dma_wait3A_200 = arith.constant 0 : i32
      %dma_wait3A_201 = arith.constant 0 : i32
      %dma_wait3A_202 = tpu.memref_slice %arg2[%dma_wait3A_200, %dma_wait3A_201] : memref<10000x128xf32, #tpu.memory_space<hbm>> -> memref<10000x128xf32, #tpu.memory_space<hbm>>
      tpu.wait_indirect_dma semaphore(%arg15 : memref<!tpu.dma_semaphore, #tpu.memory_space<semaphore_mem>>) src(%dma_wait3A_202 : memref<10000x128xf32, #tpu.memory_space<hbm>>) dst(%arg12 : memref<128x128xf32, #tpu.memory_space<vmem>>)
      %add3A_203 = arith.constant 0 : i32
      %add3A_204 = arith.addi %mul3A_199, %add3A_203 : i32
      %add3A_205 = arith.constant 2 : i32
      %add3A_206 = arith.addi %add3A_204, %add3A_205 : i32
      %add3A_207 = arith.addi %select_n3A, %add3A_206 : i32
      %dma_start3A_208 = arith.constant 0 : i32
      %dma_start3A_209 = tpu.memref_slice %arg3[%arg1, %add3A_207, %dma_start3A_208] : memref<16x160x128xi32, #tpu.memory_space<hbm>> -> memref<1x1x128xi32, #tpu.memory_space<hbm>>
      %dma_start3A_210 = tpu.memref_squeeze %dma_start3A_209 : memref<1x1x128xi32, #tpu.memory_space<hbm>> -> memref<128xi32, #tpu.memory_space<hbm>>
      %dma_start3A_211 = arith.constant 0 : i32
      %dma_start3A_212 = tpu.memref_slice %arg3[%arg1, %add3A_207, %dma_start3A_211] : memref<16x160x128xi32, #tpu.memory_space<hbm>> -> memref<1x1x128xi32, #tpu.memory_space<hbm>>
      %dma_start3A_213 = tpu.memref_squeeze %dma_start3A_212 : memref<1x1x128xi32, #tpu.memory_space<hbm>> -> memref<128xi32, #tpu.memory_space<hbm>>
      tpu.enqueue_dma source(%dma_start3A_213 : memref<128xi32, #tpu.memory_space<hbm>>) target(%arg8 : memref<128xi32, #tpu.memory_space<vmem>>) target_semaphore(%arg19 : memref<!tpu.dma_semaphore, #tpu.memory_space<semaphore_mem>>)
      %add3A_214 = arith.constant 0 : i32
      %add3A_215 = arith.addi %mul3A_199, %add3A_214 : i32
      %add3A_216 = arith.addi %select_n3A, %add3A_215 : i32
      %dma_wait3A_217 = arith.constant 0 : i32
      %dma_wait3A_218 = tpu.memref_slice %arg4[%arg1, %add3A_216, %dma_wait3A_217] : memref<16x160x128xi32, #tpu.memory_space<hbm>> -> memref<1x1x128xi32, #tpu.memory_space<hbm>>
      %dma_wait3A_219 = tpu.memref_squeeze %dma_wait3A_218 : memref<1x1x128xi32, #tpu.memory_space<hbm>> -> memref<128xi32, #tpu.memory_space<hbm>>
      %dma_wait3A_220 = arith.constant 0 : i32
      %dma_wait3A_221 = tpu.memref_slice %arg4[%arg1, %add3A_216, %dma_wait3A_220] : memref<16x160x128xi32, #tpu.memory_space<hbm>> -> memref<1x1x128xi32, #tpu.memory_space<hbm>>
      %dma_wait3A_222 = tpu.memref_squeeze %dma_wait3A_221 : memref<1x1x128xi32, #tpu.memory_space<hbm>> -> memref<128xi32, #tpu.memory_space<hbm>>
      tpu.wait_dma2 semaphore(%arg21 : memref<!tpu.dma_semaphore, #tpu.memory_space<semaphore_mem>>) src(%dma_wait3A_222 : memref<128xi32, #tpu.memory_space<hbm>>) dst(%arg10 : memref<128xi32, #tpu.memory_space<vmem>>)
      %dma_start3A_223 = arith.constant 0 : i32
      %dma_start3A_224 = arith.constant 0 : i32
      %dma_start3A_225 = tpu.memref_slice %arg14[%dma_start3A_223, %dma_start3A_224] : memref<10240x128xf32, #tpu.memory_space<vmem_shared>> -> memref<10240x128xf32, #tpu.memory_space<vmem_shared>>
      tpu.enqueue_indirect_dma source(%arg12 : memref<128x128xf32, #tpu.memory_space<vmem>>) target(%dma_start3A_225 : memref<10240x128xf32, #tpu.memory_space<vmem_shared>>) offsets(%arg10 : memref<128xi32, #tpu.memory_space<vmem>>) semaphore(%arg17 : memref<!tpu.dma_semaphore, #tpu.memory_space<semaphore_mem>>) {add = true}
      %dma_wait3A_226 = arith.constant 0 : i32
      %dma_wait3A_227 = arith.constant 0 : i32
      %dma_wait3A_228 = tpu.memref_slice %arg2[%dma_wait3A_226, %dma_wait3A_227] : memref<10000x128xf32, #tpu.memory_space<hbm>> -> memref<10000x128xf32, #tpu.memory_space<hbm>>
      tpu.wait_indirect_dma semaphore(%arg16 : memref<!tpu.dma_semaphore, #tpu.memory_space<semaphore_mem>>) src(%dma_wait3A_228 : memref<10000x128xf32, #tpu.memory_space<hbm>>) dst(%arg13 : memref<128x128xf32, #tpu.memory_space<vmem>>)
      %add3A_229 = arith.constant 1 : i32
      %add3A_230 = arith.addi %mul3A_199, %add3A_229 : i32
      %add3A_231 = arith.constant 2 : i32
      %add3A_232 = arith.addi %add3A_230, %add3A_231 : i32
      %add3A_233 = arith.addi %select_n3A, %add3A_232 : i32
      %dma_start3A_234 = arith.constant 0 : i32
      %dma_start3A_235 = tpu.memref_slice %arg3[%arg1, %add3A_233, %dma_start3A_234] : memref<16x160x128xi32, #tpu.memory_space<hbm>> -> memref<1x1x128xi32, #tpu.memory_space<hbm>>
      %dma_start3A_236 = tpu.memref_squeeze %dma_start3A_235 : memref<1x1x128xi32, #tpu.memory_space<hbm>> -> memref<128xi32, #tpu.memory_space<hbm>>
      %dma_start3A_237 = arith.constant 0 : i32
      %dma_start3A_238 = tpu.memref_slice %arg3[%arg1, %add3A_233, %dma_start3A_237] : memref<16x160x128xi32, #tpu.memory_space<hbm>> -> memref<1x1x128xi32, #tpu.memory_space<hbm>>
      %dma_start3A_239 = tpu.memref_squeeze %dma_start3A_238 : memref<1x1x128xi32, #tpu.memory_space<hbm>> -> memref<128xi32, #tpu.memory_space<hbm>>
      tpu.enqueue_dma source(%dma_start3A_239 : memref<128xi32, #tpu.memory_space<hbm>>) target(%arg9 : memref<128xi32, #tpu.memory_space<vmem>>) target_semaphore(%arg20 : memref<!tpu.dma_semaphore, #tpu.memory_space<semaphore_mem>>)
      %add3A_240 = arith.constant 1 : i32
      %add3A_241 = arith.addi %mul3A_199, %add3A_240 : i32
      %add3A_242 = arith.addi %select_n3A, %add3A_241 : i32
      %dma_wait3A_243 = arith.constant 0 : i32
      %dma_wait3A_244 = tpu.memref_slice %arg4[%arg1, %add3A_242, %dma_wait3A_243] : memref<16x160x128xi32, #tpu.memory_space<hbm>> -> memref<1x1x128xi32, #tpu.memory_space<hbm>>
      %dma_wait3A_245 = tpu.memref_squeeze %dma_wait3A_244 : memref<1x1x128xi32, #tpu.memory_space<hbm>> -> memref<128xi32, #tpu.memory_space<hbm>>
      %dma_wait3A_246 = arith.constant 0 : i32
      %dma_wait3A_247 = tpu.memref_slice %arg4[%arg1, %add3A_242, %dma_wait3A_246] : memref<16x160x128xi32, #tpu.memory_space<hbm>> -> memref<1x1x128xi32, #tpu.memory_space<hbm>>
      %dma_wait3A_248 = tpu.memref_squeeze %dma_wait3A_247 : memref<1x1x128xi32, #tpu.memory_space<hbm>> -> memref<128xi32, #tpu.memory_space<hbm>>
      tpu.wait_dma2 semaphore(%arg22 : memref<!tpu.dma_semaphore, #tpu.memory_space<semaphore_mem>>) src(%dma_wait3A_248 : memref<128xi32, #tpu.memory_space<hbm>>) dst(%arg11 : memref<128xi32, #tpu.memory_space<vmem>>)
      %dma_start3A_249 = arith.constant 0 : i32
      %dma_start3A_250 = arith.constant 0 : i32
      %dma_start3A_251 = tpu.memref_slice %arg14[%dma_start3A_249, %dma_start3A_250] : memref<10240x128xf32, #tpu.memory_space<vmem_shared>> -> memref<10240x128xf32, #tpu.memory_space<vmem_shared>>
      tpu.enqueue_indirect_dma source(%arg13 : memref<128x128xf32, #tpu.memory_space<vmem>>) target(%dma_start3A_251 : memref<10240x128xf32, #tpu.memory_space<vmem_shared>>) offsets(%arg11 : memref<128xi32, #tpu.memory_space<vmem>>) semaphore(%arg18 : memref<!tpu.dma_semaphore, #tpu.memory_space<semaphore_mem>>) {add = true}
      %dma_wait3A_252 = arith.constant 0 : i32
      %dma_wait3A_253 = arith.constant 0 : i32
      %dma_wait3A_254 = tpu.memref_slice %arg14[%dma_wait3A_252, %dma_wait3A_253] : memref<10240x128xf32, #tpu.memory_space<vmem_shared>> -> memref<10240x128xf32, #tpu.memory_space<vmem_shared>>
      tpu.wait_indirect_dma semaphore(%arg17 : memref<!tpu.dma_semaphore, #tpu.memory_space<semaphore_mem>>) src(%arg12 : memref<128x128xf32, #tpu.memory_space<vmem>>) dst(%dma_wait3A_254 : memref<10240x128xf32, #tpu.memory_space<vmem_shared>>)
      %add3A_255 = arith.constant 0 : i32
      %add3A_256 = arith.addi %mul3A_199, %add3A_255 : i32
      %add3A_257 = arith.constant 2 : i32
      %add3A_258 = arith.addi %add3A_256, %add3A_257 : i32
      %add3A_259 = arith.addi %select_n3A, %add3A_258 : i32
      %dma_start3A_260 = arith.constant 0 : i32
      %dma_start3A_261 = tpu.memref_slice %arg4[%arg1, %add3A_259, %dma_start3A_260] : memref<16x160x128xi32, #tpu.memory_space<hbm>> -> memref<1x1x128xi32, #tpu.memory_space<hbm>>
      %dma_start3A_262 = tpu.memref_squeeze %dma_start3A_261 : memref<1x1x128xi32, #tpu.memory_space<hbm>> -> memref<128xi32, #tpu.memory_space<hbm>>
      %dma_start3A_263 = arith.constant 0 : i32
      %dma_start3A_264 = tpu.memref_slice %arg4[%arg1, %add3A_259, %dma_start3A_263] : memref<16x160x128xi32, #tpu.memory_space<hbm>> -> memref<1x1x128xi32, #tpu.memory_space<hbm>>
      %dma_start3A_265 = tpu.memref_squeeze %dma_start3A_264 : memref<1x1x128xi32, #tpu.memory_space<hbm>> -> memref<128xi32, #tpu.memory_space<hbm>>
      tpu.enqueue_dma source(%dma_start3A_265 : memref<128xi32, #tpu.memory_space<hbm>>) target(%arg10 : memref<128xi32, #tpu.memory_space<vmem>>) target_semaphore(%arg21 : memref<!tpu.dma_semaphore, #tpu.memory_space<semaphore_mem>>)
      %add3A_266 = arith.constant 0 : i32
      %add3A_267 = arith.addi %mul3A_199, %add3A_266 : i32
      %add3A_268 = arith.constant 2 : i32
      %add3A_269 = arith.addi %add3A_267, %add3A_268 : i32
      %add3A_270 = arith.addi %select_n3A, %add3A_269 : i32
      %dma_wait3A_271 = arith.constant 0 : i32
      %dma_wait3A_272 = tpu.memref_slice %arg3[%arg1, %add3A_270, %dma_wait3A_271] : memref<16x160x128xi32, #tpu.memory_space<hbm>> -> memref<1x1x128xi32, #tpu.memory_space<hbm>>
      %dma_wait3A_273 = tpu.memref_squeeze %dma_wait3A_272 : memref<1x1x128xi32, #tpu.memory_space<hbm>> -> memref<128xi32, #tpu.memory_space<hbm>>
      %dma_wait3A_274 = arith.constant 0 : i32
      %dma_wait3A_275 = tpu.memref_slice %arg3[%arg1, %add3A_270, %dma_wait3A_274] : memref<16x160x128xi32, #tpu.memory_space<hbm>> -> memref<1x1x128xi32, #tpu.memory_space<hbm>>
      %dma_wait3A_276 = tpu.memref_squeeze %dma_wait3A_275 : memref<1x1x128xi32, #tpu.memory_space<hbm>> -> memref<128xi32, #tpu.memory_space<hbm>>
      tpu.wait_dma2 semaphore(%arg19 : memref<!tpu.dma_semaphore, #tpu.memory_space<semaphore_mem>>) src(%dma_wait3A_276 : memref<128xi32, #tpu.memory_space<hbm>>) dst(%arg8 : memref<128xi32, #tpu.memory_space<vmem>>)
      %dma_start3A_277 = arith.constant 0 : i32
      %dma_start3A_278 = arith.constant 0 : i32
      %dma_start3A_279 = tpu.memref_slice %arg2[%dma_start3A_277, %dma_start3A_278] : memref<10000x128xf32, #tpu.memory_space<hbm>> -> memref<10000x128xf32, #tpu.memory_space<hbm>>
      tpu.enqueue_indirect_dma source(%dma_start3A_279 : memref<10000x128xf32, #tpu.memory_space<hbm>>) target(%arg12 : memref<128x128xf32, #tpu.memory_space<vmem>>) offsets(%arg8 : memref<128xi32, #tpu.memory_space<vmem>>) semaphore(%arg15 : memref<!tpu.dma_semaphore, #tpu.memory_space<semaphore_mem>>)
      %dma_wait3A_280 = arith.constant 0 : i32
      %dma_wait3A_281 = arith.constant 0 : i32
      %dma_wait3A_282 = tpu.memref_slice %arg14[%dma_wait3A_280, %dma_wait3A_281] : memref<10240x128xf32, #tpu.memory_space<vmem_shared>> -> memref<10240x128xf32, #tpu.memory_space<vmem_shared>>
      tpu.wait_indirect_dma semaphore(%arg18 : memref<!tpu.dma_semaphore, #tpu.memory_space<semaphore_mem>>) src(%arg13 : memref<128x128xf32, #tpu.memory_space<vmem>>) dst(%dma_wait3A_282 : memref<10240x128xf32, #tpu.memory_space<vmem_shared>>)
      %add3A_283 = arith.constant 1 : i32
      %add3A_284 = arith.addi %mul3A_199, %add3A_283 : i32
      %add3A_285 = arith.constant 2 : i32
      %add3A_286 = arith.addi %add3A_284, %add3A_285 : i32
      %add3A_287 = arith.addi %select_n3A, %add3A_286 : i32
      %dma_start3A_288 = arith.constant 0 : i32
      %dma_start3A_289 = tpu.memref_slice %arg4[%arg1, %add3A_287, %dma_start3A_288] : memref<16x160x128xi32, #tpu.memory_space<hbm>> -> memref<1x1x128xi32, #tpu.memory_space<hbm>>
      %dma_start3A_290 = tpu.memref_squeeze %dma_start3A_289 : memref<1x1x128xi32, #tpu.memory_space<hbm>> -> memref<128xi32, #tpu.memory_space<hbm>>
      %dma_start3A_291 = arith.constant 0 : i32
      %dma_start3A_292 = tpu.memref_slice %arg4[%arg1, %add3A_287, %dma_start3A_291] : memref<16x160x128xi32, #tpu.memory_space<hbm>> -> memref<1x1x128xi32, #tpu.memory_space<hbm>>
      %dma_start3A_293 = tpu.memref_squeeze %dma_start3A_292 : memref<1x1x128xi32, #tpu.memory_space<hbm>> -> memref<128xi32, #tpu.memory_space<hbm>>
      tpu.enqueue_dma source(%dma_start3A_293 : memref<128xi32, #tpu.memory_space<hbm>>) target(%arg11 : memref<128xi32, #tpu.memory_space<vmem>>) target_semaphore(%arg22 : memref<!tpu.dma_semaphore, #tpu.memory_space<semaphore_mem>>)
      %add3A_294 = arith.constant 1 : i32
      %add3A_295 = arith.addi %mul3A_199, %add3A_294 : i32
      %add3A_296 = arith.constant 2 : i32
      %add3A_297 = arith.addi %add3A_295, %add3A_296 : i32
      %add3A_298 = arith.addi %select_n3A, %add3A_297 : i32
      %dma_wait3A_299 = arith.constant 0 : i32
      %dma_wait3A_300 = tpu.memref_slice %arg3[%arg1, %add3A_298, %dma_wait3A_299] : memref<16x160x128xi32, #tpu.memory_space<hbm>> -> memref<1x1x128xi32, #tpu.memory_space<hbm>>
      %dma_wait3A_301 = tpu.memref_squeeze %dma_wait3A_300 : memref<1x1x128xi32, #tpu.memory_space<hbm>> -> memref<128xi32, #tpu.memory_space<hbm>>
      %dma_wait3A_302 = arith.constant 0 : i32
      %dma_wait3A_303 = tpu.memref_slice %arg3[%arg1, %add3A_298, %dma_wait3A_302] : memref<16x160x128xi32, #tpu.memory_space<hbm>> -> memref<1x1x128xi32, #tpu.memory_space<hbm>>
      %dma_wait3A_304 = tpu.memref_squeeze %dma_wait3A_303 : memref<1x1x128xi32, #tpu.memory_space<hbm>> -> memref<128xi32, #tpu.memory_space<hbm>>
      tpu.wait_dma2 semaphore(%arg20 : memref<!tpu.dma_semaphore, #tpu.memory_space<semaphore_mem>>) src(%dma_wait3A_304 : memref<128xi32, #tpu.memory_space<hbm>>) dst(%arg9 : memref<128xi32, #tpu.memory_space<vmem>>)
      %dma_start3A_305 = arith.constant 0 : i32
      %dma_start3A_306 = arith.constant 0 : i32
      %dma_start3A_307 = tpu.memref_slice %arg2[%dma_start3A_305, %dma_start3A_306] : memref<10000x128xf32, #tpu.memory_space<hbm>> -> memref<10000x128xf32, #tpu.memory_space<hbm>>
      tpu.enqueue_indirect_dma source(%dma_start3A_307 : memref<10000x128xf32, #tpu.memory_space<hbm>>) target(%arg13 : memref<128x128xf32, #tpu.memory_space<vmem>>) offsets(%arg9 : memref<128xi32, #tpu.memory_space<vmem>>) semaphore(%arg16 : memref<!tpu.dma_semaphore, #tpu.memory_space<semaphore_mem>>)
      %while3A_308 = arith.constant 0 : i32
      scf.yield %while3A_308 : i32
    }
    %sub3A_117 = arith.constant 2 : i32
    %sub3A_118 = arith.subi %select_n3A_7, %sub3A_117 : i32
    %dma_wait3A_119 = arith.constant 0 : i32
    %dma_wait3A_120 = arith.constant 0 : i32
    %dma_wait3A_121 = tpu.memref_slice %arg2[%dma_wait3A_119, %dma_wait3A_120] : memref<10000x128xf32, #tpu.memory_space<hbm>> -> memref<10000x128xf32, #tpu.memory_space<hbm>>
    tpu.wait_indirect_dma semaphore(%arg15 : memref<!tpu.dma_semaphore, #tpu.memory_space<semaphore_mem>>) src(%dma_wait3A_121 : memref<10000x128xf32, #tpu.memory_space<hbm>>) dst(%arg12 : memref<128x128xf32, #tpu.memory_space<vmem>>)
    %add3A_122 = arith.constant 0 : i32
    %add3A_123 = arith.addi %sub3A_118, %add3A_122 : i32
    %add3A_124 = arith.addi %select_n3A, %add3A_123 : i32
    %dma_wait3A_125 = arith.constant 0 : i32
    %dma_wait3A_126 = tpu.memref_slice %arg4[%arg1, %add3A_124, %dma_wait3A_125] : memref<16x160x128xi32, #tpu.memory_space<hbm>> -> memref<1x1x128xi32, #tpu.memory_space<hbm>>
    %dma_wait3A_127 = tpu.memref_squeeze %dma_wait3A_126 : memref<1x1x128xi32, #tpu.memory_space<hbm>> -> memref<128xi32, #tpu.memory_space<hbm>>
    %dma_wait3A_128 = arith.constant 0 : i32
    %dma_wait3A_129 = tpu.memref_slice %arg4[%arg1, %add3A_124, %dma_wait3A_128] : memref<16x160x128xi32, #tpu.memory_space<hbm>> -> memref<1x1x128xi32, #tpu.memory_space<hbm>>
    %dma_wait3A_130 = tpu.memref_squeeze %dma_wait3A_129 : memref<1x1x128xi32, #tpu.memory_space<hbm>> -> memref<128xi32, #tpu.memory_space<hbm>>
    tpu.wait_dma2 semaphore(%arg21 : memref<!tpu.dma_semaphore, #tpu.memory_space<semaphore_mem>>) src(%dma_wait3A_130 : memref<128xi32, #tpu.memory_space<hbm>>) dst(%arg10 : memref<128xi32, #tpu.memory_space<vmem>>)
    %dma_start3A_131 = arith.constant 0 : i32
    %dma_start3A_132 = arith.constant 0 : i32
    %dma_start3A_133 = tpu.memref_slice %arg14[%dma_start3A_131, %dma_start3A_132] : memref<10240x128xf32, #tpu.memory_space<vmem_shared>> -> memref<10240x128xf32, #tpu.memory_space<vmem_shared>>
    tpu.enqueue_indirect_dma source(%arg12 : memref<128x128xf32, #tpu.memory_space<vmem>>) target(%dma_start3A_133 : memref<10240x128xf32, #tpu.memory_space<vmem_shared>>) offsets(%arg10 : memref<128xi32, #tpu.memory_space<vmem>>) semaphore(%arg17 : memref<!tpu.dma_semaphore, #tpu.memory_space<semaphore_mem>>) {add = true}
    %dma_wait3A_134 = arith.constant 0 : i32
    %dma_wait3A_135 = arith.constant 0 : i32
    %dma_wait3A_136 = tpu.memref_slice %arg2[%dma_wait3A_134, %dma_wait3A_135] : memref<10000x128xf32, #tpu.memory_space<hbm>> -> memref<10000x128xf32, #tpu.memory_space<hbm>>
    tpu.wait_indirect_dma semaphore(%arg16 : memref<!tpu.dma_semaphore, #tpu.memory_space<semaphore_mem>>) src(%dma_wait3A_136 : memref<10000x128xf32, #tpu.memory_space<hbm>>) dst(%arg13 : memref<128x128xf32, #tpu.memory_space<vmem>>)
    %add3A_137 = arith.constant 1 : i32
    %add3A_138 = arith.addi %sub3A_118, %add3A_137 : i32
    %add3A_139 = arith.addi %select_n3A, %add3A_138 : i32
    %dma_wait3A_140 = arith.constant 0 : i32
    %dma_wait3A_141 = tpu.memref_slice %arg4[%arg1, %add3A_139, %dma_wait3A_140] : memref<16x160x128xi32, #tpu.memory_space<hbm>> -> memref<1x1x128xi32, #tpu.memory_space<hbm>>
    %dma_wait3A_142 = tpu.memref_squeeze %dma_wait3A_141 : memref<1x1x128xi32, #tpu.memory_space<hbm>> -> memref<128xi32, #tpu.memory_space<hbm>>
    %dma_wait3A_143 = arith.constant 0 : i32
    %dma_wait3A_144 = tpu.memref_slice %arg4[%arg1, %add3A_139, %dma_wait3A_143] : memref<16x160x128xi32, #tpu.memory_space<hbm>> -> memref<1x1x128xi32, #tpu.memory_space<hbm>>
    %dma_wait3A_145 = tpu.memref_squeeze %dma_wait3A_144 : memref<1x1x128xi32, #tpu.memory_space<hbm>> -> memref<128xi32, #tpu.memory_space<hbm>>
    tpu.wait_dma2 semaphore(%arg22 : memref<!tpu.dma_semaphore, #tpu.memory_space<semaphore_mem>>) src(%dma_wait3A_145 : memref<128xi32, #tpu.memory_space<hbm>>) dst(%arg11 : memref<128xi32, #tpu.memory_space<vmem>>)
    %dma_start3A_146 = arith.constant 0 : i32
    %dma_start3A_147 = arith.constant 0 : i32
    %dma_start3A_148 = tpu.memref_slice %arg14[%dma_start3A_146, %dma_start3A_147] : memref<10240x128xf32, #tpu.memory_space<vmem_shared>> -> memref<10240x128xf32, #tpu.memory_space<vmem_shared>>
    tpu.enqueue_indirect_dma source(%arg13 : memref<128x128xf32, #tpu.memory_space<vmem>>) target(%dma_start3A_148 : memref<10240x128xf32, #tpu.memory_space<vmem_shared>>) offsets(%arg11 : memref<128xi32, #tpu.memory_space<vmem>>) semaphore(%arg18 : memref<!tpu.dma_semaphore, #tpu.memory_space<semaphore_mem>>) {add = true}
    %dma_wait3A_149 = arith.constant 0 : i32
    %dma_wait3A_150 = arith.constant 0 : i32
    %dma_wait3A_151 = tpu.memref_slice %arg14[%dma_wait3A_149, %dma_wait3A_150] : memref<10240x128xf32, #tpu.memory_space<vmem_shared>> -> memref<10240x128xf32, #tpu.memory_space<vmem_shared>>
    tpu.wait_indirect_dma semaphore(%arg17 : memref<!tpu.dma_semaphore, #tpu.memory_space<semaphore_mem>>) src(%arg12 : memref<128x128xf32, #tpu.memory_space<vmem>>) dst(%dma_wait3A_151 : memref<10240x128xf32, #tpu.memory_space<vmem_shared>>)
    %dma_wait3A_152 = arith.constant 0 : i32
    %dma_wait3A_153 = arith.constant 0 : i32
    %dma_wait3A_154 = tpu.memref_slice %arg14[%dma_wait3A_152, %dma_wait3A_153] : memref<10240x128xf32, #tpu.memory_space<vmem_shared>> -> memref<10240x128xf32, #tpu.memory_space<vmem_shared>>
    tpu.wait_indirect_dma semaphore(%arg18 : memref<!tpu.dma_semaphore, #tpu.memory_space<semaphore_mem>>) src(%arg13 : memref<128x128xf32, #tpu.memory_space<vmem>>) dst(%dma_wait3A_154 : memref<10240x128xf32, #tpu.memory_space<vmem_shared>>)
    %barrier3A_155 = arith.constant 0 : index
    tpu.barrier barrier_id(%barrier3A_155)
    %add3A_156 = arith.constant 0 : i32
    %add3A_157 = arith.addi %mul3A_0, %add3A_156 : i32
    %add3A_158 = arith.constant 0 : i32
    %add3A_159 = arith.addi %mul3A_0, %add3A_158 : i32
    "tpu.region"() ({
      %run_scoped3A = tpu.sem_alloc : memref<!tpu.dma_semaphore, #tpu.memory_space<semaphore_mem>>
      %dma_start3A_196 = arith.constant 0 : i32
      %dma_start3A_197 = tpu.memref_slice %arg6[%arg0, %add3A_159, %dma_start3A_196] : memref<2x10240x128xf32, #tpu.memory_space<hbm>> -> memref<1x64x128xf32, #tpu.memory_space<hbm>>
      %dma_start3A_198 = tpu.memref_squeeze %dma_start3A_197 : memref<1x64x128xf32, #tpu.memory_space<hbm>> -> memref<64x128xf32, #tpu.memory_space<hbm>>
      %dma_start3A_199 = arith.constant 0 : i32
      %dma_start3A_200 = tpu.memref_slice %arg14[%add3A_157, %dma_start3A_199] : memref<10240x128xf32, #tpu.memory_space<vmem_shared>> -> memref<64x128xf32, #tpu.memory_space<vmem_shared>>
      tpu.enqueue_dma source(%dma_start3A_200 : memref<64x128xf32, #tpu.memory_space<vmem_shared>>) target(%dma_start3A_198 : memref<64x128xf32, #tpu.memory_space<hbm>>) target_semaphore(%run_scoped3A : memref<!tpu.dma_semaphore, #tpu.memory_space<semaphore_mem>>)
      %dma_wait3A_201 = arith.constant 0 : i32
      %dma_wait3A_202 = tpu.memref_slice %arg6[%arg0, %add3A_159, %dma_wait3A_201] : memref<2x10240x128xf32, #tpu.memory_space<hbm>> -> memref<1x64x128xf32, #tpu.memory_space<hbm>>
      %dma_wait3A_203 = tpu.memref_squeeze %dma_wait3A_202 : memref<1x64x128xf32, #tpu.memory_space<hbm>> -> memref<64x128xf32, #tpu.memory_space<hbm>>
      %dma_wait3A_204 = arith.constant 0 : i32
      %dma_wait3A_205 = tpu.memref_slice %arg14[%add3A_157, %dma_wait3A_204] : memref<10240x128xf32, #tpu.memory_space<vmem_shared>> -> memref<64x128xf32, #tpu.memory_space<vmem_shared>>
      tpu.wait_dma2 semaphore(%run_scoped3A : memref<!tpu.dma_semaphore, #tpu.memory_space<semaphore_mem>>) src(%dma_wait3A_205 : memref<64x128xf32, #tpu.memory_space<vmem_shared>>) dst(%dma_wait3A_203 : memref<64x128xf32, #tpu.memory_space<hbm>>)
      tpu.yield
    }) : () -> ()
    %add3A_160 = arith.constant 64 : i32
    %add3A_161 = arith.addi %mul3A_0, %add3A_160 : i32
    %add3A_162 = arith.constant 64 : i32
    %add3A_163 = arith.addi %mul3A_0, %add3A_162 : i32
    "tpu.region"() ({
      %run_scoped3A = tpu.sem_alloc : memref<!tpu.dma_semaphore, #tpu.memory_space<semaphore_mem>>
      %dma_start3A_196 = arith.constant 0 : i32
      %dma_start3A_197 = tpu.memref_slice %arg6[%arg0, %add3A_163, %dma_start3A_196] : memref<2x10240x128xf32, #tpu.memory_space<hbm>> -> memref<1x64x128xf32, #tpu.memory_space<hbm>>
      %dma_start3A_198 = tpu.memref_squeeze %dma_start3A_197 : memref<1x64x128xf32, #tpu.memory_space<hbm>> -> memref<64x128xf32, #tpu.memory_space<hbm>>
      %dma_start3A_199 = arith.constant 0 : i32
      %dma_start3A_200 = tpu.memref_slice %arg14[%add3A_161, %dma_start3A_199] : memref<10240x128xf32, #tpu.memory_space<vmem_shared>> -> memref<64x128xf32, #tpu.memory_space<vmem_shared>>
      tpu.enqueue_dma source(%dma_start3A_200 : memref<64x128xf32, #tpu.memory_space<vmem_shared>>) target(%dma_start3A_198 : memref<64x128xf32, #tpu.memory_space<hbm>>) target_semaphore(%run_scoped3A : memref<!tpu.dma_semaphore, #tpu.memory_space<semaphore_mem>>)
      %dma_wait3A_201 = arith.constant 0 : i32
      %dma_wait3A_202 = tpu.memref_slice %arg6[%arg0, %add3A_163, %dma_wait3A_201] : memref<2x10240x128xf32, #tpu.memory_space<hbm>> -> memref<1x64x128xf32, #tpu.memory_space<hbm>>
      %dma_wait3A_203 = tpu.memref_squeeze %dma_wait3A_202 : memref<1x64x128xf32, #tpu.memory_space<hbm>> -> memref<64x128xf32, #tpu.memory_space<hbm>>
      %dma_wait3A_204 = arith.constant 0 : i32
      %dma_wait3A_205 = tpu.memref_slice %arg14[%add3A_161, %dma_wait3A_204] : memref<10240x128xf32, #tpu.memory_space<vmem_shared>> -> memref<64x128xf32, #tpu.memory_space<vmem_shared>>
      tpu.wait_dma2 semaphore(%run_scoped3A : memref<!tpu.dma_semaphore, #tpu.memory_space<semaphore_mem>>) src(%dma_wait3A_205 : memref<64x128xf32, #tpu.memory_space<vmem_shared>>) dst(%dma_wait3A_203 : memref<64x128xf32, #tpu.memory_space<hbm>>)
      tpu.yield
    }) : () -> ()
    %add3A_164 = arith.constant 128 : i32
    %add3A_165 = arith.addi %mul3A_0, %add3A_164 : i32
    %add3A_166 = arith.constant 128 : i32
    %add3A_167 = arith.addi %mul3A_0, %add3A_166 : i32
    "tpu.region"() ({
      %run_scoped3A = tpu.sem_alloc : memref<!tpu.dma_semaphore, #tpu.memory_space<semaphore_mem>>
      %dma_start3A_196 = arith.constant 0 : i32
      %dma_start3A_197 = tpu.memref_slice %arg6[%arg0, %add3A_167, %dma_start3A_196] : memref<2x10240x128xf32, #tpu.memory_space<hbm>> -> memref<1x64x128xf32, #tpu.memory_space<hbm>>
      %dma_start3A_198 = tpu.memref_squeeze %dma_start3A_197 : memref<1x64x128xf32, #tpu.memory_space<hbm>> -> memref<64x128xf32, #tpu.memory_space<hbm>>
      %dma_start3A_199 = arith.constant 0 : i32
      %dma_start3A_200 = tpu.memref_slice %arg14[%add3A_165, %dma_start3A_199] : memref<10240x128xf32, #tpu.memory_space<vmem_shared>> -> memref<64x128xf32, #tpu.memory_space<vmem_shared>>
      tpu.enqueue_dma source(%dma_start3A_200 : memref<64x128xf32, #tpu.memory_space<vmem_shared>>) target(%dma_start3A_198 : memref<64x128xf32, #tpu.memory_space<hbm>>) target_semaphore(%run_scoped3A : memref<!tpu.dma_semaphore, #tpu.memory_space<semaphore_mem>>)
      %dma_wait3A_201 = arith.constant 0 : i32
      %dma_wait3A_202 = tpu.memref_slice %arg6[%arg0, %add3A_167, %dma_wait3A_201] : memref<2x10240x128xf32, #tpu.memory_space<hbm>> -> memref<1x64x128xf32, #tpu.memory_space<hbm>>
      %dma_wait3A_203 = tpu.memref_squeeze %dma_wait3A_202 : memref<1x64x128xf32, #tpu.memory_space<hbm>> -> memref<64x128xf32, #tpu.memory_space<hbm>>
      %dma_wait3A_204 = arith.constant 0 : i32
      %dma_wait3A_205 = tpu.memref_slice %arg14[%add3A_165, %dma_wait3A_204] : memref<10240x128xf32, #tpu.memory_space<vmem_shared>> -> memref<64x128xf32, #tpu.memory_space<vmem_shared>>
      tpu.wait_dma2 semaphore(%run_scoped3A : memref<!tpu.dma_semaphore, #tpu.memory_space<semaphore_mem>>) src(%dma_wait3A_205 : memref<64x128xf32, #tpu.memory_space<vmem_shared>>) dst(%dma_wait3A_203 : memref<64x128xf32, #tpu.memory_space<hbm>>)
      tpu.yield
    }) : () -> ()
    %add3A_168 = arith.constant 192 : i32
    %add3A_169 = arith.addi %mul3A_0, %add3A_168 : i32
    %add3A_170 = arith.constant 192 : i32
    %add3A_171 = arith.addi %mul3A_0, %add3A_170 : i32
    "tpu.region"() ({
      %run_scoped3A = tpu.sem_alloc : memref<!tpu.dma_semaphore, #tpu.memory_space<semaphore_mem>>
      %dma_start3A_196 = arith.constant 0 : i32
      %dma_start3A_197 = tpu.memref_slice %arg6[%arg0, %add3A_171, %dma_start3A_196] : memref<2x10240x128xf32, #tpu.memory_space<hbm>> -> memref<1x64x128xf32, #tpu.memory_space<hbm>>
      %dma_start3A_198 = tpu.memref_squeeze %dma_start3A_197 : memref<1x64x128xf32, #tpu.memory_space<hbm>> -> memref<64x128xf32, #tpu.memory_space<hbm>>
      %dma_start3A_199 = arith.constant 0 : i32
      %dma_start3A_200 = tpu.memref_slice %arg14[%add3A_169, %dma_start3A_199] : memref<10240x128xf32, #tpu.memory_space<vmem_shared>> -> memref<64x128xf32, #tpu.memory_space<vmem_shared>>
      tpu.enqueue_dma source(%dma_start3A_200 : memref<64x128xf32, #tpu.memory_space<vmem_shared>>) target(%dma_start3A_198 : memref<64x128xf32, #tpu.memory_space<hbm>>) target_semaphore(%run_scoped3A : memref<!tpu.dma_semaphore, #tpu.memory_space<semaphore_mem>>)
      %dma_wait3A_201 = arith.constant 0 : i32
      %dma_wait3A_202 = tpu.memref_slice %arg6[%arg0, %add3A_171, %dma_wait3A_201] : memref<2x10240x128xf32, #tpu.memory_space<hbm>> -> memref<1x64x128xf32, #tpu.memory_space<hbm>>
      %dma_wait3A_203 = tpu.memref_squeeze %dma_wait3A_202 : memref<1x64x128xf32, #tpu.memory_space<hbm>> -> memref<64x128xf32, #tpu.memory_space<hbm>>
      %dma_wait3A_204 = arith.constant 0 : i32
      %dma_wait3A_205 = tpu.memref_slice %arg14[%add3A_169, %dma_wait3A_204] : memref<10240x128xf32, #tpu.memory_space<vmem_shared>> -> memref<64x128xf32, #tpu.memory_space<vmem_shared>>
      tpu.wait_dma2 semaphore(%run_scoped3A : memref<!tpu.dma_semaphore, #tpu.memory_space<semaphore_mem>>) src(%dma_wait3A_205 : memref<64x128xf32, #tpu.memory_space<vmem_shared>>) dst(%dma_wait3A_203 : memref<64x128xf32, #tpu.memory_space<hbm>>)
      tpu.yield
    }) : () -> ()
    %add3A_172 = arith.constant 256 : i32
    %add3A_173 = arith.addi %mul3A_0, %add3A_172 : i32
    %add3A_174 = arith.constant 256 : i32
    %add3A_175 = arith.addi %mul3A_0, %add3A_174 : i32
    "tpu.region"() ({
      %run_scoped3A = tpu.sem_alloc : memref<!tpu.dma_semaphore, #tpu.memory_space<semaphore_mem>>
      %dma_start3A_196 = arith.constant 0 : i32
      %dma_start3A_197 = tpu.memref_slice %arg6[%arg0, %add3A_175, %dma_start3A_196] : memref<2x10240x128xf32, #tpu.memory_space<hbm>> -> memref<1x64x128xf32, #tpu.memory_space<hbm>>
      %dma_start3A_198 = tpu.memref_squeeze %dma_start3A_197 : memref<1x64x128xf32, #tpu.memory_space<hbm>> -> memref<64x128xf32, #tpu.memory_space<hbm>>
      %dma_start3A_199 = arith.constant 0 : i32
      %dma_start3A_200 = tpu.memref_slice %arg14[%add3A_173, %dma_start3A_199] : memref<10240x128xf32, #tpu.memory_space<vmem_shared>> -> memref<64x128xf32, #tpu.memory_space<vmem_shared>>
      tpu.enqueue_dma source(%dma_start3A_200 : memref<64x128xf32, #tpu.memory_space<vmem_shared>>) target(%dma_start3A_198 : memref<64x128xf32, #tpu.memory_space<hbm>>) target_semaphore(%run_scoped3A : memref<!tpu.dma_semaphore, #tpu.memory_space<semaphore_mem>>)
      %dma_wait3A_201 = arith.constant 0 : i32
      %dma_wait3A_202 = tpu.memref_slice %arg6[%arg0, %add3A_175, %dma_wait3A_201] : memref<2x10240x128xf32, #tpu.memory_space<hbm>> -> memref<1x64x128xf32, #tpu.memory_space<hbm>>
      %dma_wait3A_203 = tpu.memref_squeeze %dma_wait3A_202 : memref<1x64x128xf32, #tpu.memory_space<hbm>> -> memref<64x128xf32, #tpu.memory_space<hbm>>
      %dma_wait3A_204 = arith.constant 0 : i32
      %dma_wait3A_205 = tpu.memref_slice %arg14[%add3A_173, %dma_wait3A_204] : memref<10240x128xf32, #tpu.memory_space<vmem_shared>> -> memref<64x128xf32, #tpu.memory_space<vmem_shared>>
      tpu.wait_dma2 semaphore(%run_scoped3A : memref<!tpu.dma_semaphore, #tpu.memory_space<semaphore_mem>>) src(%dma_wait3A_205 : memref<64x128xf32, #tpu.memory_space<vmem_shared>>) dst(%dma_wait3A_203 : memref<64x128xf32, #tpu.memory_space<hbm>>)
      tpu.yield
    }) : () -> ()
    %add3A_176 = arith.constant 320 : i32
    %add3A_177 = arith.addi %mul3A_0, %add3A_176 : i32
    %add3A_178 = arith.constant 320 : i32
    %add3A_179 = arith.addi %mul3A_0, %add3A_178 : i32
    "tpu.region"() ({
      %run_scoped3A = tpu.sem_alloc : memref<!tpu.dma_semaphore, #tpu.memory_space<semaphore_mem>>
      %dma_start3A_196 = arith.constant 0 : i32
      %dma_start3A_197 = tpu.memref_slice %arg6[%arg0, %add3A_179, %dma_start3A_196] : memref<2x10240x128xf32, #tpu.memory_space<hbm>> -> memref<1x64x128xf32, #tpu.memory_space<hbm>>
      %dma_start3A_198 = tpu.memref_squeeze %dma_start3A_197 : memref<1x64x128xf32, #tpu.memory_space<hbm>> -> memref<64x128xf32, #tpu.memory_space<hbm>>
      %dma_start3A_199 = arith.constant 0 : i32
      %dma_start3A_200 = tpu.memref_slice %arg14[%add3A_177, %dma_start3A_199] : memref<10240x128xf32, #tpu.memory_space<vmem_shared>> -> memref<64x128xf32, #tpu.memory_space<vmem_shared>>
      tpu.enqueue_dma source(%dma_start3A_200 : memref<64x128xf32, #tpu.memory_space<vmem_shared>>) target(%dma_start3A_198 : memref<64x128xf32, #tpu.memory_space<hbm>>) target_semaphore(%run_scoped3A : memref<!tpu.dma_semaphore, #tpu.memory_space<semaphore_mem>>)
      %dma_wait3A_201 = arith.constant 0 : i32
      %dma_wait3A_202 = tpu.memref_slice %arg6[%arg0, %add3A_179, %dma_wait3A_201] : memref<2x10240x128xf32, #tpu.memory_space<hbm>> -> memref<1x64x128xf32, #tpu.memory_space<hbm>>
      %dma_wait3A_203 = tpu.memref_squeeze %dma_wait3A_202 : memref<1x64x128xf32, #tpu.memory_space<hbm>> -> memref<64x128xf32, #tpu.memory_space<hbm>>
      %dma_wait3A_204 = arith.constant 0 : i32
      %dma_wait3A_205 = tpu.memref_slice %arg14[%add3A_177, %dma_wait3A_204] : memref<10240x128xf32, #tpu.memory_space<vmem_shared>> -> memref<64x128xf32, #tpu.memory_space<vmem_shared>>
      tpu.wait_dma2 semaphore(%run_scoped3A : memref<!tpu.dma_semaphore, #tpu.memory_space<semaphore_mem>>) src(%dma_wait3A_205 : memref<64x128xf32, #tpu.memory_space<vmem_shared>>) dst(%dma_wait3A_203 : memref<64x128xf32, #tpu.memory_space<hbm>>)
      tpu.yield
    }) : () -> ()
    %add3A_180 = arith.constant 384 : i32
    %add3A_181 = arith.addi %mul3A_0, %add3A_180 : i32
    %add3A_182 = arith.constant 384 : i32
    %add3A_183 = arith.addi %mul3A_0, %add3A_182 : i32
    "tpu.region"() ({
      %run_scoped3A = tpu.sem_alloc : memref<!tpu.dma_semaphore, #tpu.memory_space<semaphore_mem>>
      %dma_start3A_196 = arith.constant 0 : i32
      %dma_start3A_197 = tpu.memref_slice %arg6[%arg0, %add3A_183, %dma_start3A_196] : memref<2x10240x128xf32, #tpu.memory_space<hbm>> -> memref<1x64x128xf32, #tpu.memory_space<hbm>>
      %dma_start3A_198 = tpu.memref_squeeze %dma_start3A_197 : memref<1x64x128xf32, #tpu.memory_space<hbm>> -> memref<64x128xf32, #tpu.memory_space<hbm>>
      %dma_start3A_199 = arith.constant 0 : i32
      %dma_start3A_200 = tpu.memref_slice %arg14[%add3A_181, %dma_start3A_199] : memref<10240x128xf32, #tpu.memory_space<vmem_shared>> -> memref<64x128xf32, #tpu.memory_space<vmem_shared>>
      tpu.enqueue_dma source(%dma_start3A_200 : memref<64x128xf32, #tpu.memory_space<vmem_shared>>) target(%dma_start3A_198 : memref<64x128xf32, #tpu.memory_space<hbm>>) target_semaphore(%run_scoped3A : memref<!tpu.dma_semaphore, #tpu.memory_space<semaphore_mem>>)
      %dma_wait3A_201 = arith.constant 0 : i32
      %dma_wait3A_202 = tpu.memref_slice %arg6[%arg0, %add3A_183, %dma_wait3A_201] : memref<2x10240x128xf32, #tpu.memory_space<hbm>> -> memref<1x64x128xf32, #tpu.memory_space<hbm>>
      %dma_wait3A_203 = tpu.memref_squeeze %dma_wait3A_202 : memref<1x64x128xf32, #tpu.memory_space<hbm>> -> memref<64x128xf32, #tpu.memory_space<hbm>>
      %dma_wait3A_204 = arith.constant 0 : i32
      %dma_wait3A_205 = tpu.memref_slice %arg14[%add3A_181, %dma_wait3A_204] : memref<10240x128xf32, #tpu.memory_space<vmem_shared>> -> memref<64x128xf32, #tpu.memory_space<vmem_shared>>
      tpu.wait_dma2 semaphore(%run_scoped3A : memref<!tpu.dma_semaphore, #tpu.memory_space<semaphore_mem>>) src(%dma_wait3A_205 : memref<64x128xf32, #tpu.memory_space<vmem_shared>>) dst(%dma_wait3A_203 : memref<64x128xf32, #tpu.memory_space<hbm>>)
      tpu.yield
    }) : () -> ()
    %add3A_184 = arith.constant 448 : i32
    %add3A_185 = arith.addi %mul3A_0, %add3A_184 : i32
    %add3A_186 = arith.constant 448 : i32
    %add3A_187 = arith.addi %mul3A_0, %add3A_186 : i32
    "tpu.region"() ({
      %run_scoped3A = tpu.sem_alloc : memref<!tpu.dma_semaphore, #tpu.memory_space<semaphore_mem>>
      %dma_start3A_196 = arith.constant 0 : i32
      %dma_start3A_197 = tpu.memref_slice %arg6[%arg0, %add3A_187, %dma_start3A_196] : memref<2x10240x128xf32, #tpu.memory_space<hbm>> -> memref<1x64x128xf32, #tpu.memory_space<hbm>>
      %dma_start3A_198 = tpu.memref_squeeze %dma_start3A_197 : memref<1x64x128xf32, #tpu.memory_space<hbm>> -> memref<64x128xf32, #tpu.memory_space<hbm>>
      %dma_start3A_199 = arith.constant 0 : i32
      %dma_start3A_200 = tpu.memref_slice %arg14[%add3A_185, %dma_start3A_199] : memref<10240x128xf32, #tpu.memory_space<vmem_shared>> -> memref<64x128xf32, #tpu.memory_space<vmem_shared>>
      tpu.enqueue_dma source(%dma_start3A_200 : memref<64x128xf32, #tpu.memory_space<vmem_shared>>) target(%dma_start3A_198 : memref<64x128xf32, #tpu.memory_space<hbm>>) target_semaphore(%run_scoped3A : memref<!tpu.dma_semaphore, #tpu.memory_space<semaphore_mem>>)
      %dma_wait3A_201 = arith.constant 0 : i32
      %dma_wait3A_202 = tpu.memref_slice %arg6[%arg0, %add3A_187, %dma_wait3A_201] : memref<2x10240x128xf32, #tpu.memory_space<hbm>> -> memref<1x64x128xf32, #tpu.memory_space<hbm>>
      %dma_wait3A_203 = tpu.memref_squeeze %dma_wait3A_202 : memref<1x64x128xf32, #tpu.memory_space<hbm>> -> memref<64x128xf32, #tpu.memory_space<hbm>>
      %dma_wait3A_204 = arith.constant 0 : i32
      %dma_wait3A_205 = tpu.memref_slice %arg14[%add3A_185, %dma_wait3A_204] : memref<10240x128xf32, #tpu.memory_space<vmem_shared>> -> memref<64x128xf32, #tpu.memory_space<vmem_shared>>
      tpu.wait_dma2 semaphore(%run_scoped3A : memref<!tpu.dma_semaphore, #tpu.memory_space<semaphore_mem>>) src(%dma_wait3A_205 : memref<64x128xf32, #tpu.memory_space<vmem_shared>>) dst(%dma_wait3A_203 : memref<64x128xf32, #tpu.memory_space<hbm>>)
      tpu.yield
    }) : () -> ()
    %add3A_188 = arith.constant 512 : i32
    %add3A_189 = arith.addi %mul3A_0, %add3A_188 : i32
    %add3A_190 = arith.constant 512 : i32
    %add3A_191 = arith.addi %mul3A_0, %add3A_190 : i32
    "tpu.region"() ({
      %run_scoped3A = tpu.sem_alloc : memref<!tpu.dma_semaphore, #tpu.memory_space<semaphore_mem>>
      %dma_start3A_196 = arith.constant 0 : i32
      %dma_start3A_197 = tpu.memref_slice %arg6[%arg0, %add3A_191, %dma_start3A_196] : memref<2x10240x128xf32, #tpu.memory_space<hbm>> -> memref<1x64x128xf32, #tpu.memory_space<hbm>>
      %dma_start3A_198 = tpu.memref_squeeze %dma_start3A_197 : memref<1x64x128xf32, #tpu.memory_space<hbm>> -> memref<64x128xf32, #tpu.memory_space<hbm>>
      %dma_start3A_199 = arith.constant 0 : i32
      %dma_start3A_200 = tpu.memref_slice %arg14[%add3A_189, %dma_start3A_199] : memref<10240x128xf32, #tpu.memory_space<vmem_shared>> -> memref<64x128xf32, #tpu.memory_space<vmem_shared>>
      tpu.enqueue_dma source(%dma_start3A_200 : memref<64x128xf32, #tpu.memory_space<vmem_shared>>) target(%dma_start3A_198 : memref<64x128xf32, #tpu.memory_space<hbm>>) target_semaphore(%run_scoped3A : memref<!tpu.dma_semaphore, #tpu.memory_space<semaphore_mem>>)
      %dma_wait3A_201 = arith.constant 0 : i32
      %dma_wait3A_202 = tpu.memref_slice %arg6[%arg0, %add3A_191, %dma_wait3A_201] : memref<2x10240x128xf32, #tpu.memory_space<hbm>> -> memref<1x64x128xf32, #tpu.memory_space<hbm>>
      %dma_wait3A_203 = tpu.memref_squeeze %dma_wait3A_202 : memref<1x64x128xf32, #tpu.memory_space<hbm>> -> memref<64x128xf32, #tpu.memory_space<hbm>>
      %dma_wait3A_204 = arith.constant 0 : i32
      %dma_wait3A_205 = tpu.memref_slice %arg14[%add3A_189, %dma_wait3A_204] : memref<10240x128xf32, #tpu.memory_space<vmem_shared>> -> memref<64x128xf32, #tpu.memory_space<vmem_shared>>
      tpu.wait_dma2 semaphore(%run_scoped3A : memref<!tpu.dma_semaphore, #tpu.memory_space<semaphore_mem>>) src(%dma_wait3A_205 : memref<64x128xf32, #tpu.memory_space<vmem_shared>>) dst(%dma_wait3A_203 : memref<64x128xf32, #tpu.memory_space<hbm>>)
      tpu.yield
    }) : () -> ()
    %add3A_192 = arith.constant 576 : i32
    %add3A_193 = arith.addi %mul3A_0, %add3A_192 : i32
    %add3A_194 = arith.constant 576 : i32
    %add3A_195 = arith.addi %mul3A_0, %add3A_194 : i32
    "tpu.region"() ({
      %run_scoped3A = tpu.sem_alloc : memref<!tpu.dma_semaphore, #tpu.memory_space<semaphore_mem>>
      %dma_start3A_196 = arith.constant 0 : i32
      %dma_start3A_197 = tpu.memref_slice %arg6[%arg0, %add3A_195, %dma_start3A_196] : memref<2x10240x128xf32, #tpu.memory_space<hbm>> -> memref<1x64x128xf32, #tpu.memory_space<hbm>>
      %dma_start3A_198 = tpu.memref_squeeze %dma_start3A_197 : memref<1x64x128xf32, #tpu.memory_space<hbm>> -> memref<64x128xf32, #tpu.memory_space<hbm>>
      %dma_start3A_199 = arith.constant 0 : i32
      %dma_start3A_200 = tpu.memref_slice %arg14[%add3A_193, %dma_start3A_199] : memref<10240x128xf32, #tpu.memory_space<vmem_shared>> -> memref<64x128xf32, #tpu.memory_space<vmem_shared>>
      tpu.enqueue_dma source(%dma_start3A_200 : memref<64x128xf32, #tpu.memory_space<vmem_shared>>) target(%dma_start3A_198 : memref<64x128xf32, #tpu.memory_space<hbm>>) target_semaphore(%run_scoped3A : memref<!tpu.dma_semaphore, #tpu.memory_space<semaphore_mem>>)
      %dma_wait3A_201 = arith.constant 0 : i32
      %dma_wait3A_202 = tpu.memref_slice %arg6[%arg0, %add3A_195, %dma_wait3A_201] : memref<2x10240x128xf32, #tpu.memory_space<hbm>> -> memref<1x64x128xf32, #tpu.memory_space<hbm>>
      %dma_wait3A_203 = tpu.memref_squeeze %dma_wait3A_202 : memref<1x64x128xf32, #tpu.memory_space<hbm>> -> memref<64x128xf32, #tpu.memory_space<hbm>>
      %dma_wait3A_204 = arith.constant 0 : i32
      %dma_wait3A_205 = tpu.memref_slice %arg14[%add3A_193, %dma_wait3A_204] : memref<10240x128xf32, #tpu.memory_space<vmem_shared>> -> memref<64x128xf32, #tpu.memory_space<vmem_shared>>
      tpu.wait_dma2 semaphore(%run_scoped3A : memref<!tpu.dma_semaphore, #tpu.memory_space<semaphore_mem>>) src(%dma_wait3A_205 : memref<64x128xf32, #tpu.memory_space<vmem_shared>>) dst(%dma_wait3A_203 : memref<64x128xf32, #tpu.memory_space<hbm>>)
      tpu.yield
    }) : () -> ()
    return
  }
}

#map = affine_map<(d0, d1) -> (0, 0)>
#map1 = affine_map<(d0, d1) -> (0, 0, 0)>
#map2 = affine_map<(d0, d1) -> (0)>
module attributes {stable_mosaic.version = 14 : i64} {
  func.func @body(%arg0: i32, %arg1: i32, %arg2: memref<10000x128xf32, #tpu.memory_space<hbm>>, %arg3: memref<16x160x128xi32, #tpu.memory_space<hbm>>, %arg4: memref<16x160x128xi32, #tpu.memory_space<hbm>>, %arg5: memref<2x10240x128xf32, #tpu.memory_space<hbm>>, %arg6: memref<10240xf32, #tpu.memory_space<hbm>>, %arg7: memref<10240xf32, #tpu.memory_space<hbm>>, %arg8: memref<16xf32, #tpu.memory_space<hbm>>, %arg9: memref<16xf32, #tpu.memory_space<hbm>>, %arg10: memref<16xf32, #tpu.memory_space<hbm>>, %arg11: memref<16xf32, #tpu.memory_space<hbm>>, %arg12: memref<64x128xf32, #tpu.memory_space<vmem>>, %arg13: memref<128xi32, #tpu.memory_space<vmem>>, %arg14: memref<128xi32, #tpu.memory_space<vmem>>, %arg15: memref<128xi32, #tpu.memory_space<vmem>>, %arg16: memref<128xi32, #tpu.memory_space<vmem>>, %arg17: memref<128x128xf32, #tpu.memory_space<vmem>>, %arg18: memref<128x128xf32, #tpu.memory_space<vmem>>, %arg19: memref<10240x128xf32, #tpu.memory_space<vmem_shared>>, %arg20: memref<!tpu.dma_semaphore, #tpu.memory_space<semaphore_mem>>, %arg21: memref<!tpu.dma_semaphore, #tpu.memory_space<semaphore_mem>>, %arg22: memref<!tpu.dma_semaphore, #tpu.memory_space<semaphore_mem>>, %arg23: memref<!tpu.dma_semaphore, #tpu.memory_space<semaphore_mem>>, %arg24: memref<!tpu.dma_semaphore, #tpu.memory_space<semaphore_mem>>, %arg25: memref<!tpu.dma_semaphore, #tpu.memory_space<semaphore_mem>>, %arg26: memref<!tpu.dma_semaphore, #tpu.memory_space<semaphore_mem>>, %arg27: memref<!tpu.dma_semaphore, #tpu.memory_space<semaphore_mem>>, %arg28: memref<128xf32, #tpu.memory_space<vmem>>, %arg29: memref<640xf32, #tpu.memory_space<vmem>>, %arg30: memref<10240xf32, #tpu.memory_space<vmem_shared>>, %arg31: memref<!tpu.dma_semaphore, #tpu.memory_space<semaphore_mem>>, %arg32: memref<!tpu.dma_semaphore, #tpu.memory_space<semaphore_mem>>, %arg33: memref<16xf32, #tpu.memory_space<vmem>>, %arg34: memref<16xf32, #tpu.memory_space<vmem>>) attributes {dimension_semantics = [#tpu.dimension_semantics<core_parallel>, #tpu.dimension_semantics<subcore_parallel>], iteration_bounds = array<i64: 2, 16>, scalar_prefetch = 0 : i64, scratch_operands = 23 : i64, tpu.core_type = #tpu.core_type<sc_vector_subcore>, window_params = [{transform_indices = #map}, {transform_indices = #map1}, {transform_indices = #map1}, {transform_indices = #map1}, {transform_indices = #map2}, {transform_indices = #map2}, {transform_indices = #map2}, {transform_indices = #map2}, {transform_indices = #map2}, {transform_indices = #map2}]} {
    %mul3A = arith.constant 640 : i32
    %mul3A_0 = arith.muli %arg1, %mul3A : i32
    %eq3A = arith.constant 0 : i32
    %eq3A_1 = arith.cmpi eq, %arg0, %eq3A : i32
    %jit3A = arith.constant 0 : i32
    %jit3A_2 = arith.constant 80 : i32
    %select_n3A = arith.select %eq3A_1, %jit3A, %jit3A_2 : i32
    %eq3A_3 = arith.constant 0 : i32
    %eq3A_4 = arith.cmpi eq, %arg0, %eq3A_3 : i32
    %jit3A_5 = arith.constant 80 : i32
    %jit3A_6 = arith.constant 80 : i32
    %select_n3A_7 = arith.select %eq3A_4, %jit3A_5, %jit3A_6 : i32
    %jit3A_8 = arith.constant 2 : i32
    %div3A = arith.divsi %select_n3A_7, %jit3A_8 : i32
    %sign3A = arith.constant 0 : i32
    %sign3A_9 = arith.cmpi sgt, %select_n3A_7, %sign3A : i32
    %sign3A_10 = arith.extui %sign3A_9 : i1 to i32
    %sign3A_11 = arith.constant 0 : i32
    %sign3A_12 = arith.cmpi slt, %select_n3A_7, %sign3A_11 : i32
    %sign3A_13 = arith.extui %sign3A_12 : i1 to i32
    %sign3A_14 = arith.subi %sign3A_10, %sign3A_13 : i32
    %sign3A_15 = arith.constant 0 : i32
    %sign3A_16 = arith.cmpi sgt, %jit3A_8, %sign3A_15 : i32
    %sign3A_17 = arith.extui %sign3A_16 : i1 to i32
    %sign3A_18 = arith.constant 0 : i32
    %sign3A_19 = arith.cmpi slt, %jit3A_8, %sign3A_18 : i32
    %sign3A_20 = arith.extui %sign3A_19 : i1 to i32
    %sign3A_21 = arith.subi %sign3A_17, %sign3A_20 : i32
    %ne3A = arith.cmpi ne, %sign3A_14, %sign3A_21 : i32
    %rem3A = arith.remsi %select_n3A_7, %jit3A_8 : i32
    %ne3A_22 = arith.constant 0 : i32
    %ne3A_23 = arith.cmpi ne, %rem3A, %ne3A_22 : i32
    %and3A = arith.andi %ne3A, %ne3A_23 : i1
    %sub3A = arith.constant 1 : i32
    %sub3A_24 = arith.subi %div3A, %sub3A : i32
    %select_n3A_25 = arith.select %and3A, %sub3A_24, %div3A : i32
    %scan3A = arith.constant 0 : i32
    %scan3A_26 = arith.constant 0 : i32
    %scan3A_27 = arith.constant 64 : i32
    %scan3A_28 = arith.addi %scan3A_26, %scan3A_27 : i32
    %scan3A_29 = arith.constant 1 : i32
    %scan3A_30 = scf.for %scan3A_276 = %scan3A_26 to %scan3A_28 step %scan3A_29 iter_args(%scan3A_277 = %scan3A) -> (i32)  : i32 {
      %broadcast_in_dim3A_278 = arith.constant 0.000000e+00 : f32
      %broadcast_in_dim3A_279 = vector.broadcast %broadcast_in_dim3A_278 : f32 to vector<16xf32>
      %swap3A_280 = arith.index_cast %scan3A_276 : i32 to index
      %swap3A_281 = arith.constant 0 : index
      %swap3A_282 = tpu.vector_load %arg12[%swap3A_280, %swap3A_281] {strides = array<i32>} : memref<64x128xf32, #tpu.memory_space<vmem>>, vector<1x16xf32>,
      %swap3A_283 = vector.shape_cast %swap3A_282 : vector<1x16xf32> to vector<16xf32>
      %swap3A_284 = vector.shape_cast %broadcast_in_dim3A_279 : vector<16xf32> to vector<1x16xf32>
      tpu.vector_store %arg12[%swap3A_280, %swap3A_281], %swap3A_284 {strides = array<i32>} : memref<64x128xf32, #tpu.memory_space<vmem>>, vector<1x16xf32>,
      %broadcast_in_dim3A_285 = arith.constant 0.000000e+00 : f32
      %broadcast_in_dim3A_286 = vector.broadcast %broadcast_in_dim3A_285 : f32 to vector<16xf32>
      %swap3A_287 = arith.index_cast %scan3A_276 : i32 to index
      %swap3A_288 = arith.constant 16 : index
      %swap3A_289 = tpu.vector_load %arg12[%swap3A_287, %swap3A_288] {strides = array<i32>} : memref<64x128xf32, #tpu.memory_space<vmem>>, vector<1x16xf32>,
      %swap3A_290 = vector.shape_cast %swap3A_289 : vector<1x16xf32> to vector<16xf32>
      %swap3A_291 = vector.shape_cast %broadcast_in_dim3A_286 : vector<16xf32> to vector<1x16xf32>
      tpu.vector_store %arg12[%swap3A_287, %swap3A_288], %swap3A_291 {strides = array<i32>} : memref<64x128xf32, #tpu.memory_space<vmem>>, vector<1x16xf32>,
      %broadcast_in_dim3A_292 = arith.constant 0.000000e+00 : f32
      %broadcast_in_dim3A_293 = vector.broadcast %broadcast_in_dim3A_292 : f32 to vector<16xf32>
      %swap3A_294 = arith.index_cast %scan3A_276 : i32 to index
      %swap3A_295 = arith.constant 32 : index
      %swap3A_296 = tpu.vector_load %arg12[%swap3A_294, %swap3A_295] {strides = array<i32>} : memref<64x128xf32, #tpu.memory_space<vmem>>, vector<1x16xf32>,
      %swap3A_297 = vector.shape_cast %swap3A_296 : vector<1x16xf32> to vector<16xf32>
      %swap3A_298 = vector.shape_cast %broadcast_in_dim3A_293 : vector<16xf32> to vector<1x16xf32>
      tpu.vector_store %arg12[%swap3A_294, %swap3A_295], %swap3A_298 {strides = array<i32>} : memref<64x128xf32, #tpu.memory_space<vmem>>, vector<1x16xf32>,
      %broadcast_in_dim3A_299 = arith.constant 0.000000e+00 : f32
      %broadcast_in_dim3A_300 = vector.broadcast %broadcast_in_dim3A_299 : f32 to vector<16xf32>
      %swap3A_301 = arith.index_cast %scan3A_276 : i32 to index
      %swap3A_302 = arith.constant 48 : index
      %swap3A_303 = tpu.vector_load %arg12[%swap3A_301, %swap3A_302] {strides = array<i32>} : memref<64x128xf32, #tpu.memory_space<vmem>>, vector<1x16xf32>,
      %swap3A_304 = vector.shape_cast %swap3A_303 : vector<1x16xf32> to vector<16xf32>
      %swap3A_305 = vector.shape_cast %broadcast_in_dim3A_300 : vector<16xf32> to vector<1x16xf32>
      tpu.vector_store %arg12[%swap3A_301, %swap3A_302], %swap3A_305 {strides = array<i32>} : memref<64x128xf32, #tpu.memory_space<vmem>>, vector<1x16xf32>,
      %broadcast_in_dim3A_306 = arith.constant 0.000000e+00 : f32
      %broadcast_in_dim3A_307 = vector.broadcast %broadcast_in_dim3A_306 : f32 to vector<16xf32>
      %swap3A_308 = arith.index_cast %scan3A_276 : i32 to index
      %swap3A_309 = arith.constant 64 : index
      %swap3A_310 = tpu.vector_load %arg12[%swap3A_308, %swap3A_309] {strides = array<i32>} : memref<64x128xf32, #tpu.memory_space<vmem>>, vector<1x16xf32>,
      %swap3A_311 = vector.shape_cast %swap3A_310 : vector<1x16xf32> to vector<16xf32>
      %swap3A_312 = vector.shape_cast %broadcast_in_dim3A_307 : vector<16xf32> to vector<1x16xf32>
      tpu.vector_store %arg12[%swap3A_308, %swap3A_309], %swap3A_312 {strides = array<i32>} : memref<64x128xf32, #tpu.memory_space<vmem>>, vector<1x16xf32>,
      %broadcast_in_dim3A_313 = arith.constant 0.000000e+00 : f32
      %broadcast_in_dim3A_314 = vector.broadcast %broadcast_in_dim3A_313 : f32 to vector<16xf32>
      %swap3A_315 = arith.index_cast %scan3A_276 : i32 to index
      %swap3A_316 = arith.constant 80 : index
      %swap3A_317 = tpu.vector_load %arg12[%swap3A_315, %swap3A_316] {strides = array<i32>} : memref<64x128xf32, #tpu.memory_space<vmem>>, vector<1x16xf32>,
      %swap3A_318 = vector.shape_cast %swap3A_317 : vector<1x16xf32> to vector<16xf32>
      %swap3A_319 = vector.shape_cast %broadcast_in_dim3A_314 : vector<16xf32> to vector<1x16xf32>
      tpu.vector_store %arg12[%swap3A_315, %swap3A_316], %swap3A_319 {strides = array<i32>} : memref<64x128xf32, #tpu.memory_space<vmem>>, vector<1x16xf32>,
      %broadcast_in_dim3A_320 = arith.constant 0.000000e+00 : f32
      %broadcast_in_dim3A_321 = vector.broadcast %broadcast_in_dim3A_320 : f32 to vector<16xf32>
      %swap3A_322 = arith.index_cast %scan3A_276 : i32 to index
      %swap3A_323 = arith.constant 96 : index
      %swap3A_324 = tpu.vector_load %arg12[%swap3A_322, %swap3A_323] {strides = array<i32>} : memref<64x128xf32, #tpu.memory_space<vmem>>, vector<1x16xf32>,
      %swap3A_325 = vector.shape_cast %swap3A_324 : vector<1x16xf32> to vector<16xf32>
      %swap3A_326 = vector.shape_cast %broadcast_in_dim3A_321 : vector<16xf32> to vector<1x16xf32>
      tpu.vector_store %arg12[%swap3A_322, %swap3A_323], %swap3A_326 {strides = array<i32>} : memref<64x128xf32, #tpu.memory_space<vmem>>, vector<1x16xf32>,
      %broadcast_in_dim3A_327 = arith.constant 0.000000e+00 : f32
      %broadcast_in_dim3A_328 = vector.broadcast %broadcast_in_dim3A_327 : f32 to vector<16xf32>
      %swap3A_329 = arith.index_cast %scan3A_276 : i32 to index
      %swap3A_330 = arith.constant 112 : index
      %swap3A_331 = tpu.vector_load %arg12[%swap3A_329, %swap3A_330] {strides = array<i32>} : memref<64x128xf32, #tpu.memory_space<vmem>>, vector<1x16xf32>,
      %swap3A_332 = vector.shape_cast %swap3A_331 : vector<1x16xf32> to vector<16xf32>
      %swap3A_333 = vector.shape_cast %broadcast_in_dim3A_328 : vector<16xf32> to vector<1x16xf32>
      tpu.vector_store %arg12[%swap3A_329, %swap3A_330], %swap3A_333 {strides = array<i32>} : memref<64x128xf32, #tpu.memory_space<vmem>>, vector<1x16xf32>,
      %scan3A_334 = arith.constant 0 : i32
      scf.yield %scan3A_334 : i32
    }
    %scan3A_31 = arith.constant 64 : i32
    %add3A = arith.constant 0 : i32
    %add3A_32 = arith.addi %mul3A_0, %add3A : i32
    "tpu.region"() ({
      %run_scoped3A = tpu.sem_alloc : memref<!tpu.dma_semaphore, #tpu.memory_space<semaphore_mem>>
      %dma_start3A_276 = arith.constant 0 : i32
      %dma_start3A_277 = tpu.memref_slice %arg19[%add3A_32, %dma_start3A_276] : memref<10240x128xf32, #tpu.memory_space<vmem_shared>> -> memref<64x128xf32, #tpu.memory_space<vmem_shared>>
      %dma_start3A_278 = arith.constant 0 : i32
      %dma_start3A_279 = tpu.memref_slice %arg19[%add3A_32, %dma_start3A_278] : memref<10240x128xf32, #tpu.memory_space<vmem_shared>> -> memref<64x128xf32, #tpu.memory_space<vmem_shared>>
      tpu.enqueue_dma source(%arg12 : memref<64x128xf32, #tpu.memory_space<vmem>>) target(%dma_start3A_279 : memref<64x128xf32, #tpu.memory_space<vmem_shared>>) target_semaphore(%run_scoped3A : memref<!tpu.dma_semaphore, #tpu.memory_space<semaphore_mem>>)
      %dma_wait3A_280 = arith.constant 0 : i32
      %dma_wait3A_281 = tpu.memref_slice %arg19[%add3A_32, %dma_wait3A_280] : memref<10240x128xf32, #tpu.memory_space<vmem_shared>> -> memref<64x128xf32, #tpu.memory_space<vmem_shared>>
      %dma_wait3A_282 = arith.constant 0 : i32
      %dma_wait3A_283 = tpu.memref_slice %arg19[%add3A_32, %dma_wait3A_282] : memref<10240x128xf32, #tpu.memory_space<vmem_shared>> -> memref<64x128xf32, #tpu.memory_space<vmem_shared>>
      tpu.wait_dma2 semaphore(%run_scoped3A : memref<!tpu.dma_semaphore, #tpu.memory_space<semaphore_mem>>) src(%arg12 : memref<64x128xf32, #tpu.memory_space<vmem>>) dst(%dma_wait3A_283 : memref<64x128xf32, #tpu.memory_space<vmem_shared>>)
      tpu.yield
    }) : () -> ()
    %add3A_33 = arith.constant 64 : i32
    %add3A_34 = arith.addi %mul3A_0, %add3A_33 : i32
    "tpu.region"() ({
      %run_scoped3A = tpu.sem_alloc : memref<!tpu.dma_semaphore, #tpu.memory_space<semaphore_mem>>
      %dma_start3A_276 = arith.constant 0 : i32
      %dma_start3A_277 = tpu.memref_slice %arg19[%add3A_34, %dma_start3A_276] : memref<10240x128xf32, #tpu.memory_space<vmem_shared>> -> memref<64x128xf32, #tpu.memory_space<vmem_shared>>
      %dma_start3A_278 = arith.constant 0 : i32
      %dma_start3A_279 = tpu.memref_slice %arg19[%add3A_34, %dma_start3A_278] : memref<10240x128xf32, #tpu.memory_space<vmem_shared>> -> memref<64x128xf32, #tpu.memory_space<vmem_shared>>
      tpu.enqueue_dma source(%arg12 : memref<64x128xf32, #tpu.memory_space<vmem>>) target(%dma_start3A_279 : memref<64x128xf32, #tpu.memory_space<vmem_shared>>) target_semaphore(%run_scoped3A : memref<!tpu.dma_semaphore, #tpu.memory_space<semaphore_mem>>)
      %dma_wait3A_280 = arith.constant 0 : i32
      %dma_wait3A_281 = tpu.memref_slice %arg19[%add3A_34, %dma_wait3A_280] : memref<10240x128xf32, #tpu.memory_space<vmem_shared>> -> memref<64x128xf32, #tpu.memory_space<vmem_shared>>
      %dma_wait3A_282 = arith.constant 0 : i32
      %dma_wait3A_283 = tpu.memref_slice %arg19[%add3A_34, %dma_wait3A_282] : memref<10240x128xf32, #tpu.memory_space<vmem_shared>> -> memref<64x128xf32, #tpu.memory_space<vmem_shared>>
      tpu.wait_dma2 semaphore(%run_scoped3A : memref<!tpu.dma_semaphore, #tpu.memory_space<semaphore_mem>>) src(%arg12 : memref<64x128xf32, #tpu.memory_space<vmem>>) dst(%dma_wait3A_283 : memref<64x128xf32, #tpu.memory_space<vmem_shared>>)
      tpu.yield
    }) : () -> ()
    %add3A_35 = arith.constant 128 : i32
    %add3A_36 = arith.addi %mul3A_0, %add3A_35 : i32
    "tpu.region"() ({
      %run_scoped3A = tpu.sem_alloc : memref<!tpu.dma_semaphore, #tpu.memory_space<semaphore_mem>>
      %dma_start3A_276 = arith.constant 0 : i32
      %dma_start3A_277 = tpu.memref_slice %arg19[%add3A_36, %dma_start3A_276] : memref<10240x128xf32, #tpu.memory_space<vmem_shared>> -> memref<64x128xf32, #tpu.memory_space<vmem_shared>>
      %dma_start3A_278 = arith.constant 0 : i32
      %dma_start3A_279 = tpu.memref_slice %arg19[%add3A_36, %dma_start3A_278] : memref<10240x128xf32, #tpu.memory_space<vmem_shared>> -> memref<64x128xf32, #tpu.memory_space<vmem_shared>>
      tpu.enqueue_dma source(%arg12 : memref<64x128xf32, #tpu.memory_space<vmem>>) target(%dma_start3A_279 : memref<64x128xf32, #tpu.memory_space<vmem_shared>>) target_semaphore(%run_scoped3A : memref<!tpu.dma_semaphore, #tpu.memory_space<semaphore_mem>>)
      %dma_wait3A_280 = arith.constant 0 : i32
      %dma_wait3A_281 = tpu.memref_slice %arg19[%add3A_36, %dma_wait3A_280] : memref<10240x128xf32, #tpu.memory_space<vmem_shared>> -> memref<64x128xf32, #tpu.memory_space<vmem_shared>>
      %dma_wait3A_282 = arith.constant 0 : i32
      %dma_wait3A_283 = tpu.memref_slice %arg19[%add3A_36, %dma_wait3A_282] : memref<10240x128xf32, #tpu.memory_space<vmem_shared>> -> memref<64x128xf32, #tpu.memory_space<vmem_shared>>
      tpu.wait_dma2 semaphore(%run_scoped3A : memref<!tpu.dma_semaphore, #tpu.memory_space<semaphore_mem>>) src(%arg12 : memref<64x128xf32, #tpu.memory_space<vmem>>) dst(%dma_wait3A_283 : memref<64x128xf32, #tpu.memory_space<vmem_shared>>)
      tpu.yield
    }) : () -> ()
    %add3A_37 = arith.constant 192 : i32
    %add3A_38 = arith.addi %mul3A_0, %add3A_37 : i32
    "tpu.region"() ({
      %run_scoped3A = tpu.sem_alloc : memref<!tpu.dma_semaphore, #tpu.memory_space<semaphore_mem>>
      %dma_start3A_276 = arith.constant 0 : i32
      %dma_start3A_277 = tpu.memref_slice %arg19[%add3A_38, %dma_start3A_276] : memref<10240x128xf32, #tpu.memory_space<vmem_shared>> -> memref<64x128xf32, #tpu.memory_space<vmem_shared>>
      %dma_start3A_278 = arith.constant 0 : i32
      %dma_start3A_279 = tpu.memref_slice %arg19[%add3A_38, %dma_start3A_278] : memref<10240x128xf32, #tpu.memory_space<vmem_shared>> -> memref<64x128xf32, #tpu.memory_space<vmem_shared>>
      tpu.enqueue_dma source(%arg12 : memref<64x128xf32, #tpu.memory_space<vmem>>) target(%dma_start3A_279 : memref<64x128xf32, #tpu.memory_space<vmem_shared>>) target_semaphore(%run_scoped3A : memref<!tpu.dma_semaphore, #tpu.memory_space<semaphore_mem>>)
      %dma_wait3A_280 = arith.constant 0 : i32
      %dma_wait3A_281 = tpu.memref_slice %arg19[%add3A_38, %dma_wait3A_280] : memref<10240x128xf32, #tpu.memory_space<vmem_shared>> -> memref<64x128xf32, #tpu.memory_space<vmem_shared>>
      %dma_wait3A_282 = arith.constant 0 : i32
      %dma_wait3A_283 = tpu.memref_slice %arg19[%add3A_38, %dma_wait3A_282] : memref<10240x128xf32, #tpu.memory_space<vmem_shared>> -> memref<64x128xf32, #tpu.memory_space<vmem_shared>>
      tpu.wait_dma2 semaphore(%run_scoped3A : memref<!tpu.dma_semaphore, #tpu.memory_space<semaphore_mem>>) src(%arg12 : memref<64x128xf32, #tpu.memory_space<vmem>>) dst(%dma_wait3A_283 : memref<64x128xf32, #tpu.memory_space<vmem_shared>>)
      tpu.yield
    }) : () -> ()
    %add3A_39 = arith.constant 256 : i32
    %add3A_40 = arith.addi %mul3A_0, %add3A_39 : i32
    "tpu.region"() ({
      %run_scoped3A = tpu.sem_alloc : memref<!tpu.dma_semaphore, #tpu.memory_space<semaphore_mem>>
      %dma_start3A_276 = arith.constant 0 : i32
      %dma_start3A_277 = tpu.memref_slice %arg19[%add3A_40, %dma_start3A_276] : memref<10240x128xf32, #tpu.memory_space<vmem_shared>> -> memref<64x128xf32, #tpu.memory_space<vmem_shared>>
      %dma_start3A_278 = arith.constant 0 : i32
      %dma_start3A_279 = tpu.memref_slice %arg19[%add3A_40, %dma_start3A_278] : memref<10240x128xf32, #tpu.memory_space<vmem_shared>> -> memref<64x128xf32, #tpu.memory_space<vmem_shared>>
      tpu.enqueue_dma source(%arg12 : memref<64x128xf32, #tpu.memory_space<vmem>>) target(%dma_start3A_279 : memref<64x128xf32, #tpu.memory_space<vmem_shared>>) target_semaphore(%run_scoped3A : memref<!tpu.dma_semaphore, #tpu.memory_space<semaphore_mem>>)
      %dma_wait3A_280 = arith.constant 0 : i32
      %dma_wait3A_281 = tpu.memref_slice %arg19[%add3A_40, %dma_wait3A_280] : memref<10240x128xf32, #tpu.memory_space<vmem_shared>> -> memref<64x128xf32, #tpu.memory_space<vmem_shared>>
      %dma_wait3A_282 = arith.constant 0 : i32
      %dma_wait3A_283 = tpu.memref_slice %arg19[%add3A_40, %dma_wait3A_282] : memref<10240x128xf32, #tpu.memory_space<vmem_shared>> -> memref<64x128xf32, #tpu.memory_space<vmem_shared>>
      tpu.wait_dma2 semaphore(%run_scoped3A : memref<!tpu.dma_semaphore, #tpu.memory_space<semaphore_mem>>) src(%arg12 : memref<64x128xf32, #tpu.memory_space<vmem>>) dst(%dma_wait3A_283 : memref<64x128xf32, #tpu.memory_space<vmem_shared>>)
      tpu.yield
    }) : () -> ()
    %add3A_41 = arith.constant 320 : i32
    %add3A_42 = arith.addi %mul3A_0, %add3A_41 : i32
    "tpu.region"() ({
      %run_scoped3A = tpu.sem_alloc : memref<!tpu.dma_semaphore, #tpu.memory_space<semaphore_mem>>
      %dma_start3A_276 = arith.constant 0 : i32
      %dma_start3A_277 = tpu.memref_slice %arg19[%add3A_42, %dma_start3A_276] : memref<10240x128xf32, #tpu.memory_space<vmem_shared>> -> memref<64x128xf32, #tpu.memory_space<vmem_shared>>
      %dma_start3A_278 = arith.constant 0 : i32
      %dma_start3A_279 = tpu.memref_slice %arg19[%add3A_42, %dma_start3A_278] : memref<10240x128xf32, #tpu.memory_space<vmem_shared>> -> memref<64x128xf32, #tpu.memory_space<vmem_shared>>
      tpu.enqueue_dma source(%arg12 : memref<64x128xf32, #tpu.memory_space<vmem>>) target(%dma_start3A_279 : memref<64x128xf32, #tpu.memory_space<vmem_shared>>) target_semaphore(%run_scoped3A : memref<!tpu.dma_semaphore, #tpu.memory_space<semaphore_mem>>)
      %dma_wait3A_280 = arith.constant 0 : i32
      %dma_wait3A_281 = tpu.memref_slice %arg19[%add3A_42, %dma_wait3A_280] : memref<10240x128xf32, #tpu.memory_space<vmem_shared>> -> memref<64x128xf32, #tpu.memory_space<vmem_shared>>
      %dma_wait3A_282 = arith.constant 0 : i32
      %dma_wait3A_283 = tpu.memref_slice %arg19[%add3A_42, %dma_wait3A_282] : memref<10240x128xf32, #tpu.memory_space<vmem_shared>> -> memref<64x128xf32, #tpu.memory_space<vmem_shared>>
      tpu.wait_dma2 semaphore(%run_scoped3A : memref<!tpu.dma_semaphore, #tpu.memory_space<semaphore_mem>>) src(%arg12 : memref<64x128xf32, #tpu.memory_space<vmem>>) dst(%dma_wait3A_283 : memref<64x128xf32, #tpu.memory_space<vmem_shared>>)
      tpu.yield
    }) : () -> ()
    %add3A_43 = arith.constant 384 : i32
    %add3A_44 = arith.addi %mul3A_0, %add3A_43 : i32
    "tpu.region"() ({
      %run_scoped3A = tpu.sem_alloc : memref<!tpu.dma_semaphore, #tpu.memory_space<semaphore_mem>>
      %dma_start3A_276 = arith.constant 0 : i32
      %dma_start3A_277 = tpu.memref_slice %arg19[%add3A_44, %dma_start3A_276] : memref<10240x128xf32, #tpu.memory_space<vmem_shared>> -> memref<64x128xf32, #tpu.memory_space<vmem_shared>>
      %dma_start3A_278 = arith.constant 0 : i32
      %dma_start3A_279 = tpu.memref_slice %arg19[%add3A_44, %dma_start3A_278] : memref<10240x128xf32, #tpu.memory_space<vmem_shared>> -> memref<64x128xf32, #tpu.memory_space<vmem_shared>>
      tpu.enqueue_dma source(%arg12 : memref<64x128xf32, #tpu.memory_space<vmem>>) target(%dma_start3A_279 : memref<64x128xf32, #tpu.memory_space<vmem_shared>>) target_semaphore(%run_scoped3A : memref<!tpu.dma_semaphore, #tpu.memory_space<semaphore_mem>>)
      %dma_wait3A_280 = arith.constant 0 : i32
      %dma_wait3A_281 = tpu.memref_slice %arg19[%add3A_44, %dma_wait3A_280] : memref<10240x128xf32, #tpu.memory_space<vmem_shared>> -> memref<64x128xf32, #tpu.memory_space<vmem_shared>>
      %dma_wait3A_282 = arith.constant 0 : i32
      %dma_wait3A_283 = tpu.memref_slice %arg19[%add3A_44, %dma_wait3A_282] : memref<10240x128xf32, #tpu.memory_space<vmem_shared>> -> memref<64x128xf32, #tpu.memory_space<vmem_shared>>
      tpu.wait_dma2 semaphore(%run_scoped3A : memref<!tpu.dma_semaphore, #tpu.memory_space<semaphore_mem>>) src(%arg12 : memref<64x128xf32, #tpu.memory_space<vmem>>) dst(%dma_wait3A_283 : memref<64x128xf32, #tpu.memory_space<vmem_shared>>)
      tpu.yield
    }) : () -> ()
    %add3A_45 = arith.constant 448 : i32
    %add3A_46 = arith.addi %mul3A_0, %add3A_45 : i32
    "tpu.region"() ({
      %run_scoped3A = tpu.sem_alloc : memref<!tpu.dma_semaphore, #tpu.memory_space<semaphore_mem>>
      %dma_start3A_276 = arith.constant 0 : i32
      %dma_start3A_277 = tpu.memref_slice %arg19[%add3A_46, %dma_start3A_276] : memref<10240x128xf32, #tpu.memory_space<vmem_shared>> -> memref<64x128xf32, #tpu.memory_space<vmem_shared>>
      %dma_start3A_278 = arith.constant 0 : i32
      %dma_start3A_279 = tpu.memref_slice %arg19[%add3A_46, %dma_start3A_278] : memref<10240x128xf32, #tpu.memory_space<vmem_shared>> -> memref<64x128xf32, #tpu.memory_space<vmem_shared>>
      tpu.enqueue_dma source(%arg12 : memref<64x128xf32, #tpu.memory_space<vmem>>) target(%dma_start3A_279 : memref<64x128xf32, #tpu.memory_space<vmem_shared>>) target_semaphore(%run_scoped3A : memref<!tpu.dma_semaphore, #tpu.memory_space<semaphore_mem>>)
      %dma_wait3A_280 = arith.constant 0 : i32
      %dma_wait3A_281 = tpu.memref_slice %arg19[%add3A_46, %dma_wait3A_280] : memref<10240x128xf32, #tpu.memory_space<vmem_shared>> -> memref<64x128xf32, #tpu.memory_space<vmem_shared>>
      %dma_wait3A_282 = arith.constant 0 : i32
      %dma_wait3A_283 = tpu.memref_slice %arg19[%add3A_46, %dma_wait3A_282] : memref<10240x128xf32, #tpu.memory_space<vmem_shared>> -> memref<64x128xf32, #tpu.memory_space<vmem_shared>>
      tpu.wait_dma2 semaphore(%run_scoped3A : memref<!tpu.dma_semaphore, #tpu.memory_space<semaphore_mem>>) src(%arg12 : memref<64x128xf32, #tpu.memory_space<vmem>>) dst(%dma_wait3A_283 : memref<64x128xf32, #tpu.memory_space<vmem_shared>>)
      tpu.yield
    }) : () -> ()
    %add3A_47 = arith.constant 512 : i32
    %add3A_48 = arith.addi %mul3A_0, %add3A_47 : i32
    "tpu.region"() ({
      %run_scoped3A = tpu.sem_alloc : memref<!tpu.dma_semaphore, #tpu.memory_space<semaphore_mem>>
      %dma_start3A_276 = arith.constant 0 : i32
      %dma_start3A_277 = tpu.memref_slice %arg19[%add3A_48, %dma_start3A_276] : memref<10240x128xf32, #tpu.memory_space<vmem_shared>> -> memref<64x128xf32, #tpu.memory_space<vmem_shared>>
      %dma_start3A_278 = arith.constant 0 : i32
      %dma_start3A_279 = tpu.memref_slice %arg19[%add3A_48, %dma_start3A_278] : memref<10240x128xf32, #tpu.memory_space<vmem_shared>> -> memref<64x128xf32, #tpu.memory_space<vmem_shared>>
      tpu.enqueue_dma source(%arg12 : memref<64x128xf32, #tpu.memory_space<vmem>>) target(%dma_start3A_279 : memref<64x128xf32, #tpu.memory_space<vmem_shared>>) target_semaphore(%run_scoped3A : memref<!tpu.dma_semaphore, #tpu.memory_space<semaphore_mem>>)
      %dma_wait3A_280 = arith.constant 0 : i32
      %dma_wait3A_281 = tpu.memref_slice %arg19[%add3A_48, %dma_wait3A_280] : memref<10240x128xf32, #tpu.memory_space<vmem_shared>> -> memref<64x128xf32, #tpu.memory_space<vmem_shared>>
      %dma_wait3A_282 = arith.constant 0 : i32
      %dma_wait3A_283 = tpu.memref_slice %arg19[%add3A_48, %dma_wait3A_282] : memref<10240x128xf32, #tpu.memory_space<vmem_shared>> -> memref<64x128xf32, #tpu.memory_space<vmem_shared>>
      tpu.wait_dma2 semaphore(%run_scoped3A : memref<!tpu.dma_semaphore, #tpu.memory_space<semaphore_mem>>) src(%arg12 : memref<64x128xf32, #tpu.memory_space<vmem>>) dst(%dma_wait3A_283 : memref<64x128xf32, #tpu.memory_space<vmem_shared>>)
      tpu.yield
    }) : () -> ()
    %add3A_49 = arith.constant 576 : i32
    %add3A_50 = arith.addi %mul3A_0, %add3A_49 : i32
    "tpu.region"() ({
      %run_scoped3A = tpu.sem_alloc : memref<!tpu.dma_semaphore, #tpu.memory_space<semaphore_mem>>
      %dma_start3A_276 = arith.constant 0 : i32
      %dma_start3A_277 = tpu.memref_slice %arg19[%add3A_50, %dma_start3A_276] : memref<10240x128xf32, #tpu.memory_space<vmem_shared>> -> memref<64x128xf32, #tpu.memory_space<vmem_shared>>
      %dma_start3A_278 = arith.constant 0 : i32
      %dma_start3A_279 = tpu.memref_slice %arg19[%add3A_50, %dma_start3A_278] : memref<10240x128xf32, #tpu.memory_space<vmem_shared>> -> memref<64x128xf32, #tpu.memory_space<vmem_shared>>
      tpu.enqueue_dma source(%arg12 : memref<64x128xf32, #tpu.memory_space<vmem>>) target(%dma_start3A_279 : memref<64x128xf32, #tpu.memory_space<vmem_shared>>) target_semaphore(%run_scoped3A : memref<!tpu.dma_semaphore, #tpu.memory_space<semaphore_mem>>)
      %dma_wait3A_280 = arith.constant 0 : i32
      %dma_wait3A_281 = tpu.memref_slice %arg19[%add3A_50, %dma_wait3A_280] : memref<10240x128xf32, #tpu.memory_space<vmem_shared>> -> memref<64x128xf32, #tpu.memory_space<vmem_shared>>
      %dma_wait3A_282 = arith.constant 0 : i32
      %dma_wait3A_283 = tpu.memref_slice %arg19[%add3A_50, %dma_wait3A_282] : memref<10240x128xf32, #tpu.memory_space<vmem_shared>> -> memref<64x128xf32, #tpu.memory_space<vmem_shared>>
      tpu.wait_dma2 semaphore(%run_scoped3A : memref<!tpu.dma_semaphore, #tpu.memory_space<semaphore_mem>>) src(%arg12 : memref<64x128xf32, #tpu.memory_space<vmem>>) dst(%dma_wait3A_283 : memref<64x128xf32, #tpu.memory_space<vmem_shared>>)
      tpu.yield
    }) : () -> ()
    %scan3A_51 = arith.constant 0 : i32
    %scan3A_52 = arith.constant 0 : i32
    %scan3A_53 = arith.constant 40 : i32
    %scan3A_54 = arith.addi %scan3A_52, %scan3A_53 : i32
    %scan3A_55 = arith.constant 1 : i32
    %scan3A_56 = scf.for %scan3A_276 = %scan3A_52 to %scan3A_54 step %scan3A_55 iter_args(%scan3A_277 = %scan3A_51) -> (i32)  : i32 {
      %broadcast_in_dim3A_278 = arith.constant 0.000000e+00 : f32
      %broadcast_in_dim3A_279 = vector.broadcast %broadcast_in_dim3A_278 : f32 to vector<16xf32>
      %mul3A_280 = arith.constant 16 : i32
      %mul3A_281 = arith.muli %scan3A_276, %mul3A_280 : i32
      %swap3A_282 = arith.index_cast %mul3A_281 : i32 to index
      %swap3A_283 = tpu.vector_load %arg29[%swap3A_282] {strides = array<i32>} : memref<640xf32, #tpu.memory_space<vmem>>, vector<16xf32>,
      %swap3A_284 = vector.shape_cast %swap3A_283 : vector<16xf32> to vector<16xf32>
      %swap3A_285 = vector.shape_cast %broadcast_in_dim3A_279 : vector<16xf32> to vector<16xf32>
      tpu.vector_store %arg29[%swap3A_282], %swap3A_285 {strides = array<i32>} : memref<640xf32, #tpu.memory_space<vmem>>, vector<16xf32>,
      %scan3A_286 = arith.constant 0 : i32
      scf.yield %scan3A_286 : i32
    }
    %scan3A_57 = arith.constant 40 : i32
    %broadcast_in_dim3A = arith.constant 1.000000e+00 : f32
    %broadcast_in_dim3A_58 = vector.broadcast %broadcast_in_dim3A : f32 to vector<16xf32>
    %swap3A = arith.constant 0 : index
    %swap3A_59 = tpu.vector_load %arg28[%swap3A] {strides = array<i32>} : memref<128xf32, #tpu.memory_space<vmem>>, vector<16xf32>,
    %swap3A_60 = vector.shape_cast %swap3A_59 : vector<16xf32> to vector<16xf32>
    %swap3A_61 = vector.shape_cast %broadcast_in_dim3A_58 : vector<16xf32> to vector<16xf32>
    tpu.vector_store %arg28[%swap3A], %swap3A_61 {strides = array<i32>} : memref<128xf32, #tpu.memory_space<vmem>>, vector<16xf32>,
    %broadcast_in_dim3A_62 = arith.constant 1.000000e+00 : f32
    %broadcast_in_dim3A_63 = vector.broadcast %broadcast_in_dim3A_62 : f32 to vector<16xf32>
    %swap3A_64 = arith.constant 16 : index
    %swap3A_65 = tpu.vector_load %arg28[%swap3A_64] {strides = array<i32>} : memref<128xf32, #tpu.memory_space<vmem>>, vector<16xf32>,
    %swap3A_66 = vector.shape_cast %swap3A_65 : vector<16xf32> to vector<16xf32>
    %swap3A_67 = vector.shape_cast %broadcast_in_dim3A_63 : vector<16xf32> to vector<16xf32>
    tpu.vector_store %arg28[%swap3A_64], %swap3A_67 {strides = array<i32>} : memref<128xf32, #tpu.memory_space<vmem>>, vector<16xf32>,
    %broadcast_in_dim3A_68 = arith.constant 1.000000e+00 : f32
    %broadcast_in_dim3A_69 = vector.broadcast %broadcast_in_dim3A_68 : f32 to vector<16xf32>
    %swap3A_70 = arith.constant 32 : index
    %swap3A_71 = tpu.vector_load %arg28[%swap3A_70] {strides = array<i32>} : memref<128xf32, #tpu.memory_space<vmem>>, vector<16xf32>,
    %swap3A_72 = vector.shape_cast %swap3A_71 : vector<16xf32> to vector<16xf32>
    %swap3A_73 = vector.shape_cast %broadcast_in_dim3A_69 : vector<16xf32> to vector<16xf32>
    tpu.vector_store %arg28[%swap3A_70], %swap3A_73 {strides = array<i32>} : memref<128xf32, #tpu.memory_space<vmem>>, vector<16xf32>,
    %broadcast_in_dim3A_74 = arith.constant 1.000000e+00 : f32
    %broadcast_in_dim3A_75 = vector.broadcast %broadcast_in_dim3A_74 : f32 to vector<16xf32>
    %swap3A_76 = arith.constant 48 : index
    %swap3A_77 = tpu.vector_load %arg28[%swap3A_76] {strides = array<i32>} : memref<128xf32, #tpu.memory_space<vmem>>, vector<16xf32>,
    %swap3A_78 = vector.shape_cast %swap3A_77 : vector<16xf32> to vector<16xf32>
    %swap3A_79 = vector.shape_cast %broadcast_in_dim3A_75 : vector<16xf32> to vector<16xf32>
    tpu.vector_store %arg28[%swap3A_76], %swap3A_79 {strides = array<i32>} : memref<128xf32, #tpu.memory_space<vmem>>, vector<16xf32>,
    %broadcast_in_dim3A_80 = arith.constant 1.000000e+00 : f32
    %broadcast_in_dim3A_81 = vector.broadcast %broadcast_in_dim3A_80 : f32 to vector<16xf32>
    %swap3A_82 = arith.constant 64 : index
    %swap3A_83 = tpu.vector_load %arg28[%swap3A_82] {strides = array<i32>} : memref<128xf32, #tpu.memory_space<vmem>>, vector<16xf32>,
    %swap3A_84 = vector.shape_cast %swap3A_83 : vector<16xf32> to vector<16xf32>
    %swap3A_85 = vector.shape_cast %broadcast_in_dim3A_81 : vector<16xf32> to vector<16xf32>
    tpu.vector_store %arg28[%swap3A_82], %swap3A_85 {strides = array<i32>} : memref<128xf32, #tpu.memory_space<vmem>>, vector<16xf32>,
    %broadcast_in_dim3A_86 = arith.constant 1.000000e+00 : f32
    %broadcast_in_dim3A_87 = vector.broadcast %broadcast_in_dim3A_86 : f32 to vector<16xf32>
    %swap3A_88 = arith.constant 80 : index
    %swap3A_89 = tpu.vector_load %arg28[%swap3A_88] {strides = array<i32>} : memref<128xf32, #tpu.memory_space<vmem>>, vector<16xf32>,
    %swap3A_90 = vector.shape_cast %swap3A_89 : vector<16xf32> to vector<16xf32>
    %swap3A_91 = vector.shape_cast %broadcast_in_dim3A_87 : vector<16xf32> to vector<16xf32>
    tpu.vector_store %arg28[%swap3A_88], %swap3A_91 {strides = array<i32>} : memref<128xf32, #tpu.memory_space<vmem>>, vector<16xf32>,
    %broadcast_in_dim3A_92 = arith.constant 1.000000e+00 : f32
    %broadcast_in_dim3A_93 = vector.broadcast %broadcast_in_dim3A_92 : f32 to vector<16xf32>
    %swap3A_94 = arith.constant 96 : index
    %swap3A_95 = tpu.vector_load %arg28[%swap3A_94] {strides = array<i32>} : memref<128xf32, #tpu.memory_space<vmem>>, vector<16xf32>,
    %swap3A_96 = vector.shape_cast %swap3A_95 : vector<16xf32> to vector<16xf32>
    %swap3A_97 = vector.shape_cast %broadcast_in_dim3A_93 : vector<16xf32> to vector<16xf32>
    tpu.vector_store %arg28[%swap3A_94], %swap3A_97 {strides = array<i32>} : memref<128xf32, #tpu.memory_space<vmem>>, vector<16xf32>,
    %broadcast_in_dim3A_98 = arith.constant 1.000000e+00 : f32
    %broadcast_in_dim3A_99 = vector.broadcast %broadcast_in_dim3A_98 : f32 to vector<16xf32>
    %swap3A_100 = arith.constant 112 : index
    %swap3A_101 = tpu.vector_load %arg28[%swap3A_100] {strides = array<i32>} : memref<128xf32, #tpu.memory_space<vmem>>, vector<16xf32>,
    %swap3A_102 = vector.shape_cast %swap3A_101 : vector<16xf32> to vector<16xf32>
    %swap3A_103 = vector.shape_cast %broadcast_in_dim3A_99 : vector<16xf32> to vector<16xf32>
    tpu.vector_store %arg28[%swap3A_100], %swap3A_103 {strides = array<i32>} : memref<128xf32, #tpu.memory_space<vmem>>, vector<16xf32>,
    %mul3A_104 = arith.constant 640 : i32
    %mul3A_105 = arith.muli %arg1, %mul3A_104 : i32
    "tpu.region"() ({
      %run_scoped3A = tpu.sem_alloc : memref<!tpu.dma_semaphore, #tpu.memory_space<semaphore_mem>>
      %dma_start3A_276 = tpu.memref_slice %arg30[%mul3A_105] : memref<10240xf32, #tpu.memory_space<vmem_shared>> -> memref<640xf32, #tpu.memory_space<vmem_shared>>
      %dma_start3A_277 = tpu.memref_slice %arg30[%mul3A_105] : memref<10240xf32, #tpu.memory_space<vmem_shared>> -> memref<640xf32, #tpu.memory_space<vmem_shared>>
      tpu.enqueue_dma source(%arg29 : memref<640xf32, #tpu.memory_space<vmem>>) target(%dma_start3A_277 : memref<640xf32, #tpu.memory_space<vmem_shared>>) target_semaphore(%run_scoped3A : memref<!tpu.dma_semaphore, #tpu.memory_space<semaphore_mem>>)
      %dma_wait3A_278 = tpu.memref_slice %arg30[%mul3A_105] : memref<10240xf32, #tpu.memory_space<vmem_shared>> -> memref<640xf32, #tpu.memory_space<vmem_shared>>
      %dma_wait3A_279 = tpu.memref_slice %arg30[%mul3A_105] : memref<10240xf32, #tpu.memory_space<vmem_shared>> -> memref<640xf32, #tpu.memory_space<vmem_shared>>
      tpu.wait_dma2 semaphore(%run_scoped3A : memref<!tpu.dma_semaphore, #tpu.memory_space<semaphore_mem>>) src(%arg29 : memref<640xf32, #tpu.memory_space<vmem>>) dst(%dma_wait3A_279 : memref<640xf32, #tpu.memory_space<vmem_shared>>)
      tpu.yield
    }) : () -> ()
    %eq3A_106 = arith.constant 0 : i32
    %eq3A_107 = arith.cmpi eq, %arg1, %eq3A_106 : i32
    %convert_element_type3A = arith.extui %eq3A_107 : i1 to i32
    %cond3A = arith.constant 0 : i32
    %cond3A_108 = arith.cmpi ne, %convert_element_type3A, %cond3A : i32
    scf.if %cond3A_108 {
      %eq3A_276 = arith.constant 0 : i32
      %eq3A_277 = arith.cmpi eq, %arg0, %eq3A_276 : i32
      %convert_element_type3A_278 = arith.extui %eq3A_277 : i1 to i32
      %cond3A_279 = arith.constant 0 : i32
      %cond3A_280 = arith.cmpi ne, %convert_element_type3A_278, %cond3A_279 : i32
      scf.if %cond3A_280 {
        "tpu.region"() ({
          %run_scoped3A = tpu.sem_alloc : memref<!tpu.dma_semaphore, #tpu.memory_space<semaphore_mem>>
          %dma_start3A_286 = arith.constant 0 : i32
          %dma_start3A_287 = tpu.memref_slice %arg29[%dma_start3A_286] : memref<640xf32, #tpu.memory_space<vmem>> -> memref<16xf32, #tpu.memory_space<vmem>>
          %dma_start3A_288 = arith.constant 0 : i32
          %dma_start3A_289 = tpu.memref_slice %arg29[%dma_start3A_288] : memref<640xf32, #tpu.memory_space<vmem>> -> memref<16xf32, #tpu.memory_space<vmem>>
          tpu.enqueue_dma source(%dma_start3A_289 : memref<16xf32, #tpu.memory_space<vmem>>) target(%arg8 : memref<16xf32, #tpu.memory_space<hbm>>) target_semaphore(%run_scoped3A : memref<!tpu.dma_semaphore, #tpu.memory_space<semaphore_mem>>)
          %dma_wait3A_290 = arith.constant 0 : i32
          %dma_wait3A_291 = tpu.memref_slice %arg29[%dma_wait3A_290] : memref<640xf32, #tpu.memory_space<vmem>> -> memref<16xf32, #tpu.memory_space<vmem>>
          %dma_wait3A_292 = arith.constant 0 : i32
          %dma_wait3A_293 = tpu.memref_slice %arg29[%dma_wait3A_292] : memref<640xf32, #tpu.memory_space<vmem>> -> memref<16xf32, #tpu.memory_space<vmem>>
          tpu.wait_dma2 semaphore(%run_scoped3A : memref<!tpu.dma_semaphore, #tpu.memory_space<semaphore_mem>>) src(%dma_wait3A_293 : memref<16xf32, #tpu.memory_space<vmem>>) dst(%arg8 : memref<16xf32, #tpu.memory_space<hbm>>)
          tpu.yield
        }) : () -> ()
      } else {
      }
      %eq3A_281 = arith.constant 1 : i32
      %eq3A_282 = arith.cmpi eq, %arg0, %eq3A_281 : i32
      %convert_element_type3A_283 = arith.extui %eq3A_282 : i1 to i32
      %cond3A_284 = arith.constant 0 : i32
      %cond3A_285 = arith.cmpi ne, %convert_element_type3A_283, %cond3A_284 : i32
      scf.if %cond3A_285 {
        "tpu.region"() ({
          %run_scoped3A = tpu.sem_alloc : memref<!tpu.dma_semaphore, #tpu.memory_space<semaphore_mem>>
          %dma_start3A_286 = arith.constant 0 : i32
          %dma_start3A_287 = tpu.memref_slice %arg29[%dma_start3A_286] : memref<640xf32, #tpu.memory_space<vmem>> -> memref<16xf32, #tpu.memory_space<vmem>>
          %dma_start3A_288 = arith.constant 0 : i32
          %dma_start3A_289 = tpu.memref_slice %arg29[%dma_start3A_288] : memref<640xf32, #tpu.memory_space<vmem>> -> memref<16xf32, #tpu.memory_space<vmem>>
          tpu.enqueue_dma source(%dma_start3A_289 : memref<16xf32, #tpu.memory_space<vmem>>) target(%arg9 : memref<16xf32, #tpu.memory_space<hbm>>) target_semaphore(%run_scoped3A : memref<!tpu.dma_semaphore, #tpu.memory_space<semaphore_mem>>)
          %dma_wait3A_290 = arith.constant 0 : i32
          %dma_wait3A_291 = tpu.memref_slice %arg29[%dma_wait3A_290] : memref<640xf32, #tpu.memory_space<vmem>> -> memref<16xf32, #tpu.memory_space<vmem>>
          %dma_wait3A_292 = arith.constant 0 : i32
          %dma_wait3A_293 = tpu.memref_slice %arg29[%dma_wait3A_292] : memref<640xf32, #tpu.memory_space<vmem>> -> memref<16xf32, #tpu.memory_space<vmem>>
          tpu.wait_dma2 semaphore(%run_scoped3A : memref<!tpu.dma_semaphore, #tpu.memory_space<semaphore_mem>>) src(%dma_wait3A_293 : memref<16xf32, #tpu.memory_space<vmem>>) dst(%arg9 : memref<16xf32, #tpu.memory_space<hbm>>)
          tpu.yield
        }) : () -> ()
      } else {
      }
    } else {
    }
    %barrier3A = arith.constant 0 : index
    tpu.barrier barrier_id(%barrier3A)
    %add3A_109 = arith.constant 0 : i32
    %add3A_110 = arith.addi %select_n3A, %add3A_109 : i32
    %dma_start3A = arith.constant 0 : i32
    %dma_start3A_111 = tpu.memref_slice %arg3[%arg1, %add3A_110, %dma_start3A] : memref<16x160x128xi32, #tpu.memory_space<hbm>> -> memref<1x1x128xi32, #tpu.memory_space<hbm>>
    %dma_start3A_112 = tpu.memref_squeeze %dma_start3A_111 : memref<1x1x128xi32, #tpu.memory_space<hbm>> -> memref<128xi32, #tpu.memory_space<hbm>>
    %dma_start3A_113 = arith.constant 0 : i32
    %dma_start3A_114 = tpu.memref_slice %arg3[%arg1, %add3A_110, %dma_start3A_113] : memref<16x160x128xi32, #tpu.memory_space<hbm>> -> memref<1x1x128xi32, #tpu.memory_space<hbm>>
    %dma_start3A_115 = tpu.memref_squeeze %dma_start3A_114 : memref<1x1x128xi32, #tpu.memory_space<hbm>> -> memref<128xi32, #tpu.memory_space<hbm>>
    tpu.enqueue_dma source(%dma_start3A_115 : memref<128xi32, #tpu.memory_space<hbm>>) target(%arg13 : memref<128xi32, #tpu.memory_space<vmem>>) target_semaphore(%arg24 : memref<!tpu.dma_semaphore, #tpu.memory_space<semaphore_mem>>)
    %add3A_116 = arith.constant 0 : i32
    %add3A_117 = arith.addi %select_n3A, %add3A_116 : i32
    %dma_start3A_118 = arith.constant 0 : i32
    %dma_start3A_119 = tpu.memref_slice %arg4[%arg1, %add3A_117, %dma_start3A_118] : memref<16x160x128xi32, #tpu.memory_space<hbm>> -> memref<1x1x128xi32, #tpu.memory_space<hbm>>
    %dma_start3A_120 = tpu.memref_squeeze %dma_start3A_119 : memref<1x1x128xi32, #tpu.memory_space<hbm>> -> memref<128xi32, #tpu.memory_space<hbm>>
    %dma_start3A_121 = arith.constant 0 : i32
    %dma_start3A_122 = tpu.memref_slice %arg4[%arg1, %add3A_117, %dma_start3A_121] : memref<16x160x128xi32, #tpu.memory_space<hbm>> -> memref<1x1x128xi32, #tpu.memory_space<hbm>>
    %dma_start3A_123 = tpu.memref_squeeze %dma_start3A_122 : memref<1x1x128xi32, #tpu.memory_space<hbm>> -> memref<128xi32, #tpu.memory_space<hbm>>
    tpu.enqueue_dma source(%dma_start3A_123 : memref<128xi32, #tpu.memory_space<hbm>>) target(%arg15 : memref<128xi32, #tpu.memory_space<vmem>>) target_semaphore(%arg26 : memref<!tpu.dma_semaphore, #tpu.memory_space<semaphore_mem>>)
    %add3A_124 = arith.constant 1 : i32
    %add3A_125 = arith.addi %select_n3A, %add3A_124 : i32
    %dma_start3A_126 = arith.constant 0 : i32
    %dma_start3A_127 = tpu.memref_slice %arg3[%arg1, %add3A_125, %dma_start3A_126] : memref<16x160x128xi32, #tpu.memory_space<hbm>> -> memref<1x1x128xi32, #tpu.memory_space<hbm>>
    %dma_start3A_128 = tpu.memref_squeeze %dma_start3A_127 : memref<1x1x128xi32, #tpu.memory_space<hbm>> -> memref<128xi32, #tpu.memory_space<hbm>>
    %dma_start3A_129 = arith.constant 0 : i32
    %dma_start3A_130 = tpu.memref_slice %arg3[%arg1, %add3A_125, %dma_start3A_129] : memref<16x160x128xi32, #tpu.memory_space<hbm>> -> memref<1x1x128xi32, #tpu.memory_space<hbm>>
    %dma_start3A_131 = tpu.memref_squeeze %dma_start3A_130 : memref<1x1x128xi32, #tpu.memory_space<hbm>> -> memref<128xi32, #tpu.memory_space<hbm>>
    tpu.enqueue_dma source(%dma_start3A_131 : memref<128xi32, #tpu.memory_space<hbm>>) target(%arg14 : memref<128xi32, #tpu.memory_space<vmem>>) target_semaphore(%arg25 : memref<!tpu.dma_semaphore, #tpu.memory_space<semaphore_mem>>)
    %add3A_132 = arith.constant 1 : i32
    %add3A_133 = arith.addi %select_n3A, %add3A_132 : i32
    %dma_start3A_134 = arith.constant 0 : i32
    %dma_start3A_135 = tpu.memref_slice %arg4[%arg1, %add3A_133, %dma_start3A_134] : memref<16x160x128xi32, #tpu.memory_space<hbm>> -> memref<1x1x128xi32, #tpu.memory_space<hbm>>
    %dma_start3A_136 = tpu.memref_squeeze %dma_start3A_135 : memref<1x1x128xi32, #tpu.memory_space<hbm>> -> memref<128xi32, #tpu.memory_space<hbm>>
    %dma_start3A_137 = arith.constant 0 : i32
    %dma_start3A_138 = tpu.memref_slice %arg4[%arg1, %add3A_133, %dma_start3A_137] : memref<16x160x128xi32, #tpu.memory_space<hbm>> -> memref<1x1x128xi32, #tpu.memory_space<hbm>>
    %dma_start3A_139 = tpu.memref_squeeze %dma_start3A_138 : memref<1x1x128xi32, #tpu.memory_space<hbm>> -> memref<128xi32, #tpu.memory_space<hbm>>
    tpu.enqueue_dma source(%dma_start3A_139 : memref<128xi32, #tpu.memory_space<hbm>>) target(%arg16 : memref<128xi32, #tpu.memory_space<vmem>>) target_semaphore(%arg27 : memref<!tpu.dma_semaphore, #tpu.memory_space<semaphore_mem>>)
    %add3A_140 = arith.constant 0 : i32
    %add3A_141 = arith.addi %select_n3A, %add3A_140 : i32
    %dma_wait3A = arith.constant 0 : i32
    %dma_wait3A_142 = tpu.memref_slice %arg3[%arg1, %add3A_141, %dma_wait3A] : memref<16x160x128xi32, #tpu.memory_space<hbm>> -> memref<1x1x128xi32, #tpu.memory_space<hbm>>
    %dma_wait3A_143 = tpu.memref_squeeze %dma_wait3A_142 : memref<1x1x128xi32, #tpu.memory_space<hbm>> -> memref<128xi32, #tpu.memory_space<hbm>>
    %dma_wait3A_144 = arith.constant 0 : i32
    %dma_wait3A_145 = tpu.memref_slice %arg3[%arg1, %add3A_141, %dma_wait3A_144] : memref<16x160x128xi32, #tpu.memory_space<hbm>> -> memref<1x1x128xi32, #tpu.memory_space<hbm>>
    %dma_wait3A_146 = tpu.memref_squeeze %dma_wait3A_145 : memref<1x1x128xi32, #tpu.memory_space<hbm>> -> memref<128xi32, #tpu.memory_space<hbm>>
    tpu.wait_dma2 semaphore(%arg24 : memref<!tpu.dma_semaphore, #tpu.memory_space<semaphore_mem>>) src(%dma_wait3A_146 : memref<128xi32, #tpu.memory_space<hbm>>) dst(%arg13 : memref<128xi32, #tpu.memory_space<vmem>>)
    %dma_start3A_147 = arith.constant 0 : i32
    %dma_start3A_148 = arith.constant 0 : i32
    %dma_start3A_149 = tpu.memref_slice %arg2[%dma_start3A_147, %dma_start3A_148] : memref<10000x128xf32, #tpu.memory_space<hbm>> -> memref<10000x128xf32, #tpu.memory_space<hbm>>
    tpu.enqueue_indirect_dma source(%dma_start3A_149 : memref<10000x128xf32, #tpu.memory_space<hbm>>) target(%arg17 : memref<128x128xf32, #tpu.memory_space<vmem>>) offsets(%arg13 : memref<128xi32, #tpu.memory_space<vmem>>) semaphore(%arg20 : memref<!tpu.dma_semaphore, #tpu.memory_space<semaphore_mem>>)
    %add3A_150 = arith.constant 1 : i32
    %add3A_151 = arith.addi %select_n3A, %add3A_150 : i32
    %dma_wait3A_152 = arith.constant 0 : i32
    %dma_wait3A_153 = tpu.memref_slice %arg3[%arg1, %add3A_151, %dma_wait3A_152] : memref<16x160x128xi32, #tpu.memory_space<hbm>> -> memref<1x1x128xi32, #tpu.memory_space<hbm>>
    %dma_wait3A_154 = tpu.memref_squeeze %dma_wait3A_153 : memref<1x1x128xi32, #tpu.memory_space<hbm>> -> memref<128xi32, #tpu.memory_space<hbm>>
    %dma_wait3A_155 = arith.constant 0 : i32
    %dma_wait3A_156 = tpu.memref_slice %arg3[%arg1, %add3A_151, %dma_wait3A_155] : memref<16x160x128xi32, #tpu.memory_space<hbm>> -> memref<1x1x128xi32, #tpu.memory_space<hbm>>
    %dma_wait3A_157 = tpu.memref_squeeze %dma_wait3A_156 : memref<1x1x128xi32, #tpu.memory_space<hbm>> -> memref<128xi32, #tpu.memory_space<hbm>>
    tpu.wait_dma2 semaphore(%arg25 : memref<!tpu.dma_semaphore, #tpu.memory_space<semaphore_mem>>) src(%dma_wait3A_157 : memref<128xi32, #tpu.memory_space<hbm>>) dst(%arg14 : memref<128xi32, #tpu.memory_space<vmem>>)
    %dma_start3A_158 = arith.constant 0 : i32
    %dma_start3A_159 = arith.constant 0 : i32
    %dma_start3A_160 = tpu.memref_slice %arg2[%dma_start3A_158, %dma_start3A_159] : memref<10000x128xf32, #tpu.memory_space<hbm>> -> memref<10000x128xf32, #tpu.memory_space<hbm>>
    tpu.enqueue_indirect_dma source(%dma_start3A_160 : memref<10000x128xf32, #tpu.memory_space<hbm>>) target(%arg18 : memref<128x128xf32, #tpu.memory_space<vmem>>) offsets(%arg14 : memref<128xi32, #tpu.memory_space<vmem>>) semaphore(%arg21 : memref<!tpu.dma_semaphore, #tpu.memory_space<semaphore_mem>>)
    %sub3A_161 = arith.constant 1 : i32
    %sub3A_162 = arith.subi %select_n3A_25, %sub3A_161 : i32
    %while3A = arith.constant 0 : i32
    %while3A_163 = arith.constant 0 : i32
    %while3A_164 = arith.subi %sub3A_162, %while3A : i32
    %while3A_165 = arith.addi %while3A, %while3A_164 : i32
    %while3A_166 = arith.constant 1 : i32
    %while3A_167 = arith.divsi %while3A_164, %while3A_166 : i32
    %while3A_168 = arith.muli %while3A_167, %while3A_166 : i32
    %while3A_169 = arith.addi %while3A, %while3A_168 : i32
    %while3A_170 = arith.constant 1 : i32
    %while3A_171 = scf.for %while3A_276 = %while3A to %while3A_169 step %while3A_170 iter_args(%while3A_277 = %while3A_163) -> (i32)  : i32 {
      %mul3A_278 = arith.constant 2 : i32
      %mul3A_279 = arith.muli %mul3A_278, %while3A_276 : i32
      %dma_wait3A_280 = arith.constant 0 : i32
      %dma_wait3A_281 = arith.constant 0 : i32
      %dma_wait3A_282 = tpu.memref_slice %arg2[%dma_wait3A_280, %dma_wait3A_281] : memref<10000x128xf32, #tpu.memory_space<hbm>> -> memref<10000x128xf32, #tpu.memory_space<hbm>>
      tpu.wait_indirect_dma semaphore(%arg20 : memref<!tpu.dma_semaphore, #tpu.memory_space<semaphore_mem>>) src(%dma_wait3A_282 : memref<10000x128xf32, #tpu.memory_space<hbm>>) dst(%arg17 : memref<128x128xf32, #tpu.memory_space<vmem>>)
      %add3A_283 = arith.constant 0 : i32
      %add3A_284 = arith.addi %mul3A_279, %add3A_283 : i32
      %add3A_285 = arith.constant 2 : i32
      %add3A_286 = arith.addi %add3A_284, %add3A_285 : i32
      %add3A_287 = arith.addi %select_n3A, %add3A_286 : i32
      %dma_start3A_288 = arith.constant 0 : i32
      %dma_start3A_289 = tpu.memref_slice %arg3[%arg1, %add3A_287, %dma_start3A_288] : memref<16x160x128xi32, #tpu.memory_space<hbm>> -> memref<1x1x128xi32, #tpu.memory_space<hbm>>
      %dma_start3A_290 = tpu.memref_squeeze %dma_start3A_289 : memref<1x1x128xi32, #tpu.memory_space<hbm>> -> memref<128xi32, #tpu.memory_space<hbm>>
      %dma_start3A_291 = arith.constant 0 : i32
      %dma_start3A_292 = tpu.memref_slice %arg3[%arg1, %add3A_287, %dma_start3A_291] : memref<16x160x128xi32, #tpu.memory_space<hbm>> -> memref<1x1x128xi32, #tpu.memory_space<hbm>>
      %dma_start3A_293 = tpu.memref_squeeze %dma_start3A_292 : memref<1x1x128xi32, #tpu.memory_space<hbm>> -> memref<128xi32, #tpu.memory_space<hbm>>
      tpu.enqueue_dma source(%dma_start3A_293 : memref<128xi32, #tpu.memory_space<hbm>>) target(%arg13 : memref<128xi32, #tpu.memory_space<vmem>>) target_semaphore(%arg24 : memref<!tpu.dma_semaphore, #tpu.memory_space<semaphore_mem>>)
      %add3A_294 = arith.constant 0 : i32
      %add3A_295 = arith.addi %mul3A_279, %add3A_294 : i32
      %add3A_296 = arith.addi %select_n3A, %add3A_295 : i32
      %dma_wait3A_297 = arith.constant 0 : i32
      %dma_wait3A_298 = tpu.memref_slice %arg4[%arg1, %add3A_296, %dma_wait3A_297] : memref<16x160x128xi32, #tpu.memory_space<hbm>> -> memref<1x1x128xi32, #tpu.memory_space<hbm>>
      %dma_wait3A_299 = tpu.memref_squeeze %dma_wait3A_298 : memref<1x1x128xi32, #tpu.memory_space<hbm>> -> memref<128xi32, #tpu.memory_space<hbm>>
      %dma_wait3A_300 = arith.constant 0 : i32
      %dma_wait3A_301 = tpu.memref_slice %arg4[%arg1, %add3A_296, %dma_wait3A_300] : memref<16x160x128xi32, #tpu.memory_space<hbm>> -> memref<1x1x128xi32, #tpu.memory_space<hbm>>
      %dma_wait3A_302 = tpu.memref_squeeze %dma_wait3A_301 : memref<1x1x128xi32, #tpu.memory_space<hbm>> -> memref<128xi32, #tpu.memory_space<hbm>>
      tpu.wait_dma2 semaphore(%arg26 : memref<!tpu.dma_semaphore, #tpu.memory_space<semaphore_mem>>) src(%dma_wait3A_302 : memref<128xi32, #tpu.memory_space<hbm>>) dst(%arg15 : memref<128xi32, #tpu.memory_space<vmem>>)
      %dma_start3A_303 = arith.constant 0 : i32
      %dma_start3A_304 = arith.constant 0 : i32
      %dma_start3A_305 = tpu.memref_slice %arg19[%dma_start3A_303, %dma_start3A_304] : memref<10240x128xf32, #tpu.memory_space<vmem_shared>> -> memref<10240x128xf32, #tpu.memory_space<vmem_shared>>
      tpu.enqueue_indirect_dma source(%arg17 : memref<128x128xf32, #tpu.memory_space<vmem>>) target(%dma_start3A_305 : memref<10240x128xf32, #tpu.memory_space<vmem_shared>>) offsets(%arg15 : memref<128xi32, #tpu.memory_space<vmem>>) semaphore(%arg22 : memref<!tpu.dma_semaphore, #tpu.memory_space<semaphore_mem>>) {add = true}
      %dma_start3A_306 = arith.constant 0 : i32
      %dma_start3A_307 = tpu.memref_slice %arg30[%dma_start3A_306] : memref<10240xf32, #tpu.memory_space<vmem_shared>> -> memref<10240xf32, #tpu.memory_space<vmem_shared>>
      tpu.enqueue_indirect_dma source(%arg28 : memref<128xf32, #tpu.memory_space<vmem>>) target(%dma_start3A_307 : memref<10240xf32, #tpu.memory_space<vmem_shared>>) offsets(%arg15 : memref<128xi32, #tpu.memory_space<vmem>>) semaphore(%arg31 : memref<!tpu.dma_semaphore, #tpu.memory_space<semaphore_mem>>) {add = true}
      %dma_wait3A_308 = arith.constant 0 : i32
      %dma_wait3A_309 = arith.constant 0 : i32
      %dma_wait3A_310 = tpu.memref_slice %arg2[%dma_wait3A_308, %dma_wait3A_309] : memref<10000x128xf32, #tpu.memory_space<hbm>> -> memref<10000x128xf32, #tpu.memory_space<hbm>>
      tpu.wait_indirect_dma semaphore(%arg21 : memref<!tpu.dma_semaphore, #tpu.memory_space<semaphore_mem>>) src(%dma_wait3A_310 : memref<10000x128xf32, #tpu.memory_space<hbm>>) dst(%arg18 : memref<128x128xf32, #tpu.memory_space<vmem>>)
      %add3A_311 = arith.constant 1 : i32
      %add3A_312 = arith.addi %mul3A_279, %add3A_311 : i32
      %add3A_313 = arith.constant 2 : i32
      %add3A_314 = arith.addi %add3A_312, %add3A_313 : i32
      %add3A_315 = arith.addi %select_n3A, %add3A_314 : i32
      %dma_start3A_316 = arith.constant 0 : i32
      %dma_start3A_317 = tpu.memref_slice %arg3[%arg1, %add3A_315, %dma_start3A_316] : memref<16x160x128xi32, #tpu.memory_space<hbm>> -> memref<1x1x128xi32, #tpu.memory_space<hbm>>
      %dma_start3A_318 = tpu.memref_squeeze %dma_start3A_317 : memref<1x1x128xi32, #tpu.memory_space<hbm>> -> memref<128xi32, #tpu.memory_space<hbm>>
      %dma_start3A_319 = arith.constant 0 : i32
      %dma_start3A_320 = tpu.memref_slice %arg3[%arg1, %add3A_315, %dma_start3A_319] : memref<16x160x128xi32, #tpu.memory_space<hbm>> -> memref<1x1x128xi32, #tpu.memory_space<hbm>>
      %dma_start3A_321 = tpu.memref_squeeze %dma_start3A_320 : memref<1x1x128xi32, #tpu.memory_space<hbm>> -> memref<128xi32, #tpu.memory_space<hbm>>
      tpu.enqueue_dma source(%dma_start3A_321 : memref<128xi32, #tpu.memory_space<hbm>>) target(%arg14 : memref<128xi32, #tpu.memory_space<vmem>>) target_semaphore(%arg25 : memref<!tpu.dma_semaphore, #tpu.memory_space<semaphore_mem>>)
      %add3A_322 = arith.constant 1 : i32
      %add3A_323 = arith.addi %mul3A_279, %add3A_322 : i32
      %add3A_324 = arith.addi %select_n3A, %add3A_323 : i32
      %dma_wait3A_325 = arith.constant 0 : i32
      %dma_wait3A_326 = tpu.memref_slice %arg4[%arg1, %add3A_324, %dma_wait3A_325] : memref<16x160x128xi32, #tpu.memory_space<hbm>> -> memref<1x1x128xi32, #tpu.memory_space<hbm>>
      %dma_wait3A_327 = tpu.memref_squeeze %dma_wait3A_326 : memref<1x1x128xi32, #tpu.memory_space<hbm>> -> memref<128xi32, #tpu.memory_space<hbm>>
      %dma_wait3A_328 = arith.constant 0 : i32
      %dma_wait3A_329 = tpu.memref_slice %arg4[%arg1, %add3A_324, %dma_wait3A_328] : memref<16x160x128xi32, #tpu.memory_space<hbm>> -> memref<1x1x128xi32, #tpu.memory_space<hbm>>
      %dma_wait3A_330 = tpu.memref_squeeze %dma_wait3A_329 : memref<1x1x128xi32, #tpu.memory_space<hbm>> -> memref<128xi32, #tpu.memory_space<hbm>>
      tpu.wait_dma2 semaphore(%arg27 : memref<!tpu.dma_semaphore, #tpu.memory_space<semaphore_mem>>) src(%dma_wait3A_330 : memref<128xi32, #tpu.memory_space<hbm>>) dst(%arg16 : memref<128xi32, #tpu.memory_space<vmem>>)
      %dma_start3A_331 = arith.constant 0 : i32
      %dma_start3A_332 = arith.constant 0 : i32
      %dma_start3A_333 = tpu.memref_slice %arg19[%dma_start3A_331, %dma_start3A_332] : memref<10240x128xf32, #tpu.memory_space<vmem_shared>> -> memref<10240x128xf32, #tpu.memory_space<vmem_shared>>
      tpu.enqueue_indirect_dma source(%arg18 : memref<128x128xf32, #tpu.memory_space<vmem>>) target(%dma_start3A_333 : memref<10240x128xf32, #tpu.memory_space<vmem_shared>>) offsets(%arg16 : memref<128xi32, #tpu.memory_space<vmem>>) semaphore(%arg23 : memref<!tpu.dma_semaphore, #tpu.memory_space<semaphore_mem>>) {add = true}
      %dma_start3A_334 = arith.constant 0 : i32
      %dma_start3A_335 = tpu.memref_slice %arg30[%dma_start3A_334] : memref<10240xf32, #tpu.memory_space<vmem_shared>> -> memref<10240xf32, #tpu.memory_space<vmem_shared>>
      tpu.enqueue_indirect_dma source(%arg28 : memref<128xf32, #tpu.memory_space<vmem>>) target(%dma_start3A_335 : memref<10240xf32, #tpu.memory_space<vmem_shared>>) offsets(%arg16 : memref<128xi32, #tpu.memory_space<vmem>>) semaphore(%arg32 : memref<!tpu.dma_semaphore, #tpu.memory_space<semaphore_mem>>) {add = true}
      %dma_wait3A_336 = arith.constant 0 : i32
      %dma_wait3A_337 = arith.constant 0 : i32
      %dma_wait3A_338 = tpu.memref_slice %arg19[%dma_wait3A_336, %dma_wait3A_337] : memref<10240x128xf32, #tpu.memory_space<vmem_shared>> -> memref<10240x128xf32, #tpu.memory_space<vmem_shared>>
      tpu.wait_indirect_dma semaphore(%arg22 : memref<!tpu.dma_semaphore, #tpu.memory_space<semaphore_mem>>) src(%arg17 : memref<128x128xf32, #tpu.memory_space<vmem>>) dst(%dma_wait3A_338 : memref<10240x128xf32, #tpu.memory_space<vmem_shared>>)
      %dma_wait3A_339 = arith.constant 0 : i32
      %dma_wait3A_340 = tpu.memref_slice %arg30[%dma_wait3A_339] : memref<10240xf32, #tpu.memory_space<vmem_shared>> -> memref<10240xf32, #tpu.memory_space<vmem_shared>>
      tpu.wait_indirect_dma semaphore(%arg31 : memref<!tpu.dma_semaphore, #tpu.memory_space<semaphore_mem>>) src(%arg28 : memref<128xf32, #tpu.memory_space<vmem>>) dst(%dma_wait3A_340 : memref<10240xf32, #tpu.memory_space<vmem_shared>>)
      %add3A_341 = arith.constant 0 : i32
      %add3A_342 = arith.addi %mul3A_279, %add3A_341 : i32
      %add3A_343 = arith.constant 2 : i32
      %add3A_344 = arith.addi %add3A_342, %add3A_343 : i32
      %add3A_345 = arith.addi %select_n3A, %add3A_344 : i32
      %dma_start3A_346 = arith.constant 0 : i32
      %dma_start3A_347 = tpu.memref_slice %arg4[%arg1, %add3A_345, %dma_start3A_346] : memref<16x160x128xi32, #tpu.memory_space<hbm>> -> memref<1x1x128xi32, #tpu.memory_space<hbm>>
      %dma_start3A_348 = tpu.memref_squeeze %dma_start3A_347 : memref<1x1x128xi32, #tpu.memory_space<hbm>> -> memref<128xi32, #tpu.memory_space<hbm>>
      %dma_start3A_349 = arith.constant 0 : i32
      %dma_start3A_350 = tpu.memref_slice %arg4[%arg1, %add3A_345, %dma_start3A_349] : memref<16x160x128xi32, #tpu.memory_space<hbm>> -> memref<1x1x128xi32, #tpu.memory_space<hbm>>
      %dma_start3A_351 = tpu.memref_squeeze %dma_start3A_350 : memref<1x1x128xi32, #tpu.memory_space<hbm>> -> memref<128xi32, #tpu.memory_space<hbm>>
      tpu.enqueue_dma source(%dma_start3A_351 : memref<128xi32, #tpu.memory_space<hbm>>) target(%arg15 : memref<128xi32, #tpu.memory_space<vmem>>) target_semaphore(%arg26 : memref<!tpu.dma_semaphore, #tpu.memory_space<semaphore_mem>>)
      %add3A_352 = arith.constant 0 : i32
      %add3A_353 = arith.addi %mul3A_279, %add3A_352 : i32
      %add3A_354 = arith.constant 2 : i32
      %add3A_355 = arith.addi %add3A_353, %add3A_354 : i32
      %add3A_356 = arith.addi %select_n3A, %add3A_355 : i32
      %dma_wait3A_357 = arith.constant 0 : i32
      %dma_wait3A_358 = tpu.memref_slice %arg3[%arg1, %add3A_356, %dma_wait3A_357] : memref<16x160x128xi32, #tpu.memory_space<hbm>> -> memref<1x1x128xi32, #tpu.memory_space<hbm>>
      %dma_wait3A_359 = tpu.memref_squeeze %dma_wait3A_358 : memref<1x1x128xi32, #tpu.memory_space<hbm>> -> memref<128xi32, #tpu.memory_space<hbm>>
      %dma_wait3A_360 = arith.constant 0 : i32
      %dma_wait3A_361 = tpu.memref_slice %arg3[%arg1, %add3A_356, %dma_wait3A_360] : memref<16x160x128xi32, #tpu.memory_space<hbm>> -> memref<1x1x128xi32, #tpu.memory_space<hbm>>
      %dma_wait3A_362 = tpu.memref_squeeze %dma_wait3A_361 : memref<1x1x128xi32, #tpu.memory_space<hbm>> -> memref<128xi32, #tpu.memory_space<hbm>>
      tpu.wait_dma2 semaphore(%arg24 : memref<!tpu.dma_semaphore, #tpu.memory_space<semaphore_mem>>) src(%dma_wait3A_362 : memref<128xi32, #tpu.memory_space<hbm>>) dst(%arg13 : memref<128xi32, #tpu.memory_space<vmem>>)
      %dma_start3A_363 = arith.constant 0 : i32
      %dma_start3A_364 = arith.constant 0 : i32
      %dma_start3A_365 = tpu.memref_slice %arg2[%dma_start3A_363, %dma_start3A_364] : memref<10000x128xf32, #tpu.memory_space<hbm>> -> memref<10000x128xf32, #tpu.memory_space<hbm>>
      tpu.enqueue_indirect_dma source(%dma_start3A_365 : memref<10000x128xf32, #tpu.memory_space<hbm>>) target(%arg17 : memref<128x128xf32, #tpu.memory_space<vmem>>) offsets(%arg13 : memref<128xi32, #tpu.memory_space<vmem>>) semaphore(%arg20 : memref<!tpu.dma_semaphore, #tpu.memory_space<semaphore_mem>>)
      %dma_wait3A_366 = arith.constant 0 : i32
      %dma_wait3A_367 = arith.constant 0 : i32
      %dma_wait3A_368 = tpu.memref_slice %arg19[%dma_wait3A_366, %dma_wait3A_367] : memref<10240x128xf32, #tpu.memory_space<vmem_shared>> -> memref<10240x128xf32, #tpu.memory_space<vmem_shared>>
      tpu.wait_indirect_dma semaphore(%arg23 : memref<!tpu.dma_semaphore, #tpu.memory_space<semaphore_mem>>) src(%arg18 : memref<128x128xf32, #tpu.memory_space<vmem>>) dst(%dma_wait3A_368 : memref<10240x128xf32, #tpu.memory_space<vmem_shared>>)
      %dma_wait3A_369 = arith.constant 0 : i32
      %dma_wait3A_370 = tpu.memref_slice %arg30[%dma_wait3A_369] : memref<10240xf32, #tpu.memory_space<vmem_shared>> -> memref<10240xf32, #tpu.memory_space<vmem_shared>>
      tpu.wait_indirect_dma semaphore(%arg32 : memref<!tpu.dma_semaphore, #tpu.memory_space<semaphore_mem>>) src(%arg28 : memref<128xf32, #tpu.memory_space<vmem>>) dst(%dma_wait3A_370 : memref<10240xf32, #tpu.memory_space<vmem_shared>>)
      %add3A_371 = arith.constant 1 : i32
      %add3A_372 = arith.addi %mul3A_279, %add3A_371 : i32
      %add3A_373 = arith.constant 2 : i32
      %add3A_374 = arith.addi %add3A_372, %add3A_373 : i32
      %add3A_375 = arith.addi %select_n3A, %add3A_374 : i32
      %dma_start3A_376 = arith.constant 0 : i32
      %dma_start3A_377 = tpu.memref_slice %arg4[%arg1, %add3A_375, %dma_start3A_376] : memref<16x160x128xi32, #tpu.memory_space<hbm>> -> memref<1x1x128xi32, #tpu.memory_space<hbm>>
      %dma_start3A_378 = tpu.memref_squeeze %dma_start3A_377 : memref<1x1x128xi32, #tpu.memory_space<hbm>> -> memref<128xi32, #tpu.memory_space<hbm>>
      %dma_start3A_379 = arith.constant 0 : i32
      %dma_start3A_380 = tpu.memref_slice %arg4[%arg1, %add3A_375, %dma_start3A_379] : memref<16x160x128xi32, #tpu.memory_space<hbm>> -> memref<1x1x128xi32, #tpu.memory_space<hbm>>
      %dma_start3A_381 = tpu.memref_squeeze %dma_start3A_380 : memref<1x1x128xi32, #tpu.memory_space<hbm>> -> memref<128xi32, #tpu.memory_space<hbm>>
      tpu.enqueue_dma source(%dma_start3A_381 : memref<128xi32, #tpu.memory_space<hbm>>) target(%arg16 : memref<128xi32, #tpu.memory_space<vmem>>) target_semaphore(%arg27 : memref<!tpu.dma_semaphore, #tpu.memory_space<semaphore_mem>>)
      %add3A_382 = arith.constant 1 : i32
      %add3A_383 = arith.addi %mul3A_279, %add3A_382 : i32
      %add3A_384 = arith.constant 2 : i32
      %add3A_385 = arith.addi %add3A_383, %add3A_384 : i32
      %add3A_386 = arith.addi %select_n3A, %add3A_385 : i32
      %dma_wait3A_387 = arith.constant 0 : i32
      %dma_wait3A_388 = tpu.memref_slice %arg3[%arg1, %add3A_386, %dma_wait3A_387] : memref<16x160x128xi32, #tpu.memory_space<hbm>> -> memref<1x1x128xi32, #tpu.memory_space<hbm>>
      %dma_wait3A_389 = tpu.memref_squeeze %dma_wait3A_388 : memref<1x1x128xi32, #tpu.memory_space<hbm>> -> memref<128xi32, #tpu.memory_space<hbm>>
      %dma_wait3A_390 = arith.constant 0 : i32
      %dma_wait3A_391 = tpu.memref_slice %arg3[%arg1, %add3A_386, %dma_wait3A_390] : memref<16x160x128xi32, #tpu.memory_space<hbm>> -> memref<1x1x128xi32, #tpu.memory_space<hbm>>
      %dma_wait3A_392 = tpu.memref_squeeze %dma_wait3A_391 : memref<1x1x128xi32, #tpu.memory_space<hbm>> -> memref<128xi32, #tpu.memory_space<hbm>>
      tpu.wait_dma2 semaphore(%arg25 : memref<!tpu.dma_semaphore, #tpu.memory_space<semaphore_mem>>) src(%dma_wait3A_392 : memref<128xi32, #tpu.memory_space<hbm>>) dst(%arg14 : memref<128xi32, #tpu.memory_space<vmem>>)
      %dma_start3A_393 = arith.constant 0 : i32
      %dma_start3A_394 = arith.constant 0 : i32
      %dma_start3A_395 = tpu.memref_slice %arg2[%dma_start3A_393, %dma_start3A_394] : memref<10000x128xf32, #tpu.memory_space<hbm>> -> memref<10000x128xf32, #tpu.memory_space<hbm>>
      tpu.enqueue_indirect_dma source(%dma_start3A_395 : memref<10000x128xf32, #tpu.memory_space<hbm>>) target(%arg18 : memref<128x128xf32, #tpu.memory_space<vmem>>) offsets(%arg14 : memref<128xi32, #tpu.memory_space<vmem>>) semaphore(%arg21 : memref<!tpu.dma_semaphore, #tpu.memory_space<semaphore_mem>>)
      %while3A_396 = arith.constant 0 : i32
      scf.yield %while3A_396 : i32
    }
    %while3A_172 = arith.constant 1 : i32
    %while3A_173 = scf.for %while3A_276 = %while3A_169 to %while3A_165 step %while3A_172 iter_args(%while3A_277 = %while3A_171) -> (i32)  : i32 {
      %mul3A_278 = arith.constant 2 : i32
      %mul3A_279 = arith.muli %mul3A_278, %while3A_276 : i32
      %dma_wait3A_280 = arith.constant 0 : i32
      %dma_wait3A_281 = arith.constant 0 : i32
      %dma_wait3A_282 = tpu.memref_slice %arg2[%dma_wait3A_280, %dma_wait3A_281] : memref<10000x128xf32, #tpu.memory_space<hbm>> -> memref<10000x128xf32, #tpu.memory_space<hbm>>
      tpu.wait_indirect_dma semaphore(%arg20 : memref<!tpu.dma_semaphore, #tpu.memory_space<semaphore_mem>>) src(%dma_wait3A_282 : memref<10000x128xf32, #tpu.memory_space<hbm>>) dst(%arg17 : memref<128x128xf32, #tpu.memory_space<vmem>>)
      %add3A_283 = arith.constant 0 : i32
      %add3A_284 = arith.addi %mul3A_279, %add3A_283 : i32
      %add3A_285 = arith.constant 2 : i32
      %add3A_286 = arith.addi %add3A_284, %add3A_285 : i32
      %add3A_287 = arith.addi %select_n3A, %add3A_286 : i32
      %dma_start3A_288 = arith.constant 0 : i32
      %dma_start3A_289 = tpu.memref_slice %arg3[%arg1, %add3A_287, %dma_start3A_288] : memref<16x160x128xi32, #tpu.memory_space<hbm>> -> memref<1x1x128xi32, #tpu.memory_space<hbm>>
      %dma_start3A_290 = tpu.memref_squeeze %dma_start3A_289 : memref<1x1x128xi32, #tpu.memory_space<hbm>> -> memref<128xi32, #tpu.memory_space<hbm>>
      %dma_start3A_291 = arith.constant 0 : i32
      %dma_start3A_292 = tpu.memref_slice %arg3[%arg1, %add3A_287, %dma_start3A_291] : memref<16x160x128xi32, #tpu.memory_space<hbm>> -> memref<1x1x128xi32, #tpu.memory_space<hbm>>
      %dma_start3A_293 = tpu.memref_squeeze %dma_start3A_292 : memref<1x1x128xi32, #tpu.memory_space<hbm>> -> memref<128xi32, #tpu.memory_space<hbm>>
      tpu.enqueue_dma source(%dma_start3A_293 : memref<128xi32, #tpu.memory_space<hbm>>) target(%arg13 : memref<128xi32, #tpu.memory_space<vmem>>) target_semaphore(%arg24 : memref<!tpu.dma_semaphore, #tpu.memory_space<semaphore_mem>>)
      %add3A_294 = arith.constant 0 : i32
      %add3A_295 = arith.addi %mul3A_279, %add3A_294 : i32
      %add3A_296 = arith.addi %select_n3A, %add3A_295 : i32
      %dma_wait3A_297 = arith.constant 0 : i32
      %dma_wait3A_298 = tpu.memref_slice %arg4[%arg1, %add3A_296, %dma_wait3A_297] : memref<16x160x128xi32, #tpu.memory_space<hbm>> -> memref<1x1x128xi32, #tpu.memory_space<hbm>>
      %dma_wait3A_299 = tpu.memref_squeeze %dma_wait3A_298 : memref<1x1x128xi32, #tpu.memory_space<hbm>> -> memref<128xi32, #tpu.memory_space<hbm>>
      %dma_wait3A_300 = arith.constant 0 : i32
      %dma_wait3A_301 = tpu.memref_slice %arg4[%arg1, %add3A_296, %dma_wait3A_300] : memref<16x160x128xi32, #tpu.memory_space<hbm>> -> memref<1x1x128xi32, #tpu.memory_space<hbm>>
      %dma_wait3A_302 = tpu.memref_squeeze %dma_wait3A_301 : memref<1x1x128xi32, #tpu.memory_space<hbm>> -> memref<128xi32, #tpu.memory_space<hbm>>
      tpu.wait_dma2 semaphore(%arg26 : memref<!tpu.dma_semaphore, #tpu.memory_space<semaphore_mem>>) src(%dma_wait3A_302 : memref<128xi32, #tpu.memory_space<hbm>>) dst(%arg15 : memref<128xi32, #tpu.memory_space<vmem>>)
      %dma_start3A_303 = arith.constant 0 : i32
      %dma_start3A_304 = arith.constant 0 : i32
      %dma_start3A_305 = tpu.memref_slice %arg19[%dma_start3A_303, %dma_start3A_304] : memref<10240x128xf32, #tpu.memory_space<vmem_shared>> -> memref<10240x128xf32, #tpu.memory_space<vmem_shared>>
      tpu.enqueue_indirect_dma source(%arg17 : memref<128x128xf32, #tpu.memory_space<vmem>>) target(%dma_start3A_305 : memref<10240x128xf32, #tpu.memory_space<vmem_shared>>) offsets(%arg15 : memref<128xi32, #tpu.memory_space<vmem>>) semaphore(%arg22 : memref<!tpu.dma_semaphore, #tpu.memory_space<semaphore_mem>>) {add = true}
      %dma_start3A_306 = arith.constant 0 : i32
      %dma_start3A_307 = tpu.memref_slice %arg30[%dma_start3A_306] : memref<10240xf32, #tpu.memory_space<vmem_shared>> -> memref<10240xf32, #tpu.memory_space<vmem_shared>>
      tpu.enqueue_indirect_dma source(%arg28 : memref<128xf32, #tpu.memory_space<vmem>>) target(%dma_start3A_307 : memref<10240xf32, #tpu.memory_space<vmem_shared>>) offsets(%arg15 : memref<128xi32, #tpu.memory_space<vmem>>) semaphore(%arg31 : memref<!tpu.dma_semaphore, #tpu.memory_space<semaphore_mem>>) {add = true}
      %dma_wait3A_308 = arith.constant 0 : i32
      %dma_wait3A_309 = arith.constant 0 : i32
      %dma_wait3A_310 = tpu.memref_slice %arg2[%dma_wait3A_308, %dma_wait3A_309] : memref<10000x128xf32, #tpu.memory_space<hbm>> -> memref<10000x128xf32, #tpu.memory_space<hbm>>
      tpu.wait_indirect_dma semaphore(%arg21 : memref<!tpu.dma_semaphore, #tpu.memory_space<semaphore_mem>>) src(%dma_wait3A_310 : memref<10000x128xf32, #tpu.memory_space<hbm>>) dst(%arg18 : memref<128x128xf32, #tpu.memory_space<vmem>>)
      %add3A_311 = arith.constant 1 : i32
      %add3A_312 = arith.addi %mul3A_279, %add3A_311 : i32
      %add3A_313 = arith.constant 2 : i32
      %add3A_314 = arith.addi %add3A_312, %add3A_313 : i32
      %add3A_315 = arith.addi %select_n3A, %add3A_314 : i32
      %dma_start3A_316 = arith.constant 0 : i32
      %dma_start3A_317 = tpu.memref_slice %arg3[%arg1, %add3A_315, %dma_start3A_316] : memref<16x160x128xi32, #tpu.memory_space<hbm>> -> memref<1x1x128xi32, #tpu.memory_space<hbm>>
      %dma_start3A_318 = tpu.memref_squeeze %dma_start3A_317 : memref<1x1x128xi32, #tpu.memory_space<hbm>> -> memref<128xi32, #tpu.memory_space<hbm>>
      %dma_start3A_319 = arith.constant 0 : i32
      %dma_start3A_320 = tpu.memref_slice %arg3[%arg1, %add3A_315, %dma_start3A_319] : memref<16x160x128xi32, #tpu.memory_space<hbm>> -> memref<1x1x128xi32, #tpu.memory_space<hbm>>
      %dma_start3A_321 = tpu.memref_squeeze %dma_start3A_320 : memref<1x1x128xi32, #tpu.memory_space<hbm>> -> memref<128xi32, #tpu.memory_space<hbm>>
      tpu.enqueue_dma source(%dma_start3A_321 : memref<128xi32, #tpu.memory_space<hbm>>) target(%arg14 : memref<128xi32, #tpu.memory_space<vmem>>) target_semaphore(%arg25 : memref<!tpu.dma_semaphore, #tpu.memory_space<semaphore_mem>>)
      %add3A_322 = arith.constant 1 : i32
      %add3A_323 = arith.addi %mul3A_279, %add3A_322 : i32
      %add3A_324 = arith.addi %select_n3A, %add3A_323 : i32
      %dma_wait3A_325 = arith.constant 0 : i32
      %dma_wait3A_326 = tpu.memref_slice %arg4[%arg1, %add3A_324, %dma_wait3A_325] : memref<16x160x128xi32, #tpu.memory_space<hbm>> -> memref<1x1x128xi32, #tpu.memory_space<hbm>>
      %dma_wait3A_327 = tpu.memref_squeeze %dma_wait3A_326 : memref<1x1x128xi32, #tpu.memory_space<hbm>> -> memref<128xi32, #tpu.memory_space<hbm>>
      %dma_wait3A_328 = arith.constant 0 : i32
      %dma_wait3A_329 = tpu.memref_slice %arg4[%arg1, %add3A_324, %dma_wait3A_328] : memref<16x160x128xi32, #tpu.memory_space<hbm>> -> memref<1x1x128xi32, #tpu.memory_space<hbm>>
      %dma_wait3A_330 = tpu.memref_squeeze %dma_wait3A_329 : memref<1x1x128xi32, #tpu.memory_space<hbm>> -> memref<128xi32, #tpu.memory_space<hbm>>
      tpu.wait_dma2 semaphore(%arg27 : memref<!tpu.dma_semaphore, #tpu.memory_space<semaphore_mem>>) src(%dma_wait3A_330 : memref<128xi32, #tpu.memory_space<hbm>>) dst(%arg16 : memref<128xi32, #tpu.memory_space<vmem>>)
      %dma_start3A_331 = arith.constant 0 : i32
      %dma_start3A_332 = arith.constant 0 : i32
      %dma_start3A_333 = tpu.memref_slice %arg19[%dma_start3A_331, %dma_start3A_332] : memref<10240x128xf32, #tpu.memory_space<vmem_shared>> -> memref<10240x128xf32, #tpu.memory_space<vmem_shared>>
      tpu.enqueue_indirect_dma source(%arg18 : memref<128x128xf32, #tpu.memory_space<vmem>>) target(%dma_start3A_333 : memref<10240x128xf32, #tpu.memory_space<vmem_shared>>) offsets(%arg16 : memref<128xi32, #tpu.memory_space<vmem>>) semaphore(%arg23 : memref<!tpu.dma_semaphore, #tpu.memory_space<semaphore_mem>>) {add = true}
      %dma_start3A_334 = arith.constant 0 : i32
      %dma_start3A_335 = tpu.memref_slice %arg30[%dma_start3A_334] : memref<10240xf32, #tpu.memory_space<vmem_shared>> -> memref<10240xf32, #tpu.memory_space<vmem_shared>>
      tpu.enqueue_indirect_dma source(%arg28 : memref<128xf32, #tpu.memory_space<vmem>>) target(%dma_start3A_335 : memref<10240xf32, #tpu.memory_space<vmem_shared>>) offsets(%arg16 : memref<128xi32, #tpu.memory_space<vmem>>) semaphore(%arg32 : memref<!tpu.dma_semaphore, #tpu.memory_space<semaphore_mem>>) {add = true}
      %dma_wait3A_336 = arith.constant 0 : i32
      %dma_wait3A_337 = arith.constant 0 : i32
      %dma_wait3A_338 = tpu.memref_slice %arg19[%dma_wait3A_336, %dma_wait3A_337] : memref<10240x128xf32, #tpu.memory_space<vmem_shared>> -> memref<10240x128xf32, #tpu.memory_space<vmem_shared>>
      tpu.wait_indirect_dma semaphore(%arg22 : memref<!tpu.dma_semaphore, #tpu.memory_space<semaphore_mem>>) src(%arg17 : memref<128x128xf32, #tpu.memory_space<vmem>>) dst(%dma_wait3A_338 : memref<10240x128xf32, #tpu.memory_space<vmem_shared>>)
      %dma_wait3A_339 = arith.constant 0 : i32
      %dma_wait3A_340 = tpu.memref_slice %arg30[%dma_wait3A_339] : memref<10240xf32, #tpu.memory_space<vmem_shared>> -> memref<10240xf32, #tpu.memory_space<vmem_shared>>
      tpu.wait_indirect_dma semaphore(%arg31 : memref<!tpu.dma_semaphore, #tpu.memory_space<semaphore_mem>>) src(%arg28 : memref<128xf32, #tpu.memory_space<vmem>>) dst(%dma_wait3A_340 : memref<10240xf32, #tpu.memory_space<vmem_shared>>)
      %add3A_341 = arith.constant 0 : i32
      %add3A_342 = arith.addi %mul3A_279, %add3A_341 : i32
      %add3A_343 = arith.constant 2 : i32
      %add3A_344 = arith.addi %add3A_342, %add3A_343 : i32
      %add3A_345 = arith.addi %select_n3A, %add3A_344 : i32
      %dma_start3A_346 = arith.constant 0 : i32
      %dma_start3A_347 = tpu.memref_slice %arg4[%arg1, %add3A_345, %dma_start3A_346] : memref<16x160x128xi32, #tpu.memory_space<hbm>> -> memref<1x1x128xi32, #tpu.memory_space<hbm>>
      %dma_start3A_348 = tpu.memref_squeeze %dma_start3A_347 : memref<1x1x128xi32, #tpu.memory_space<hbm>> -> memref<128xi32, #tpu.memory_space<hbm>>
      %dma_start3A_349 = arith.constant 0 : i32
      %dma_start3A_350 = tpu.memref_slice %arg4[%arg1, %add3A_345, %dma_start3A_349] : memref<16x160x128xi32, #tpu.memory_space<hbm>> -> memref<1x1x128xi32, #tpu.memory_space<hbm>>
      %dma_start3A_351 = tpu.memref_squeeze %dma_start3A_350 : memref<1x1x128xi32, #tpu.memory_space<hbm>> -> memref<128xi32, #tpu.memory_space<hbm>>
      tpu.enqueue_dma source(%dma_start3A_351 : memref<128xi32, #tpu.memory_space<hbm>>) target(%arg15 : memref<128xi32, #tpu.memory_space<vmem>>) target_semaphore(%arg26 : memref<!tpu.dma_semaphore, #tpu.memory_space<semaphore_mem>>)
      %add3A_352 = arith.constant 0 : i32
      %add3A_353 = arith.addi %mul3A_279, %add3A_352 : i32
      %add3A_354 = arith.constant 2 : i32
      %add3A_355 = arith.addi %add3A_353, %add3A_354 : i32
      %add3A_356 = arith.addi %select_n3A, %add3A_355 : i32
      %dma_wait3A_357 = arith.constant 0 : i32
      %dma_wait3A_358 = tpu.memref_slice %arg3[%arg1, %add3A_356, %dma_wait3A_357] : memref<16x160x128xi32, #tpu.memory_space<hbm>> -> memref<1x1x128xi32, #tpu.memory_space<hbm>>
      %dma_wait3A_359 = tpu.memref_squeeze %dma_wait3A_358 : memref<1x1x128xi32, #tpu.memory_space<hbm>> -> memref<128xi32, #tpu.memory_space<hbm>>
      %dma_wait3A_360 = arith.constant 0 : i32
      %dma_wait3A_361 = tpu.memref_slice %arg3[%arg1, %add3A_356, %dma_wait3A_360] : memref<16x160x128xi32, #tpu.memory_space<hbm>> -> memref<1x1x128xi32, #tpu.memory_space<hbm>>
      %dma_wait3A_362 = tpu.memref_squeeze %dma_wait3A_361 : memref<1x1x128xi32, #tpu.memory_space<hbm>> -> memref<128xi32, #tpu.memory_space<hbm>>
      tpu.wait_dma2 semaphore(%arg24 : memref<!tpu.dma_semaphore, #tpu.memory_space<semaphore_mem>>) src(%dma_wait3A_362 : memref<128xi32, #tpu.memory_space<hbm>>) dst(%arg13 : memref<128xi32, #tpu.memory_space<vmem>>)
      %dma_start3A_363 = arith.constant 0 : i32
      %dma_start3A_364 = arith.constant 0 : i32
      %dma_start3A_365 = tpu.memref_slice %arg2[%dma_start3A_363, %dma_start3A_364] : memref<10000x128xf32, #tpu.memory_space<hbm>> -> memref<10000x128xf32, #tpu.memory_space<hbm>>
      tpu.enqueue_indirect_dma source(%dma_start3A_365 : memref<10000x128xf32, #tpu.memory_space<hbm>>) target(%arg17 : memref<128x128xf32, #tpu.memory_space<vmem>>) offsets(%arg13 : memref<128xi32, #tpu.memory_space<vmem>>) semaphore(%arg20 : memref<!tpu.dma_semaphore, #tpu.memory_space<semaphore_mem>>)
      %dma_wait3A_366 = arith.constant 0 : i32
      %dma_wait3A_367 = arith.constant 0 : i32
      %dma_wait3A_368 = tpu.memref_slice %arg19[%dma_wait3A_366, %dma_wait3A_367] : memref<10240x128xf32, #tpu.memory_space<vmem_shared>> -> memref<10240x128xf32, #tpu.memory_space<vmem_shared>>
      tpu.wait_indirect_dma semaphore(%arg23 : memref<!tpu.dma_semaphore, #tpu.memory_space<semaphore_mem>>) src(%arg18 : memref<128x128xf32, #tpu.memory_space<vmem>>) dst(%dma_wait3A_368 : memref<10240x128xf32, #tpu.memory_space<vmem_shared>>)
      %dma_wait3A_369 = arith.constant 0 : i32
      %dma_wait3A_370 = tpu.memref_slice %arg30[%dma_wait3A_369] : memref<10240xf32, #tpu.memory_space<vmem_shared>> -> memref<10240xf32, #tpu.memory_space<vmem_shared>>
      tpu.wait_indirect_dma semaphore(%arg32 : memref<!tpu.dma_semaphore, #tpu.memory_space<semaphore_mem>>) src(%arg28 : memref<128xf32, #tpu.memory_space<vmem>>) dst(%dma_wait3A_370 : memref<10240xf32, #tpu.memory_space<vmem_shared>>)
      %add3A_371 = arith.constant 1 : i32
      %add3A_372 = arith.addi %mul3A_279, %add3A_371 : i32
      %add3A_373 = arith.constant 2 : i32
      %add3A_374 = arith.addi %add3A_372, %add3A_373 : i32
      %add3A_375 = arith.addi %select_n3A, %add3A_374 : i32
      %dma_start3A_376 = arith.constant 0 : i32
      %dma_start3A_377 = tpu.memref_slice %arg4[%arg1, %add3A_375, %dma_start3A_376] : memref<16x160x128xi32, #tpu.memory_space<hbm>> -> memref<1x1x128xi32, #tpu.memory_space<hbm>>
      %dma_start3A_378 = tpu.memref_squeeze %dma_start3A_377 : memref<1x1x128xi32, #tpu.memory_space<hbm>> -> memref<128xi32, #tpu.memory_space<hbm>>
      %dma_start3A_379 = arith.constant 0 : i32
      %dma_start3A_380 = tpu.memref_slice %arg4[%arg1, %add3A_375, %dma_start3A_379] : memref<16x160x128xi32, #tpu.memory_space<hbm>> -> memref<1x1x128xi32, #tpu.memory_space<hbm>>
      %dma_start3A_381 = tpu.memref_squeeze %dma_start3A_380 : memref<1x1x128xi32, #tpu.memory_space<hbm>> -> memref<128xi32, #tpu.memory_space<hbm>>
      tpu.enqueue_dma source(%dma_start3A_381 : memref<128xi32, #tpu.memory_space<hbm>>) target(%arg16 : memref<128xi32, #tpu.memory_space<vmem>>) target_semaphore(%arg27 : memref<!tpu.dma_semaphore, #tpu.memory_space<semaphore_mem>>)
      %add3A_382 = arith.constant 1 : i32
      %add3A_383 = arith.addi %mul3A_279, %add3A_382 : i32
      %add3A_384 = arith.constant 2 : i32
      %add3A_385 = arith.addi %add3A_383, %add3A_384 : i32
      %add3A_386 = arith.addi %select_n3A, %add3A_385 : i32
      %dma_wait3A_387 = arith.constant 0 : i32
      %dma_wait3A_388 = tpu.memref_slice %arg3[%arg1, %add3A_386, %dma_wait3A_387] : memref<16x160x128xi32, #tpu.memory_space<hbm>> -> memref<1x1x128xi32, #tpu.memory_space<hbm>>
      %dma_wait3A_389 = tpu.memref_squeeze %dma_wait3A_388 : memref<1x1x128xi32, #tpu.memory_space<hbm>> -> memref<128xi32, #tpu.memory_space<hbm>>
      %dma_wait3A_390 = arith.constant 0 : i32
      %dma_wait3A_391 = tpu.memref_slice %arg3[%arg1, %add3A_386, %dma_wait3A_390] : memref<16x160x128xi32, #tpu.memory_space<hbm>> -> memref<1x1x128xi32, #tpu.memory_space<hbm>>
      %dma_wait3A_392 = tpu.memref_squeeze %dma_wait3A_391 : memref<1x1x128xi32, #tpu.memory_space<hbm>> -> memref<128xi32, #tpu.memory_space<hbm>>
      tpu.wait_dma2 semaphore(%arg25 : memref<!tpu.dma_semaphore, #tpu.memory_space<semaphore_mem>>) src(%dma_wait3A_392 : memref<128xi32, #tpu.memory_space<hbm>>) dst(%arg14 : memref<128xi32, #tpu.memory_space<vmem>>)
      %dma_start3A_393 = arith.constant 0 : i32
      %dma_start3A_394 = arith.constant 0 : i32
      %dma_start3A_395 = tpu.memref_slice %arg2[%dma_start3A_393, %dma_start3A_394] : memref<10000x128xf32, #tpu.memory_space<hbm>> -> memref<10000x128xf32, #tpu.memory_space<hbm>>
      tpu.enqueue_indirect_dma source(%dma_start3A_395 : memref<10000x128xf32, #tpu.memory_space<hbm>>) target(%arg18 : memref<128x128xf32, #tpu.memory_space<vmem>>) offsets(%arg14 : memref<128xi32, #tpu.memory_space<vmem>>) semaphore(%arg21 : memref<!tpu.dma_semaphore, #tpu.memory_space<semaphore_mem>>)
      %while3A_396 = arith.constant 0 : i32
      scf.yield %while3A_396 : i32
    }
    %sub3A_174 = arith.constant 2 : i32
    %sub3A_175 = arith.subi %select_n3A_7, %sub3A_174 : i32
    %dma_wait3A_176 = arith.constant 0 : i32
    %dma_wait3A_177 = arith.constant 0 : i32
    %dma_wait3A_178 = tpu.memref_slice %arg2[%dma_wait3A_176, %dma_wait3A_177] : memref<10000x128xf32, #tpu.memory_space<hbm>> -> memref<10000x128xf32, #tpu.memory_space<hbm>>
    tpu.wait_indirect_dma semaphore(%arg20 : memref<!tpu.dma_semaphore, #tpu.memory_space<semaphore_mem>>) src(%dma_wait3A_178 : memref<10000x128xf32, #tpu.memory_space<hbm>>) dst(%arg17 : memref<128x128xf32, #tpu.memory_space<vmem>>)
    %add3A_179 = arith.constant 0 : i32
    %add3A_180 = arith.addi %sub3A_175, %add3A_179 : i32
    %add3A_181 = arith.addi %select_n3A, %add3A_180 : i32
    %dma_wait3A_182 = arith.constant 0 : i32
    %dma_wait3A_183 = tpu.memref_slice %arg4[%arg1, %add3A_181, %dma_wait3A_182] : memref<16x160x128xi32, #tpu.memory_space<hbm>> -> memref<1x1x128xi32, #tpu.memory_space<hbm>>
    %dma_wait3A_184 = tpu.memref_squeeze %dma_wait3A_183 : memref<1x1x128xi32, #tpu.memory_space<hbm>> -> memref<128xi32, #tpu.memory_space<hbm>>
    %dma_wait3A_185 = arith.constant 0 : i32
    %dma_wait3A_186 = tpu.memref_slice %arg4[%arg1, %add3A_181, %dma_wait3A_185] : memref<16x160x128xi32, #tpu.memory_space<hbm>> -> memref<1x1x128xi32, #tpu.memory_space<hbm>>
    %dma_wait3A_187 = tpu.memref_squeeze %dma_wait3A_186 : memref<1x1x128xi32, #tpu.memory_space<hbm>> -> memref<128xi32, #tpu.memory_space<hbm>>
    tpu.wait_dma2 semaphore(%arg26 : memref<!tpu.dma_semaphore, #tpu.memory_space<semaphore_mem>>) src(%dma_wait3A_187 : memref<128xi32, #tpu.memory_space<hbm>>) dst(%arg15 : memref<128xi32, #tpu.memory_space<vmem>>)
    %dma_start3A_188 = arith.constant 0 : i32
    %dma_start3A_189 = arith.constant 0 : i32
    %dma_start3A_190 = tpu.memref_slice %arg19[%dma_start3A_188, %dma_start3A_189] : memref<10240x128xf32, #tpu.memory_space<vmem_shared>> -> memref<10240x128xf32, #tpu.memory_space<vmem_shared>>
    tpu.enqueue_indirect_dma source(%arg17 : memref<128x128xf32, #tpu.memory_space<vmem>>) target(%dma_start3A_190 : memref<10240x128xf32, #tpu.memory_space<vmem_shared>>) offsets(%arg15 : memref<128xi32, #tpu.memory_space<vmem>>) semaphore(%arg22 : memref<!tpu.dma_semaphore, #tpu.memory_space<semaphore_mem>>) {add = true}
    %dma_start3A_191 = arith.constant 0 : i32
    %dma_start3A_192 = tpu.memref_slice %arg30[%dma_start3A_191] : memref<10240xf32, #tpu.memory_space<vmem_shared>> -> memref<10240xf32, #tpu.memory_space<vmem_shared>>
    tpu.enqueue_indirect_dma source(%arg28 : memref<128xf32, #tpu.memory_space<vmem>>) target(%dma_start3A_192 : memref<10240xf32, #tpu.memory_space<vmem_shared>>) offsets(%arg15 : memref<128xi32, #tpu.memory_space<vmem>>) semaphore(%arg31 : memref<!tpu.dma_semaphore, #tpu.memory_space<semaphore_mem>>) {add = true}
    %dma_wait3A_193 = arith.constant 0 : i32
    %dma_wait3A_194 = arith.constant 0 : i32
    %dma_wait3A_195 = tpu.memref_slice %arg2[%dma_wait3A_193, %dma_wait3A_194] : memref<10000x128xf32, #tpu.memory_space<hbm>> -> memref<10000x128xf32, #tpu.memory_space<hbm>>
    tpu.wait_indirect_dma semaphore(%arg21 : memref<!tpu.dma_semaphore, #tpu.memory_space<semaphore_mem>>) src(%dma_wait3A_195 : memref<10000x128xf32, #tpu.memory_space<hbm>>) dst(%arg18 : memref<128x128xf32, #tpu.memory_space<vmem>>)
    %add3A_196 = arith.constant 1 : i32
    %add3A_197 = arith.addi %sub3A_175, %add3A_196 : i32
    %add3A_198 = arith.addi %select_n3A, %add3A_197 : i32
    %dma_wait3A_199 = arith.constant 0 : i32
    %dma_wait3A_200 = tpu.memref_slice %arg4[%arg1, %add3A_198, %dma_wait3A_199] : memref<16x160x128xi32, #tpu.memory_space<hbm>> -> memref<1x1x128xi32, #tpu.memory_space<hbm>>
    %dma_wait3A_201 = tpu.memref_squeeze %dma_wait3A_200 : memref<1x1x128xi32, #tpu.memory_space<hbm>> -> memref<128xi32, #tpu.memory_space<hbm>>
    %dma_wait3A_202 = arith.constant 0 : i32
    %dma_wait3A_203 = tpu.memref_slice %arg4[%arg1, %add3A_198, %dma_wait3A_202] : memref<16x160x128xi32, #tpu.memory_space<hbm>> -> memref<1x1x128xi32, #tpu.memory_space<hbm>>
    %dma_wait3A_204 = tpu.memref_squeeze %dma_wait3A_203 : memref<1x1x128xi32, #tpu.memory_space<hbm>> -> memref<128xi32, #tpu.memory_space<hbm>>
    tpu.wait_dma2 semaphore(%arg27 : memref<!tpu.dma_semaphore, #tpu.memory_space<semaphore_mem>>) src(%dma_wait3A_204 : memref<128xi32, #tpu.memory_space<hbm>>) dst(%arg16 : memref<128xi32, #tpu.memory_space<vmem>>)
    %dma_start3A_205 = arith.constant 0 : i32
    %dma_start3A_206 = arith.constant 0 : i32
    %dma_start3A_207 = tpu.memref_slice %arg19[%dma_start3A_205, %dma_start3A_206] : memref<10240x128xf32, #tpu.memory_space<vmem_shared>> -> memref<10240x128xf32, #tpu.memory_space<vmem_shared>>
    tpu.enqueue_indirect_dma source(%arg18 : memref<128x128xf32, #tpu.memory_space<vmem>>) target(%dma_start3A_207 : memref<10240x128xf32, #tpu.memory_space<vmem_shared>>) offsets(%arg16 : memref<128xi32, #tpu.memory_space<vmem>>) semaphore(%arg23 : memref<!tpu.dma_semaphore, #tpu.memory_space<semaphore_mem>>) {add = true}
    %dma_start3A_208 = arith.constant 0 : i32
    %dma_start3A_209 = tpu.memref_slice %arg30[%dma_start3A_208] : memref<10240xf32, #tpu.memory_space<vmem_shared>> -> memref<10240xf32, #tpu.memory_space<vmem_shared>>
    tpu.enqueue_indirect_dma source(%arg28 : memref<128xf32, #tpu.memory_space<vmem>>) target(%dma_start3A_209 : memref<10240xf32, #tpu.memory_space<vmem_shared>>) offsets(%arg16 : memref<128xi32, #tpu.memory_space<vmem>>) semaphore(%arg32 : memref<!tpu.dma_semaphore, #tpu.memory_space<semaphore_mem>>) {add = true}
    %dma_wait3A_210 = arith.constant 0 : i32
    %dma_wait3A_211 = arith.constant 0 : i32
    %dma_wait3A_212 = tpu.memref_slice %arg19[%dma_wait3A_210, %dma_wait3A_211] : memref<10240x128xf32, #tpu.memory_space<vmem_shared>> -> memref<10240x128xf32, #tpu.memory_space<vmem_shared>>
    tpu.wait_indirect_dma semaphore(%arg22 : memref<!tpu.dma_semaphore, #tpu.memory_space<semaphore_mem>>) src(%arg17 : memref<128x128xf32, #tpu.memory_space<vmem>>) dst(%dma_wait3A_212 : memref<10240x128xf32, #tpu.memory_space<vmem_shared>>)
    %dma_wait3A_213 = arith.constant 0 : i32
    %dma_wait3A_214 = tpu.memref_slice %arg30[%dma_wait3A_213] : memref<10240xf32, #tpu.memory_space<vmem_shared>> -> memref<10240xf32, #tpu.memory_space<vmem_shared>>
    tpu.wait_indirect_dma semaphore(%arg31 : memref<!tpu.dma_semaphore, #tpu.memory_space<semaphore_mem>>) src(%arg28 : memref<128xf32, #tpu.memory_space<vmem>>) dst(%dma_wait3A_214 : memref<10240xf32, #tpu.memory_space<vmem_shared>>)
    %dma_wait3A_215 = arith.constant 0 : i32
    %dma_wait3A_216 = arith.constant 0 : i32
    %dma_wait3A_217 = tpu.memref_slice %arg19[%dma_wait3A_215, %dma_wait3A_216] : memref<10240x128xf32, #tpu.memory_space<vmem_shared>> -> memref<10240x128xf32, #tpu.memory_space<vmem_shared>>
    tpu.wait_indirect_dma semaphore(%arg23 : memref<!tpu.dma_semaphore, #tpu.memory_space<semaphore_mem>>) src(%arg18 : memref<128x128xf32, #tpu.memory_space<vmem>>) dst(%dma_wait3A_217 : memref<10240x128xf32, #tpu.memory_space<vmem_shared>>)
    %dma_wait3A_218 = arith.constant 0 : i32
    %dma_wait3A_219 = tpu.memref_slice %arg30[%dma_wait3A_218] : memref<10240xf32, #tpu.memory_space<vmem_shared>> -> memref<10240xf32, #tpu.memory_space<vmem_shared>>
    tpu.wait_indirect_dma semaphore(%arg32 : memref<!tpu.dma_semaphore, #tpu.memory_space<semaphore_mem>>) src(%arg28 : memref<128xf32, #tpu.memory_space<vmem>>) dst(%dma_wait3A_219 : memref<10240xf32, #tpu.memory_space<vmem_shared>>)
    %barrier3A_220 = arith.constant 0 : index
    tpu.barrier barrier_id(%barrier3A_220)
    %eq3A_221 = arith.constant 0 : i32
    %eq3A_222 = arith.cmpi eq, %arg1, %eq3A_221 : i32
    %convert_element_type3A_223 = arith.extui %eq3A_222 : i1 to i32
    %cond3A_224 = arith.constant 0 : i32
    %cond3A_225 = arith.cmpi ne, %convert_element_type3A_223, %cond3A_224 : i32
    scf.if %cond3A_225 {
      %eq3A_276 = arith.constant 0 : i32
      %eq3A_277 = arith.cmpi eq, %arg0, %eq3A_276 : i32
      %convert_element_type3A_278 = arith.extui %eq3A_277 : i1 to i32
      %cond3A_279 = arith.constant 0 : i32
      %cond3A_280 = arith.cmpi ne, %convert_element_type3A_278, %cond3A_279 : i32
      scf.if %cond3A_280 {
        "tpu.region"() ({
          %run_scoped3A = tpu.sem_alloc : memref<!tpu.dma_semaphore, #tpu.memory_space<semaphore_mem>>
          %dma_start3A_300 = arith.constant 0 : i32
          %dma_start3A_301 = tpu.memref_slice %arg28[%dma_start3A_300] : memref<128xf32, #tpu.memory_space<vmem>> -> memref<16xf32, #tpu.memory_space<vmem>>
          %dma_start3A_302 = arith.constant 0 : i32
          %dma_start3A_303 = tpu.memref_slice %arg28[%dma_start3A_302] : memref<128xf32, #tpu.memory_space<vmem>> -> memref<16xf32, #tpu.memory_space<vmem>>
          tpu.enqueue_dma source(%dma_start3A_303 : memref<16xf32, #tpu.memory_space<vmem>>) target(%arg8 : memref<16xf32, #tpu.memory_space<hbm>>) target_semaphore(%run_scoped3A : memref<!tpu.dma_semaphore, #tpu.memory_space<semaphore_mem>>)
          %dma_wait3A_304 = arith.constant 0 : i32
          %dma_wait3A_305 = tpu.memref_slice %arg28[%dma_wait3A_304] : memref<128xf32, #tpu.memory_space<vmem>> -> memref<16xf32, #tpu.memory_space<vmem>>
          %dma_wait3A_306 = arith.constant 0 : i32
          %dma_wait3A_307 = tpu.memref_slice %arg28[%dma_wait3A_306] : memref<128xf32, #tpu.memory_space<vmem>> -> memref<16xf32, #tpu.memory_space<vmem>>
          tpu.wait_dma2 semaphore(%run_scoped3A : memref<!tpu.dma_semaphore, #tpu.memory_space<semaphore_mem>>) src(%dma_wait3A_307 : memref<16xf32, #tpu.memory_space<vmem>>) dst(%arg8 : memref<16xf32, #tpu.memory_space<hbm>>)
          tpu.yield
        }) : () -> ()
        "tpu.region"() ({
          %run_scoped3A = tpu.sem_alloc : memref<!tpu.dma_semaphore, #tpu.memory_space<semaphore_mem>>
          tpu.enqueue_dma source(%arg9 : memref<16xf32, #tpu.memory_space<hbm>>) target(%arg33 : memref<16xf32, #tpu.memory_space<vmem>>) target_semaphore(%run_scoped3A : memref<!tpu.dma_semaphore, #tpu.memory_space<semaphore_mem>>)
          tpu.wait_dma2 semaphore(%run_scoped3A : memref<!tpu.dma_semaphore, #tpu.memory_space<semaphore_mem>>) src(%arg9 : memref<16xf32, #tpu.memory_space<hbm>>) dst(%arg33 : memref<16xf32, #tpu.memory_space<vmem>>)
          tpu.yield
        }) : () -> ()
        %get3A = arith.constant 0 : index
        %get3A_286 = tpu.vector_load %arg33[%get3A] {strides = array<i32>} : memref<16xf32, #tpu.memory_space<vmem>>, vector<16xf32>,
        %get3A_287 = vector.shape_cast %get3A_286 : vector<16xf32> to vector<16xf32>
        %eq3A_288 = arith.constant 0.000000e+00 : f32
        %eq3A_289 = vector.broadcast %eq3A_288 : f32 to vector<16xf32>
        %eq3A_290 = arith.cmpf oeq, %get3A_287, %eq3A_289 : vector<16xf32>
        %broadcast_in_dim3A_291 = arith.constant 1.000000e+00 : f32
        %broadcast_in_dim3A_292 = vector.broadcast %broadcast_in_dim3A_291 : f32 to vector<16xf32>
        %broadcast_in_dim3A_293 = arith.constant 0.000000e+00 : f32
        %broadcast_in_dim3A_294 = vector.broadcast %broadcast_in_dim3A_293 : f32 to vector<16xf32>
        %select_n3A_295 = arith.select %eq3A_290, %broadcast_in_dim3A_292, %broadcast_in_dim3A_294 : vector<16xi1>, vector<16xf32>
        %swap3A_296 = arith.constant 0 : index
        %swap3A_297 = tpu.vector_load %arg34[%swap3A_296] {strides = array<i32>} : memref<16xf32, #tpu.memory_space<vmem>>, vector<16xf32>,
        %swap3A_298 = vector.shape_cast %swap3A_297 : vector<16xf32> to vector<16xf32>
        %swap3A_299 = vector.shape_cast %select_n3A_295 : vector<16xf32> to vector<16xf32>
        tpu.vector_store %arg34[%swap3A_296], %swap3A_299 {strides = array<i32>} : memref<16xf32, #tpu.memory_space<vmem>>, vector<16xf32>,
        "tpu.region"() ({
          %run_scoped3A = tpu.sem_alloc : memref<!tpu.dma_semaphore, #tpu.memory_space<semaphore_mem>>
          tpu.enqueue_dma source(%arg34 : memref<16xf32, #tpu.memory_space<vmem>>) target(%arg10 : memref<16xf32, #tpu.memory_space<hbm>>) target_semaphore(%run_scoped3A : memref<!tpu.dma_semaphore, #tpu.memory_space<semaphore_mem>>)
          tpu.wait_dma2 semaphore(%run_scoped3A : memref<!tpu.dma_semaphore, #tpu.memory_space<semaphore_mem>>) src(%arg34 : memref<16xf32, #tpu.memory_space<vmem>>) dst(%arg10 : memref<16xf32, #tpu.memory_space<hbm>>)
          tpu.yield
        }) : () -> ()
      } else {
      }
      %eq3A_281 = arith.constant 1 : i32
      %eq3A_282 = arith.cmpi eq, %arg0, %eq3A_281 : i32
      %convert_element_type3A_283 = arith.extui %eq3A_282 : i1 to i32
      %cond3A_284 = arith.constant 0 : i32
      %cond3A_285 = arith.cmpi ne, %convert_element_type3A_283, %cond3A_284 : i32
      scf.if %cond3A_285 {
        "tpu.region"() ({
          %run_scoped3A = tpu.sem_alloc : memref<!tpu.dma_semaphore, #tpu.memory_space<semaphore_mem>>
          %dma_start3A_300 = arith.constant 0 : i32
          %dma_start3A_301 = tpu.memref_slice %arg28[%dma_start3A_300] : memref<128xf32, #tpu.memory_space<vmem>> -> memref<16xf32, #tpu.memory_space<vmem>>
          %dma_start3A_302 = arith.constant 0 : i32
          %dma_start3A_303 = tpu.memref_slice %arg28[%dma_start3A_302] : memref<128xf32, #tpu.memory_space<vmem>> -> memref<16xf32, #tpu.memory_space<vmem>>
          tpu.enqueue_dma source(%dma_start3A_303 : memref<16xf32, #tpu.memory_space<vmem>>) target(%arg9 : memref<16xf32, #tpu.memory_space<hbm>>) target_semaphore(%run_scoped3A : memref<!tpu.dma_semaphore, #tpu.memory_space<semaphore_mem>>)
          %dma_wait3A_304 = arith.constant 0 : i32
          %dma_wait3A_305 = tpu.memref_slice %arg28[%dma_wait3A_304] : memref<128xf32, #tpu.memory_space<vmem>> -> memref<16xf32, #tpu.memory_space<vmem>>
          %dma_wait3A_306 = arith.constant 0 : i32
          %dma_wait3A_307 = tpu.memref_slice %arg28[%dma_wait3A_306] : memref<128xf32, #tpu.memory_space<vmem>> -> memref<16xf32, #tpu.memory_space<vmem>>
          tpu.wait_dma2 semaphore(%run_scoped3A : memref<!tpu.dma_semaphore, #tpu.memory_space<semaphore_mem>>) src(%dma_wait3A_307 : memref<16xf32, #tpu.memory_space<vmem>>) dst(%arg9 : memref<16xf32, #tpu.memory_space<hbm>>)
          tpu.yield
        }) : () -> ()
        "tpu.region"() ({
          %run_scoped3A = tpu.sem_alloc : memref<!tpu.dma_semaphore, #tpu.memory_space<semaphore_mem>>
          tpu.enqueue_dma source(%arg8 : memref<16xf32, #tpu.memory_space<hbm>>) target(%arg33 : memref<16xf32, #tpu.memory_space<vmem>>) target_semaphore(%run_scoped3A : memref<!tpu.dma_semaphore, #tpu.memory_space<semaphore_mem>>)
          tpu.wait_dma2 semaphore(%run_scoped3A : memref<!tpu.dma_semaphore, #tpu.memory_space<semaphore_mem>>) src(%arg8 : memref<16xf32, #tpu.memory_space<hbm>>) dst(%arg33 : memref<16xf32, #tpu.memory_space<vmem>>)
          tpu.yield
        }) : () -> ()
        %get3A = arith.constant 0 : index
        %get3A_286 = tpu.vector_load %arg33[%get3A] {strides = array<i32>} : memref<16xf32, #tpu.memory_space<vmem>>, vector<16xf32>,
        %get3A_287 = vector.shape_cast %get3A_286 : vector<16xf32> to vector<16xf32>
        %eq3A_288 = arith.constant 0.000000e+00 : f32
        %eq3A_289 = vector.broadcast %eq3A_288 : f32 to vector<16xf32>
        %eq3A_290 = arith.cmpf oeq, %get3A_287, %eq3A_289 : vector<16xf32>
        %broadcast_in_dim3A_291 = arith.constant 1.000000e+00 : f32
        %broadcast_in_dim3A_292 = vector.broadcast %broadcast_in_dim3A_291 : f32 to vector<16xf32>
        %broadcast_in_dim3A_293 = arith.constant 0.000000e+00 : f32
        %broadcast_in_dim3A_294 = vector.broadcast %broadcast_in_dim3A_293 : f32 to vector<16xf32>
        %select_n3A_295 = arith.select %eq3A_290, %broadcast_in_dim3A_292, %broadcast_in_dim3A_294 : vector<16xi1>, vector<16xf32>
        %swap3A_296 = arith.constant 0 : index
        %swap3A_297 = tpu.vector_load %arg34[%swap3A_296] {strides = array<i32>} : memref<16xf32, #tpu.memory_space<vmem>>, vector<16xf32>,
        %swap3A_298 = vector.shape_cast %swap3A_297 : vector<16xf32> to vector<16xf32>
        %swap3A_299 = vector.shape_cast %select_n3A_295 : vector<16xf32> to vector<16xf32>
        tpu.vector_store %arg34[%swap3A_296], %swap3A_299 {strides = array<i32>} : memref<16xf32, #tpu.memory_space<vmem>>, vector<16xf32>,
        "tpu.region"() ({
          %run_scoped3A = tpu.sem_alloc : memref<!tpu.dma_semaphore, #tpu.memory_space<semaphore_mem>>
          tpu.enqueue_dma source(%arg34 : memref<16xf32, #tpu.memory_space<vmem>>) target(%arg11 : memref<16xf32, #tpu.memory_space<hbm>>) target_semaphore(%run_scoped3A : memref<!tpu.dma_semaphore, #tpu.memory_space<semaphore_mem>>)
          tpu.wait_dma2 semaphore(%run_scoped3A : memref<!tpu.dma_semaphore, #tpu.memory_space<semaphore_mem>>) src(%arg34 : memref<16xf32, #tpu.memory_space<vmem>>) dst(%arg11 : memref<16xf32, #tpu.memory_space<hbm>>)
          tpu.yield
        }) : () -> ()
      } else {
      }
    } else {
    }
    %add3A_226 = arith.constant 0 : i32
    %add3A_227 = arith.addi %mul3A_0, %add3A_226 : i32
    %add3A_228 = arith.constant 0 : i32
    %add3A_229 = arith.addi %mul3A_0, %add3A_228 : i32
    "tpu.region"() ({
      %run_scoped3A = tpu.sem_alloc : memref<!tpu.dma_semaphore, #tpu.memory_space<semaphore_mem>>
      %dma_start3A_276 = arith.constant 0 : i32
      %dma_start3A_277 = tpu.memref_slice %arg5[%arg0, %add3A_229, %dma_start3A_276] : memref<2x10240x128xf32, #tpu.memory_space<hbm>> -> memref<1x64x128xf32, #tpu.memory_space<hbm>>
      %dma_start3A_278 = tpu.memref_squeeze %dma_start3A_277 : memref<1x64x128xf32, #tpu.memory_space<hbm>> -> memref<64x128xf32, #tpu.memory_space<hbm>>
      %dma_start3A_279 = arith.constant 0 : i32
      %dma_start3A_280 = tpu.memref_slice %arg19[%add3A_227, %dma_start3A_279] : memref<10240x128xf32, #tpu.memory_space<vmem_shared>> -> memref<64x128xf32, #tpu.memory_space<vmem_shared>>
      tpu.enqueue_dma source(%dma_start3A_280 : memref<64x128xf32, #tpu.memory_space<vmem_shared>>) target(%dma_start3A_278 : memref<64x128xf32, #tpu.memory_space<hbm>>) target_semaphore(%run_scoped3A : memref<!tpu.dma_semaphore, #tpu.memory_space<semaphore_mem>>)
      %dma_wait3A_281 = arith.constant 0 : i32
      %dma_wait3A_282 = tpu.memref_slice %arg5[%arg0, %add3A_229, %dma_wait3A_281] : memref<2x10240x128xf32, #tpu.memory_space<hbm>> -> memref<1x64x128xf32, #tpu.memory_space<hbm>>
      %dma_wait3A_283 = tpu.memref_squeeze %dma_wait3A_282 : memref<1x64x128xf32, #tpu.memory_space<hbm>> -> memref<64x128xf32, #tpu.memory_space<hbm>>
      %dma_wait3A_284 = arith.constant 0 : i32
      %dma_wait3A_285 = tpu.memref_slice %arg19[%add3A_227, %dma_wait3A_284] : memref<10240x128xf32, #tpu.memory_space<vmem_shared>> -> memref<64x128xf32, #tpu.memory_space<vmem_shared>>
      tpu.wait_dma2 semaphore(%run_scoped3A : memref<!tpu.dma_semaphore, #tpu.memory_space<semaphore_mem>>) src(%dma_wait3A_285 : memref<64x128xf32, #tpu.memory_space<vmem_shared>>) dst(%dma_wait3A_283 : memref<64x128xf32, #tpu.memory_space<hbm>>)
      tpu.yield
    }) : () -> ()
    %add3A_230 = arith.constant 64 : i32
    %add3A_231 = arith.addi %mul3A_0, %add3A_230 : i32
    %add3A_232 = arith.constant 64 : i32
    %add3A_233 = arith.addi %mul3A_0, %add3A_232 : i32
    "tpu.region"() ({
      %run_scoped3A = tpu.sem_alloc : memref<!tpu.dma_semaphore, #tpu.memory_space<semaphore_mem>>
      %dma_start3A_276 = arith.constant 0 : i32
      %dma_start3A_277 = tpu.memref_slice %arg5[%arg0, %add3A_233, %dma_start3A_276] : memref<2x10240x128xf32, #tpu.memory_space<hbm>> -> memref<1x64x128xf32, #tpu.memory_space<hbm>>
      %dma_start3A_278 = tpu.memref_squeeze %dma_start3A_277 : memref<1x64x128xf32, #tpu.memory_space<hbm>> -> memref<64x128xf32, #tpu.memory_space<hbm>>
      %dma_start3A_279 = arith.constant 0 : i32
      %dma_start3A_280 = tpu.memref_slice %arg19[%add3A_231, %dma_start3A_279] : memref<10240x128xf32, #tpu.memory_space<vmem_shared>> -> memref<64x128xf32, #tpu.memory_space<vmem_shared>>
      tpu.enqueue_dma source(%dma_start3A_280 : memref<64x128xf32, #tpu.memory_space<vmem_shared>>) target(%dma_start3A_278 : memref<64x128xf32, #tpu.memory_space<hbm>>) target_semaphore(%run_scoped3A : memref<!tpu.dma_semaphore, #tpu.memory_space<semaphore_mem>>)
      %dma_wait3A_281 = arith.constant 0 : i32
      %dma_wait3A_282 = tpu.memref_slice %arg5[%arg0, %add3A_233, %dma_wait3A_281] : memref<2x10240x128xf32, #tpu.memory_space<hbm>> -> memref<1x64x128xf32, #tpu.memory_space<hbm>>
      %dma_wait3A_283 = tpu.memref_squeeze %dma_wait3A_282 : memref<1x64x128xf32, #tpu.memory_space<hbm>> -> memref<64x128xf32, #tpu.memory_space<hbm>>
      %dma_wait3A_284 = arith.constant 0 : i32
      %dma_wait3A_285 = tpu.memref_slice %arg19[%add3A_231, %dma_wait3A_284] : memref<10240x128xf32, #tpu.memory_space<vmem_shared>> -> memref<64x128xf32, #tpu.memory_space<vmem_shared>>
      tpu.wait_dma2 semaphore(%run_scoped3A : memref<!tpu.dma_semaphore, #tpu.memory_space<semaphore_mem>>) src(%dma_wait3A_285 : memref<64x128xf32, #tpu.memory_space<vmem_shared>>) dst(%dma_wait3A_283 : memref<64x128xf32, #tpu.memory_space<hbm>>)
      tpu.yield
    }) : () -> ()
    %add3A_234 = arith.constant 128 : i32
    %add3A_235 = arith.addi %mul3A_0, %add3A_234 : i32
    %add3A_236 = arith.constant 128 : i32
    %add3A_237 = arith.addi %mul3A_0, %add3A_236 : i32
    "tpu.region"() ({
      %run_scoped3A = tpu.sem_alloc : memref<!tpu.dma_semaphore, #tpu.memory_space<semaphore_mem>>
      %dma_start3A_276 = arith.constant 0 : i32
      %dma_start3A_277 = tpu.memref_slice %arg5[%arg0, %add3A_237, %dma_start3A_276] : memref<2x10240x128xf32, #tpu.memory_space<hbm>> -> memref<1x64x128xf32, #tpu.memory_space<hbm>>
      %dma_start3A_278 = tpu.memref_squeeze %dma_start3A_277 : memref<1x64x128xf32, #tpu.memory_space<hbm>> -> memref<64x128xf32, #tpu.memory_space<hbm>>
      %dma_start3A_279 = arith.constant 0 : i32
      %dma_start3A_280 = tpu.memref_slice %arg19[%add3A_235, %dma_start3A_279] : memref<10240x128xf32, #tpu.memory_space<vmem_shared>> -> memref<64x128xf32, #tpu.memory_space<vmem_shared>>
      tpu.enqueue_dma source(%dma_start3A_280 : memref<64x128xf32, #tpu.memory_space<vmem_shared>>) target(%dma_start3A_278 : memref<64x128xf32, #tpu.memory_space<hbm>>) target_semaphore(%run_scoped3A : memref<!tpu.dma_semaphore, #tpu.memory_space<semaphore_mem>>)
      %dma_wait3A_281 = arith.constant 0 : i32
      %dma_wait3A_282 = tpu.memref_slice %arg5[%arg0, %add3A_237, %dma_wait3A_281] : memref<2x10240x128xf32, #tpu.memory_space<hbm>> -> memref<1x64x128xf32, #tpu.memory_space<hbm>>
      %dma_wait3A_283 = tpu.memref_squeeze %dma_wait3A_282 : memref<1x64x128xf32, #tpu.memory_space<hbm>> -> memref<64x128xf32, #tpu.memory_space<hbm>>
      %dma_wait3A_284 = arith.constant 0 : i32
      %dma_wait3A_285 = tpu.memref_slice %arg19[%add3A_235, %dma_wait3A_284] : memref<10240x128xf32, #tpu.memory_space<vmem_shared>> -> memref<64x128xf32, #tpu.memory_space<vmem_shared>>
      tpu.wait_dma2 semaphore(%run_scoped3A : memref<!tpu.dma_semaphore, #tpu.memory_space<semaphore_mem>>) src(%dma_wait3A_285 : memref<64x128xf32, #tpu.memory_space<vmem_shared>>) dst(%dma_wait3A_283 : memref<64x128xf32, #tpu.memory_space<hbm>>)
      tpu.yield
    }) : () -> ()
    %add3A_238 = arith.constant 192 : i32
    %add3A_239 = arith.addi %mul3A_0, %add3A_238 : i32
    %add3A_240 = arith.constant 192 : i32
    %add3A_241 = arith.addi %mul3A_0, %add3A_240 : i32
    "tpu.region"() ({
      %run_scoped3A = tpu.sem_alloc : memref<!tpu.dma_semaphore, #tpu.memory_space<semaphore_mem>>
      %dma_start3A_276 = arith.constant 0 : i32
      %dma_start3A_277 = tpu.memref_slice %arg5[%arg0, %add3A_241, %dma_start3A_276] : memref<2x10240x128xf32, #tpu.memory_space<hbm>> -> memref<1x64x128xf32, #tpu.memory_space<hbm>>
      %dma_start3A_278 = tpu.memref_squeeze %dma_start3A_277 : memref<1x64x128xf32, #tpu.memory_space<hbm>> -> memref<64x128xf32, #tpu.memory_space<hbm>>
      %dma_start3A_279 = arith.constant 0 : i32
      %dma_start3A_280 = tpu.memref_slice %arg19[%add3A_239, %dma_start3A_279] : memref<10240x128xf32, #tpu.memory_space<vmem_shared>> -> memref<64x128xf32, #tpu.memory_space<vmem_shared>>
      tpu.enqueue_dma source(%dma_start3A_280 : memref<64x128xf32, #tpu.memory_space<vmem_shared>>) target(%dma_start3A_278 : memref<64x128xf32, #tpu.memory_space<hbm>>) target_semaphore(%run_scoped3A : memref<!tpu.dma_semaphore, #tpu.memory_space<semaphore_mem>>)
      %dma_wait3A_281 = arith.constant 0 : i32
      %dma_wait3A_282 = tpu.memref_slice %arg5[%arg0, %add3A_241, %dma_wait3A_281] : memref<2x10240x128xf32, #tpu.memory_space<hbm>> -> memref<1x64x128xf32, #tpu.memory_space<hbm>>
      %dma_wait3A_283 = tpu.memref_squeeze %dma_wait3A_282 : memref<1x64x128xf32, #tpu.memory_space<hbm>> -> memref<64x128xf32, #tpu.memory_space<hbm>>
      %dma_wait3A_284 = arith.constant 0 : i32
      %dma_wait3A_285 = tpu.memref_slice %arg19[%add3A_239, %dma_wait3A_284] : memref<10240x128xf32, #tpu.memory_space<vmem_shared>> -> memref<64x128xf32, #tpu.memory_space<vmem_shared>>
      tpu.wait_dma2 semaphore(%run_scoped3A : memref<!tpu.dma_semaphore, #tpu.memory_space<semaphore_mem>>) src(%dma_wait3A_285 : memref<64x128xf32, #tpu.memory_space<vmem_shared>>) dst(%dma_wait3A_283 : memref<64x128xf32, #tpu.memory_space<hbm>>)
      tpu.yield
    }) : () -> ()
    %add3A_242 = arith.constant 256 : i32
    %add3A_243 = arith.addi %mul3A_0, %add3A_242 : i32
    %add3A_244 = arith.constant 256 : i32
    %add3A_245 = arith.addi %mul3A_0, %add3A_244 : i32
    "tpu.region"() ({
      %run_scoped3A = tpu.sem_alloc : memref<!tpu.dma_semaphore, #tpu.memory_space<semaphore_mem>>
      %dma_start3A_276 = arith.constant 0 : i32
      %dma_start3A_277 = tpu.memref_slice %arg5[%arg0, %add3A_245, %dma_start3A_276] : memref<2x10240x128xf32, #tpu.memory_space<hbm>> -> memref<1x64x128xf32, #tpu.memory_space<hbm>>
      %dma_start3A_278 = tpu.memref_squeeze %dma_start3A_277 : memref<1x64x128xf32, #tpu.memory_space<hbm>> -> memref<64x128xf32, #tpu.memory_space<hbm>>
      %dma_start3A_279 = arith.constant 0 : i32
      %dma_start3A_280 = tpu.memref_slice %arg19[%add3A_243, %dma_start3A_279] : memref<10240x128xf32, #tpu.memory_space<vmem_shared>> -> memref<64x128xf32, #tpu.memory_space<vmem_shared>>
      tpu.enqueue_dma source(%dma_start3A_280 : memref<64x128xf32, #tpu.memory_space<vmem_shared>>) target(%dma_start3A_278 : memref<64x128xf32, #tpu.memory_space<hbm>>) target_semaphore(%run_scoped3A : memref<!tpu.dma_semaphore, #tpu.memory_space<semaphore_mem>>)
      %dma_wait3A_281 = arith.constant 0 : i32
      %dma_wait3A_282 = tpu.memref_slice %arg5[%arg0, %add3A_245, %dma_wait3A_281] : memref<2x10240x128xf32, #tpu.memory_space<hbm>> -> memref<1x64x128xf32, #tpu.memory_space<hbm>>
      %dma_wait3A_283 = tpu.memref_squeeze %dma_wait3A_282 : memref<1x64x128xf32, #tpu.memory_space<hbm>> -> memref<64x128xf32, #tpu.memory_space<hbm>>
      %dma_wait3A_284 = arith.constant 0 : i32
      %dma_wait3A_285 = tpu.memref_slice %arg19[%add3A_243, %dma_wait3A_284] : memref<10240x128xf32, #tpu.memory_space<vmem_shared>> -> memref<64x128xf32, #tpu.memory_space<vmem_shared>>
      tpu.wait_dma2 semaphore(%run_scoped3A : memref<!tpu.dma_semaphore, #tpu.memory_space<semaphore_mem>>) src(%dma_wait3A_285 : memref<64x128xf32, #tpu.memory_space<vmem_shared>>) dst(%dma_wait3A_283 : memref<64x128xf32, #tpu.memory_space<hbm>>)
      tpu.yield
    }) : () -> ()
    %add3A_246 = arith.constant 320 : i32
    %add3A_247 = arith.addi %mul3A_0, %add3A_246 : i32
    %add3A_248 = arith.constant 320 : i32
    %add3A_249 = arith.addi %mul3A_0, %add3A_248 : i32
    "tpu.region"() ({
      %run_scoped3A = tpu.sem_alloc : memref<!tpu.dma_semaphore, #tpu.memory_space<semaphore_mem>>
      %dma_start3A_276 = arith.constant 0 : i32
      %dma_start3A_277 = tpu.memref_slice %arg5[%arg0, %add3A_249, %dma_start3A_276] : memref<2x10240x128xf32, #tpu.memory_space<hbm>> -> memref<1x64x128xf32, #tpu.memory_space<hbm>>
      %dma_start3A_278 = tpu.memref_squeeze %dma_start3A_277 : memref<1x64x128xf32, #tpu.memory_space<hbm>> -> memref<64x128xf32, #tpu.memory_space<hbm>>
      %dma_start3A_279 = arith.constant 0 : i32
      %dma_start3A_280 = tpu.memref_slice %arg19[%add3A_247, %dma_start3A_279] : memref<10240x128xf32, #tpu.memory_space<vmem_shared>> -> memref<64x128xf32, #tpu.memory_space<vmem_shared>>
      tpu.enqueue_dma source(%dma_start3A_280 : memref<64x128xf32, #tpu.memory_space<vmem_shared>>) target(%dma_start3A_278 : memref<64x128xf32, #tpu.memory_space<hbm>>) target_semaphore(%run_scoped3A : memref<!tpu.dma_semaphore, #tpu.memory_space<semaphore_mem>>)
      %dma_wait3A_281 = arith.constant 0 : i32
      %dma_wait3A_282 = tpu.memref_slice %arg5[%arg0, %add3A_249, %dma_wait3A_281] : memref<2x10240x128xf32, #tpu.memory_space<hbm>> -> memref<1x64x128xf32, #tpu.memory_space<hbm>>
      %dma_wait3A_283 = tpu.memref_squeeze %dma_wait3A_282 : memref<1x64x128xf32, #tpu.memory_space<hbm>> -> memref<64x128xf32, #tpu.memory_space<hbm>>
      %dma_wait3A_284 = arith.constant 0 : i32
      %dma_wait3A_285 = tpu.memref_slice %arg19[%add3A_247, %dma_wait3A_284] : memref<10240x128xf32, #tpu.memory_space<vmem_shared>> -> memref<64x128xf32, #tpu.memory_space<vmem_shared>>
      tpu.wait_dma2 semaphore(%run_scoped3A : memref<!tpu.dma_semaphore, #tpu.memory_space<semaphore_mem>>) src(%dma_wait3A_285 : memref<64x128xf32, #tpu.memory_space<vmem_shared>>) dst(%dma_wait3A_283 : memref<64x128xf32, #tpu.memory_space<hbm>>)
      tpu.yield
    }) : () -> ()
    %add3A_250 = arith.constant 384 : i32
    %add3A_251 = arith.addi %mul3A_0, %add3A_250 : i32
    %add3A_252 = arith.constant 384 : i32
    %add3A_253 = arith.addi %mul3A_0, %add3A_252 : i32
    "tpu.region"() ({
      %run_scoped3A = tpu.sem_alloc : memref<!tpu.dma_semaphore, #tpu.memory_space<semaphore_mem>>
      %dma_start3A_276 = arith.constant 0 : i32
      %dma_start3A_277 = tpu.memref_slice %arg5[%arg0, %add3A_253, %dma_start3A_276] : memref<2x10240x128xf32, #tpu.memory_space<hbm>> -> memref<1x64x128xf32, #tpu.memory_space<hbm>>
      %dma_start3A_278 = tpu.memref_squeeze %dma_start3A_277 : memref<1x64x128xf32, #tpu.memory_space<hbm>> -> memref<64x128xf32, #tpu.memory_space<hbm>>
      %dma_start3A_279 = arith.constant 0 : i32
      %dma_start3A_280 = tpu.memref_slice %arg19[%add3A_251, %dma_start3A_279] : memref<10240x128xf32, #tpu.memory_space<vmem_shared>> -> memref<64x128xf32, #tpu.memory_space<vmem_shared>>
      tpu.enqueue_dma source(%dma_start3A_280 : memref<64x128xf32, #tpu.memory_space<vmem_shared>>) target(%dma_start3A_278 : memref<64x128xf32, #tpu.memory_space<hbm>>) target_semaphore(%run_scoped3A : memref<!tpu.dma_semaphore, #tpu.memory_space<semaphore_mem>>)
      %dma_wait3A_281 = arith.constant 0 : i32
      %dma_wait3A_282 = tpu.memref_slice %arg5[%arg0, %add3A_253, %dma_wait3A_281] : memref<2x10240x128xf32, #tpu.memory_space<hbm>> -> memref<1x64x128xf32, #tpu.memory_space<hbm>>
      %dma_wait3A_283 = tpu.memref_squeeze %dma_wait3A_282 : memref<1x64x128xf32, #tpu.memory_space<hbm>> -> memref<64x128xf32, #tpu.memory_space<hbm>>
      %dma_wait3A_284 = arith.constant 0 : i32
      %dma_wait3A_285 = tpu.memref_slice %arg19[%add3A_251, %dma_wait3A_284] : memref<10240x128xf32, #tpu.memory_space<vmem_shared>> -> memref<64x128xf32, #tpu.memory_space<vmem_shared>>
      tpu.wait_dma2 semaphore(%run_scoped3A : memref<!tpu.dma_semaphore, #tpu.memory_space<semaphore_mem>>) src(%dma_wait3A_285 : memref<64x128xf32, #tpu.memory_space<vmem_shared>>) dst(%dma_wait3A_283 : memref<64x128xf32, #tpu.memory_space<hbm>>)
      tpu.yield
    }) : () -> ()
    %add3A_254 = arith.constant 448 : i32
    %add3A_255 = arith.addi %mul3A_0, %add3A_254 : i32
    %add3A_256 = arith.constant 448 : i32
    %add3A_257 = arith.addi %mul3A_0, %add3A_256 : i32
    "tpu.region"() ({
      %run_scoped3A = tpu.sem_alloc : memref<!tpu.dma_semaphore, #tpu.memory_space<semaphore_mem>>
      %dma_start3A_276 = arith.constant 0 : i32
      %dma_start3A_277 = tpu.memref_slice %arg5[%arg0, %add3A_257, %dma_start3A_276] : memref<2x10240x128xf32, #tpu.memory_space<hbm>> -> memref<1x64x128xf32, #tpu.memory_space<hbm>>
      %dma_start3A_278 = tpu.memref_squeeze %dma_start3A_277 : memref<1x64x128xf32, #tpu.memory_space<hbm>> -> memref<64x128xf32, #tpu.memory_space<hbm>>
      %dma_start3A_279 = arith.constant 0 : i32
      %dma_start3A_280 = tpu.memref_slice %arg19[%add3A_255, %dma_start3A_279] : memref<10240x128xf32, #tpu.memory_space<vmem_shared>> -> memref<64x128xf32, #tpu.memory_space<vmem_shared>>
      tpu.enqueue_dma source(%dma_start3A_280 : memref<64x128xf32, #tpu.memory_space<vmem_shared>>) target(%dma_start3A_278 : memref<64x128xf32, #tpu.memory_space<hbm>>) target_semaphore(%run_scoped3A : memref<!tpu.dma_semaphore, #tpu.memory_space<semaphore_mem>>)
      %dma_wait3A_281 = arith.constant 0 : i32
      %dma_wait3A_282 = tpu.memref_slice %arg5[%arg0, %add3A_257, %dma_wait3A_281] : memref<2x10240x128xf32, #tpu.memory_space<hbm>> -> memref<1x64x128xf32, #tpu.memory_space<hbm>>
      %dma_wait3A_283 = tpu.memref_squeeze %dma_wait3A_282 : memref<1x64x128xf32, #tpu.memory_space<hbm>> -> memref<64x128xf32, #tpu.memory_space<hbm>>
      %dma_wait3A_284 = arith.constant 0 : i32
      %dma_wait3A_285 = tpu.memref_slice %arg19[%add3A_255, %dma_wait3A_284] : memref<10240x128xf32, #tpu.memory_space<vmem_shared>> -> memref<64x128xf32, #tpu.memory_space<vmem_shared>>
      tpu.wait_dma2 semaphore(%run_scoped3A : memref<!tpu.dma_semaphore, #tpu.memory_space<semaphore_mem>>) src(%dma_wait3A_285 : memref<64x128xf32, #tpu.memory_space<vmem_shared>>) dst(%dma_wait3A_283 : memref<64x128xf32, #tpu.memory_space<hbm>>)
      tpu.yield
    }) : () -> ()
    %add3A_258 = arith.constant 512 : i32
    %add3A_259 = arith.addi %mul3A_0, %add3A_258 : i32
    %add3A_260 = arith.constant 512 : i32
    %add3A_261 = arith.addi %mul3A_0, %add3A_260 : i32
    "tpu.region"() ({
      %run_scoped3A = tpu.sem_alloc : memref<!tpu.dma_semaphore, #tpu.memory_space<semaphore_mem>>
      %dma_start3A_276 = arith.constant 0 : i32
      %dma_start3A_277 = tpu.memref_slice %arg5[%arg0, %add3A_261, %dma_start3A_276] : memref<2x10240x128xf32, #tpu.memory_space<hbm>> -> memref<1x64x128xf32, #tpu.memory_space<hbm>>
      %dma_start3A_278 = tpu.memref_squeeze %dma_start3A_277 : memref<1x64x128xf32, #tpu.memory_space<hbm>> -> memref<64x128xf32, #tpu.memory_space<hbm>>
      %dma_start3A_279 = arith.constant 0 : i32
      %dma_start3A_280 = tpu.memref_slice %arg19[%add3A_259, %dma_start3A_279] : memref<10240x128xf32, #tpu.memory_space<vmem_shared>> -> memref<64x128xf32, #tpu.memory_space<vmem_shared>>
      tpu.enqueue_dma source(%dma_start3A_280 : memref<64x128xf32, #tpu.memory_space<vmem_shared>>) target(%dma_start3A_278 : memref<64x128xf32, #tpu.memory_space<hbm>>) target_semaphore(%run_scoped3A : memref<!tpu.dma_semaphore, #tpu.memory_space<semaphore_mem>>)
      %dma_wait3A_281 = arith.constant 0 : i32
      %dma_wait3A_282 = tpu.memref_slice %arg5[%arg0, %add3A_261, %dma_wait3A_281] : memref<2x10240x128xf32, #tpu.memory_space<hbm>> -> memref<1x64x128xf32, #tpu.memory_space<hbm>>
      %dma_wait3A_283 = tpu.memref_squeeze %dma_wait3A_282 : memref<1x64x128xf32, #tpu.memory_space<hbm>> -> memref<64x128xf32, #tpu.memory_space<hbm>>
      %dma_wait3A_284 = arith.constant 0 : i32
      %dma_wait3A_285 = tpu.memref_slice %arg19[%add3A_259, %dma_wait3A_284] : memref<10240x128xf32, #tpu.memory_space<vmem_shared>> -> memref<64x128xf32, #tpu.memory_space<vmem_shared>>
      tpu.wait_dma2 semaphore(%run_scoped3A : memref<!tpu.dma_semaphore, #tpu.memory_space<semaphore_mem>>) src(%dma_wait3A_285 : memref<64x128xf32, #tpu.memory_space<vmem_shared>>) dst(%dma_wait3A_283 : memref<64x128xf32, #tpu.memory_space<hbm>>)
      tpu.yield
    }) : () -> ()
    %add3A_262 = arith.constant 576 : i32
    %add3A_263 = arith.addi %mul3A_0, %add3A_262 : i32
    %add3A_264 = arith.constant 576 : i32
    %add3A_265 = arith.addi %mul3A_0, %add3A_264 : i32
    "tpu.region"() ({
      %run_scoped3A = tpu.sem_alloc : memref<!tpu.dma_semaphore, #tpu.memory_space<semaphore_mem>>
      %dma_start3A_276 = arith.constant 0 : i32
      %dma_start3A_277 = tpu.memref_slice %arg5[%arg0, %add3A_265, %dma_start3A_276] : memref<2x10240x128xf32, #tpu.memory_space<hbm>> -> memref<1x64x128xf32, #tpu.memory_space<hbm>>
      %dma_start3A_278 = tpu.memref_squeeze %dma_start3A_277 : memref<1x64x128xf32, #tpu.memory_space<hbm>> -> memref<64x128xf32, #tpu.memory_space<hbm>>
      %dma_start3A_279 = arith.constant 0 : i32
      %dma_start3A_280 = tpu.memref_slice %arg19[%add3A_263, %dma_start3A_279] : memref<10240x128xf32, #tpu.memory_space<vmem_shared>> -> memref<64x128xf32, #tpu.memory_space<vmem_shared>>
      tpu.enqueue_dma source(%dma_start3A_280 : memref<64x128xf32, #tpu.memory_space<vmem_shared>>) target(%dma_start3A_278 : memref<64x128xf32, #tpu.memory_space<hbm>>) target_semaphore(%run_scoped3A : memref<!tpu.dma_semaphore, #tpu.memory_space<semaphore_mem>>)
      %dma_wait3A_281 = arith.constant 0 : i32
      %dma_wait3A_282 = tpu.memref_slice %arg5[%arg0, %add3A_265, %dma_wait3A_281] : memref<2x10240x128xf32, #tpu.memory_space<hbm>> -> memref<1x64x128xf32, #tpu.memory_space<hbm>>
      %dma_wait3A_283 = tpu.memref_squeeze %dma_wait3A_282 : memref<1x64x128xf32, #tpu.memory_space<hbm>> -> memref<64x128xf32, #tpu.memory_space<hbm>>
      %dma_wait3A_284 = arith.constant 0 : i32
      %dma_wait3A_285 = tpu.memref_slice %arg19[%add3A_263, %dma_wait3A_284] : memref<10240x128xf32, #tpu.memory_space<vmem_shared>> -> memref<64x128xf32, #tpu.memory_space<vmem_shared>>
      tpu.wait_dma2 semaphore(%run_scoped3A : memref<!tpu.dma_semaphore, #tpu.memory_space<semaphore_mem>>) src(%dma_wait3A_285 : memref<64x128xf32, #tpu.memory_space<vmem_shared>>) dst(%dma_wait3A_283 : memref<64x128xf32, #tpu.memory_space<hbm>>)
      tpu.yield
    }) : () -> ()
    %eq3A_266 = arith.constant 0 : i32
    %eq3A_267 = arith.cmpi eq, %arg0, %eq3A_266 : i32
    %convert_element_type3A_268 = arith.extui %eq3A_267 : i1 to i32
    %cond3A_269 = arith.constant 0 : i32
    %cond3A_270 = arith.cmpi ne, %convert_element_type3A_268, %cond3A_269 : i32
    scf.if %cond3A_270 {
      %mul3A_276 = arith.constant 640 : i32
      %mul3A_277 = arith.muli %arg1, %mul3A_276 : i32
      %mul3A_278 = arith.constant 640 : i32
      %mul3A_279 = arith.muli %arg1, %mul3A_278 : i32
      "tpu.region"() ({
        %run_scoped3A = tpu.sem_alloc : memref<!tpu.dma_semaphore, #tpu.memory_space<semaphore_mem>>
        %dma_start3A_280 = tpu.memref_slice %arg6[%mul3A_279] : memref<10240xf32, #tpu.memory_space<hbm>> -> memref<640xf32, #tpu.memory_space<hbm>>
        %dma_start3A_281 = tpu.memref_slice %arg30[%mul3A_277] : memref<10240xf32, #tpu.memory_space<vmem_shared>> -> memref<640xf32, #tpu.memory_space<vmem_shared>>
        tpu.enqueue_dma source(%dma_start3A_281 : memref<640xf32, #tpu.memory_space<vmem_shared>>) target(%dma_start3A_280 : memref<640xf32, #tpu.memory_space<hbm>>) target_semaphore(%run_scoped3A : memref<!tpu.dma_semaphore, #tpu.memory_space<semaphore_mem>>)
        %dma_wait3A_282 = tpu.memref_slice %arg6[%mul3A_279] : memref<10240xf32, #tpu.memory_space<hbm>> -> memref<640xf32, #tpu.memory_space<hbm>>
        %dma_wait3A_283 = tpu.memref_slice %arg30[%mul3A_277] : memref<10240xf32, #tpu.memory_space<vmem_shared>> -> memref<640xf32, #tpu.memory_space<vmem_shared>>
        tpu.wait_dma2 semaphore(%run_scoped3A : memref<!tpu.dma_semaphore, #tpu.memory_space<semaphore_mem>>) src(%dma_wait3A_283 : memref<640xf32, #tpu.memory_space<vmem_shared>>) dst(%dma_wait3A_282 : memref<640xf32, #tpu.memory_space<hbm>>)
        tpu.yield
      }) : () -> ()
    } else {
    }
    %eq3A_271 = arith.constant 1 : i32
    %eq3A_272 = arith.cmpi eq, %arg0, %eq3A_271 : i32
    %convert_element_type3A_273 = arith.extui %eq3A_272 : i1 to i32
    %cond3A_274 = arith.constant 0 : i32
    %cond3A_275 = arith.cmpi ne, %convert_element_type3A_273, %cond3A_274 : i32
    scf.if %cond3A_275 {
      %mul3A_276 = arith.constant 640 : i32
      %mul3A_277 = arith.muli %arg1, %mul3A_276 : i32
      %mul3A_278 = arith.constant 640 : i32
      %mul3A_279 = arith.muli %arg1, %mul3A_278 : i32
      "tpu.region"() ({
        %run_scoped3A = tpu.sem_alloc : memref<!tpu.dma_semaphore, #tpu.memory_space<semaphore_mem>>
        %dma_start3A_280 = tpu.memref_slice %arg7[%mul3A_279] : memref<10240xf32, #tpu.memory_space<hbm>> -> memref<640xf32, #tpu.memory_space<hbm>>
        %dma_start3A_281 = tpu.memref_slice %arg30[%mul3A_277] : memref<10240xf32, #tpu.memory_space<vmem_shared>> -> memref<640xf32, #tpu.memory_space<vmem_shared>>
        tpu.enqueue_dma source(%dma_start3A_281 : memref<640xf32, #tpu.memory_space<vmem_shared>>) target(%dma_start3A_280 : memref<640xf32, #tpu.memory_space<hbm>>) target_semaphore(%run_scoped3A : memref<!tpu.dma_semaphore, #tpu.memory_space<semaphore_mem>>)
        %dma_wait3A_282 = tpu.memref_slice %arg7[%mul3A_279] : memref<10240xf32, #tpu.memory_space<hbm>> -> memref<640xf32, #tpu.memory_space<hbm>>
        %dma_wait3A_283 = tpu.memref_slice %arg30[%mul3A_277] : memref<10240xf32, #tpu.memory_space<vmem_shared>> -> memref<640xf32, #tpu.memory_space<vmem_shared>>
        tpu.wait_dma2 semaphore(%run_scoped3A : memref<!tpu.dma_semaphore, #tpu.memory_space<semaphore_mem>>) src(%dma_wait3A_283 : memref<640xf32, #tpu.memory_space<vmem_shared>>) dst(%dma_wait3A_282 : memref<640xf32, #tpu.memory_space<hbm>>)
        tpu.yield
      }) : () -> ()
    } else {
    }
    return
  }
}

#map = affine_map<(d0, d1) -> (0, 0)>
#map1 = affine_map<(d0, d1) -> (0, 0, 0)>
#map2 = affine_map<(d0, d1) -> (0)>
module attributes {stable_mosaic.version = 14 : i64} {
  func.func @body(%arg0: i32, %arg1: i32, %arg2: memref<10000x128xf32, #tpu.memory_space<hbm>>, %arg3: memref<16x160x128xi32, #tpu.memory_space<hbm>>, %arg4: memref<16x160x128xi32, #tpu.memory_space<hbm>>, %arg5: memref<16xi32, #tpu.memory_space<hbm>>, %arg6: memref<2x10240x128xf32, #tpu.memory_space<hbm>>, %arg7: memref<64x128xf32, #tpu.memory_space<vmem>>, %arg8: memref<128xi32, #tpu.memory_space<vmem>>, %arg9: memref<128xi32, #tpu.memory_space<vmem>>, %arg10: memref<128xi32, #tpu.memory_space<vmem>>, %arg11: memref<128xi32, #tpu.memory_space<vmem>>, %arg12: memref<128x128xf32, #tpu.memory_space<vmem>>, %arg13: memref<128x128xf32, #tpu.memory_space<vmem>>, %arg14: memref<10240x128xf32, #tpu.memory_space<vmem_shared>>, %arg15: memref<!tpu.dma_semaphore, #tpu.memory_space<semaphore_mem>>, %arg16: memref<!tpu.dma_semaphore, #tpu.memory_space<semaphore_mem>>, %arg17: memref<!tpu.dma_semaphore, #tpu.memory_space<semaphore_mem>>, %arg18: memref<!tpu.dma_semaphore, #tpu.memory_space<semaphore_mem>>, %arg19: memref<!tpu.dma_semaphore, #tpu.memory_space<semaphore_mem>>, %arg20: memref<!tpu.dma_semaphore, #tpu.memory_space<semaphore_mem>>, %arg21: memref<!tpu.dma_semaphore, #tpu.memory_space<semaphore_mem>>, %arg22: memref<!tpu.dma_semaphore, #tpu.memory_space<semaphore_mem>>, %arg23: memref<16xi32, #tpu.memory_space<vmem>>) attributes {dimension_semantics = [#tpu.dimension_semantics<core_parallel>, #tpu.dimension_semantics<subcore_parallel>], iteration_bounds = array<i64: 2, 16>, scalar_prefetch = 0 : i64, scratch_operands = 17 : i64, tpu.core_type = #tpu.core_type<sc_vector_subcore>, window_params = [{transform_indices = #map}, {transform_indices = #map1}, {transform_indices = #map1}, {transform_indices = #map2}, {transform_indices = #map1}]} {
    %mul3A = arith.constant 640 : i32
    %mul3A_0 = arith.muli %arg1, %mul3A : i32
    "tpu.region"() ({
      %run_scoped3A = tpu.sem_alloc : memref<!tpu.dma_semaphore, #tpu.memory_space<semaphore_mem>>
      tpu.enqueue_dma source(%arg5 : memref<16xi32, #tpu.memory_space<hbm>>) target(%arg23 : memref<16xi32, #tpu.memory_space<vmem>>) target_semaphore(%run_scoped3A : memref<!tpu.dma_semaphore, #tpu.memory_space<semaphore_mem>>)
      tpu.wait_dma2 semaphore(%run_scoped3A : memref<!tpu.dma_semaphore, #tpu.memory_space<semaphore_mem>>) src(%arg5 : memref<16xi32, #tpu.memory_space<hbm>>) dst(%arg23 : memref<16xi32, #tpu.memory_space<vmem>>)
      tpu.yield
    }) : () -> ()
    %get3A = arith.constant 0 : index
    %get3A_1 = tpu.vector_load %arg23[%get3A] {strides = array<i32>} : memref<16xi32, #tpu.memory_space<vmem>>, vector<16xi32>,
    %get3A_2 = vector.shape_cast %get3A_1 : vector<16xi32> to vector<16xi32>
    %slice3A = vector.extract_strided_slice %get3A_2 {offsets = [0], sizes = [1], strides = [1]} : vector<16xi32> to vector<1xi32>
    %squeeze3A = vector.extract %slice3A[0] : i32 from vector<1xi32>
    %eq3A = arith.constant 0 : i32
    %eq3A_3 = arith.cmpi eq, %arg0, %eq3A : i32
    %jit3A = arith.constant 0 : i32
    %select_n3A = arith.select %eq3A_3, %jit3A, %squeeze3A : i32
    %eq3A_4 = arith.constant 0 : i32
    %eq3A_5 = arith.cmpi eq, %arg0, %eq3A_4 : i32
    %sub3A = arith.constant 160 : i32
    %sub3A_6 = arith.subi %sub3A, %squeeze3A : i32
    %select_n3A_7 = arith.select %eq3A_5, %squeeze3A, %sub3A_6 : i32
    %jit3A_8 = arith.constant 2 : i32
    %div3A = arith.divsi %select_n3A_7, %jit3A_8 : i32
    %sign3A = arith.constant 0 : i32
    %sign3A_9 = arith.cmpi sgt, %select_n3A_7, %sign3A : i32
    %sign3A_10 = arith.extui %sign3A_9 : i1 to i32
    %sign3A_11 = arith.constant 0 : i32
    %sign3A_12 = arith.cmpi slt, %select_n3A_7, %sign3A_11 : i32
    %sign3A_13 = arith.extui %sign3A_12 : i1 to i32
    %sign3A_14 = arith.subi %sign3A_10, %sign3A_13 : i32
    %sign3A_15 = arith.constant 0 : i32
    %sign3A_16 = arith.cmpi sgt, %jit3A_8, %sign3A_15 : i32
    %sign3A_17 = arith.extui %sign3A_16 : i1 to i32
    %sign3A_18 = arith.constant 0 : i32
    %sign3A_19 = arith.cmpi slt, %jit3A_8, %sign3A_18 : i32
    %sign3A_20 = arith.extui %sign3A_19 : i1 to i32
    %sign3A_21 = arith.subi %sign3A_17, %sign3A_20 : i32
    %ne3A = arith.cmpi ne, %sign3A_14, %sign3A_21 : i32
    %rem3A = arith.remsi %select_n3A_7, %jit3A_8 : i32
    %ne3A_22 = arith.constant 0 : i32
    %ne3A_23 = arith.cmpi ne, %rem3A, %ne3A_22 : i32
    %and3A = arith.andi %ne3A, %ne3A_23 : i1
    %sub3A_24 = arith.constant 1 : i32
    %sub3A_25 = arith.subi %div3A, %sub3A_24 : i32
    %select_n3A_26 = arith.select %and3A, %sub3A_25, %div3A : i32
    %scan3A = arith.constant 0 : i32
    %scan3A_27 = arith.constant 0 : i32
    %scan3A_28 = arith.constant 64 : i32
    %scan3A_29 = arith.addi %scan3A_27, %scan3A_28 : i32
    %scan3A_30 = arith.constant 1 : i32
    %scan3A_31 = scf.for %scan3A_196 = %scan3A_27 to %scan3A_29 step %scan3A_30 iter_args(%scan3A_197 = %scan3A) -> (i32)  : i32 {
      %broadcast_in_dim3A = arith.constant 0.000000e+00 : f32
      %broadcast_in_dim3A_198 = vector.broadcast %broadcast_in_dim3A : f32 to vector<16xf32>
      %swap3A = arith.index_cast %scan3A_196 : i32 to index
      %swap3A_199 = arith.constant 0 : index
      %swap3A_200 = tpu.vector_load %arg7[%swap3A, %swap3A_199] {strides = array<i32>} : memref<64x128xf32, #tpu.memory_space<vmem>>, vector<1x16xf32>,
      %swap3A_201 = vector.shape_cast %swap3A_200 : vector<1x16xf32> to vector<16xf32>
      %swap3A_202 = vector.shape_cast %broadcast_in_dim3A_198 : vector<16xf32> to vector<1x16xf32>
      tpu.vector_store %arg7[%swap3A, %swap3A_199], %swap3A_202 {strides = array<i32>} : memref<64x128xf32, #tpu.memory_space<vmem>>, vector<1x16xf32>,
      %broadcast_in_dim3A_203 = arith.constant 0.000000e+00 : f32
      %broadcast_in_dim3A_204 = vector.broadcast %broadcast_in_dim3A_203 : f32 to vector<16xf32>
      %swap3A_205 = arith.index_cast %scan3A_196 : i32 to index
      %swap3A_206 = arith.constant 16 : index
      %swap3A_207 = tpu.vector_load %arg7[%swap3A_205, %swap3A_206] {strides = array<i32>} : memref<64x128xf32, #tpu.memory_space<vmem>>, vector<1x16xf32>,
      %swap3A_208 = vector.shape_cast %swap3A_207 : vector<1x16xf32> to vector<16xf32>
      %swap3A_209 = vector.shape_cast %broadcast_in_dim3A_204 : vector<16xf32> to vector<1x16xf32>
      tpu.vector_store %arg7[%swap3A_205, %swap3A_206], %swap3A_209 {strides = array<i32>} : memref<64x128xf32, #tpu.memory_space<vmem>>, vector<1x16xf32>,
      %broadcast_in_dim3A_210 = arith.constant 0.000000e+00 : f32
      %broadcast_in_dim3A_211 = vector.broadcast %broadcast_in_dim3A_210 : f32 to vector<16xf32>
      %swap3A_212 = arith.index_cast %scan3A_196 : i32 to index
      %swap3A_213 = arith.constant 32 : index
      %swap3A_214 = tpu.vector_load %arg7[%swap3A_212, %swap3A_213] {strides = array<i32>} : memref<64x128xf32, #tpu.memory_space<vmem>>, vector<1x16xf32>,
      %swap3A_215 = vector.shape_cast %swap3A_214 : vector<1x16xf32> to vector<16xf32>
      %swap3A_216 = vector.shape_cast %broadcast_in_dim3A_211 : vector<16xf32> to vector<1x16xf32>
      tpu.vector_store %arg7[%swap3A_212, %swap3A_213], %swap3A_216 {strides = array<i32>} : memref<64x128xf32, #tpu.memory_space<vmem>>, vector<1x16xf32>,
      %broadcast_in_dim3A_217 = arith.constant 0.000000e+00 : f32
      %broadcast_in_dim3A_218 = vector.broadcast %broadcast_in_dim3A_217 : f32 to vector<16xf32>
      %swap3A_219 = arith.index_cast %scan3A_196 : i32 to index
      %swap3A_220 = arith.constant 48 : index
      %swap3A_221 = tpu.vector_load %arg7[%swap3A_219, %swap3A_220] {strides = array<i32>} : memref<64x128xf32, #tpu.memory_space<vmem>>, vector<1x16xf32>,
      %swap3A_222 = vector.shape_cast %swap3A_221 : vector<1x16xf32> to vector<16xf32>
      %swap3A_223 = vector.shape_cast %broadcast_in_dim3A_218 : vector<16xf32> to vector<1x16xf32>
      tpu.vector_store %arg7[%swap3A_219, %swap3A_220], %swap3A_223 {strides = array<i32>} : memref<64x128xf32, #tpu.memory_space<vmem>>, vector<1x16xf32>,
      %broadcast_in_dim3A_224 = arith.constant 0.000000e+00 : f32
      %broadcast_in_dim3A_225 = vector.broadcast %broadcast_in_dim3A_224 : f32 to vector<16xf32>
      %swap3A_226 = arith.index_cast %scan3A_196 : i32 to index
      %swap3A_227 = arith.constant 64 : index
      %swap3A_228 = tpu.vector_load %arg7[%swap3A_226, %swap3A_227] {strides = array<i32>} : memref<64x128xf32, #tpu.memory_space<vmem>>, vector<1x16xf32>,
      %swap3A_229 = vector.shape_cast %swap3A_228 : vector<1x16xf32> to vector<16xf32>
      %swap3A_230 = vector.shape_cast %broadcast_in_dim3A_225 : vector<16xf32> to vector<1x16xf32>
      tpu.vector_store %arg7[%swap3A_226, %swap3A_227], %swap3A_230 {strides = array<i32>} : memref<64x128xf32, #tpu.memory_space<vmem>>, vector<1x16xf32>,
      %broadcast_in_dim3A_231 = arith.constant 0.000000e+00 : f32
      %broadcast_in_dim3A_232 = vector.broadcast %broadcast_in_dim3A_231 : f32 to vector<16xf32>
      %swap3A_233 = arith.index_cast %scan3A_196 : i32 to index
      %swap3A_234 = arith.constant 80 : index
      %swap3A_235 = tpu.vector_load %arg7[%swap3A_233, %swap3A_234] {strides = array<i32>} : memref<64x128xf32, #tpu.memory_space<vmem>>, vector<1x16xf32>,
      %swap3A_236 = vector.shape_cast %swap3A_235 : vector<1x16xf32> to vector<16xf32>
      %swap3A_237 = vector.shape_cast %broadcast_in_dim3A_232 : vector<16xf32> to vector<1x16xf32>
      tpu.vector_store %arg7[%swap3A_233, %swap3A_234], %swap3A_237 {strides = array<i32>} : memref<64x128xf32, #tpu.memory_space<vmem>>, vector<1x16xf32>,
      %broadcast_in_dim3A_238 = arith.constant 0.000000e+00 : f32
      %broadcast_in_dim3A_239 = vector.broadcast %broadcast_in_dim3A_238 : f32 to vector<16xf32>
      %swap3A_240 = arith.index_cast %scan3A_196 : i32 to index
      %swap3A_241 = arith.constant 96 : index
      %swap3A_242 = tpu.vector_load %arg7[%swap3A_240, %swap3A_241] {strides = array<i32>} : memref<64x128xf32, #tpu.memory_space<vmem>>, vector<1x16xf32>,
      %swap3A_243 = vector.shape_cast %swap3A_242 : vector<1x16xf32> to vector<16xf32>
      %swap3A_244 = vector.shape_cast %broadcast_in_dim3A_239 : vector<16xf32> to vector<1x16xf32>
      tpu.vector_store %arg7[%swap3A_240, %swap3A_241], %swap3A_244 {strides = array<i32>} : memref<64x128xf32, #tpu.memory_space<vmem>>, vector<1x16xf32>,
      %broadcast_in_dim3A_245 = arith.constant 0.000000e+00 : f32
      %broadcast_in_dim3A_246 = vector.broadcast %broadcast_in_dim3A_245 : f32 to vector<16xf32>
      %swap3A_247 = arith.index_cast %scan3A_196 : i32 to index
      %swap3A_248 = arith.constant 112 : index
      %swap3A_249 = tpu.vector_load %arg7[%swap3A_247, %swap3A_248] {strides = array<i32>} : memref<64x128xf32, #tpu.memory_space<vmem>>, vector<1x16xf32>,
      %swap3A_250 = vector.shape_cast %swap3A_249 : vector<1x16xf32> to vector<16xf32>
      %swap3A_251 = vector.shape_cast %broadcast_in_dim3A_246 : vector<16xf32> to vector<1x16xf32>
      tpu.vector_store %arg7[%swap3A_247, %swap3A_248], %swap3A_251 {strides = array<i32>} : memref<64x128xf32, #tpu.memory_space<vmem>>, vector<1x16xf32>,
      %scan3A_252 = arith.constant 0 : i32
      scf.yield %scan3A_252 : i32
    }
    %scan3A_32 = arith.constant 64 : i32
    %add3A = arith.constant 0 : i32
    %add3A_33 = arith.addi %mul3A_0, %add3A : i32
    "tpu.region"() ({
      %run_scoped3A = tpu.sem_alloc : memref<!tpu.dma_semaphore, #tpu.memory_space<semaphore_mem>>
      %dma_start3A_196 = arith.constant 0 : i32
      %dma_start3A_197 = tpu.memref_slice %arg14[%add3A_33, %dma_start3A_196] : memref<10240x128xf32, #tpu.memory_space<vmem_shared>> -> memref<64x128xf32, #tpu.memory_space<vmem_shared>>
      %dma_start3A_198 = arith.constant 0 : i32
      %dma_start3A_199 = tpu.memref_slice %arg14[%add3A_33, %dma_start3A_198] : memref<10240x128xf32, #tpu.memory_space<vmem_shared>> -> memref<64x128xf32, #tpu.memory_space<vmem_shared>>
      tpu.enqueue_dma source(%arg7 : memref<64x128xf32, #tpu.memory_space<vmem>>) target(%dma_start3A_199 : memref<64x128xf32, #tpu.memory_space<vmem_shared>>) target_semaphore(%run_scoped3A : memref<!tpu.dma_semaphore, #tpu.memory_space<semaphore_mem>>)
      %dma_wait3A_200 = arith.constant 0 : i32
      %dma_wait3A_201 = tpu.memref_slice %arg14[%add3A_33, %dma_wait3A_200] : memref<10240x128xf32, #tpu.memory_space<vmem_shared>> -> memref<64x128xf32, #tpu.memory_space<vmem_shared>>
      %dma_wait3A_202 = arith.constant 0 : i32
      %dma_wait3A_203 = tpu.memref_slice %arg14[%add3A_33, %dma_wait3A_202] : memref<10240x128xf32, #tpu.memory_space<vmem_shared>> -> memref<64x128xf32, #tpu.memory_space<vmem_shared>>
      tpu.wait_dma2 semaphore(%run_scoped3A : memref<!tpu.dma_semaphore, #tpu.memory_space<semaphore_mem>>) src(%arg7 : memref<64x128xf32, #tpu.memory_space<vmem>>) dst(%dma_wait3A_203 : memref<64x128xf32, #tpu.memory_space<vmem_shared>>)
      tpu.yield
    }) : () -> ()
    %add3A_34 = arith.constant 64 : i32
    %add3A_35 = arith.addi %mul3A_0, %add3A_34 : i32
    "tpu.region"() ({
      %run_scoped3A = tpu.sem_alloc : memref<!tpu.dma_semaphore, #tpu.memory_space<semaphore_mem>>
      %dma_start3A_196 = arith.constant 0 : i32
      %dma_start3A_197 = tpu.memref_slice %arg14[%add3A_35, %dma_start3A_196] : memref<10240x128xf32, #tpu.memory_space<vmem_shared>> -> memref<64x128xf32, #tpu.memory_space<vmem_shared>>
      %dma_start3A_198 = arith.constant 0 : i32
      %dma_start3A_199 = tpu.memref_slice %arg14[%add3A_35, %dma_start3A_198] : memref<10240x128xf32, #tpu.memory_space<vmem_shared>> -> memref<64x128xf32, #tpu.memory_space<vmem_shared>>
      tpu.enqueue_dma source(%arg7 : memref<64x128xf32, #tpu.memory_space<vmem>>) target(%dma_start3A_199 : memref<64x128xf32, #tpu.memory_space<vmem_shared>>) target_semaphore(%run_scoped3A : memref<!tpu.dma_semaphore, #tpu.memory_space<semaphore_mem>>)
      %dma_wait3A_200 = arith.constant 0 : i32
      %dma_wait3A_201 = tpu.memref_slice %arg14[%add3A_35, %dma_wait3A_200] : memref<10240x128xf32, #tpu.memory_space<vmem_shared>> -> memref<64x128xf32, #tpu.memory_space<vmem_shared>>
      %dma_wait3A_202 = arith.constant 0 : i32
      %dma_wait3A_203 = tpu.memref_slice %arg14[%add3A_35, %dma_wait3A_202] : memref<10240x128xf32, #tpu.memory_space<vmem_shared>> -> memref<64x128xf32, #tpu.memory_space<vmem_shared>>
      tpu.wait_dma2 semaphore(%run_scoped3A : memref<!tpu.dma_semaphore, #tpu.memory_space<semaphore_mem>>) src(%arg7 : memref<64x128xf32, #tpu.memory_space<vmem>>) dst(%dma_wait3A_203 : memref<64x128xf32, #tpu.memory_space<vmem_shared>>)
      tpu.yield
    }) : () -> ()
    %add3A_36 = arith.constant 128 : i32
    %add3A_37 = arith.addi %mul3A_0, %add3A_36 : i32
    "tpu.region"() ({
      %run_scoped3A = tpu.sem_alloc : memref<!tpu.dma_semaphore, #tpu.memory_space<semaphore_mem>>
      %dma_start3A_196 = arith.constant 0 : i32
      %dma_start3A_197 = tpu.memref_slice %arg14[%add3A_37, %dma_start3A_196] : memref<10240x128xf32, #tpu.memory_space<vmem_shared>> -> memref<64x128xf32, #tpu.memory_space<vmem_shared>>
      %dma_start3A_198 = arith.constant 0 : i32
      %dma_start3A_199 = tpu.memref_slice %arg14[%add3A_37, %dma_start3A_198] : memref<10240x128xf32, #tpu.memory_space<vmem_shared>> -> memref<64x128xf32, #tpu.memory_space<vmem_shared>>
      tpu.enqueue_dma source(%arg7 : memref<64x128xf32, #tpu.memory_space<vmem>>) target(%dma_start3A_199 : memref<64x128xf32, #tpu.memory_space<vmem_shared>>) target_semaphore(%run_scoped3A : memref<!tpu.dma_semaphore, #tpu.memory_space<semaphore_mem>>)
      %dma_wait3A_200 = arith.constant 0 : i32
      %dma_wait3A_201 = tpu.memref_slice %arg14[%add3A_37, %dma_wait3A_200] : memref<10240x128xf32, #tpu.memory_space<vmem_shared>> -> memref<64x128xf32, #tpu.memory_space<vmem_shared>>
      %dma_wait3A_202 = arith.constant 0 : i32
      %dma_wait3A_203 = tpu.memref_slice %arg14[%add3A_37, %dma_wait3A_202] : memref<10240x128xf32, #tpu.memory_space<vmem_shared>> -> memref<64x128xf32, #tpu.memory_space<vmem_shared>>
      tpu.wait_dma2 semaphore(%run_scoped3A : memref<!tpu.dma_semaphore, #tpu.memory_space<semaphore_mem>>) src(%arg7 : memref<64x128xf32, #tpu.memory_space<vmem>>) dst(%dma_wait3A_203 : memref<64x128xf32, #tpu.memory_space<vmem_shared>>)
      tpu.yield
    }) : () -> ()
    %add3A_38 = arith.constant 192 : i32
    %add3A_39 = arith.addi %mul3A_0, %add3A_38 : i32
    "tpu.region"() ({
      %run_scoped3A = tpu.sem_alloc : memref<!tpu.dma_semaphore, #tpu.memory_space<semaphore_mem>>
      %dma_start3A_196 = arith.constant 0 : i32
      %dma_start3A_197 = tpu.memref_slice %arg14[%add3A_39, %dma_start3A_196] : memref<10240x128xf32, #tpu.memory_space<vmem_shared>> -> memref<64x128xf32, #tpu.memory_space<vmem_shared>>
      %dma_start3A_198 = arith.constant 0 : i32
      %dma_start3A_199 = tpu.memref_slice %arg14[%add3A_39, %dma_start3A_198] : memref<10240x128xf32, #tpu.memory_space<vmem_shared>> -> memref<64x128xf32, #tpu.memory_space<vmem_shared>>
      tpu.enqueue_dma source(%arg7 : memref<64x128xf32, #tpu.memory_space<vmem>>) target(%dma_start3A_199 : memref<64x128xf32, #tpu.memory_space<vmem_shared>>) target_semaphore(%run_scoped3A : memref<!tpu.dma_semaphore, #tpu.memory_space<semaphore_mem>>)
      %dma_wait3A_200 = arith.constant 0 : i32
      %dma_wait3A_201 = tpu.memref_slice %arg14[%add3A_39, %dma_wait3A_200] : memref<10240x128xf32, #tpu.memory_space<vmem_shared>> -> memref<64x128xf32, #tpu.memory_space<vmem_shared>>
      %dma_wait3A_202 = arith.constant 0 : i32
      %dma_wait3A_203 = tpu.memref_slice %arg14[%add3A_39, %dma_wait3A_202] : memref<10240x128xf32, #tpu.memory_space<vmem_shared>> -> memref<64x128xf32, #tpu.memory_space<vmem_shared>>
      tpu.wait_dma2 semaphore(%run_scoped3A : memref<!tpu.dma_semaphore, #tpu.memory_space<semaphore_mem>>) src(%arg7 : memref<64x128xf32, #tpu.memory_space<vmem>>) dst(%dma_wait3A_203 : memref<64x128xf32, #tpu.memory_space<vmem_shared>>)
      tpu.yield
    }) : () -> ()
    %add3A_40 = arith.constant 256 : i32
    %add3A_41 = arith.addi %mul3A_0, %add3A_40 : i32
    "tpu.region"() ({
      %run_scoped3A = tpu.sem_alloc : memref<!tpu.dma_semaphore, #tpu.memory_space<semaphore_mem>>
      %dma_start3A_196 = arith.constant 0 : i32
      %dma_start3A_197 = tpu.memref_slice %arg14[%add3A_41, %dma_start3A_196] : memref<10240x128xf32, #tpu.memory_space<vmem_shared>> -> memref<64x128xf32, #tpu.memory_space<vmem_shared>>
      %dma_start3A_198 = arith.constant 0 : i32
      %dma_start3A_199 = tpu.memref_slice %arg14[%add3A_41, %dma_start3A_198] : memref<10240x128xf32, #tpu.memory_space<vmem_shared>> -> memref<64x128xf32, #tpu.memory_space<vmem_shared>>
      tpu.enqueue_dma source(%arg7 : memref<64x128xf32, #tpu.memory_space<vmem>>) target(%dma_start3A_199 : memref<64x128xf32, #tpu.memory_space<vmem_shared>>) target_semaphore(%run_scoped3A : memref<!tpu.dma_semaphore, #tpu.memory_space<semaphore_mem>>)
      %dma_wait3A_200 = arith.constant 0 : i32
      %dma_wait3A_201 = tpu.memref_slice %arg14[%add3A_41, %dma_wait3A_200] : memref<10240x128xf32, #tpu.memory_space<vmem_shared>> -> memref<64x128xf32, #tpu.memory_space<vmem_shared>>
      %dma_wait3A_202 = arith.constant 0 : i32
      %dma_wait3A_203 = tpu.memref_slice %arg14[%add3A_41, %dma_wait3A_202] : memref<10240x128xf32, #tpu.memory_space<vmem_shared>> -> memref<64x128xf32, #tpu.memory_space<vmem_shared>>
      tpu.wait_dma2 semaphore(%run_scoped3A : memref<!tpu.dma_semaphore, #tpu.memory_space<semaphore_mem>>) src(%arg7 : memref<64x128xf32, #tpu.memory_space<vmem>>) dst(%dma_wait3A_203 : memref<64x128xf32, #tpu.memory_space<vmem_shared>>)
      tpu.yield
    }) : () -> ()
    %add3A_42 = arith.constant 320 : i32
    %add3A_43 = arith.addi %mul3A_0, %add3A_42 : i32
    "tpu.region"() ({
      %run_scoped3A = tpu.sem_alloc : memref<!tpu.dma_semaphore, #tpu.memory_space<semaphore_mem>>
      %dma_start3A_196 = arith.constant 0 : i32
      %dma_start3A_197 = tpu.memref_slice %arg14[%add3A_43, %dma_start3A_196] : memref<10240x128xf32, #tpu.memory_space<vmem_shared>> -> memref<64x128xf32, #tpu.memory_space<vmem_shared>>
      %dma_start3A_198 = arith.constant 0 : i32
      %dma_start3A_199 = tpu.memref_slice %arg14[%add3A_43, %dma_start3A_198] : memref<10240x128xf32, #tpu.memory_space<vmem_shared>> -> memref<64x128xf32, #tpu.memory_space<vmem_shared>>
      tpu.enqueue_dma source(%arg7 : memref<64x128xf32, #tpu.memory_space<vmem>>) target(%dma_start3A_199 : memref<64x128xf32, #tpu.memory_space<vmem_shared>>) target_semaphore(%run_scoped3A : memref<!tpu.dma_semaphore, #tpu.memory_space<semaphore_mem>>)
      %dma_wait3A_200 = arith.constant 0 : i32
      %dma_wait3A_201 = tpu.memref_slice %arg14[%add3A_43, %dma_wait3A_200] : memref<10240x128xf32, #tpu.memory_space<vmem_shared>> -> memref<64x128xf32, #tpu.memory_space<vmem_shared>>
      %dma_wait3A_202 = arith.constant 0 : i32
      %dma_wait3A_203 = tpu.memref_slice %arg14[%add3A_43, %dma_wait3A_202] : memref<10240x128xf32, #tpu.memory_space<vmem_shared>> -> memref<64x128xf32, #tpu.memory_space<vmem_shared>>
      tpu.wait_dma2 semaphore(%run_scoped3A : memref<!tpu.dma_semaphore, #tpu.memory_space<semaphore_mem>>) src(%arg7 : memref<64x128xf32, #tpu.memory_space<vmem>>) dst(%dma_wait3A_203 : memref<64x128xf32, #tpu.memory_space<vmem_shared>>)
      tpu.yield
    }) : () -> ()
    %add3A_44 = arith.constant 384 : i32
    %add3A_45 = arith.addi %mul3A_0, %add3A_44 : i32
    "tpu.region"() ({
      %run_scoped3A = tpu.sem_alloc : memref<!tpu.dma_semaphore, #tpu.memory_space<semaphore_mem>>
      %dma_start3A_196 = arith.constant 0 : i32
      %dma_start3A_197 = tpu.memref_slice %arg14[%add3A_45, %dma_start3A_196] : memref<10240x128xf32, #tpu.memory_space<vmem_shared>> -> memref<64x128xf32, #tpu.memory_space<vmem_shared>>
      %dma_start3A_198 = arith.constant 0 : i32
      %dma_start3A_199 = tpu.memref_slice %arg14[%add3A_45, %dma_start3A_198] : memref<10240x128xf32, #tpu.memory_space<vmem_shared>> -> memref<64x128xf32, #tpu.memory_space<vmem_shared>>
      tpu.enqueue_dma source(%arg7 : memref<64x128xf32, #tpu.memory_space<vmem>>) target(%dma_start3A_199 : memref<64x128xf32, #tpu.memory_space<vmem_shared>>) target_semaphore(%run_scoped3A : memref<!tpu.dma_semaphore, #tpu.memory_space<semaphore_mem>>)
      %dma_wait3A_200 = arith.constant 0 : i32
      %dma_wait3A_201 = tpu.memref_slice %arg14[%add3A_45, %dma_wait3A_200] : memref<10240x128xf32, #tpu.memory_space<vmem_shared>> -> memref<64x128xf32, #tpu.memory_space<vmem_shared>>
      %dma_wait3A_202 = arith.constant 0 : i32
      %dma_wait3A_203 = tpu.memref_slice %arg14[%add3A_45, %dma_wait3A_202] : memref<10240x128xf32, #tpu.memory_space<vmem_shared>> -> memref<64x128xf32, #tpu.memory_space<vmem_shared>>
      tpu.wait_dma2 semaphore(%run_scoped3A : memref<!tpu.dma_semaphore, #tpu.memory_space<semaphore_mem>>) src(%arg7 : memref<64x128xf32, #tpu.memory_space<vmem>>) dst(%dma_wait3A_203 : memref<64x128xf32, #tpu.memory_space<vmem_shared>>)
      tpu.yield
    }) : () -> ()
    %add3A_46 = arith.constant 448 : i32
    %add3A_47 = arith.addi %mul3A_0, %add3A_46 : i32
    "tpu.region"() ({
      %run_scoped3A = tpu.sem_alloc : memref<!tpu.dma_semaphore, #tpu.memory_space<semaphore_mem>>
      %dma_start3A_196 = arith.constant 0 : i32
      %dma_start3A_197 = tpu.memref_slice %arg14[%add3A_47, %dma_start3A_196] : memref<10240x128xf32, #tpu.memory_space<vmem_shared>> -> memref<64x128xf32, #tpu.memory_space<vmem_shared>>
      %dma_start3A_198 = arith.constant 0 : i32
      %dma_start3A_199 = tpu.memref_slice %arg14[%add3A_47, %dma_start3A_198] : memref<10240x128xf32, #tpu.memory_space<vmem_shared>> -> memref<64x128xf32, #tpu.memory_space<vmem_shared>>
      tpu.enqueue_dma source(%arg7 : memref<64x128xf32, #tpu.memory_space<vmem>>) target(%dma_start3A_199 : memref<64x128xf32, #tpu.memory_space<vmem_shared>>) target_semaphore(%run_scoped3A : memref<!tpu.dma_semaphore, #tpu.memory_space<semaphore_mem>>)
      %dma_wait3A_200 = arith.constant 0 : i32
      %dma_wait3A_201 = tpu.memref_slice %arg14[%add3A_47, %dma_wait3A_200] : memref<10240x128xf32, #tpu.memory_space<vmem_shared>> -> memref<64x128xf32, #tpu.memory_space<vmem_shared>>
      %dma_wait3A_202 = arith.constant 0 : i32
      %dma_wait3A_203 = tpu.memref_slice %arg14[%add3A_47, %dma_wait3A_202] : memref<10240x128xf32, #tpu.memory_space<vmem_shared>> -> memref<64x128xf32, #tpu.memory_space<vmem_shared>>
      tpu.wait_dma2 semaphore(%run_scoped3A : memref<!tpu.dma_semaphore, #tpu.memory_space<semaphore_mem>>) src(%arg7 : memref<64x128xf32, #tpu.memory_space<vmem>>) dst(%dma_wait3A_203 : memref<64x128xf32, #tpu.memory_space<vmem_shared>>)
      tpu.yield
    }) : () -> ()
    %add3A_48 = arith.constant 512 : i32
    %add3A_49 = arith.addi %mul3A_0, %add3A_48 : i32
    "tpu.region"() ({
      %run_scoped3A = tpu.sem_alloc : memref<!tpu.dma_semaphore, #tpu.memory_space<semaphore_mem>>
      %dma_start3A_196 = arith.constant 0 : i32
      %dma_start3A_197 = tpu.memref_slice %arg14[%add3A_49, %dma_start3A_196] : memref<10240x128xf32, #tpu.memory_space<vmem_shared>> -> memref<64x128xf32, #tpu.memory_space<vmem_shared>>
      %dma_start3A_198 = arith.constant 0 : i32
      %dma_start3A_199 = tpu.memref_slice %arg14[%add3A_49, %dma_start3A_198] : memref<10240x128xf32, #tpu.memory_space<vmem_shared>> -> memref<64x128xf32, #tpu.memory_space<vmem_shared>>
      tpu.enqueue_dma source(%arg7 : memref<64x128xf32, #tpu.memory_space<vmem>>) target(%dma_start3A_199 : memref<64x128xf32, #tpu.memory_space<vmem_shared>>) target_semaphore(%run_scoped3A : memref<!tpu.dma_semaphore, #tpu.memory_space<semaphore_mem>>)
      %dma_wait3A_200 = arith.constant 0 : i32
      %dma_wait3A_201 = tpu.memref_slice %arg14[%add3A_49, %dma_wait3A_200] : memref<10240x128xf32, #tpu.memory_space<vmem_shared>> -> memref<64x128xf32, #tpu.memory_space<vmem_shared>>
      %dma_wait3A_202 = arith.constant 0 : i32
      %dma_wait3A_203 = tpu.memref_slice %arg14[%add3A_49, %dma_wait3A_202] : memref<10240x128xf32, #tpu.memory_space<vmem_shared>> -> memref<64x128xf32, #tpu.memory_space<vmem_shared>>
      tpu.wait_dma2 semaphore(%run_scoped3A : memref<!tpu.dma_semaphore, #tpu.memory_space<semaphore_mem>>) src(%arg7 : memref<64x128xf32, #tpu.memory_space<vmem>>) dst(%dma_wait3A_203 : memref<64x128xf32, #tpu.memory_space<vmem_shared>>)
      tpu.yield
    }) : () -> ()
    %add3A_50 = arith.constant 576 : i32
    %add3A_51 = arith.addi %mul3A_0, %add3A_50 : i32
    "tpu.region"() ({
      %run_scoped3A = tpu.sem_alloc : memref<!tpu.dma_semaphore, #tpu.memory_space<semaphore_mem>>
      %dma_start3A_196 = arith.constant 0 : i32
      %dma_start3A_197 = tpu.memref_slice %arg14[%add3A_51, %dma_start3A_196] : memref<10240x128xf32, #tpu.memory_space<vmem_shared>> -> memref<64x128xf32, #tpu.memory_space<vmem_shared>>
      %dma_start3A_198 = arith.constant 0 : i32
      %dma_start3A_199 = tpu.memref_slice %arg14[%add3A_51, %dma_start3A_198] : memref<10240x128xf32, #tpu.memory_space<vmem_shared>> -> memref<64x128xf32, #tpu.memory_space<vmem_shared>>
      tpu.enqueue_dma source(%arg7 : memref<64x128xf32, #tpu.memory_space<vmem>>) target(%dma_start3A_199 : memref<64x128xf32, #tpu.memory_space<vmem_shared>>) target_semaphore(%run_scoped3A : memref<!tpu.dma_semaphore, #tpu.memory_space<semaphore_mem>>)
      %dma_wait3A_200 = arith.constant 0 : i32
      %dma_wait3A_201 = tpu.memref_slice %arg14[%add3A_51, %dma_wait3A_200] : memref<10240x128xf32, #tpu.memory_space<vmem_shared>> -> memref<64x128xf32, #tpu.memory_space<vmem_shared>>
      %dma_wait3A_202 = arith.constant 0 : i32
      %dma_wait3A_203 = tpu.memref_slice %arg14[%add3A_51, %dma_wait3A_202] : memref<10240x128xf32, #tpu.memory_space<vmem_shared>> -> memref<64x128xf32, #tpu.memory_space<vmem_shared>>
      tpu.wait_dma2 semaphore(%run_scoped3A : memref<!tpu.dma_semaphore, #tpu.memory_space<semaphore_mem>>) src(%arg7 : memref<64x128xf32, #tpu.memory_space<vmem>>) dst(%dma_wait3A_203 : memref<64x128xf32, #tpu.memory_space<vmem_shared>>)
      tpu.yield
    }) : () -> ()
    %barrier3A = arith.constant 0 : index
    tpu.barrier barrier_id(%barrier3A)
    %add3A_52 = arith.constant 0 : i32
    %add3A_53 = arith.addi %select_n3A, %add3A_52 : i32
    %dma_start3A = arith.constant 0 : i32
    %dma_start3A_54 = tpu.memref_slice %arg3[%arg1, %add3A_53, %dma_start3A] : memref<16x160x128xi32, #tpu.memory_space<hbm>> -> memref<1x1x128xi32, #tpu.memory_space<hbm>>
    %dma_start3A_55 = tpu.memref_squeeze %dma_start3A_54 : memref<1x1x128xi32, #tpu.memory_space<hbm>> -> memref<128xi32, #tpu.memory_space<hbm>>
    %dma_start3A_56 = arith.constant 0 : i32
    %dma_start3A_57 = tpu.memref_slice %arg3[%arg1, %add3A_53, %dma_start3A_56] : memref<16x160x128xi32, #tpu.memory_space<hbm>> -> memref<1x1x128xi32, #tpu.memory_space<hbm>>
    %dma_start3A_58 = tpu.memref_squeeze %dma_start3A_57 : memref<1x1x128xi32, #tpu.memory_space<hbm>> -> memref<128xi32, #tpu.memory_space<hbm>>
    tpu.enqueue_dma source(%dma_start3A_58 : memref<128xi32, #tpu.memory_space<hbm>>) target(%arg8 : memref<128xi32, #tpu.memory_space<vmem>>) target_semaphore(%arg19 : memref<!tpu.dma_semaphore, #tpu.memory_space<semaphore_mem>>)
    %add3A_59 = arith.constant 0 : i32
    %add3A_60 = arith.addi %select_n3A, %add3A_59 : i32
    %dma_start3A_61 = arith.constant 0 : i32
    %dma_start3A_62 = tpu.memref_slice %arg4[%arg1, %add3A_60, %dma_start3A_61] : memref<16x160x128xi32, #tpu.memory_space<hbm>> -> memref<1x1x128xi32, #tpu.memory_space<hbm>>
    %dma_start3A_63 = tpu.memref_squeeze %dma_start3A_62 : memref<1x1x128xi32, #tpu.memory_space<hbm>> -> memref<128xi32, #tpu.memory_space<hbm>>
    %dma_start3A_64 = arith.constant 0 : i32
    %dma_start3A_65 = tpu.memref_slice %arg4[%arg1, %add3A_60, %dma_start3A_64] : memref<16x160x128xi32, #tpu.memory_space<hbm>> -> memref<1x1x128xi32, #tpu.memory_space<hbm>>
    %dma_start3A_66 = tpu.memref_squeeze %dma_start3A_65 : memref<1x1x128xi32, #tpu.memory_space<hbm>> -> memref<128xi32, #tpu.memory_space<hbm>>
    tpu.enqueue_dma source(%dma_start3A_66 : memref<128xi32, #tpu.memory_space<hbm>>) target(%arg10 : memref<128xi32, #tpu.memory_space<vmem>>) target_semaphore(%arg21 : memref<!tpu.dma_semaphore, #tpu.memory_space<semaphore_mem>>)
    %add3A_67 = arith.constant 1 : i32
    %add3A_68 = arith.addi %select_n3A, %add3A_67 : i32
    %dma_start3A_69 = arith.constant 0 : i32
    %dma_start3A_70 = tpu.memref_slice %arg3[%arg1, %add3A_68, %dma_start3A_69] : memref<16x160x128xi32, #tpu.memory_space<hbm>> -> memref<1x1x128xi32, #tpu.memory_space<hbm>>
    %dma_start3A_71 = tpu.memref_squeeze %dma_start3A_70 : memref<1x1x128xi32, #tpu.memory_space<hbm>> -> memref<128xi32, #tpu.memory_space<hbm>>
    %dma_start3A_72 = arith.constant 0 : i32
    %dma_start3A_73 = tpu.memref_slice %arg3[%arg1, %add3A_68, %dma_start3A_72] : memref<16x160x128xi32, #tpu.memory_space<hbm>> -> memref<1x1x128xi32, #tpu.memory_space<hbm>>
    %dma_start3A_74 = tpu.memref_squeeze %dma_start3A_73 : memref<1x1x128xi32, #tpu.memory_space<hbm>> -> memref<128xi32, #tpu.memory_space<hbm>>
    tpu.enqueue_dma source(%dma_start3A_74 : memref<128xi32, #tpu.memory_space<hbm>>) target(%arg9 : memref<128xi32, #tpu.memory_space<vmem>>) target_semaphore(%arg20 : memref<!tpu.dma_semaphore, #tpu.memory_space<semaphore_mem>>)
    %add3A_75 = arith.constant 1 : i32
    %add3A_76 = arith.addi %select_n3A, %add3A_75 : i32
    %dma_start3A_77 = arith.constant 0 : i32
    %dma_start3A_78 = tpu.memref_slice %arg4[%arg1, %add3A_76, %dma_start3A_77] : memref<16x160x128xi32, #tpu.memory_space<hbm>> -> memref<1x1x128xi32, #tpu.memory_space<hbm>>
    %dma_start3A_79 = tpu.memref_squeeze %dma_start3A_78 : memref<1x1x128xi32, #tpu.memory_space<hbm>> -> memref<128xi32, #tpu.memory_space<hbm>>
    %dma_start3A_80 = arith.constant 0 : i32
    %dma_start3A_81 = tpu.memref_slice %arg4[%arg1, %add3A_76, %dma_start3A_80] : memref<16x160x128xi32, #tpu.memory_space<hbm>> -> memref<1x1x128xi32, #tpu.memory_space<hbm>>
    %dma_start3A_82 = tpu.memref_squeeze %dma_start3A_81 : memref<1x1x128xi32, #tpu.memory_space<hbm>> -> memref<128xi32, #tpu.memory_space<hbm>>
    tpu.enqueue_dma source(%dma_start3A_82 : memref<128xi32, #tpu.memory_space<hbm>>) target(%arg11 : memref<128xi32, #tpu.memory_space<vmem>>) target_semaphore(%arg22 : memref<!tpu.dma_semaphore, #tpu.memory_space<semaphore_mem>>)
    %add3A_83 = arith.constant 0 : i32
    %add3A_84 = arith.addi %select_n3A, %add3A_83 : i32
    %dma_wait3A = arith.constant 0 : i32
    %dma_wait3A_85 = tpu.memref_slice %arg3[%arg1, %add3A_84, %dma_wait3A] : memref<16x160x128xi32, #tpu.memory_space<hbm>> -> memref<1x1x128xi32, #tpu.memory_space<hbm>>
    %dma_wait3A_86 = tpu.memref_squeeze %dma_wait3A_85 : memref<1x1x128xi32, #tpu.memory_space<hbm>> -> memref<128xi32, #tpu.memory_space<hbm>>
    %dma_wait3A_87 = arith.constant 0 : i32
    %dma_wait3A_88 = tpu.memref_slice %arg3[%arg1, %add3A_84, %dma_wait3A_87] : memref<16x160x128xi32, #tpu.memory_space<hbm>> -> memref<1x1x128xi32, #tpu.memory_space<hbm>>
    %dma_wait3A_89 = tpu.memref_squeeze %dma_wait3A_88 : memref<1x1x128xi32, #tpu.memory_space<hbm>> -> memref<128xi32, #tpu.memory_space<hbm>>
    tpu.wait_dma2 semaphore(%arg19 : memref<!tpu.dma_semaphore, #tpu.memory_space<semaphore_mem>>) src(%dma_wait3A_89 : memref<128xi32, #tpu.memory_space<hbm>>) dst(%arg8 : memref<128xi32, #tpu.memory_space<vmem>>)
    %dma_start3A_90 = arith.constant 0 : i32
    %dma_start3A_91 = arith.constant 0 : i32
    %dma_start3A_92 = tpu.memref_slice %arg2[%dma_start3A_90, %dma_start3A_91] : memref<10000x128xf32, #tpu.memory_space<hbm>> -> memref<10000x128xf32, #tpu.memory_space<hbm>>
    tpu.enqueue_indirect_dma source(%dma_start3A_92 : memref<10000x128xf32, #tpu.memory_space<hbm>>) target(%arg12 : memref<128x128xf32, #tpu.memory_space<vmem>>) offsets(%arg8 : memref<128xi32, #tpu.memory_space<vmem>>) semaphore(%arg15 : memref<!tpu.dma_semaphore, #tpu.memory_space<semaphore_mem>>)
    %add3A_93 = arith.constant 1 : i32
    %add3A_94 = arith.addi %select_n3A, %add3A_93 : i32
    %dma_wait3A_95 = arith.constant 0 : i32
    %dma_wait3A_96 = tpu.memref_slice %arg3[%arg1, %add3A_94, %dma_wait3A_95] : memref<16x160x128xi32, #tpu.memory_space<hbm>> -> memref<1x1x128xi32, #tpu.memory_space<hbm>>
    %dma_wait3A_97 = tpu.memref_squeeze %dma_wait3A_96 : memref<1x1x128xi32, #tpu.memory_space<hbm>> -> memref<128xi32, #tpu.memory_space<hbm>>
    %dma_wait3A_98 = arith.constant 0 : i32
    %dma_wait3A_99 = tpu.memref_slice %arg3[%arg1, %add3A_94, %dma_wait3A_98] : memref<16x160x128xi32, #tpu.memory_space<hbm>> -> memref<1x1x128xi32, #tpu.memory_space<hbm>>
    %dma_wait3A_100 = tpu.memref_squeeze %dma_wait3A_99 : memref<1x1x128xi32, #tpu.memory_space<hbm>> -> memref<128xi32, #tpu.memory_space<hbm>>
    tpu.wait_dma2 semaphore(%arg20 : memref<!tpu.dma_semaphore, #tpu.memory_space<semaphore_mem>>) src(%dma_wait3A_100 : memref<128xi32, #tpu.memory_space<hbm>>) dst(%arg9 : memref<128xi32, #tpu.memory_space<vmem>>)
    %dma_start3A_101 = arith.constant 0 : i32
    %dma_start3A_102 = arith.constant 0 : i32
    %dma_start3A_103 = tpu.memref_slice %arg2[%dma_start3A_101, %dma_start3A_102] : memref<10000x128xf32, #tpu.memory_space<hbm>> -> memref<10000x128xf32, #tpu.memory_space<hbm>>
    tpu.enqueue_indirect_dma source(%dma_start3A_103 : memref<10000x128xf32, #tpu.memory_space<hbm>>) target(%arg13 : memref<128x128xf32, #tpu.memory_space<vmem>>) offsets(%arg9 : memref<128xi32, #tpu.memory_space<vmem>>) semaphore(%arg16 : memref<!tpu.dma_semaphore, #tpu.memory_space<semaphore_mem>>)
    %sub3A_104 = arith.constant 1 : i32
    %sub3A_105 = arith.subi %select_n3A_26, %sub3A_104 : i32
    %while3A = arith.constant 0 : i32
    %while3A_106 = arith.constant 0 : i32
    %while3A_107 = arith.subi %sub3A_105, %while3A : i32
    %while3A_108 = arith.addi %while3A, %while3A_107 : i32
    %while3A_109 = arith.constant 1 : i32
    %while3A_110 = arith.divsi %while3A_107, %while3A_109 : i32
    %while3A_111 = arith.muli %while3A_110, %while3A_109 : i32
    %while3A_112 = arith.addi %while3A, %while3A_111 : i32
    %while3A_113 = arith.constant 1 : i32
    %while3A_114 = scf.for %while3A_196 = %while3A to %while3A_112 step %while3A_113 iter_args(%while3A_197 = %while3A_106) -> (i32)  : i32 {
      %mul3A_198 = arith.constant 2 : i32
      %mul3A_199 = arith.muli %mul3A_198, %while3A_196 : i32
      %dma_wait3A_200 = arith.constant 0 : i32
      %dma_wait3A_201 = arith.constant 0 : i32
      %dma_wait3A_202 = tpu.memref_slice %arg2[%dma_wait3A_200, %dma_wait3A_201] : memref<10000x128xf32, #tpu.memory_space<hbm>> -> memref<10000x128xf32, #tpu.memory_space<hbm>>
      tpu.wait_indirect_dma semaphore(%arg15 : memref<!tpu.dma_semaphore, #tpu.memory_space<semaphore_mem>>) src(%dma_wait3A_202 : memref<10000x128xf32, #tpu.memory_space<hbm>>) dst(%arg12 : memref<128x128xf32, #tpu.memory_space<vmem>>)
      %add3A_203 = arith.constant 0 : i32
      %add3A_204 = arith.addi %mul3A_199, %add3A_203 : i32
      %add3A_205 = arith.constant 2 : i32
      %add3A_206 = arith.addi %add3A_204, %add3A_205 : i32
      %add3A_207 = arith.addi %select_n3A, %add3A_206 : i32
      %dma_start3A_208 = arith.constant 0 : i32
      %dma_start3A_209 = tpu.memref_slice %arg3[%arg1, %add3A_207, %dma_start3A_208] : memref<16x160x128xi32, #tpu.memory_space<hbm>> -> memref<1x1x128xi32, #tpu.memory_space<hbm>>
      %dma_start3A_210 = tpu.memref_squeeze %dma_start3A_209 : memref<1x1x128xi32, #tpu.memory_space<hbm>> -> memref<128xi32, #tpu.memory_space<hbm>>
      %dma_start3A_211 = arith.constant 0 : i32
      %dma_start3A_212 = tpu.memref_slice %arg3[%arg1, %add3A_207, %dma_start3A_211] : memref<16x160x128xi32, #tpu.memory_space<hbm>> -> memref<1x1x128xi32, #tpu.memory_space<hbm>>
      %dma_start3A_213 = tpu.memref_squeeze %dma_start3A_212 : memref<1x1x128xi32, #tpu.memory_space<hbm>> -> memref<128xi32, #tpu.memory_space<hbm>>
      tpu.enqueue_dma source(%dma_start3A_213 : memref<128xi32, #tpu.memory_space<hbm>>) target(%arg8 : memref<128xi32, #tpu.memory_space<vmem>>) target_semaphore(%arg19 : memref<!tpu.dma_semaphore, #tpu.memory_space<semaphore_mem>>)
      %add3A_214 = arith.constant 0 : i32
      %add3A_215 = arith.addi %mul3A_199, %add3A_214 : i32
      %add3A_216 = arith.addi %select_n3A, %add3A_215 : i32
      %dma_wait3A_217 = arith.constant 0 : i32
      %dma_wait3A_218 = tpu.memref_slice %arg4[%arg1, %add3A_216, %dma_wait3A_217] : memref<16x160x128xi32, #tpu.memory_space<hbm>> -> memref<1x1x128xi32, #tpu.memory_space<hbm>>
      %dma_wait3A_219 = tpu.memref_squeeze %dma_wait3A_218 : memref<1x1x128xi32, #tpu.memory_space<hbm>> -> memref<128xi32, #tpu.memory_space<hbm>>
      %dma_wait3A_220 = arith.constant 0 : i32
      %dma_wait3A_221 = tpu.memref_slice %arg4[%arg1, %add3A_216, %dma_wait3A_220] : memref<16x160x128xi32, #tpu.memory_space<hbm>> -> memref<1x1x128xi32, #tpu.memory_space<hbm>>
      %dma_wait3A_222 = tpu.memref_squeeze %dma_wait3A_221 : memref<1x1x128xi32, #tpu.memory_space<hbm>> -> memref<128xi32, #tpu.memory_space<hbm>>
      tpu.wait_dma2 semaphore(%arg21 : memref<!tpu.dma_semaphore, #tpu.memory_space<semaphore_mem>>) src(%dma_wait3A_222 : memref<128xi32, #tpu.memory_space<hbm>>) dst(%arg10 : memref<128xi32, #tpu.memory_space<vmem>>)
      %dma_start3A_223 = arith.constant 0 : i32
      %dma_start3A_224 = arith.constant 0 : i32
      %dma_start3A_225 = tpu.memref_slice %arg14[%dma_start3A_223, %dma_start3A_224] : memref<10240x128xf32, #tpu.memory_space<vmem_shared>> -> memref<10240x128xf32, #tpu.memory_space<vmem_shared>>
      tpu.enqueue_indirect_dma source(%arg12 : memref<128x128xf32, #tpu.memory_space<vmem>>) target(%dma_start3A_225 : memref<10240x128xf32, #tpu.memory_space<vmem_shared>>) offsets(%arg10 : memref<128xi32, #tpu.memory_space<vmem>>) semaphore(%arg17 : memref<!tpu.dma_semaphore, #tpu.memory_space<semaphore_mem>>) {add = true}
      %dma_wait3A_226 = arith.constant 0 : i32
      %dma_wait3A_227 = arith.constant 0 : i32
      %dma_wait3A_228 = tpu.memref_slice %arg2[%dma_wait3A_226, %dma_wait3A_227] : memref<10000x128xf32, #tpu.memory_space<hbm>> -> memref<10000x128xf32, #tpu.memory_space<hbm>>
      tpu.wait_indirect_dma semaphore(%arg16 : memref<!tpu.dma_semaphore, #tpu.memory_space<semaphore_mem>>) src(%dma_wait3A_228 : memref<10000x128xf32, #tpu.memory_space<hbm>>) dst(%arg13 : memref<128x128xf32, #tpu.memory_space<vmem>>)
      %add3A_229 = arith.constant 1 : i32
      %add3A_230 = arith.addi %mul3A_199, %add3A_229 : i32
      %add3A_231 = arith.constant 2 : i32
      %add3A_232 = arith.addi %add3A_230, %add3A_231 : i32
      %add3A_233 = arith.addi %select_n3A, %add3A_232 : i32
      %dma_start3A_234 = arith.constant 0 : i32
      %dma_start3A_235 = tpu.memref_slice %arg3[%arg1, %add3A_233, %dma_start3A_234] : memref<16x160x128xi32, #tpu.memory_space<hbm>> -> memref<1x1x128xi32, #tpu.memory_space<hbm>>
      %dma_start3A_236 = tpu.memref_squeeze %dma_start3A_235 : memref<1x1x128xi32, #tpu.memory_space<hbm>> -> memref<128xi32, #tpu.memory_space<hbm>>
      %dma_start3A_237 = arith.constant 0 : i32
      %dma_start3A_238 = tpu.memref_slice %arg3[%arg1, %add3A_233, %dma_start3A_237] : memref<16x160x128xi32, #tpu.memory_space<hbm>> -> memref<1x1x128xi32, #tpu.memory_space<hbm>>
      %dma_start3A_239 = tpu.memref_squeeze %dma_start3A_238 : memref<1x1x128xi32, #tpu.memory_space<hbm>> -> memref<128xi32, #tpu.memory_space<hbm>>
      tpu.enqueue_dma source(%dma_start3A_239 : memref<128xi32, #tpu.memory_space<hbm>>) target(%arg9 : memref<128xi32, #tpu.memory_space<vmem>>) target_semaphore(%arg20 : memref<!tpu.dma_semaphore, #tpu.memory_space<semaphore_mem>>)
      %add3A_240 = arith.constant 1 : i32
      %add3A_241 = arith.addi %mul3A_199, %add3A_240 : i32
      %add3A_242 = arith.addi %select_n3A, %add3A_241 : i32
      %dma_wait3A_243 = arith.constant 0 : i32
      %dma_wait3A_244 = tpu.memref_slice %arg4[%arg1, %add3A_242, %dma_wait3A_243] : memref<16x160x128xi32, #tpu.memory_space<hbm>> -> memref<1x1x128xi32, #tpu.memory_space<hbm>>
      %dma_wait3A_245 = tpu.memref_squeeze %dma_wait3A_244 : memref<1x1x128xi32, #tpu.memory_space<hbm>> -> memref<128xi32, #tpu.memory_space<hbm>>
      %dma_wait3A_246 = arith.constant 0 : i32
      %dma_wait3A_247 = tpu.memref_slice %arg4[%arg1, %add3A_242, %dma_wait3A_246] : memref<16x160x128xi32, #tpu.memory_space<hbm>> -> memref<1x1x128xi32, #tpu.memory_space<hbm>>
      %dma_wait3A_248 = tpu.memref_squeeze %dma_wait3A_247 : memref<1x1x128xi32, #tpu.memory_space<hbm>> -> memref<128xi32, #tpu.memory_space<hbm>>
      tpu.wait_dma2 semaphore(%arg22 : memref<!tpu.dma_semaphore, #tpu.memory_space<semaphore_mem>>) src(%dma_wait3A_248 : memref<128xi32, #tpu.memory_space<hbm>>) dst(%arg11 : memref<128xi32, #tpu.memory_space<vmem>>)
      %dma_start3A_249 = arith.constant 0 : i32
      %dma_start3A_250 = arith.constant 0 : i32
      %dma_start3A_251 = tpu.memref_slice %arg14[%dma_start3A_249, %dma_start3A_250] : memref<10240x128xf32, #tpu.memory_space<vmem_shared>> -> memref<10240x128xf32, #tpu.memory_space<vmem_shared>>
      tpu.enqueue_indirect_dma source(%arg13 : memref<128x128xf32, #tpu.memory_space<vmem>>) target(%dma_start3A_251 : memref<10240x128xf32, #tpu.memory_space<vmem_shared>>) offsets(%arg11 : memref<128xi32, #tpu.memory_space<vmem>>) semaphore(%arg18 : memref<!tpu.dma_semaphore, #tpu.memory_space<semaphore_mem>>) {add = true}
      %dma_wait3A_252 = arith.constant 0 : i32
      %dma_wait3A_253 = arith.constant 0 : i32
      %dma_wait3A_254 = tpu.memref_slice %arg14[%dma_wait3A_252, %dma_wait3A_253] : memref<10240x128xf32, #tpu.memory_space<vmem_shared>> -> memref<10240x128xf32, #tpu.memory_space<vmem_shared>>
      tpu.wait_indirect_dma semaphore(%arg17 : memref<!tpu.dma_semaphore, #tpu.memory_space<semaphore_mem>>) src(%arg12 : memref<128x128xf32, #tpu.memory_space<vmem>>) dst(%dma_wait3A_254 : memref<10240x128xf32, #tpu.memory_space<vmem_shared>>)
      %add3A_255 = arith.constant 0 : i32
      %add3A_256 = arith.addi %mul3A_199, %add3A_255 : i32
      %add3A_257 = arith.constant 2 : i32
      %add3A_258 = arith.addi %add3A_256, %add3A_257 : i32
      %add3A_259 = arith.addi %select_n3A, %add3A_258 : i32
      %dma_start3A_260 = arith.constant 0 : i32
      %dma_start3A_261 = tpu.memref_slice %arg4[%arg1, %add3A_259, %dma_start3A_260] : memref<16x160x128xi32, #tpu.memory_space<hbm>> -> memref<1x1x128xi32, #tpu.memory_space<hbm>>
      %dma_start3A_262 = tpu.memref_squeeze %dma_start3A_261 : memref<1x1x128xi32, #tpu.memory_space<hbm>> -> memref<128xi32, #tpu.memory_space<hbm>>
      %dma_start3A_263 = arith.constant 0 : i32
      %dma_start3A_264 = tpu.memref_slice %arg4[%arg1, %add3A_259, %dma_start3A_263] : memref<16x160x128xi32, #tpu.memory_space<hbm>> -> memref<1x1x128xi32, #tpu.memory_space<hbm>>
      %dma_start3A_265 = tpu.memref_squeeze %dma_start3A_264 : memref<1x1x128xi32, #tpu.memory_space<hbm>> -> memref<128xi32, #tpu.memory_space<hbm>>
      tpu.enqueue_dma source(%dma_start3A_265 : memref<128xi32, #tpu.memory_space<hbm>>) target(%arg10 : memref<128xi32, #tpu.memory_space<vmem>>) target_semaphore(%arg21 : memref<!tpu.dma_semaphore, #tpu.memory_space<semaphore_mem>>)
      %add3A_266 = arith.constant 0 : i32
      %add3A_267 = arith.addi %mul3A_199, %add3A_266 : i32
      %add3A_268 = arith.constant 2 : i32
      %add3A_269 = arith.addi %add3A_267, %add3A_268 : i32
      %add3A_270 = arith.addi %select_n3A, %add3A_269 : i32
      %dma_wait3A_271 = arith.constant 0 : i32
      %dma_wait3A_272 = tpu.memref_slice %arg3[%arg1, %add3A_270, %dma_wait3A_271] : memref<16x160x128xi32, #tpu.memory_space<hbm>> -> memref<1x1x128xi32, #tpu.memory_space<hbm>>
      %dma_wait3A_273 = tpu.memref_squeeze %dma_wait3A_272 : memref<1x1x128xi32, #tpu.memory_space<hbm>> -> memref<128xi32, #tpu.memory_space<hbm>>
      %dma_wait3A_274 = arith.constant 0 : i32
      %dma_wait3A_275 = tpu.memref_slice %arg3[%arg1, %add3A_270, %dma_wait3A_274] : memref<16x160x128xi32, #tpu.memory_space<hbm>> -> memref<1x1x128xi32, #tpu.memory_space<hbm>>
      %dma_wait3A_276 = tpu.memref_squeeze %dma_wait3A_275 : memref<1x1x128xi32, #tpu.memory_space<hbm>> -> memref<128xi32, #tpu.memory_space<hbm>>
      tpu.wait_dma2 semaphore(%arg19 : memref<!tpu.dma_semaphore, #tpu.memory_space<semaphore_mem>>) src(%dma_wait3A_276 : memref<128xi32, #tpu.memory_space<hbm>>) dst(%arg8 : memref<128xi32, #tpu.memory_space<vmem>>)
      %dma_start3A_277 = arith.constant 0 : i32
      %dma_start3A_278 = arith.constant 0 : i32
      %dma_start3A_279 = tpu.memref_slice %arg2[%dma_start3A_277, %dma_start3A_278] : memref<10000x128xf32, #tpu.memory_space<hbm>> -> memref<10000x128xf32, #tpu.memory_space<hbm>>
      tpu.enqueue_indirect_dma source(%dma_start3A_279 : memref<10000x128xf32, #tpu.memory_space<hbm>>) target(%arg12 : memref<128x128xf32, #tpu.memory_space<vmem>>) offsets(%arg8 : memref<128xi32, #tpu.memory_space<vmem>>) semaphore(%arg15 : memref<!tpu.dma_semaphore, #tpu.memory_space<semaphore_mem>>)
      %dma_wait3A_280 = arith.constant 0 : i32
      %dma_wait3A_281 = arith.constant 0 : i32
      %dma_wait3A_282 = tpu.memref_slice %arg14[%dma_wait3A_280, %dma_wait3A_281] : memref<10240x128xf32, #tpu.memory_space<vmem_shared>> -> memref<10240x128xf32, #tpu.memory_space<vmem_shared>>
      tpu.wait_indirect_dma semaphore(%arg18 : memref<!tpu.dma_semaphore, #tpu.memory_space<semaphore_mem>>) src(%arg13 : memref<128x128xf32, #tpu.memory_space<vmem>>) dst(%dma_wait3A_282 : memref<10240x128xf32, #tpu.memory_space<vmem_shared>>)
      %add3A_283 = arith.constant 1 : i32
      %add3A_284 = arith.addi %mul3A_199, %add3A_283 : i32
      %add3A_285 = arith.constant 2 : i32
      %add3A_286 = arith.addi %add3A_284, %add3A_285 : i32
      %add3A_287 = arith.addi %select_n3A, %add3A_286 : i32
      %dma_start3A_288 = arith.constant 0 : i32
      %dma_start3A_289 = tpu.memref_slice %arg4[%arg1, %add3A_287, %dma_start3A_288] : memref<16x160x128xi32, #tpu.memory_space<hbm>> -> memref<1x1x128xi32, #tpu.memory_space<hbm>>
      %dma_start3A_290 = tpu.memref_squeeze %dma_start3A_289 : memref<1x1x128xi32, #tpu.memory_space<hbm>> -> memref<128xi32, #tpu.memory_space<hbm>>
      %dma_start3A_291 = arith.constant 0 : i32
      %dma_start3A_292 = tpu.memref_slice %arg4[%arg1, %add3A_287, %dma_start3A_291] : memref<16x160x128xi32, #tpu.memory_space<hbm>> -> memref<1x1x128xi32, #tpu.memory_space<hbm>>
      %dma_start3A_293 = tpu.memref_squeeze %dma_start3A_292 : memref<1x1x128xi32, #tpu.memory_space<hbm>> -> memref<128xi32, #tpu.memory_space<hbm>>
      tpu.enqueue_dma source(%dma_start3A_293 : memref<128xi32, #tpu.memory_space<hbm>>) target(%arg11 : memref<128xi32, #tpu.memory_space<vmem>>) target_semaphore(%arg22 : memref<!tpu.dma_semaphore, #tpu.memory_space<semaphore_mem>>)
      %add3A_294 = arith.constant 1 : i32
      %add3A_295 = arith.addi %mul3A_199, %add3A_294 : i32
      %add3A_296 = arith.constant 2 : i32
      %add3A_297 = arith.addi %add3A_295, %add3A_296 : i32
      %add3A_298 = arith.addi %select_n3A, %add3A_297 : i32
      %dma_wait3A_299 = arith.constant 0 : i32
      %dma_wait3A_300 = tpu.memref_slice %arg3[%arg1, %add3A_298, %dma_wait3A_299] : memref<16x160x128xi32, #tpu.memory_space<hbm>> -> memref<1x1x128xi32, #tpu.memory_space<hbm>>
      %dma_wait3A_301 = tpu.memref_squeeze %dma_wait3A_300 : memref<1x1x128xi32, #tpu.memory_space<hbm>> -> memref<128xi32, #tpu.memory_space<hbm>>
      %dma_wait3A_302 = arith.constant 0 : i32
      %dma_wait3A_303 = tpu.memref_slice %arg3[%arg1, %add3A_298, %dma_wait3A_302] : memref<16x160x128xi32, #tpu.memory_space<hbm>> -> memref<1x1x128xi32, #tpu.memory_space<hbm>>
      %dma_wait3A_304 = tpu.memref_squeeze %dma_wait3A_303 : memref<1x1x128xi32, #tpu.memory_space<hbm>> -> memref<128xi32, #tpu.memory_space<hbm>>
      tpu.wait_dma2 semaphore(%arg20 : memref<!tpu.dma_semaphore, #tpu.memory_space<semaphore_mem>>) src(%dma_wait3A_304 : memref<128xi32, #tpu.memory_space<hbm>>) dst(%arg9 : memref<128xi32, #tpu.memory_space<vmem>>)
      %dma_start3A_305 = arith.constant 0 : i32
      %dma_start3A_306 = arith.constant 0 : i32
      %dma_start3A_307 = tpu.memref_slice %arg2[%dma_start3A_305, %dma_start3A_306] : memref<10000x128xf32, #tpu.memory_space<hbm>> -> memref<10000x128xf32, #tpu.memory_space<hbm>>
      tpu.enqueue_indirect_dma source(%dma_start3A_307 : memref<10000x128xf32, #tpu.memory_space<hbm>>) target(%arg13 : memref<128x128xf32, #tpu.memory_space<vmem>>) offsets(%arg9 : memref<128xi32, #tpu.memory_space<vmem>>) semaphore(%arg16 : memref<!tpu.dma_semaphore, #tpu.memory_space<semaphore_mem>>)
      %while3A_308 = arith.constant 0 : i32
      scf.yield %while3A_308 : i32
    }
    %while3A_115 = arith.constant 1 : i32
    %while3A_116 = scf.for %while3A_196 = %while3A_112 to %while3A_108 step %while3A_115 iter_args(%while3A_197 = %while3A_114) -> (i32)  : i32 {
      %mul3A_198 = arith.constant 2 : i32
      %mul3A_199 = arith.muli %mul3A_198, %while3A_196 : i32
      %dma_wait3A_200 = arith.constant 0 : i32
      %dma_wait3A_201 = arith.constant 0 : i32
      %dma_wait3A_202 = tpu.memref_slice %arg2[%dma_wait3A_200, %dma_wait3A_201] : memref<10000x128xf32, #tpu.memory_space<hbm>> -> memref<10000x128xf32, #tpu.memory_space<hbm>>
      tpu.wait_indirect_dma semaphore(%arg15 : memref<!tpu.dma_semaphore, #tpu.memory_space<semaphore_mem>>) src(%dma_wait3A_202 : memref<10000x128xf32, #tpu.memory_space<hbm>>) dst(%arg12 : memref<128x128xf32, #tpu.memory_space<vmem>>)
      %add3A_203 = arith.constant 0 : i32
      %add3A_204 = arith.addi %mul3A_199, %add3A_203 : i32
      %add3A_205 = arith.constant 2 : i32
      %add3A_206 = arith.addi %add3A_204, %add3A_205 : i32
      %add3A_207 = arith.addi %select_n3A, %add3A_206 : i32
      %dma_start3A_208 = arith.constant 0 : i32
      %dma_start3A_209 = tpu.memref_slice %arg3[%arg1, %add3A_207, %dma_start3A_208] : memref<16x160x128xi32, #tpu.memory_space<hbm>> -> memref<1x1x128xi32, #tpu.memory_space<hbm>>
      %dma_start3A_210 = tpu.memref_squeeze %dma_start3A_209 : memref<1x1x128xi32, #tpu.memory_space<hbm>> -> memref<128xi32, #tpu.memory_space<hbm>>
      %dma_start3A_211 = arith.constant 0 : i32
      %dma_start3A_212 = tpu.memref_slice %arg3[%arg1, %add3A_207, %dma_start3A_211] : memref<16x160x128xi32, #tpu.memory_space<hbm>> -> memref<1x1x128xi32, #tpu.memory_space<hbm>>
      %dma_start3A_213 = tpu.memref_squeeze %dma_start3A_212 : memref<1x1x128xi32, #tpu.memory_space<hbm>> -> memref<128xi32, #tpu.memory_space<hbm>>
      tpu.enqueue_dma source(%dma_start3A_213 : memref<128xi32, #tpu.memory_space<hbm>>) target(%arg8 : memref<128xi32, #tpu.memory_space<vmem>>) target_semaphore(%arg19 : memref<!tpu.dma_semaphore, #tpu.memory_space<semaphore_mem>>)
      %add3A_214 = arith.constant 0 : i32
      %add3A_215 = arith.addi %mul3A_199, %add3A_214 : i32
      %add3A_216 = arith.addi %select_n3A, %add3A_215 : i32
      %dma_wait3A_217 = arith.constant 0 : i32
      %dma_wait3A_218 = tpu.memref_slice %arg4[%arg1, %add3A_216, %dma_wait3A_217] : memref<16x160x128xi32, #tpu.memory_space<hbm>> -> memref<1x1x128xi32, #tpu.memory_space<hbm>>
      %dma_wait3A_219 = tpu.memref_squeeze %dma_wait3A_218 : memref<1x1x128xi32, #tpu.memory_space<hbm>> -> memref<128xi32, #tpu.memory_space<hbm>>
      %dma_wait3A_220 = arith.constant 0 : i32
      %dma_wait3A_221 = tpu.memref_slice %arg4[%arg1, %add3A_216, %dma_wait3A_220] : memref<16x160x128xi32, #tpu.memory_space<hbm>> -> memref<1x1x128xi32, #tpu.memory_space<hbm>>
      %dma_wait3A_222 = tpu.memref_squeeze %dma_wait3A_221 : memref<1x1x128xi32, #tpu.memory_space<hbm>> -> memref<128xi32, #tpu.memory_space<hbm>>
      tpu.wait_dma2 semaphore(%arg21 : memref<!tpu.dma_semaphore, #tpu.memory_space<semaphore_mem>>) src(%dma_wait3A_222 : memref<128xi32, #tpu.memory_space<hbm>>) dst(%arg10 : memref<128xi32, #tpu.memory_space<vmem>>)
      %dma_start3A_223 = arith.constant 0 : i32
      %dma_start3A_224 = arith.constant 0 : i32
      %dma_start3A_225 = tpu.memref_slice %arg14[%dma_start3A_223, %dma_start3A_224] : memref<10240x128xf32, #tpu.memory_space<vmem_shared>> -> memref<10240x128xf32, #tpu.memory_space<vmem_shared>>
      tpu.enqueue_indirect_dma source(%arg12 : memref<128x128xf32, #tpu.memory_space<vmem>>) target(%dma_start3A_225 : memref<10240x128xf32, #tpu.memory_space<vmem_shared>>) offsets(%arg10 : memref<128xi32, #tpu.memory_space<vmem>>) semaphore(%arg17 : memref<!tpu.dma_semaphore, #tpu.memory_space<semaphore_mem>>) {add = true}
      %dma_wait3A_226 = arith.constant 0 : i32
      %dma_wait3A_227 = arith.constant 0 : i32
      %dma_wait3A_228 = tpu.memref_slice %arg2[%dma_wait3A_226, %dma_wait3A_227] : memref<10000x128xf32, #tpu.memory_space<hbm>> -> memref<10000x128xf32, #tpu.memory_space<hbm>>
      tpu.wait_indirect_dma semaphore(%arg16 : memref<!tpu.dma_semaphore, #tpu.memory_space<semaphore_mem>>) src(%dma_wait3A_228 : memref<10000x128xf32, #tpu.memory_space<hbm>>) dst(%arg13 : memref<128x128xf32, #tpu.memory_space<vmem>>)
      %add3A_229 = arith.constant 1 : i32
      %add3A_230 = arith.addi %mul3A_199, %add3A_229 : i32
      %add3A_231 = arith.constant 2 : i32
      %add3A_232 = arith.addi %add3A_230, %add3A_231 : i32
      %add3A_233 = arith.addi %select_n3A, %add3A_232 : i32
      %dma_start3A_234 = arith.constant 0 : i32
      %dma_start3A_235 = tpu.memref_slice %arg3[%arg1, %add3A_233, %dma_start3A_234] : memref<16x160x128xi32, #tpu.memory_space<hbm>> -> memref<1x1x128xi32, #tpu.memory_space<hbm>>
      %dma_start3A_236 = tpu.memref_squeeze %dma_start3A_235 : memref<1x1x128xi32, #tpu.memory_space<hbm>> -> memref<128xi32, #tpu.memory_space<hbm>>
      %dma_start3A_237 = arith.constant 0 : i32
      %dma_start3A_238 = tpu.memref_slice %arg3[%arg1, %add3A_233, %dma_start3A_237] : memref<16x160x128xi32, #tpu.memory_space<hbm>> -> memref<1x1x128xi32, #tpu.memory_space<hbm>>
      %dma_start3A_239 = tpu.memref_squeeze %dma_start3A_238 : memref<1x1x128xi32, #tpu.memory_space<hbm>> -> memref<128xi32, #tpu.memory_space<hbm>>
      tpu.enqueue_dma source(%dma_start3A_239 : memref<128xi32, #tpu.memory_space<hbm>>) target(%arg9 : memref<128xi32, #tpu.memory_space<vmem>>) target_semaphore(%arg20 : memref<!tpu.dma_semaphore, #tpu.memory_space<semaphore_mem>>)
      %add3A_240 = arith.constant 1 : i32
      %add3A_241 = arith.addi %mul3A_199, %add3A_240 : i32
      %add3A_242 = arith.addi %select_n3A, %add3A_241 : i32
      %dma_wait3A_243 = arith.constant 0 : i32
      %dma_wait3A_244 = tpu.memref_slice %arg4[%arg1, %add3A_242, %dma_wait3A_243] : memref<16x160x128xi32, #tpu.memory_space<hbm>> -> memref<1x1x128xi32, #tpu.memory_space<hbm>>
      %dma_wait3A_245 = tpu.memref_squeeze %dma_wait3A_244 : memref<1x1x128xi32, #tpu.memory_space<hbm>> -> memref<128xi32, #tpu.memory_space<hbm>>
      %dma_wait3A_246 = arith.constant 0 : i32
      %dma_wait3A_247 = tpu.memref_slice %arg4[%arg1, %add3A_242, %dma_wait3A_246] : memref<16x160x128xi32, #tpu.memory_space<hbm>> -> memref<1x1x128xi32, #tpu.memory_space<hbm>>
      %dma_wait3A_248 = tpu.memref_squeeze %dma_wait3A_247 : memref<1x1x128xi32, #tpu.memory_space<hbm>> -> memref<128xi32, #tpu.memory_space<hbm>>
      tpu.wait_dma2 semaphore(%arg22 : memref<!tpu.dma_semaphore, #tpu.memory_space<semaphore_mem>>) src(%dma_wait3A_248 : memref<128xi32, #tpu.memory_space<hbm>>) dst(%arg11 : memref<128xi32, #tpu.memory_space<vmem>>)
      %dma_start3A_249 = arith.constant 0 : i32
      %dma_start3A_250 = arith.constant 0 : i32
      %dma_start3A_251 = tpu.memref_slice %arg14[%dma_start3A_249, %dma_start3A_250] : memref<10240x128xf32, #tpu.memory_space<vmem_shared>> -> memref<10240x128xf32, #tpu.memory_space<vmem_shared>>
      tpu.enqueue_indirect_dma source(%arg13 : memref<128x128xf32, #tpu.memory_space<vmem>>) target(%dma_start3A_251 : memref<10240x128xf32, #tpu.memory_space<vmem_shared>>) offsets(%arg11 : memref<128xi32, #tpu.memory_space<vmem>>) semaphore(%arg18 : memref<!tpu.dma_semaphore, #tpu.memory_space<semaphore_mem>>) {add = true}
      %dma_wait3A_252 = arith.constant 0 : i32
      %dma_wait3A_253 = arith.constant 0 : i32
      %dma_wait3A_254 = tpu.memref_slice %arg14[%dma_wait3A_252, %dma_wait3A_253] : memref<10240x128xf32, #tpu.memory_space<vmem_shared>> -> memref<10240x128xf32, #tpu.memory_space<vmem_shared>>
      tpu.wait_indirect_dma semaphore(%arg17 : memref<!tpu.dma_semaphore, #tpu.memory_space<semaphore_mem>>) src(%arg12 : memref<128x128xf32, #tpu.memory_space<vmem>>) dst(%dma_wait3A_254 : memref<10240x128xf32, #tpu.memory_space<vmem_shared>>)
      %add3A_255 = arith.constant 0 : i32
      %add3A_256 = arith.addi %mul3A_199, %add3A_255 : i32
      %add3A_257 = arith.constant 2 : i32
      %add3A_258 = arith.addi %add3A_256, %add3A_257 : i32
      %add3A_259 = arith.addi %select_n3A, %add3A_258 : i32
      %dma_start3A_260 = arith.constant 0 : i32
      %dma_start3A_261 = tpu.memref_slice %arg4[%arg1, %add3A_259, %dma_start3A_260] : memref<16x160x128xi32, #tpu.memory_space<hbm>> -> memref<1x1x128xi32, #tpu.memory_space<hbm>>
      %dma_start3A_262 = tpu.memref_squeeze %dma_start3A_261 : memref<1x1x128xi32, #tpu.memory_space<hbm>> -> memref<128xi32, #tpu.memory_space<hbm>>
      %dma_start3A_263 = arith.constant 0 : i32
      %dma_start3A_264 = tpu.memref_slice %arg4[%arg1, %add3A_259, %dma_start3A_263] : memref<16x160x128xi32, #tpu.memory_space<hbm>> -> memref<1x1x128xi32, #tpu.memory_space<hbm>>
      %dma_start3A_265 = tpu.memref_squeeze %dma_start3A_264 : memref<1x1x128xi32, #tpu.memory_space<hbm>> -> memref<128xi32, #tpu.memory_space<hbm>>
      tpu.enqueue_dma source(%dma_start3A_265 : memref<128xi32, #tpu.memory_space<hbm>>) target(%arg10 : memref<128xi32, #tpu.memory_space<vmem>>) target_semaphore(%arg21 : memref<!tpu.dma_semaphore, #tpu.memory_space<semaphore_mem>>)
      %add3A_266 = arith.constant 0 : i32
      %add3A_267 = arith.addi %mul3A_199, %add3A_266 : i32
      %add3A_268 = arith.constant 2 : i32
      %add3A_269 = arith.addi %add3A_267, %add3A_268 : i32
      %add3A_270 = arith.addi %select_n3A, %add3A_269 : i32
      %dma_wait3A_271 = arith.constant 0 : i32
      %dma_wait3A_272 = tpu.memref_slice %arg3[%arg1, %add3A_270, %dma_wait3A_271] : memref<16x160x128xi32, #tpu.memory_space<hbm>> -> memref<1x1x128xi32, #tpu.memory_space<hbm>>
      %dma_wait3A_273 = tpu.memref_squeeze %dma_wait3A_272 : memref<1x1x128xi32, #tpu.memory_space<hbm>> -> memref<128xi32, #tpu.memory_space<hbm>>
      %dma_wait3A_274 = arith.constant 0 : i32
      %dma_wait3A_275 = tpu.memref_slice %arg3[%arg1, %add3A_270, %dma_wait3A_274] : memref<16x160x128xi32, #tpu.memory_space<hbm>> -> memref<1x1x128xi32, #tpu.memory_space<hbm>>
      %dma_wait3A_276 = tpu.memref_squeeze %dma_wait3A_275 : memref<1x1x128xi32, #tpu.memory_space<hbm>> -> memref<128xi32, #tpu.memory_space<hbm>>
      tpu.wait_dma2 semaphore(%arg19 : memref<!tpu.dma_semaphore, #tpu.memory_space<semaphore_mem>>) src(%dma_wait3A_276 : memref<128xi32, #tpu.memory_space<hbm>>) dst(%arg8 : memref<128xi32, #tpu.memory_space<vmem>>)
      %dma_start3A_277 = arith.constant 0 : i32
      %dma_start3A_278 = arith.constant 0 : i32
      %dma_start3A_279 = tpu.memref_slice %arg2[%dma_start3A_277, %dma_start3A_278] : memref<10000x128xf32, #tpu.memory_space<hbm>> -> memref<10000x128xf32, #tpu.memory_space<hbm>>
      tpu.enqueue_indirect_dma source(%dma_start3A_279 : memref<10000x128xf32, #tpu.memory_space<hbm>>) target(%arg12 : memref<128x128xf32, #tpu.memory_space<vmem>>) offsets(%arg8 : memref<128xi32, #tpu.memory_space<vmem>>) semaphore(%arg15 : memref<!tpu.dma_semaphore, #tpu.memory_space<semaphore_mem>>)
      %dma_wait3A_280 = arith.constant 0 : i32
      %dma_wait3A_281 = arith.constant 0 : i32
      %dma_wait3A_282 = tpu.memref_slice %arg14[%dma_wait3A_280, %dma_wait3A_281] : memref<10240x128xf32, #tpu.memory_space<vmem_shared>> -> memref<10240x128xf32, #tpu.memory_space<vmem_shared>>
      tpu.wait_indirect_dma semaphore(%arg18 : memref<!tpu.dma_semaphore, #tpu.memory_space<semaphore_mem>>) src(%arg13 : memref<128x128xf32, #tpu.memory_space<vmem>>) dst(%dma_wait3A_282 : memref<10240x128xf32, #tpu.memory_space<vmem_shared>>)
      %add3A_283 = arith.constant 1 : i32
      %add3A_284 = arith.addi %mul3A_199, %add3A_283 : i32
      %add3A_285 = arith.constant 2 : i32
      %add3A_286 = arith.addi %add3A_284, %add3A_285 : i32
      %add3A_287 = arith.addi %select_n3A, %add3A_286 : i32
      %dma_start3A_288 = arith.constant 0 : i32
      %dma_start3A_289 = tpu.memref_slice %arg4[%arg1, %add3A_287, %dma_start3A_288] : memref<16x160x128xi32, #tpu.memory_space<hbm>> -> memref<1x1x128xi32, #tpu.memory_space<hbm>>
      %dma_start3A_290 = tpu.memref_squeeze %dma_start3A_289 : memref<1x1x128xi32, #tpu.memory_space<hbm>> -> memref<128xi32, #tpu.memory_space<hbm>>
      %dma_start3A_291 = arith.constant 0 : i32
      %dma_start3A_292 = tpu.memref_slice %arg4[%arg1, %add3A_287, %dma_start3A_291] : memref<16x160x128xi32, #tpu.memory_space<hbm>> -> memref<1x1x128xi32, #tpu.memory_space<hbm>>
      %dma_start3A_293 = tpu.memref_squeeze %dma_start3A_292 : memref<1x1x128xi32, #tpu.memory_space<hbm>> -> memref<128xi32, #tpu.memory_space<hbm>>
      tpu.enqueue_dma source(%dma_start3A_293 : memref<128xi32, #tpu.memory_space<hbm>>) target(%arg11 : memref<128xi32, #tpu.memory_space<vmem>>) target_semaphore(%arg22 : memref<!tpu.dma_semaphore, #tpu.memory_space<semaphore_mem>>)
      %add3A_294 = arith.constant 1 : i32
      %add3A_295 = arith.addi %mul3A_199, %add3A_294 : i32
      %add3A_296 = arith.constant 2 : i32
      %add3A_297 = arith.addi %add3A_295, %add3A_296 : i32
      %add3A_298 = arith.addi %select_n3A, %add3A_297 : i32
      %dma_wait3A_299 = arith.constant 0 : i32
      %dma_wait3A_300 = tpu.memref_slice %arg3[%arg1, %add3A_298, %dma_wait3A_299] : memref<16x160x128xi32, #tpu.memory_space<hbm>> -> memref<1x1x128xi32, #tpu.memory_space<hbm>>
      %dma_wait3A_301 = tpu.memref_squeeze %dma_wait3A_300 : memref<1x1x128xi32, #tpu.memory_space<hbm>> -> memref<128xi32, #tpu.memory_space<hbm>>
      %dma_wait3A_302 = arith.constant 0 : i32
      %dma_wait3A_303 = tpu.memref_slice %arg3[%arg1, %add3A_298, %dma_wait3A_302] : memref<16x160x128xi32, #tpu.memory_space<hbm>> -> memref<1x1x128xi32, #tpu.memory_space<hbm>>
      %dma_wait3A_304 = tpu.memref_squeeze %dma_wait3A_303 : memref<1x1x128xi32, #tpu.memory_space<hbm>> -> memref<128xi32, #tpu.memory_space<hbm>>
      tpu.wait_dma2 semaphore(%arg20 : memref<!tpu.dma_semaphore, #tpu.memory_space<semaphore_mem>>) src(%dma_wait3A_304 : memref<128xi32, #tpu.memory_space<hbm>>) dst(%arg9 : memref<128xi32, #tpu.memory_space<vmem>>)
      %dma_start3A_305 = arith.constant 0 : i32
      %dma_start3A_306 = arith.constant 0 : i32
      %dma_start3A_307 = tpu.memref_slice %arg2[%dma_start3A_305, %dma_start3A_306] : memref<10000x128xf32, #tpu.memory_space<hbm>> -> memref<10000x128xf32, #tpu.memory_space<hbm>>
      tpu.enqueue_indirect_dma source(%dma_start3A_307 : memref<10000x128xf32, #tpu.memory_space<hbm>>) target(%arg13 : memref<128x128xf32, #tpu.memory_space<vmem>>) offsets(%arg9 : memref<128xi32, #tpu.memory_space<vmem>>) semaphore(%arg16 : memref<!tpu.dma_semaphore, #tpu.memory_space<semaphore_mem>>)
      %while3A_308 = arith.constant 0 : i32
      scf.yield %while3A_308 : i32
    }
    %sub3A_117 = arith.constant 2 : i32
    %sub3A_118 = arith.subi %select_n3A_7, %sub3A_117 : i32
    %dma_wait3A_119 = arith.constant 0 : i32
    %dma_wait3A_120 = arith.constant 0 : i32
    %dma_wait3A_121 = tpu.memref_slice %arg2[%dma_wait3A_119, %dma_wait3A_120] : memref<10000x128xf32, #tpu.memory_space<hbm>> -> memref<10000x128xf32, #tpu.memory_space<hbm>>
    tpu.wait_indirect_dma semaphore(%arg15 : memref<!tpu.dma_semaphore, #tpu.memory_space<semaphore_mem>>) src(%dma_wait3A_121 : memref<10000x128xf32, #tpu.memory_space<hbm>>) dst(%arg12 : memref<128x128xf32, #tpu.memory_space<vmem>>)
    %add3A_122 = arith.constant 0 : i32
    %add3A_123 = arith.addi %sub3A_118, %add3A_122 : i32
    %add3A_124 = arith.addi %select_n3A, %add3A_123 : i32
    %dma_wait3A_125 = arith.constant 0 : i32
    %dma_wait3A_126 = tpu.memref_slice %arg4[%arg1, %add3A_124, %dma_wait3A_125] : memref<16x160x128xi32, #tpu.memory_space<hbm>> -> memref<1x1x128xi32, #tpu.memory_space<hbm>>
    %dma_wait3A_127 = tpu.memref_squeeze %dma_wait3A_126 : memref<1x1x128xi32, #tpu.memory_space<hbm>> -> memref<128xi32, #tpu.memory_space<hbm>>
    %dma_wait3A_128 = arith.constant 0 : i32
    %dma_wait3A_129 = tpu.memref_slice %arg4[%arg1, %add3A_124, %dma_wait3A_128] : memref<16x160x128xi32, #tpu.memory_space<hbm>> -> memref<1x1x128xi32, #tpu.memory_space<hbm>>
    %dma_wait3A_130 = tpu.memref_squeeze %dma_wait3A_129 : memref<1x1x128xi32, #tpu.memory_space<hbm>> -> memref<128xi32, #tpu.memory_space<hbm>>
    tpu.wait_dma2 semaphore(%arg21 : memref<!tpu.dma_semaphore, #tpu.memory_space<semaphore_mem>>) src(%dma_wait3A_130 : memref<128xi32, #tpu.memory_space<hbm>>) dst(%arg10 : memref<128xi32, #tpu.memory_space<vmem>>)
    %dma_start3A_131 = arith.constant 0 : i32
    %dma_start3A_132 = arith.constant 0 : i32
    %dma_start3A_133 = tpu.memref_slice %arg14[%dma_start3A_131, %dma_start3A_132] : memref<10240x128xf32, #tpu.memory_space<vmem_shared>> -> memref<10240x128xf32, #tpu.memory_space<vmem_shared>>
    tpu.enqueue_indirect_dma source(%arg12 : memref<128x128xf32, #tpu.memory_space<vmem>>) target(%dma_start3A_133 : memref<10240x128xf32, #tpu.memory_space<vmem_shared>>) offsets(%arg10 : memref<128xi32, #tpu.memory_space<vmem>>) semaphore(%arg17 : memref<!tpu.dma_semaphore, #tpu.memory_space<semaphore_mem>>) {add = true}
    %dma_wait3A_134 = arith.constant 0 : i32
    %dma_wait3A_135 = arith.constant 0 : i32
    %dma_wait3A_136 = tpu.memref_slice %arg2[%dma_wait3A_134, %dma_wait3A_135] : memref<10000x128xf32, #tpu.memory_space<hbm>> -> memref<10000x128xf32, #tpu.memory_space<hbm>>
    tpu.wait_indirect_dma semaphore(%arg16 : memref<!tpu.dma_semaphore, #tpu.memory_space<semaphore_mem>>) src(%dma_wait3A_136 : memref<10000x128xf32, #tpu.memory_space<hbm>>) dst(%arg13 : memref<128x128xf32, #tpu.memory_space<vmem>>)
    %add3A_137 = arith.constant 1 : i32
    %add3A_138 = arith.addi %sub3A_118, %add3A_137 : i32
    %add3A_139 = arith.addi %select_n3A, %add3A_138 : i32
    %dma_wait3A_140 = arith.constant 0 : i32
    %dma_wait3A_141 = tpu.memref_slice %arg4[%arg1, %add3A_139, %dma_wait3A_140] : memref<16x160x128xi32, #tpu.memory_space<hbm>> -> memref<1x1x128xi32, #tpu.memory_space<hbm>>
    %dma_wait3A_142 = tpu.memref_squeeze %dma_wait3A_141 : memref<1x1x128xi32, #tpu.memory_space<hbm>> -> memref<128xi32, #tpu.memory_space<hbm>>
    %dma_wait3A_143 = arith.constant 0 : i32
    %dma_wait3A_144 = tpu.memref_slice %arg4[%arg1, %add3A_139, %dma_wait3A_143] : memref<16x160x128xi32, #tpu.memory_space<hbm>> -> memref<1x1x128xi32, #tpu.memory_space<hbm>>
    %dma_wait3A_145 = tpu.memref_squeeze %dma_wait3A_144 : memref<1x1x128xi32, #tpu.memory_space<hbm>> -> memref<128xi32, #tpu.memory_space<hbm>>
    tpu.wait_dma2 semaphore(%arg22 : memref<!tpu.dma_semaphore, #tpu.memory_space<semaphore_mem>>) src(%dma_wait3A_145 : memref<128xi32, #tpu.memory_space<hbm>>) dst(%arg11 : memref<128xi32, #tpu.memory_space<vmem>>)
    %dma_start3A_146 = arith.constant 0 : i32
    %dma_start3A_147 = arith.constant 0 : i32
    %dma_start3A_148 = tpu.memref_slice %arg14[%dma_start3A_146, %dma_start3A_147] : memref<10240x128xf32, #tpu.memory_space<vmem_shared>> -> memref<10240x128xf32, #tpu.memory_space<vmem_shared>>
    tpu.enqueue_indirect_dma source(%arg13 : memref<128x128xf32, #tpu.memory_space<vmem>>) target(%dma_start3A_148 : memref<10240x128xf32, #tpu.memory_space<vmem_shared>>) offsets(%arg11 : memref<128xi32, #tpu.memory_space<vmem>>) semaphore(%arg18 : memref<!tpu.dma_semaphore, #tpu.memory_space<semaphore_mem>>) {add = true}
    %dma_wait3A_149 = arith.constant 0 : i32
    %dma_wait3A_150 = arith.constant 0 : i32
    %dma_wait3A_151 = tpu.memref_slice %arg14[%dma_wait3A_149, %dma_wait3A_150] : memref<10240x128xf32, #tpu.memory_space<vmem_shared>> -> memref<10240x128xf32, #tpu.memory_space<vmem_shared>>
    tpu.wait_indirect_dma semaphore(%arg17 : memref<!tpu.dma_semaphore, #tpu.memory_space<semaphore_mem>>) src(%arg12 : memref<128x128xf32, #tpu.memory_space<vmem>>) dst(%dma_wait3A_151 : memref<10240x128xf32, #tpu.memory_space<vmem_shared>>)
    %dma_wait3A_152 = arith.constant 0 : i32
    %dma_wait3A_153 = arith.constant 0 : i32
    %dma_wait3A_154 = tpu.memref_slice %arg14[%dma_wait3A_152, %dma_wait3A_153] : memref<10240x128xf32, #tpu.memory_space<vmem_shared>> -> memref<10240x128xf32, #tpu.memory_space<vmem_shared>>
    tpu.wait_indirect_dma semaphore(%arg18 : memref<!tpu.dma_semaphore, #tpu.memory_space<semaphore_mem>>) src(%arg13 : memref<128x128xf32, #tpu.memory_space<vmem>>) dst(%dma_wait3A_154 : memref<10240x128xf32, #tpu.memory_space<vmem_shared>>)
    %barrier3A_155 = arith.constant 0 : index
    tpu.barrier barrier_id(%barrier3A_155)
    %add3A_156 = arith.constant 0 : i32
    %add3A_157 = arith.addi %mul3A_0, %add3A_156 : i32
    %add3A_158 = arith.constant 0 : i32
    %add3A_159 = arith.addi %mul3A_0, %add3A_158 : i32
    "tpu.region"() ({
      %run_scoped3A = tpu.sem_alloc : memref<!tpu.dma_semaphore, #tpu.memory_space<semaphore_mem>>
      %dma_start3A_196 = arith.constant 0 : i32
      %dma_start3A_197 = tpu.memref_slice %arg6[%arg0, %add3A_159, %dma_start3A_196] : memref<2x10240x128xf32, #tpu.memory_space<hbm>> -> memref<1x64x128xf32, #tpu.memory_space<hbm>>
      %dma_start3A_198 = tpu.memref_squeeze %dma_start3A_197 : memref<1x64x128xf32, #tpu.memory_space<hbm>> -> memref<64x128xf32, #tpu.memory_space<hbm>>
      %dma_start3A_199 = arith.constant 0 : i32
      %dma_start3A_200 = tpu.memref_slice %arg14[%add3A_157, %dma_start3A_199] : memref<10240x128xf32, #tpu.memory_space<vmem_shared>> -> memref<64x128xf32, #tpu.memory_space<vmem_shared>>
      tpu.enqueue_dma source(%dma_start3A_200 : memref<64x128xf32, #tpu.memory_space<vmem_shared>>) target(%dma_start3A_198 : memref<64x128xf32, #tpu.memory_space<hbm>>) target_semaphore(%run_scoped3A : memref<!tpu.dma_semaphore, #tpu.memory_space<semaphore_mem>>)
      %dma_wait3A_201 = arith.constant 0 : i32
      %dma_wait3A_202 = tpu.memref_slice %arg6[%arg0, %add3A_159, %dma_wait3A_201] : memref<2x10240x128xf32, #tpu.memory_space<hbm>> -> memref<1x64x128xf32, #tpu.memory_space<hbm>>
      %dma_wait3A_203 = tpu.memref_squeeze %dma_wait3A_202 : memref<1x64x128xf32, #tpu.memory_space<hbm>> -> memref<64x128xf32, #tpu.memory_space<hbm>>
      %dma_wait3A_204 = arith.constant 0 : i32
      %dma_wait3A_205 = tpu.memref_slice %arg14[%add3A_157, %dma_wait3A_204] : memref<10240x128xf32, #tpu.memory_space<vmem_shared>> -> memref<64x128xf32, #tpu.memory_space<vmem_shared>>
      tpu.wait_dma2 semaphore(%run_scoped3A : memref<!tpu.dma_semaphore, #tpu.memory_space<semaphore_mem>>) src(%dma_wait3A_205 : memref<64x128xf32, #tpu.memory_space<vmem_shared>>) dst(%dma_wait3A_203 : memref<64x128xf32, #tpu.memory_space<hbm>>)
      tpu.yield
    }) : () -> ()
    %add3A_160 = arith.constant 64 : i32
    %add3A_161 = arith.addi %mul3A_0, %add3A_160 : i32
    %add3A_162 = arith.constant 64 : i32
    %add3A_163 = arith.addi %mul3A_0, %add3A_162 : i32
    "tpu.region"() ({
      %run_scoped3A = tpu.sem_alloc : memref<!tpu.dma_semaphore, #tpu.memory_space<semaphore_mem>>
      %dma_start3A_196 = arith.constant 0 : i32
      %dma_start3A_197 = tpu.memref_slice %arg6[%arg0, %add3A_163, %dma_start3A_196] : memref<2x10240x128xf32, #tpu.memory_space<hbm>> -> memref<1x64x128xf32, #tpu.memory_space<hbm>>
      %dma_start3A_198 = tpu.memref_squeeze %dma_start3A_197 : memref<1x64x128xf32, #tpu.memory_space<hbm>> -> memref<64x128xf32, #tpu.memory_space<hbm>>
      %dma_start3A_199 = arith.constant 0 : i32
      %dma_start3A_200 = tpu.memref_slice %arg14[%add3A_161, %dma_start3A_199] : memref<10240x128xf32, #tpu.memory_space<vmem_shared>> -> memref<64x128xf32, #tpu.memory_space<vmem_shared>>
      tpu.enqueue_dma source(%dma_start3A_200 : memref<64x128xf32, #tpu.memory_space<vmem_shared>>) target(%dma_start3A_198 : memref<64x128xf32, #tpu.memory_space<hbm>>) target_semaphore(%run_scoped3A : memref<!tpu.dma_semaphore, #tpu.memory_space<semaphore_mem>>)
      %dma_wait3A_201 = arith.constant 0 : i32
      %dma_wait3A_202 = tpu.memref_slice %arg6[%arg0, %add3A_163, %dma_wait3A_201] : memref<2x10240x128xf32, #tpu.memory_space<hbm>> -> memref<1x64x128xf32, #tpu.memory_space<hbm>>
      %dma_wait3A_203 = tpu.memref_squeeze %dma_wait3A_202 : memref<1x64x128xf32, #tpu.memory_space<hbm>> -> memref<64x128xf32, #tpu.memory_space<hbm>>
      %dma_wait3A_204 = arith.constant 0 : i32
      %dma_wait3A_205 = tpu.memref_slice %arg14[%add3A_161, %dma_wait3A_204] : memref<10240x128xf32, #tpu.memory_space<vmem_shared>> -> memref<64x128xf32, #tpu.memory_space<vmem_shared>>
      tpu.wait_dma2 semaphore(%run_scoped3A : memref<!tpu.dma_semaphore, #tpu.memory_space<semaphore_mem>>) src(%dma_wait3A_205 : memref<64x128xf32, #tpu.memory_space<vmem_shared>>) dst(%dma_wait3A_203 : memref<64x128xf32, #tpu.memory_space<hbm>>)
      tpu.yield
    }) : () -> ()
    %add3A_164 = arith.constant 128 : i32
    %add3A_165 = arith.addi %mul3A_0, %add3A_164 : i32
    %add3A_166 = arith.constant 128 : i32
    %add3A_167 = arith.addi %mul3A_0, %add3A_166 : i32
    "tpu.region"() ({
      %run_scoped3A = tpu.sem_alloc : memref<!tpu.dma_semaphore, #tpu.memory_space<semaphore_mem>>
      %dma_start3A_196 = arith.constant 0 : i32
      %dma_start3A_197 = tpu.memref_slice %arg6[%arg0, %add3A_167, %dma_start3A_196] : memref<2x10240x128xf32, #tpu.memory_space<hbm>> -> memref<1x64x128xf32, #tpu.memory_space<hbm>>
      %dma_start3A_198 = tpu.memref_squeeze %dma_start3A_197 : memref<1x64x128xf32, #tpu.memory_space<hbm>> -> memref<64x128xf32, #tpu.memory_space<hbm>>
      %dma_start3A_199 = arith.constant 0 : i32
      %dma_start3A_200 = tpu.memref_slice %arg14[%add3A_165, %dma_start3A_199] : memref<10240x128xf32, #tpu.memory_space<vmem_shared>> -> memref<64x128xf32, #tpu.memory_space<vmem_shared>>
      tpu.enqueue_dma source(%dma_start3A_200 : memref<64x128xf32, #tpu.memory_space<vmem_shared>>) target(%dma_start3A_198 : memref<64x128xf32, #tpu.memory_space<hbm>>) target_semaphore(%run_scoped3A : memref<!tpu.dma_semaphore, #tpu.memory_space<semaphore_mem>>)
      %dma_wait3A_201 = arith.constant 0 : i32
      %dma_wait3A_202 = tpu.memref_slice %arg6[%arg0, %add3A_167, %dma_wait3A_201] : memref<2x10240x128xf32, #tpu.memory_space<hbm>> -> memref<1x64x128xf32, #tpu.memory_space<hbm>>
      %dma_wait3A_203 = tpu.memref_squeeze %dma_wait3A_202 : memref<1x64x128xf32, #tpu.memory_space<hbm>> -> memref<64x128xf32, #tpu.memory_space<hbm>>
      %dma_wait3A_204 = arith.constant 0 : i32
      %dma_wait3A_205 = tpu.memref_slice %arg14[%add3A_165, %dma_wait3A_204] : memref<10240x128xf32, #tpu.memory_space<vmem_shared>> -> memref<64x128xf32, #tpu.memory_space<vmem_shared>>
      tpu.wait_dma2 semaphore(%run_scoped3A : memref<!tpu.dma_semaphore, #tpu.memory_space<semaphore_mem>>) src(%dma_wait3A_205 : memref<64x128xf32, #tpu.memory_space<vmem_shared>>) dst(%dma_wait3A_203 : memref<64x128xf32, #tpu.memory_space<hbm>>)
      tpu.yield
    }) : () -> ()
    %add3A_168 = arith.constant 192 : i32
    %add3A_169 = arith.addi %mul3A_0, %add3A_168 : i32
    %add3A_170 = arith.constant 192 : i32
    %add3A_171 = arith.addi %mul3A_0, %add3A_170 : i32
    "tpu.region"() ({
      %run_scoped3A = tpu.sem_alloc : memref<!tpu.dma_semaphore, #tpu.memory_space<semaphore_mem>>
      %dma_start3A_196 = arith.constant 0 : i32
      %dma_start3A_197 = tpu.memref_slice %arg6[%arg0, %add3A_171, %dma_start3A_196] : memref<2x10240x128xf32, #tpu.memory_space<hbm>> -> memref<1x64x128xf32, #tpu.memory_space<hbm>>
      %dma_start3A_198 = tpu.memref_squeeze %dma_start3A_197 : memref<1x64x128xf32, #tpu.memory_space<hbm>> -> memref<64x128xf32, #tpu.memory_space<hbm>>
      %dma_start3A_199 = arith.constant 0 : i32
      %dma_start3A_200 = tpu.memref_slice %arg14[%add3A_169, %dma_start3A_199] : memref<10240x128xf32, #tpu.memory_space<vmem_shared>> -> memref<64x128xf32, #tpu.memory_space<vmem_shared>>
      tpu.enqueue_dma source(%dma_start3A_200 : memref<64x128xf32, #tpu.memory_space<vmem_shared>>) target(%dma_start3A_198 : memref<64x128xf32, #tpu.memory_space<hbm>>) target_semaphore(%run_scoped3A : memref<!tpu.dma_semaphore, #tpu.memory_space<semaphore_mem>>)
      %dma_wait3A_201 = arith.constant 0 : i32
      %dma_wait3A_202 = tpu.memref_slice %arg6[%arg0, %add3A_171, %dma_wait3A_201] : memref<2x10240x128xf32, #tpu.memory_space<hbm>> -> memref<1x64x128xf32, #tpu.memory_space<hbm>>
      %dma_wait3A_203 = tpu.memref_squeeze %dma_wait3A_202 : memref<1x64x128xf32, #tpu.memory_space<hbm>> -> memref<64x128xf32, #tpu.memory_space<hbm>>
      %dma_wait3A_204 = arith.constant 0 : i32
      %dma_wait3A_205 = tpu.memref_slice %arg14[%add3A_169, %dma_wait3A_204] : memref<10240x128xf32, #tpu.memory_space<vmem_shared>> -> memref<64x128xf32, #tpu.memory_space<vmem_shared>>
      tpu.wait_dma2 semaphore(%run_scoped3A : memref<!tpu.dma_semaphore, #tpu.memory_space<semaphore_mem>>) src(%dma_wait3A_205 : memref<64x128xf32, #tpu.memory_space<vmem_shared>>) dst(%dma_wait3A_203 : memref<64x128xf32, #tpu.memory_space<hbm>>)
      tpu.yield
    }) : () -> ()
    %add3A_172 = arith.constant 256 : i32
    %add3A_173 = arith.addi %mul3A_0, %add3A_172 : i32
    %add3A_174 = arith.constant 256 : i32
    %add3A_175 = arith.addi %mul3A_0, %add3A_174 : i32
    "tpu.region"() ({
      %run_scoped3A = tpu.sem_alloc : memref<!tpu.dma_semaphore, #tpu.memory_space<semaphore_mem>>
      %dma_start3A_196 = arith.constant 0 : i32
      %dma_start3A_197 = tpu.memref_slice %arg6[%arg0, %add3A_175, %dma_start3A_196] : memref<2x10240x128xf32, #tpu.memory_space<hbm>> -> memref<1x64x128xf32, #tpu.memory_space<hbm>>
      %dma_start3A_198 = tpu.memref_squeeze %dma_start3A_197 : memref<1x64x128xf32, #tpu.memory_space<hbm>> -> memref<64x128xf32, #tpu.memory_space<hbm>>
      %dma_start3A_199 = arith.constant 0 : i32
      %dma_start3A_200 = tpu.memref_slice %arg14[%add3A_173, %dma_start3A_199] : memref<10240x128xf32, #tpu.memory_space<vmem_shared>> -> memref<64x128xf32, #tpu.memory_space<vmem_shared>>
      tpu.enqueue_dma source(%dma_start3A_200 : memref<64x128xf32, #tpu.memory_space<vmem_shared>>) target(%dma_start3A_198 : memref<64x128xf32, #tpu.memory_space<hbm>>) target_semaphore(%run_scoped3A : memref<!tpu.dma_semaphore, #tpu.memory_space<semaphore_mem>>)
      %dma_wait3A_201 = arith.constant 0 : i32
      %dma_wait3A_202 = tpu.memref_slice %arg6[%arg0, %add3A_175, %dma_wait3A_201] : memref<2x10240x128xf32, #tpu.memory_space<hbm>> -> memref<1x64x128xf32, #tpu.memory_space<hbm>>
      %dma_wait3A_203 = tpu.memref_squeeze %dma_wait3A_202 : memref<1x64x128xf32, #tpu.memory_space<hbm>> -> memref<64x128xf32, #tpu.memory_space<hbm>>
      %dma_wait3A_204 = arith.constant 0 : i32
      %dma_wait3A_205 = tpu.memref_slice %arg14[%add3A_173, %dma_wait3A_204] : memref<10240x128xf32, #tpu.memory_space<vmem_shared>> -> memref<64x128xf32, #tpu.memory_space<vmem_shared>>
      tpu.wait_dma2 semaphore(%run_scoped3A : memref<!tpu.dma_semaphore, #tpu.memory_space<semaphore_mem>>) src(%dma_wait3A_205 : memref<64x128xf32, #tpu.memory_space<vmem_shared>>) dst(%dma_wait3A_203 : memref<64x128xf32, #tpu.memory_space<hbm>>)
      tpu.yield
    }) : () -> ()
    %add3A_176 = arith.constant 320 : i32
    %add3A_177 = arith.addi %mul3A_0, %add3A_176 : i32
    %add3A_178 = arith.constant 320 : i32
    %add3A_179 = arith.addi %mul3A_0, %add3A_178 : i32
    "tpu.region"() ({
      %run_scoped3A = tpu.sem_alloc : memref<!tpu.dma_semaphore, #tpu.memory_space<semaphore_mem>>
      %dma_start3A_196 = arith.constant 0 : i32
      %dma_start3A_197 = tpu.memref_slice %arg6[%arg0, %add3A_179, %dma_start3A_196] : memref<2x10240x128xf32, #tpu.memory_space<hbm>> -> memref<1x64x128xf32, #tpu.memory_space<hbm>>
      %dma_start3A_198 = tpu.memref_squeeze %dma_start3A_197 : memref<1x64x128xf32, #tpu.memory_space<hbm>> -> memref<64x128xf32, #tpu.memory_space<hbm>>
      %dma_start3A_199 = arith.constant 0 : i32
      %dma_start3A_200 = tpu.memref_slice %arg14[%add3A_177, %dma_start3A_199] : memref<10240x128xf32, #tpu.memory_space<vmem_shared>> -> memref<64x128xf32, #tpu.memory_space<vmem_shared>>
      tpu.enqueue_dma source(%dma_start3A_200 : memref<64x128xf32, #tpu.memory_space<vmem_shared>>) target(%dma_start3A_198 : memref<64x128xf32, #tpu.memory_space<hbm>>) target_semaphore(%run_scoped3A : memref<!tpu.dma_semaphore, #tpu.memory_space<semaphore_mem>>)
      %dma_wait3A_201 = arith.constant 0 : i32
      %dma_wait3A_202 = tpu.memref_slice %arg6[%arg0, %add3A_179, %dma_wait3A_201] : memref<2x10240x128xf32, #tpu.memory_space<hbm>> -> memref<1x64x128xf32, #tpu.memory_space<hbm>>
      %dma_wait3A_203 = tpu.memref_squeeze %dma_wait3A_202 : memref<1x64x128xf32, #tpu.memory_space<hbm>> -> memref<64x128xf32, #tpu.memory_space<hbm>>
      %dma_wait3A_204 = arith.constant 0 : i32
      %dma_wait3A_205 = tpu.memref_slice %arg14[%add3A_177, %dma_wait3A_204] : memref<10240x128xf32, #tpu.memory_space<vmem_shared>> -> memref<64x128xf32, #tpu.memory_space<vmem_shared>>
      tpu.wait_dma2 semaphore(%run_scoped3A : memref<!tpu.dma_semaphore, #tpu.memory_space<semaphore_mem>>) src(%dma_wait3A_205 : memref<64x128xf32, #tpu.memory_space<vmem_shared>>) dst(%dma_wait3A_203 : memref<64x128xf32, #tpu.memory_space<hbm>>)
      tpu.yield
    }) : () -> ()
    %add3A_180 = arith.constant 384 : i32
    %add3A_181 = arith.addi %mul3A_0, %add3A_180 : i32
    %add3A_182 = arith.constant 384 : i32
    %add3A_183 = arith.addi %mul3A_0, %add3A_182 : i32
    "tpu.region"() ({
      %run_scoped3A = tpu.sem_alloc : memref<!tpu.dma_semaphore, #tpu.memory_space<semaphore_mem>>
      %dma_start3A_196 = arith.constant 0 : i32
      %dma_start3A_197 = tpu.memref_slice %arg6[%arg0, %add3A_183, %dma_start3A_196] : memref<2x10240x128xf32, #tpu.memory_space<hbm>> -> memref<1x64x128xf32, #tpu.memory_space<hbm>>
      %dma_start3A_198 = tpu.memref_squeeze %dma_start3A_197 : memref<1x64x128xf32, #tpu.memory_space<hbm>> -> memref<64x128xf32, #tpu.memory_space<hbm>>
      %dma_start3A_199 = arith.constant 0 : i32
      %dma_start3A_200 = tpu.memref_slice %arg14[%add3A_181, %dma_start3A_199] : memref<10240x128xf32, #tpu.memory_space<vmem_shared>> -> memref<64x128xf32, #tpu.memory_space<vmem_shared>>
      tpu.enqueue_dma source(%dma_start3A_200 : memref<64x128xf32, #tpu.memory_space<vmem_shared>>) target(%dma_start3A_198 : memref<64x128xf32, #tpu.memory_space<hbm>>) target_semaphore(%run_scoped3A : memref<!tpu.dma_semaphore, #tpu.memory_space<semaphore_mem>>)
      %dma_wait3A_201 = arith.constant 0 : i32
      %dma_wait3A_202 = tpu.memref_slice %arg6[%arg0, %add3A_183, %dma_wait3A_201] : memref<2x10240x128xf32, #tpu.memory_space<hbm>> -> memref<1x64x128xf32, #tpu.memory_space<hbm>>
      %dma_wait3A_203 = tpu.memref_squeeze %dma_wait3A_202 : memref<1x64x128xf32, #tpu.memory_space<hbm>> -> memref<64x128xf32, #tpu.memory_space<hbm>>
      %dma_wait3A_204 = arith.constant 0 : i32
      %dma_wait3A_205 = tpu.memref_slice %arg14[%add3A_181, %dma_wait3A_204] : memref<10240x128xf32, #tpu.memory_space<vmem_shared>> -> memref<64x128xf32, #tpu.memory_space<vmem_shared>>
      tpu.wait_dma2 semaphore(%run_scoped3A : memref<!tpu.dma_semaphore, #tpu.memory_space<semaphore_mem>>) src(%dma_wait3A_205 : memref<64x128xf32, #tpu.memory_space<vmem_shared>>) dst(%dma_wait3A_203 : memref<64x128xf32, #tpu.memory_space<hbm>>)
      tpu.yield
    }) : () -> ()
    %add3A_184 = arith.constant 448 : i32
    %add3A_185 = arith.addi %mul3A_0, %add3A_184 : i32
    %add3A_186 = arith.constant 448 : i32
    %add3A_187 = arith.addi %mul3A_0, %add3A_186 : i32
    "tpu.region"() ({
      %run_scoped3A = tpu.sem_alloc : memref<!tpu.dma_semaphore, #tpu.memory_space<semaphore_mem>>
      %dma_start3A_196 = arith.constant 0 : i32
      %dma_start3A_197 = tpu.memref_slice %arg6[%arg0, %add3A_187, %dma_start3A_196] : memref<2x10240x128xf32, #tpu.memory_space<hbm>> -> memref<1x64x128xf32, #tpu.memory_space<hbm>>
      %dma_start3A_198 = tpu.memref_squeeze %dma_start3A_197 : memref<1x64x128xf32, #tpu.memory_space<hbm>> -> memref<64x128xf32, #tpu.memory_space<hbm>>
      %dma_start3A_199 = arith.constant 0 : i32
      %dma_start3A_200 = tpu.memref_slice %arg14[%add3A_185, %dma_start3A_199] : memref<10240x128xf32, #tpu.memory_space<vmem_shared>> -> memref<64x128xf32, #tpu.memory_space<vmem_shared>>
      tpu.enqueue_dma source(%dma_start3A_200 : memref<64x128xf32, #tpu.memory_space<vmem_shared>>) target(%dma_start3A_198 : memref<64x128xf32, #tpu.memory_space<hbm>>) target_semaphore(%run_scoped3A : memref<!tpu.dma_semaphore, #tpu.memory_space<semaphore_mem>>)
      %dma_wait3A_201 = arith.constant 0 : i32
      %dma_wait3A_202 = tpu.memref_slice %arg6[%arg0, %add3A_187, %dma_wait3A_201] : memref<2x10240x128xf32, #tpu.memory_space<hbm>> -> memref<1x64x128xf32, #tpu.memory_space<hbm>>
      %dma_wait3A_203 = tpu.memref_squeeze %dma_wait3A_202 : memref<1x64x128xf32, #tpu.memory_space<hbm>> -> memref<64x128xf32, #tpu.memory_space<hbm>>
      %dma_wait3A_204 = arith.constant 0 : i32
      %dma_wait3A_205 = tpu.memref_slice %arg14[%add3A_185, %dma_wait3A_204] : memref<10240x128xf32, #tpu.memory_space<vmem_shared>> -> memref<64x128xf32, #tpu.memory_space<vmem_shared>>
      tpu.wait_dma2 semaphore(%run_scoped3A : memref<!tpu.dma_semaphore, #tpu.memory_space<semaphore_mem>>) src(%dma_wait3A_205 : memref<64x128xf32, #tpu.memory_space<vmem_shared>>) dst(%dma_wait3A_203 : memref<64x128xf32, #tpu.memory_space<hbm>>)
      tpu.yield
    }) : () -> ()
    %add3A_188 = arith.constant 512 : i32
    %add3A_189 = arith.addi %mul3A_0, %add3A_188 : i32
    %add3A_190 = arith.constant 512 : i32
    %add3A_191 = arith.addi %mul3A_0, %add3A_190 : i32
    "tpu.region"() ({
      %run_scoped3A = tpu.sem_alloc : memref<!tpu.dma_semaphore, #tpu.memory_space<semaphore_mem>>
      %dma_start3A_196 = arith.constant 0 : i32
      %dma_start3A_197 = tpu.memref_slice %arg6[%arg0, %add3A_191, %dma_start3A_196] : memref<2x10240x128xf32, #tpu.memory_space<hbm>> -> memref<1x64x128xf32, #tpu.memory_space<hbm>>
      %dma_start3A_198 = tpu.memref_squeeze %dma_start3A_197 : memref<1x64x128xf32, #tpu.memory_space<hbm>> -> memref<64x128xf32, #tpu.memory_space<hbm>>
      %dma_start3A_199 = arith.constant 0 : i32
      %dma_start3A_200 = tpu.memref_slice %arg14[%add3A_189, %dma_start3A_199] : memref<10240x128xf32, #tpu.memory_space<vmem_shared>> -> memref<64x128xf32, #tpu.memory_space<vmem_shared>>
      tpu.enqueue_dma source(%dma_start3A_200 : memref<64x128xf32, #tpu.memory_space<vmem_shared>>) target(%dma_start3A_198 : memref<64x128xf32, #tpu.memory_space<hbm>>) target_semaphore(%run_scoped3A : memref<!tpu.dma_semaphore, #tpu.memory_space<semaphore_mem>>)
      %dma_wait3A_201 = arith.constant 0 : i32
      %dma_wait3A_202 = tpu.memref_slice %arg6[%arg0, %add3A_191, %dma_wait3A_201] : memref<2x10240x128xf32, #tpu.memory_space<hbm>> -> memref<1x64x128xf32, #tpu.memory_space<hbm>>
      %dma_wait3A_203 = tpu.memref_squeeze %dma_wait3A_202 : memref<1x64x128xf32, #tpu.memory_space<hbm>> -> memref<64x128xf32, #tpu.memory_space<hbm>>
      %dma_wait3A_204 = arith.constant 0 : i32
      %dma_wait3A_205 = tpu.memref_slice %arg14[%add3A_189, %dma_wait3A_204] : memref<10240x128xf32, #tpu.memory_space<vmem_shared>> -> memref<64x128xf32, #tpu.memory_space<vmem_shared>>
      tpu.wait_dma2 semaphore(%run_scoped3A : memref<!tpu.dma_semaphore, #tpu.memory_space<semaphore_mem>>) src(%dma_wait3A_205 : memref<64x128xf32, #tpu.memory_space<vmem_shared>>) dst(%dma_wait3A_203 : memref<64x128xf32, #tpu.memory_space<hbm>>)
      tpu.yield
    }) : () -> ()
    %add3A_192 = arith.constant 576 : i32
    %add3A_193 = arith.addi %mul3A_0, %add3A_192 : i32
    %add3A_194 = arith.constant 576 : i32
    %add3A_195 = arith.addi %mul3A_0, %add3A_194 : i32
    "tpu.region"() ({
      %run_scoped3A = tpu.sem_alloc : memref<!tpu.dma_semaphore, #tpu.memory_space<semaphore_mem>>
      %dma_start3A_196 = arith.constant 0 : i32
      %dma_start3A_197 = tpu.memref_slice %arg6[%arg0, %add3A_195, %dma_start3A_196] : memref<2x10240x128xf32, #tpu.memory_space<hbm>> -> memref<1x64x128xf32, #tpu.memory_space<hbm>>
      %dma_start3A_198 = tpu.memref_squeeze %dma_start3A_197 : memref<1x64x128xf32, #tpu.memory_space<hbm>> -> memref<64x128xf32, #tpu.memory_space<hbm>>
      %dma_start3A_199 = arith.constant 0 : i32
      %dma_start3A_200 = tpu.memref_slice %arg14[%add3A_193, %dma_start3A_199] : memref<10240x128xf32, #tpu.memory_space<vmem_shared>> -> memref<64x128xf32, #tpu.memory_space<vmem_shared>>
      tpu.enqueue_dma source(%dma_start3A_200 : memref<64x128xf32, #tpu.memory_space<vmem_shared>>) target(%dma_start3A_198 : memref<64x128xf32, #tpu.memory_space<hbm>>) target_semaphore(%run_scoped3A : memref<!tpu.dma_semaphore, #tpu.memory_space<semaphore_mem>>)
      %dma_wait3A_201 = arith.constant 0 : i32
      %dma_wait3A_202 = tpu.memref_slice %arg6[%arg0, %add3A_195, %dma_wait3A_201] : memref<2x10240x128xf32, #tpu.memory_space<hbm>> -> memref<1x64x128xf32, #tpu.memory_space<hbm>>
      %dma_wait3A_203 = tpu.memref_squeeze %dma_wait3A_202 : memref<1x64x128xf32, #tpu.memory_space<hbm>> -> memref<64x128xf32, #tpu.memory_space<hbm>>
      %dma_wait3A_204 = arith.constant 0 : i32
      %dma_wait3A_205 = tpu.memref_slice %arg14[%add3A_193, %dma_wait3A_204] : memref<10240x128xf32, #tpu.memory_space<vmem_shared>> -> memref<64x128xf32, #tpu.memory_space<vmem_shared>>
      tpu.wait_dma2 semaphore(%run_scoped3A : memref<!tpu.dma_semaphore, #tpu.memory_space<semaphore_mem>>) src(%dma_wait3A_205 : memref<64x128xf32, #tpu.memory_space<vmem_shared>>) dst(%dma_wait3A_203 : memref<64x128xf32, #tpu.memory_space<hbm>>)
      tpu.yield
    }) : () -> ()
    return
  }
}

module attributes {stable_mosaic.version = 14 : i64} {
  func.func @body(%arg0: i32, %arg1: memref<2x1000x128xf32, #tpu.memory_space<vmem>>, %arg2: memref<2x1000x128xf32, #tpu.memory_space<vmem>>, %arg3: memref<1000x128xf32, #tpu.memory_space<vmem>>, %arg4: memref<1000x128xf32, #tpu.memory_space<vmem>>, %arg5: memref<128x128xf32, #tpu.memory_space<vmem>>, %arg6: memref<8x128xf32, #tpu.memory_space<vmem>>, %arg7: memref<128x128xf32, #tpu.memory_space<vmem>>, %arg8: memref<1000x128xf32, #tpu.memory_space<vmem>>) attributes {dimension_semantics = [#tpu.dimension_semantics<arbitrary>], iteration_bounds = array<i64: 10>, scalar_prefetch = 0 : i64, scratch_operands = 0 : i64, tpu.core_type = #tpu.core_type<tc>, window_params = [{transform_indices = @transform_0, window_bounds = array<i64: 2, 1000, 128>}, {transform_indices = @transform_1, window_bounds = array<i64: 2, 1000, 128>}, {transform_indices = @transform_2, window_bounds = array<i64: 1000, 128>}, {transform_indices = @transform_3, window_bounds = array<i64: 1000, 128>}, {pipeline_mode = #tpu.pipeline_mode<synchronous>, transform_indices = @transform_4, window_bounds = array<i64: 128, 128>}, {pipeline_mode = #tpu.pipeline_mode<synchronous>, transform_indices = @transform_5, window_bounds = array<i64: 8, 128>}, {pipeline_mode = #tpu.pipeline_mode<synchronous>, transform_indices = @transform_6, window_bounds = array<i64: 128, 128>}, {transform_indices = @transform_7, window_bounds = array<i64: 1000, 128>}]} {
    %get3A = arith.constant 0 : index
    %get3A_0 = arith.constant 0 : index
    %get3A_1 = arith.constant 0 : index
    %get3A_2 = vector.load %arg1[%get3A, %get3A_0, %get3A_1] : memref<2x1000x128xf32, #tpu.memory_space<vmem>>, vector<1x1000x128xf32>
    %get3A_3 = vector.shape_cast %get3A_2 : vector<1x1000x128xf32> to vector<1000x128xf32>
    %get3A_4 = arith.constant 1 : index
    %get3A_5 = arith.constant 0 : index
    %get3A_6 = arith.constant 0 : index
    %get3A_7 = vector.load %arg1[%get3A_4, %get3A_5, %get3A_6] : memref<2x1000x128xf32, #tpu.memory_space<vmem>>, vector<1x1000x128xf32>
    %get3A_8 = vector.shape_cast %get3A_7 : vector<1x1000x128xf32> to vector<1000x128xf32>
    %add3A = arith.addf %get3A_3, %get3A_8 : vector<1000x128xf32>
    %get3A_9 = arith.constant 0 : index
    %get3A_10 = arith.constant 0 : index
    %get3A_11 = arith.constant 0 : index
    %get3A_12 = vector.load %arg2[%get3A_9, %get3A_10, %get3A_11] : memref<2x1000x128xf32, #tpu.memory_space<vmem>>, vector<1x1000x128xf32>
    %get3A_13 = vector.shape_cast %get3A_12 : vector<1x1000x128xf32> to vector<1000x128xf32>
    %add3A_14 = arith.addf %add3A, %get3A_13 : vector<1000x128xf32>
    %get3A_15 = arith.constant 1 : index
    %get3A_16 = arith.constant 0 : index
    %get3A_17 = arith.constant 0 : index
    %get3A_18 = vector.load %arg2[%get3A_15, %get3A_16, %get3A_17] : memref<2x1000x128xf32, #tpu.memory_space<vmem>>, vector<1x1000x128xf32>
    %get3A_19 = vector.shape_cast %get3A_18 : vector<1x1000x128xf32> to vector<1000x128xf32>
    %add3A_20 = arith.addf %add3A_14, %get3A_19 : vector<1000x128xf32>
    %get3A_21 = arith.constant 0 : index
    %get3A_22 = arith.constant 0 : index
    %get3A_23 = vector.load %arg3[%get3A_21, %get3A_22] : memref<1000x128xf32, #tpu.memory_space<vmem>>, vector<1000x128xf32>
    %div3A = arith.divf %add3A_20, %get3A_23 : vector<1000x128xf32>
    %get3A_24 = arith.constant 0 : index
    %get3A_25 = arith.constant 0 : index
    %get3A_26 = vector.load %arg5[%get3A_24, %get3A_25] : memref<128x128xf32, #tpu.memory_space<vmem>>, vector<128x128xf32>
    %dot_general3A = arith.constant dense<0.000000e+00> : vector<1000x128xf32>
    %dot_general3A_27 = tpu.matmul %div3A, %get3A_26, %dot_general3A {dimension_numbers = #tpu.dot_dimension_numbers<[1], [0], [0], [1], [0, 0, 1, 1], [], []>, transpose_lhs_hint = false} : vector<1000x128xf32>, vector<128x128xf32>, vector<1000x128xf32> -> vector<1000x128xf32>
    %get3A_28 = arith.constant 0 : index
    %get3A_29 = arith.constant 0 : index
    %get3A_30 = vector.load %arg4[%get3A_28, %get3A_29] : memref<1000x128xf32, #tpu.memory_space<vmem>>, vector<1000x128xf32>
    %get3A_31 = arith.constant 0 : index
    %get3A_32 = arith.constant 0 : index
    %get3A_33 = vector.load %arg7[%get3A_31, %get3A_32] : memref<128x128xf32, #tpu.memory_space<vmem>>, vector<128x128xf32>
    %dot_general3A_34 = arith.constant dense<0.000000e+00> : vector<1000x128xf32>
    %dot_general3A_35 = tpu.matmul %get3A_30, %get3A_33, %dot_general3A_34 {dimension_numbers = #tpu.dot_dimension_numbers<[1], [0], [0], [1], [0, 0, 1, 1], [], []>, transpose_lhs_hint = false} : vector<1000x128xf32>, vector<128x128xf32>, vector<1000x128xf32> -> vector<1000x128xf32>
    %add3A_36 = arith.addf %dot_general3A_27, %dot_general3A_35 : vector<1000x128xf32>
    %get3A_37 = arith.constant 0 : index
    %get3A_38 = arith.constant 0 : index
    %get3A_39 = vector.load %arg6[%get3A_37, %get3A_38] : memref<8x128xf32, #tpu.memory_space<vmem>>, vector<1x128xf32>
    %add3A_40 = vector.broadcast %get3A_39 : vector<1x128xf32> to vector<1000x128xf32>
    %add3A_41 = arith.addf %add3A_36, %add3A_40 : vector<1000x128xf32>
    %max3A = arith.constant 0.000000e+00 : f32
    %max3A_42 = vector.broadcast %max3A : f32 to vector<1000x128xf32>
    %max3A_43 = arith.maximumf %add3A_41, %max3A_42 : vector<1000x128xf32>
    %swap3A = arith.constant 0 : index
    %swap3A_44 = arith.constant 0 : index
    %swap3A_45 = vector.load %arg8[%swap3A, %swap3A_44] : memref<1000x128xf32, #tpu.memory_space<vmem>>, vector<1000x128xf32>
    tpu.vector_store %arg8[%swap3A, %swap3A_44], %max3A_43 {strides = array<i32>} : memref<1000x128xf32, #tpu.memory_space<vmem>>, vector<1000x128xf32>,
    return
  }
  func.func @transform_0(%arg0: i32) -> (i32, i32, i32) {
    %c0_i32 = arith.constant 0 : i32
    %c0_i32_0 = arith.constant 0 : i32
    %c0_i32_1 = arith.constant 0 : i32
    return %c0_i32, %arg0, %c0_i32_0 : i32, i32, i32
  }
  func.func @transform_1(%arg0: i32) -> (i32, i32, i32) {
    %c0_i32 = arith.constant 0 : i32
    %c0_i32_0 = arith.constant 0 : i32
    %c0_i32_1 = arith.constant 0 : i32
    return %c0_i32, %arg0, %c0_i32_0 : i32, i32, i32
  }
  func.func @transform_2(%arg0: i32) -> (i32, i32) {
    %c0_i32 = arith.constant 0 : i32
    %c0_i32_0 = arith.constant 0 : i32
    return %arg0, %c0_i32 : i32, i32
  }
  func.func @transform_3(%arg0: i32) -> (i32, i32) {
    %c0_i32 = arith.constant 0 : i32
    %c0_i32_0 = arith.constant 0 : i32
    return %arg0, %c0_i32 : i32, i32
  }
  func.func @transform_4(%arg0: i32) -> (i32, i32) {
    %c0_i32 = arith.constant 0 : i32
    %c0_i32_0 = arith.constant 0 : i32
    %c0_i32_1 = arith.constant 0 : i32
    return %c0_i32, %c0_i32_0 : i32, i32
  }
  func.func @transform_5(%arg0: i32) -> (i32, i32) {
    %c0_i32 = arith.constant 0 : i32
    %c0_i32_0 = arith.constant 0 : i32
    %c0_i32_1 = arith.constant 0 : i32
    return %c0_i32, %c0_i32_0 : i32, i32
  }
  func.func @transform_6(%arg0: i32) -> (i32, i32) {
    %c0_i32 = arith.constant 0 : i32
    %c0_i32_0 = arith.constant 0 : i32
    %c0_i32_1 = arith.constant 0 : i32
    return %c0_i32, %c0_i32_0 : i32, i32
  }
  func.func @transform_7(%arg0: i32) -> (i32, i32) {
    %c0_i32 = arith.constant 0 : i32
    %c0_i32_0 = arith.constant 0 : i32
    return %arg0, %c0_i32 : i32, i32
  }
}

module attributes {stable_mosaic.version = 14 : i64} {
  func.func @body(%arg0: i32, %arg1: memref<2x1000x128xf32, #tpu.memory_space<vmem>>, %arg2: memref<2x1000x128xf32, #tpu.memory_space<vmem>>, %arg3: memref<1000x128xf32, #tpu.memory_space<vmem>>, %arg4: memref<1000x128xf32, #tpu.memory_space<vmem>>, %arg5: memref<128x128xf32, #tpu.memory_space<vmem>>, %arg6: memref<8x128xf32, #tpu.memory_space<vmem>>, %arg7: memref<128x128xf32, #tpu.memory_space<vmem>>, %arg8: memref<1000x128xf32, #tpu.memory_space<vmem>>) attributes {dimension_semantics = [#tpu.dimension_semantics<arbitrary>], iteration_bounds = array<i64: 10>, scalar_prefetch = 0 : i64, scratch_operands = 0 : i64, tpu.core_type = #tpu.core_type<tc>, window_params = [{transform_indices = @transform_0, window_bounds = array<i64: 2, 1000, 128>}, {transform_indices = @transform_1, window_bounds = array<i64: 2, 1000, 128>}, {transform_indices = @transform_2, window_bounds = array<i64: 1000, 128>}, {transform_indices = @transform_3, window_bounds = array<i64: 1000, 128>}, {pipeline_mode = #tpu.pipeline_mode<synchronous>, transform_indices = @transform_4, window_bounds = array<i64: 128, 128>}, {pipeline_mode = #tpu.pipeline_mode<synchronous>, transform_indices = @transform_5, window_bounds = array<i64: 8, 128>}, {pipeline_mode = #tpu.pipeline_mode<synchronous>, transform_indices = @transform_6, window_bounds = array<i64: 128, 128>}, {transform_indices = @transform_7, window_bounds = array<i64: 1000, 128>}]} {
    %get3A = arith.constant 0 : index
    %get3A_0 = arith.constant 0 : index
    %get3A_1 = arith.constant 0 : index
    %get3A_2 = vector.load %arg1[%get3A, %get3A_0, %get3A_1] : memref<2x1000x128xf32, #tpu.memory_space<vmem>>, vector<1x1000x128xf32>
    %get3A_3 = vector.shape_cast %get3A_2 : vector<1x1000x128xf32> to vector<1000x128xf32>
    %get3A_4 = arith.constant 1 : index
    %get3A_5 = arith.constant 0 : index
    %get3A_6 = arith.constant 0 : index
    %get3A_7 = vector.load %arg1[%get3A_4, %get3A_5, %get3A_6] : memref<2x1000x128xf32, #tpu.memory_space<vmem>>, vector<1x1000x128xf32>
    %get3A_8 = vector.shape_cast %get3A_7 : vector<1x1000x128xf32> to vector<1000x128xf32>
    %add3A = arith.addf %get3A_3, %get3A_8 : vector<1000x128xf32>
    %get3A_9 = arith.constant 0 : index
    %get3A_10 = arith.constant 0 : index
    %get3A_11 = arith.constant 0 : index
    %get3A_12 = vector.load %arg2[%get3A_9, %get3A_10, %get3A_11] : memref<2x1000x128xf32, #tpu.memory_space<vmem>>, vector<1x1000x128xf32>
    %get3A_13 = vector.shape_cast %get3A_12 : vector<1x1000x128xf32> to vector<1000x128xf32>
    %add3A_14 = arith.addf %add3A, %get3A_13 : vector<1000x128xf32>
    %get3A_15 = arith.constant 1 : index
    %get3A_16 = arith.constant 0 : index
    %get3A_17 = arith.constant 0 : index
    %get3A_18 = vector.load %arg2[%get3A_15, %get3A_16, %get3A_17] : memref<2x1000x128xf32, #tpu.memory_space<vmem>>, vector<1x1000x128xf32>
    %get3A_19 = vector.shape_cast %get3A_18 : vector<1x1000x128xf32> to vector<1000x128xf32>
    %add3A_20 = arith.addf %add3A_14, %get3A_19 : vector<1000x128xf32>
    %get3A_21 = arith.constant 0 : index
    %get3A_22 = arith.constant 0 : index
    %get3A_23 = vector.load %arg3[%get3A_21, %get3A_22] : memref<1000x128xf32, #tpu.memory_space<vmem>>, vector<1000x128xf32>
    %div3A = arith.divf %add3A_20, %get3A_23 : vector<1000x128xf32>
    %get3A_24 = arith.constant 0 : index
    %get3A_25 = arith.constant 0 : index
    %get3A_26 = vector.load %arg5[%get3A_24, %get3A_25] : memref<128x128xf32, #tpu.memory_space<vmem>>, vector<128x128xf32>
    %dot_general3A = arith.constant dense<0.000000e+00> : vector<1000x128xf32>
    %dot_general3A_27 = tpu.matmul %div3A, %get3A_26, %dot_general3A {dimension_numbers = #tpu.dot_dimension_numbers<[1], [0], [0], [1], [0, 0, 1, 1], [], []>, transpose_lhs_hint = false} : vector<1000x128xf32>, vector<128x128xf32>, vector<1000x128xf32> -> vector<1000x128xf32>
    %get3A_28 = arith.constant 0 : index
    %get3A_29 = arith.constant 0 : index
    %get3A_30 = vector.load %arg4[%get3A_28, %get3A_29] : memref<1000x128xf32, #tpu.memory_space<vmem>>, vector<1000x128xf32>
    %get3A_31 = arith.constant 0 : index
    %get3A_32 = arith.constant 0 : index
    %get3A_33 = vector.load %arg7[%get3A_31, %get3A_32] : memref<128x128xf32, #tpu.memory_space<vmem>>, vector<128x128xf32>
    %dot_general3A_34 = arith.constant dense<0.000000e+00> : vector<1000x128xf32>
    %dot_general3A_35 = tpu.matmul %get3A_30, %get3A_33, %dot_general3A_34 {dimension_numbers = #tpu.dot_dimension_numbers<[1], [0], [0], [1], [0, 0, 1, 1], [], []>, transpose_lhs_hint = false} : vector<1000x128xf32>, vector<128x128xf32>, vector<1000x128xf32> -> vector<1000x128xf32>
    %add3A_36 = arith.addf %dot_general3A_27, %dot_general3A_35 : vector<1000x128xf32>
    %get3A_37 = arith.constant 0 : index
    %get3A_38 = arith.constant 0 : index
    %get3A_39 = vector.load %arg6[%get3A_37, %get3A_38] : memref<8x128xf32, #tpu.memory_space<vmem>>, vector<1x128xf32>
    %add3A_40 = vector.broadcast %get3A_39 : vector<1x128xf32> to vector<1000x128xf32>
    %add3A_41 = arith.addf %add3A_36, %add3A_40 : vector<1000x128xf32>
    %max3A = arith.constant 0.000000e+00 : f32
    %max3A_42 = vector.broadcast %max3A : f32 to vector<1000x128xf32>
    %max3A_43 = arith.maximumf %add3A_41, %max3A_42 : vector<1000x128xf32>
    %swap3A = arith.constant 0 : index
    %swap3A_44 = arith.constant 0 : index
    %swap3A_45 = vector.load %arg8[%swap3A, %swap3A_44] : memref<1000x128xf32, #tpu.memory_space<vmem>>, vector<1000x128xf32>
    tpu.vector_store %arg8[%swap3A, %swap3A_44], %max3A_43 {strides = array<i32>} : memref<1000x128xf32, #tpu.memory_space<vmem>>, vector<1000x128xf32>,
    return
  }
  func.func @transform_0(%arg0: i32) -> (i32, i32, i32) {
    %c0_i32 = arith.constant 0 : i32
    %c0_i32_0 = arith.constant 0 : i32
    %c0_i32_1 = arith.constant 0 : i32
    return %c0_i32, %arg0, %c0_i32_0 : i32, i32, i32
  }
  func.func @transform_1(%arg0: i32) -> (i32, i32, i32) {
    %c0_i32 = arith.constant 0 : i32
    %c0_i32_0 = arith.constant 0 : i32
    %c0_i32_1 = arith.constant 0 : i32
    return %c0_i32, %arg0, %c0_i32_0 : i32, i32, i32
  }
  func.func @transform_2(%arg0: i32) -> (i32, i32) {
    %c0_i32 = arith.constant 0 : i32
    %c0_i32_0 = arith.constant 0 : i32
    return %arg0, %c0_i32 : i32, i32
  }
  func.func @transform_3(%arg0: i32) -> (i32, i32) {
    %c0_i32 = arith.constant 0 : i32
    %c0_i32_0 = arith.constant 0 : i32
    return %arg0, %c0_i32 : i32, i32
  }
  func.func @transform_4(%arg0: i32) -> (i32, i32) {
    %c0_i32 = arith.constant 0 : i32
    %c0_i32_0 = arith.constant 0 : i32
    %c0_i32_1 = arith.constant 0 : i32
    return %c0_i32, %c0_i32_0 : i32, i32
  }
  func.func @transform_5(%arg0: i32) -> (i32, i32) {
    %c0_i32 = arith.constant 0 : i32
    %c0_i32_0 = arith.constant 0 : i32
    %c0_i32_1 = arith.constant 0 : i32
    return %c0_i32, %c0_i32_0 : i32, i32
  }
  func.func @transform_6(%arg0: i32) -> (i32, i32) {
    %c0_i32 = arith.constant 0 : i32
    %c0_i32_0 = arith.constant 0 : i32
    %c0_i32_1 = arith.constant 0 : i32
    return %c0_i32, %c0_i32_0 : i32, i32
  }
  func.func @transform_7(%arg0: i32) -> (i32, i32) {
    %c0_i32 = arith.constant 0 : i32
    %c0_i32_0 = arith.constant 0 : i32
    return %arg0, %c0_i32 : i32, i32
  }
}

</mosaic_0001>

<sc_bundles>
// kernel: kernel.10.cloned.1.call-start
scs
__scs_entry_jumppad:
0x0: {  	(pc) =	sbr.rel $0x88, $3  }
0x1: {  	(tag) =	ssettag $0x0;
	lr =	simm.s32 $0x1  }
0x2: {  	[smem:$0x3F98] =	sst lr;
	_ =	strace $0xD0000000  }
0x3: {  	_ = 	snop  }
0x4: {  	_ = 	snop  }
0x5: {  	_ = 	snop  }
0x6: {  	_ = 	snop  }
0x7: {  	_ = 	snop  }
__scs_overlays_trampoline_lowered:
0x8: {  	[smem:$0x3FA7] =	sst s0  }
0x9: {  	[smem:$0x3FA8] =	sst s1  }
0xa: {  	[smem:$0x3FA9] =	sst s2  }
0xb: {  	[smem:$0x3FAA] =	sst s3  }
0xc: {  	[smem:$0x3FAB] =	sst s4  }
0xd: {  	[smem:$0x3FAC] =	sst s5  }
0xe: {  	[smem:$0x3FAD] =	sst s6  }
0xf: {  	[smem:$0x3FAE] =	sst s7  }
0x10: {  	[smem:$0x3FAF] =	sst s8  }
0x11: {  	[smem:$0x3FB0] =	sst s9;
	s0 =	simm.s32 @!p0 $0x0  }
0x12: {  	s1 =	sld [smem:$0x3F96];
	s0 =	simm.s32 @p0 $0x1  }
0x13: {  	[smem:$0x3FB1] =	sst s0;
	s0 =	simm.s32 @!p1 $0x0  }
0x14: {  	s2 =	sld [smem:$0x3F95];
	s0 =	simm.s32 @p1 $0x1  }
0x15: {  	[smem:$0x3FB2] =	sst s0;
	s0 =	simm.s32 @!p2 $0x0  }
0x16: {  	s3 =	sld [smem:$0x3FDB];
	s0 =	simm.s32 @p2 $0x1  }
0x17: {  	s4 =	simm.s32 $0x1BF5;
	[smem:$0x3FB4] =	sst s0  }
0x18: {  	s0 =	sld [smem:$0x3F97];
	_ =	swait.ge [sflag:s4], $0x0  }
0x19: {  	s7 =	sld [smem:$0x3F98]  }
0x1a: {  	s8 =	sadd.s32 $0xFFFFE003, lr  }
0x1b: {  	s9 =	sadd.s32 $0xFFFFFEF7, lr;
	s5 =	simm.s32 $0xFFFFFFFF;
	p2 =	slt.u32 s8, $0xFFFFF086  }
0x1c: {  	p1 =	slt.u32 s9, $0xF7A;
	s5 =	simm.s32 @!p2 $0x0  }
0x1d: {  	s5 =	simm.s32 @p1 $0x1;
	p0 =	seq.s32 s7, s2  }
0x1e: {  	s7 =	smul.u32 @!p0 $0xF7A, s2;
	p2 =	seq.s32 @!p0 s5, $0x0  }
0x1f: {  	s9 =	smul.u32 $0xF7A, s1;
	s8 =	simm.s32 @!p0 $0x1BF5;
	p2 =	por !p2, p0  }
0x20: {  	[sflag:s8] =	ssyncset.s32 @!p0 $0xFFFFF086;
	s6 =	sadd.s32 @!p0 s3, s7;
	s7 =	simm.s32 @!p0 $0x108  }
0x21: {  	s3 =	sadd.s32 s3, s9;
	s6 =	sadd.s32 @!p0 $0x88, s6;
	s7 =	simm.s32 @p2 $0x1082  }
0x22: {  	[simem:s7], [sflag:s8] =	dma.local @!p0 [hbm:s6], $0xF7A  }
0x23: {  	s9 =	sor.u32 $0xD0000000, s2;
	s6 =	simm.s32 $0x108;
	_ =	swait.ge @!p0 [sflag:s8], $0x0  }
0x24: {  	s3 =	sadd.s32 $0x88, s3;
	s6 =	simm.s32 @!p1 $0x1082;
	[sflag:s4] =	ssyncset.s32 $0xFFFFF086  }
0x25: {  	[simem:s6], [sflag:s4] =	dma.local [hbm:s3], $0xF7A  }
0x26: {  	[smem:$0x3F98] =	sst s1;
	(tag) =	ssettag s2;
	_ =	strace s9  }
0x27: {  	s1 =	sld [smem:$0x3FA8]  }
0x28: {  	s2 =	sld [smem:$0x3FA9]  }
0x29: {  	s4 =	sld [smem:$0x3FAB]  }
0x2a: {  	p0 =	seq.s32 s5, $0x0;
	s5 =	sld [smem:$0x3FAC]  }
0x2b: {  	s6 =	sld [smem:$0x3FAD]  }
0x2c: {  	s7 =	sld [smem:$0x3FAE]  }
0x2d: {  	s3 =	simm.s32 $0x108;
	s8 =	sld [smem:$0x3FAF]  }
0x2e: {  	s3 =	simm.s32 @!p0 $0x1082;
	s9 =	sld [smem:$0x3FB0]  }
0x2f: {  	lr =	sadd.s32 s0, s3;
	s0 =	sld [smem:$0x3FA7]  }
0x30: {  	s3 =	sld [smem:$0x3FAA]  }
0x31: {  	[smem:$0x3FB3] =	sst s10  }
0x32: {  	s10 =	sld [smem:$0x3FB1];
	_ =	sdelay $0x3  }
0x33: {  	p0 =	seq.s32 s10, $0x1;
	s10 =	sld [smem:$0x3FB3];
	_ =	sdelay $0x3  }
0x34: {  	[smem:$0x3FB3] =	sst s10  }
0x35: {  	s10 =	sld [smem:$0x3FB2];
	_ =	sdelay $0x3  }
0x36: {  	p1 =	seq.s32 s10, $0x1;
	s10 =	sld [smem:$0x3FB3];
	_ =	sdelay $0x3  }
0x37: {  	[smem:$0x3FB3] =	sst s10  }
0x38: {  	s10 =	sld [smem:$0x3FB4]  }
0x39: {  	_ = 	snop;
	(pc) =	sbr.ind lr, $3  }
0x3a: {  	_ = 	snop  }
0x3b: {  	_ = 	snop  }
0x3c: {  	p2 =	seq.s32 s10, $0x1;
	s10 =	sld [smem:$0x3FB3]  }
0x3d: {  	_ =	shalt  }
0x3e: {  	_ =	shalt  }
0x3f: {  	_ =	shalt  }
0x40: {  	_ =	shalt  }
0x41: {  	_ =	shalt  }
0x42: {  	_ =	shalt  }
0x43: {  	_ =	shalt  }
0x44: {  	_ =	shalt  }
0x45: {  	_ =	shalt  }
0x46: {  	_ =	shalt  }
0x47: {  	_ =	shalt  }
0x48: {  	_ =	shalt  }
0x49: {  	_ =	shalt  }
0x4a: {  	_ =	shalt  }
0x4b: {  	_ =	shalt  }
0x4c: {  	_ =	shalt  }
0x4d: {  	_ =	shalt  }
0x4e: {  	_ =	shalt  }
0x4f: {  	_ =	shalt  }
0x50: {  	_ =	shalt  }
0x51: {  	_ =	shalt  }
0x52: {  	_ =	shalt  }
0x53: {  	_ =	shalt  }
0x54: {  	_ =	shalt  }
0x55: {  	_ =	shalt  }
0x56: {  	_ =	shalt  }
0x57: {  	_ =	shalt  }
0x58: {  	_ =	shalt  }
0x59: {  	_ =	shalt  }
0x5a: {  	_ =	shalt  }
0x5b: {  	_ =	shalt  }
0x5c: {  	_ =	shalt  }
0x5d: {  	_ =	shalt  }
0x5e: {  	_ =	shalt  }
0x5f: {  	_ =	shalt  }
0x60: {  	_ =	shalt  }
0x61: {  	_ =	shalt  }
0x62: {  	_ =	shalt  }
0x63: {  	_ =	shalt  }
0x64: {  	_ =	shalt  }
0x65: {  	_ =	shalt  }
0x66: {  	_ =	shalt  }
0x67: {  	_ =	shalt  }
0x68: {  	_ =	shalt  }
0x69: {  	_ =	shalt  }
0x6a: {  	_ =	shalt  }
0x6b: {  	_ =	shalt  }
0x6c: {  	_ =	shalt  }
0x6d: {  	_ =	shalt  }
0x6e: {  	_ =	shalt  }
0x6f: {  	_ =	shalt  }
0x70: {  	_ =	shalt  }
0x71: {  	_ =	shalt  }
0x72: {  	_ =	shalt  }
0x73: {  	_ =	shalt  }
0x74: {  	_ =	shalt  }
0x75: {  	_ =	shalt  }
0x76: {  	_ =	shalt  }
0x77: {  	_ =	shalt  }
0x78: {  	_ =	shalt  }
0x79: {  	_ =	shalt  }
0x7a: {  	_ =	shalt  }
0x7b: {  	_ =	shalt  }
0x7c: {  	_ =	shalt  }
0x7d: {  	_ =	shalt  }
0x7e: {  	_ =	shalt  }
0x7f: {  	_ =	shalt  }
0x80: {  	_ =	shalt  }
0x81: {  	_ =	shalt  }
0x82: {  	_ =	shalt  }
0x83: {  	_ =	shalt  }
0x84: {  	_ =	shalt  }
0x85: {  	_ =	shalt  }
0x86: {  	_ =	shalt  }
0x87: {  	_ =	shalt  }
.Lfunc_end0:
.L_simem_size_0:
called_computation.1_lowered:
.L_overlay_start_0:
0x88: {  	s2 =	sld [smem:$0x3FD9]  }
0x89: {  	s3 =	sld [smem:$0x3FFE];
	_ =	sdelay $0x1  }
0x8a: {  	s1 =	srdreg.scid  }
0x8b: {  	s0 =	sand.u32 $0x1, s1  }
0x8c: {  	s17 =	sshll.u32 s0, $0xA;
	s2 =	sadd.s32 s3, s2  }
0x8d: {  	s2 =	sadd.s32 s2, s17  }
0x8e: {  	[smem:$0x3FBF] =	sst s2  }
0x8f: {  	_ = 	snop  }
0x90: {  	s2 =	sld [smem:$0x3FC9];
	(tm) =	ssettm $0x1  }
0x91: {  	s18 =	sld [smem:$0x3FFB];
	_ =	sdelay $0x3  }
0x92: {  	_ =	strace s18  }
0x93: {  	s3 =	sld [smem:$0x3FFC];
	_ =	sdelay $0x3  }
0x94: {  	_ =	strace s3  }
0x95: {  	s3 =	sld [smem:$0x3FFD];
	_ =	sdelay $0x3  }
0x96: {  	_ =	strace s3  }
0x97: {  	_ =	strace $0x8FFFFFFF  }
0x98: {  	s19 =	sld [smem:$0x3FDB];
	_ =	sdelay $0x1  }
0x99: {  	s4 =	simm.s32 $_scs_section_size  }
0x9a: {  	s5 =	simm.s32 $_size__tile_overlayer_lowered;
	s6 =	simm.s32 $_tile_overlayer_lowered  }
0x9b: {  	s22 =	simm.s32 $0x1BFF;
	s21 =	sshll.u32 s6, $0x1;
	s3 =	sadd.s32 s4, s19  }
0x9c: {  	s7 =	simm.s32 $0x0;
	s20 =	sshll.u32 s5, $0x1;
	s5 =	sadd.s32 s21, s3  }
0x9d: {  	[timem:s7], [sflag:s22] =	dma.local [hbm:s5], s20  }
0x9e: {  	_ =	swait.ge [sflag:s22], s20  }
0x9f: {  	s4 =	ssub.s32 $0x0, s20;
	[sflag:s22] =	ssyncset.done $0x0  }
0xa0: {  	[sflag:s22] =	ssyncadd.s32 s4;
	_ =	sdelay $0x1  }
0xa1: {  	s23 =	simm.s32 $0x1B8B  }
0xa2: {  	_ =	swait.ge [sflag:s23], $0x1  }
0xa3: {  	[sflag:s23] =	ssyncset.done $0x0  }
0xa4: {  	s25 =	simm.s32 $0x1B8E;
	s24 =	sld [smem:$0x3FFE];
	[sflag:s23] =	ssyncadd.s32 $0xFFFFFFFF  }
0xa5: {  	s26 =	simm.s32 $execute0_lowered;
	[smem:$0x3FD2] =	sst s25  }
0xa6: {  	s5 =	sshll.u32 s26, $0x1;
	_ =	strace $0x80000049;
	[dreg:$0x1] =	wrdreg $0xFFFFFFFF  }
0xa7: {  	s28 =	simm.s32 $_size_execute0_lowered;
	s3 =	sadd.s32 s3, s5;
	[dreg:$0x0] =	wrdreg $0x0  }
0xa8: {  	s5 =	sshll.u32 s28, $0x1;
	[dreg:$0x2] =	wrdreg s3  }
0xa9: {  	[dreg:$0x3] =	wrdreg s5  }
0xaa: {  	[dreg:$0x4] =	wrdreg $0xC0  }
0xab: {  	_ =	task [dreg:s7], $0x5FFFF  }
0xac: {  	[dreg:$0x1] =	wrdreg $0xFFFFFFFF  }
0xad: {  	[dreg:$0x0] =	wrdreg $0x60  }
0xae: {  	[dreg:$0x2] =	wrdreg s2  }
0xaf: {  	[dreg:$0x3] =	wrdreg s24  }
0xb0: {  	[dreg:$0x4] =	wrdreg $0xA2000  }
0xb1: {  	[dreg:$0x5] =	wrdreg $0x9  }
0xb2: {  	_ =	task.clear_ibuf [dreg:s7], $0x6FFFF;
	_ =	strace $0x90000049  }
0xb3: {  	s29 =	simm.s32 $0x9;
	_ =	strace $0x8000004B  }
0xb4: {  	_ =	swait.ge [sflag:s29], $0x1  }
0xb5: {  	[sflag:s29] =	ssyncadd.s32 $0xFFFFFFFF  }
0xb6: {  	_ =	strace $0x9000004B  }
0xb7: {  	_ =	sfence  }
0xb8: {  	s30 =	sld [smem:$0x0];
	_ =	sdelay $0x2  }
0xb9: {  	s31 =	sshll.u32 s1, $0xD;
	s1 =	sshrl.u32 s1, $0x2  }
0xba: {  	s3 =	sand.u32 $0x4000, s31;
	s1 =	sadd.s32 s1, s30  }
0xbb: {  	s0 =	sor.u32 s3, s0;
	s1 =	sshll.u32 s1, $0x11  }
0xbc: {  	s0 =	sor.u32 s1, s0  }
0xbd: {  	s0 =	sadd.s32 $0x8F2B, s0  }
0xbe: {  	[sflag:s0] =	ssyncadd.remote.s32 $0x1  }
0xbf: {  	_ =	sfence.sel $0xFFFF  }
0xc0: {  	[dreg:$0x0] =	wrdreg $0xFFFFFFFF;
	(pc) =	sbr.abs _section_cstart, $3  }
0xc1: {  	[dreg:$0x1] =	wrdreg $0xFFFFFFFF  }
0xc2: {  	_ =	task.clear_ibuf [dreg:s7], $0x2FFFF;
	_ =	strace $0x9FFFFFFF  }
0xc3: {  	(tm) =	ssettm $0x7FFFFFFF  }
tec
execute0_lowered:
.L_overlay_start_1:
0x0: {  	(tag) =	ssettag $0x1  }
0x1: {  	s1 =	rddreg [dreg:$0x0];
	s0 =	srdreg.scid  }
0x2: {  	s3 =	rddreg [dreg:$0x1];
	s19 =	stileid.u32  }
0x3: {  	s2 =	simm.s32 $0x0;
	s31 =	simm.s32 $0x2100;
	s29 =	simm.s32 $0x3  }
0x4: {  	s0 =	sand.u32 $0x1, s0;
	s5 =	smul.u32 $0x14000, s19;
	[smem:$0x7FF] =	sst s2  }
0x5: {  	s7 =	sadd.s32 $0x67400, s3;
	s30 =	smul.u32 $0x5000, s19;
	s4 =	ssub.s32 $0x2, s0  }
0x6: {  	s10 =	smul.u32 $0x140000, s0;
	p0 =	seq.s32 s0, $0x0;
	s0 =	simm.s32 $0x2000  }
0x7: {  	s6 =	sshrl.u32 s4, $0x1;
	s8 =	sadd.s32 $0x4000, s5;
	s9 =	sadd.s32 $0x6000, s5  }
0x8: {  	s11 =	sadd.s32 $0x8000, s5;
	s12 =	sadd.s32 $0xA000, s5;
	s14 =	sadd.s32 $0xC000, s5  }
0x9: {  	s17 =	sadd.s32 $0xE000, s5;
	s18 =	sadd.s32 $0x10000, s5;
	s4 =	ssub.s32 s4, s6  }
0xa: {  	s6 =	sor.u32 $0x2000, s5;
	s13 =	sadd.s32 s5, s10;
	s5 =	sadd.s32 $0x12000, s5  }
0xb: {  	s20 =	sadd.s32 s10, s8;
	s22 =	sadd.s32 s10, s9;
	s24 =	sadd.s32 s10, s11  }
0xc: {  	s26 =	sadd.s32 s10, s12;
	s13 =	sshrl.u32 s13, $0x3;
	s15 =	sadd.s32 s10, s6  }
0xd: {  	s21 =	sshrl.u32 s20, $0x3;
	s23 =	sshrl.u32 s22, $0x3;
	s25 =	sshrl.u32 s24, $0x3  }
0xe: {  	s20 =	sadd.s32 s10, s14;
	s22 =	sadd.s32 s10, s17;
	s24 =	sadd.s32 s10, s18  }
0xf: {  	s10 =	sadd.s32 s10, s5;
	s13 =	sadd.s32 s7, s13;
	s16 =	sshrl.u32 s15, $0x3  }
0x10: {  	s10 =	sshrl.u32 s10, $0x3;
	[dreg:$0x4] =	wrdreg s13;
	s13 =	sadd.s32 s7, s16  }
0x11: {  	s15 =	sadd.s32 $0x5D400, s3;
	[dreg:$0x5] =	wrdreg s13;
	s13 =	sadd.s32 s7, s21  }
0x12: {  	s16 =	sshrl.u32 s26, $0x3;
	[dreg:$0x6] =	wrdreg s13;
	s13 =	sadd.s32 s7, s23  }
0x13: {  	s26 =	smul.u32 $0x50000, s19;
	[dreg:$0x7] =	wrdreg s13;
	s13 =	sadd.s32 s7, s25  }
0x14: {  	s21 =	sshrl.u32 s20, $0x3;
	[dreg:$0x8] =	wrdreg s13;
	s13 =	sadd.s32 s7, s16  }
0x15: {  	s23 =	sshrl.u32 s22, $0x3;
	[dreg:$0x9] =	wrdreg s13;
	s13 =	sadd.s32 s7, s21  }
0x16: {  	s25 =	sshrl.u32 s24, $0x3;
	[dreg:$0xa] =	wrdreg s13;
	s13 =	sadd.s32 s7, s23  }
0x17: {  	s19 =	simm.s32 $0x0;
	[dreg:$0xb] =	wrdreg s13;
	s13 =	sadd.s32 s7, s25  }
0x18: {  	s22 =	smax.u32 s4, $0x1;
	s4 =	simm.s32 $0x2180;
	[dreg:$0xc] =	wrdreg s13  }
0x19: {  	s16 =	sadd.s32 $0x2000, s3;
	s7 =	sadd.s32 s7, s10;
	s13 =	rddreg [dreg:$0x2]  }
0x1a: {  	s3 =	sadd.s32 $0xC000, s3;
	s10 =	sshrl.u32 s26, $0x2;
	[dreg:$0xd] =	wrdreg s7  }
0x1b: {  	s7 =	simm.s32 $0x2200;
	_ =	strace $0x8000004A;
	[dreg:$0xe] =	wrdreg s3  }
0x1c: {  	s24 =	sadd.s32 s10, s13;
	s25 =	sadd.s32 s6, s13;
	s26 =	sadd.s32 s8, s13  }
0x1d: {  	s28 =	sadd.s32 s9, s13;
	s23 =	sadd.s32 s11, s13;
	s12 =	sadd.s32 s12, s13  }
0x1e: {  	s14 =	sadd.s32 s14, s13;
	s17 =	sadd.s32 s17, s13;
	[dreg:$0x16] =	wrdreg s22  }
0x1f: {  	s20 =	sadd.s32 s18, s13;
	s21 =	sadd.s32 s5, s13;
	[dreg:$0x11] =	wrdreg s12  }
0x20: {  	s11 =	simm.s32 $0x9;
	s3 =	simm.s32 $0x2080;
	[dreg:$0x12] =	wrdreg s14  }
.Ltmp0:
0x21: {  	s5 =	simm.s32 $0x5;
	[dreg:$0x13] =	wrdreg s17;
	(pc) =	sbr.rel .LBB2_1-.Ltmp0, $4  }
0x22: {  	s6 =	simm.s32 $0x80;
	s8 =	simm.s32 $0x6;
	[dreg:$0x14] =	wrdreg s20  }
0x23: {  	s9 =	simm.s32 $0x6200;
	s10 =	simm.s32 $0x1;
	[dreg:$0x15] =	wrdreg s21  }
0x24: {  	s18 =	simm.s32 $0x4;
	s12 =	simm.s32 $0x7;
	[dreg:$0xf] =	wrdreg s28  }
0x25: {  	v0 =	vimm.f32 $0.0e+00;
	s14 =	simm.s32 $0x2;
	s17 =	simm.s32 $0x8;
	[dreg:$0x10] =	wrdreg s23  }
.LBB2_5:
0x26: {  	_ = 	snop  }
.LBB2_8:
0x27: {  	[tilespmem:s4], [sflag:$0x8] =	stream.linear.gather @p1 [hbm4b:s24+s2], $0x80, $0x38;
	[tilespmem:$0x1E280] =	vst v63  }
0x28: {  	_ =	swait.ge @p1 [sflag:s8], $0x80  }
0x29: {  	[sflag:s8] =	ssyncset.done @p1 $0x0  }
0x2a: {  	s21 =	sadd.s32 s30, s23;
	s22 =	sand.u32 $0x380, s22;
	[sflag:s8] =	ssyncadd.s32 @p1 $0xFFFFFF80  }
0x2b: {  	[tilespmem:s9], [sflag:$0x2] =	stream.indirect.gather @p1 [hbm4b:s1+s6], $0x80, s3, s6, $0xb8;
	[tilespmem:$0x1E280] =	vst v63  }
0x2c: {  	s21 =	sor.u32 s22, s21;
	_ =	swait.ge [sflag:s10], $0x4000  }
0x2d: {  	s21 =	sshrl.u32 s21, $0x3;
	[sflag:s10] =	ssyncset.done $0x0  }
0x2e: {  	s23 =	sadd.s32 s15, s21;
	[sflag:s10] =	ssyncadd.s32 $0xFFFFC000  }
0x2f: {  	[tilespmem:s0], [sflag:$0x5] =	stream.linear.gather [hbm4b:s23+s2], $0x80, $0x38;
	[tilespmem:$0x1E280] =	vst v63  }
0x30: {  	_ =	swait.ge [sflag:s12], $0x80  }
0x31: {  	s24 =	sand.u32 $0xFFFFFC00, s20;
	[sflag:s12] =	ssyncset.done $0x0  }
0x32: {  	s22 =	sadd.s32 s30, s24;
	s23 =	sand.u32 $0x380, s20;
	[sflag:s12] =	ssyncadd.s32 $0xFFFFFF80  }
0x33: {  	[spmem:s13] =	stream.indirect.scatter.add.f32 [tilespmem:s7], [sflag:$0x3], $0x80, s31, s6, $0xb8;
	[tilespmem:$0x1E280] =	vst v63  }
0x34: {  	s20 =	sor.u32 s23, s22;
	_ =	swait.ge [sflag:s14], $0x4000  }
0x35: {  	s20 =	sshrl.u32 s20, $0x3;
	[sflag:s14] =	ssyncset.done $0x0  }
0x36: {  	s24 =	sadd.s32 s15, s20;
	[sflag:s14] =	ssyncadd.s32 $0xFFFFC000  }
0x37: {  	[tilespmem:s3], [sflag:$0x6] =	stream.linear.gather [hbm4b:s24+s2], $0x80, $0x38;
	[tilespmem:$0x1E280] =	vst v63  }
0x38: {  	_ =	swait.ge [sflag:s17], $0x80  }
0x39: {  	[sflag:s17] =	ssyncset.done $0x0  }
0x3a: {  	[sflag:s17] =	ssyncadd.s32 $0xFFFFFF80  }
0x3b: {  	[spmem:s13] =	stream.indirect.scatter.add.f32 [tilespmem:s9], [sflag:$0x4], $0x80, s4, s6, $0xb8;
	[tilespmem:$0x1E280] =	vst v63  }
0x3c: {  	_ =	swait.ge [sflag:s29], $0x4000  }
0x3d: {  	[sflag:s29] =	ssyncset.done $0x0  }
0x3e: {  	s21 =	sadd.s32 s16, s21;
	[sflag:s29] =	ssyncadd.s32 $0xFFFFC000  }
0x3f: {  	[tilespmem:s31], [sflag:$0x7] =	stream.linear.gather [hbm4b:s21+s2], $0x80, $0x38;
	[tilespmem:$0x1E280] =	vst v63  }
0x40: {  	_ =	swait.ge [sflag:s5], $0x80  }
0x41: {  	[sflag:s5] =	ssyncset.done $0x0  }
0x42: {  	[sflag:s5] =	ssyncadd.s32 $0xFFFFFF80  }
0x43: {  	[tilespmem:s7], [sflag:$0x1] =	stream.indirect.gather [hbm4b:s1+s6], $0x80, s0, s6, $0xb8;
	[tilespmem:$0x1E280] =	vst v63  }
0x44: {  	_ =	swait.ge [sflag:s18], $0x4000  }
0x45: {  	[sflag:s18] =	ssyncset.done $0x0  }
0x46: {  	s20 =	sadd.s32 s16, s20;
	[sflag:s18] =	ssyncadd.s32 $0xFFFFC000  }
0x47: {  	[tilespmem:s4], [sflag:$0x8] =	stream.linear.gather [hbm4b:s20+s2], $0x80, $0x38;
	[tilespmem:$0x1E280] =	vst v63  }
0x48: {  	_ =	swait.ge [sflag:s8], $0x80  }
0x49: {  	s24 =	smov.u32 s25;
	s25 =	smov.u32 s26;
	[sflag:s8] =	ssyncset.done $0x0  }
0x4a: {  	s26 =	smov.u32 s28;
	s28 =	rddreg [dreg:$0xf];
	[sflag:s8] =	ssyncadd.s32 $0xFFFFFF80  }
0x4b: {  	[tilespmem:s9], [sflag:$0x2] =	stream.indirect.gather [hbm4b:s1+s6], $0x80, s3, s6, $0xb8;
	[tilespmem:$0x1E280] =	vst v63  }
.LBB2_9:
0x4c: {  	_ =	swait.ge [sflag:s10], $0x4000  }
0x4d: {  	[sflag:s10] =	ssyncset.done $0x0  }
0x4e: {  	[sflag:s10] =	ssyncadd.s32 $0xFFFFC000  }
0x4f: {  	_ =	swait.ge [sflag:s12], $0x80  }
0x50: {  	[sflag:s12] =	ssyncset.done $0x0  }
0x51: {  	[sflag:s12] =	ssyncadd.s32 $0xFFFFFF80  }
0x52: {  	[spmem:s13] =	stream.indirect.scatter.add.f32 [tilespmem:s7], [sflag:$0x3], $0x80, s31, s6, $0xb8;
	[tilespmem:$0x1E280] =	vst v63  }
0x53: {  	_ =	swait.ge [sflag:s14], $0x4000  }
0x54: {  	[sflag:s14] =	ssyncset.done $0x0  }
0x55: {  	[sflag:s14] =	ssyncadd.s32 $0xFFFFC000  }
0x56: {  	_ =	swait.ge [sflag:s17], $0x80  }
0x57: {  	[sflag:s17] =	ssyncset.done $0x0  }
0x58: {  	[sflag:s17] =	ssyncadd.s32 $0xFFFFFF80  }
0x59: {  	[spmem:s13] =	stream.indirect.scatter.add.f32 [tilespmem:s9], [sflag:$0x4], $0x80, s4, s6, $0xb8;
	[tilespmem:$0x1E280] =	vst v63  }
0x5a: {  	_ =	swait.ge [sflag:s29], $0x4000  }
0x5b: {  	[sflag:s29] =	ssyncset.done $0x0  }
0x5c: {  	[sflag:s29] =	ssyncadd.s32 $0xFFFFC000  }
0x5d: {  	_ =	swait.ge [sflag:s18], $0x4000  }
0x5e: {  	[sflag:s18] =	ssyncset.done $0x0  }
0x5f: {  	s20 =	stileid.u32;
	[sflag:s18] =	ssyncadd.s32 $0xFFFFC000  }
0x60: {  	s20 =	sshll.u32 s20, $0x6;
	[bflag:$0x0] =	sbarrier.arrive $0xFFFF  }
0x61: {  	s21 =	sshrl.u32 s24, $0x3;
	s20 =	sor.u32 $0x1C09, s20;
	s22 =	rddreg [dreg:$0x4]  }
0x62: {  	[hbm:s22], [sflag:s20] =	dma.local [spmem:s21], $0x400  }
0x63: {  	_ =	swait.ge [sflag:s11], $0x400  }
0x64: {  	[sflag:s11] =	ssyncset.done $0x0  }
0x65: {  	s22 =	sshrl.u32 s25, $0x3;
	s23 =	rddreg [dreg:$0x5];
	[sflag:s11] =	ssyncadd.s32 $0xFFFFFC00  }
0x66: {  	[hbm:s23], [sflag:s20] =	dma.local [spmem:s22], $0x400  }
0x67: {  	_ =	swait.ge [sflag:s11], $0x400  }
0x68: {  	[sflag:s11] =	ssyncset.done $0x0  }
0x69: {  	s22 =	sshrl.u32 s26, $0x3;
	s23 =	rddreg [dreg:$0x6];
	[sflag:s11] =	ssyncadd.s32 $0xFFFFFC00  }
0x6a: {  	[hbm:s23], [sflag:s20] =	dma.local [spmem:s22], $0x400  }
0x6b: {  	_ =	swait.ge [sflag:s11], $0x400  }
0x6c: {  	[sflag:s11] =	ssyncset.done $0x0  }
0x6d: {  	s22 =	sshrl.u32 s28, $0x3;
	s23 =	rddreg [dreg:$0x7];
	[sflag:s11] =	ssyncadd.s32 $0xFFFFFC00  }
0x6e: {  	[hbm:s23], [sflag:s20] =	dma.local [spmem:s22], $0x400  }
0x6f: {  	_ =	swait.ge [sflag:s11], $0x400  }
0x70: {  	[sflag:s11] =	ssyncset.done $0x0;
	s23 =	rddreg [dreg:$0x10]  }
0x71: {  	s22 =	rddreg [dreg:$0x8];
	[sflag:s11] =	ssyncadd.s32 $0xFFFFFC00;
	s21 =	sshrl.u32 s23, $0x3  }
0x72: {  	[hbm:s22], [sflag:s20] =	dma.local [spmem:s21], $0x400  }
0x73: {  	_ =	swait.ge [sflag:s11], $0x400  }
0x74: {  	[sflag:s11] =	ssyncset.done $0x0;
	s22 =	rddreg [dreg:$0x11]  }
0x75: {  	[sflag:s11] =	ssyncadd.s32 $0xFFFFFC00;
	s21 =	sshrl.u32 s22, $0x3;
	s22 =	rddreg [dreg:$0x9]  }
0x76: {  	[hbm:s22], [sflag:s20] =	dma.local [spmem:s21], $0x400  }
0x77: {  	_ =	swait.ge [sflag:s11], $0x400  }
0x78: {  	[sflag:s11] =	ssyncset.done $0x0;
	s22 =	rddreg [dreg:$0x12]  }
0x79: {  	[sflag:s11] =	ssyncadd.s32 $0xFFFFFC00;
	s21 =	sshrl.u32 s22, $0x3;
	s22 =	rddreg [dreg:$0xa]  }
0x7a: {  	[hbm:s22], [sflag:s20] =	dma.local [spmem:s21], $0x400  }
0x7b: {  	_ =	swait.ge [sflag:s11], $0x400  }
0x7c: {  	[sflag:s11] =	ssyncset.done $0x0;
	s22 =	rddreg [dreg:$0x13]  }
0x7d: {  	[sflag:s11] =	ssyncadd.s32 $0xFFFFFC00;
	s21 =	sshrl.u32 s22, $0x3;
	s22 =	rddreg [dreg:$0xb]  }
0x7e: {  	[hbm:s22], [sflag:s20] =	dma.local [spmem:s21], $0x400  }
0x7f: {  	_ =	swait.ge [sflag:s11], $0x400  }
0x80: {  	[sflag:s11] =	ssyncset.done $0x0;
	s22 =	rddreg [dreg:$0x14]  }
0x81: {  	[sflag:s11] =	ssyncadd.s32 $0xFFFFFC00;
	s21 =	sshrl.u32 s22, $0x3;
	s22 =	rddreg [dreg:$0xc]  }
0x82: {  	[hbm:s22], [sflag:s20] =	dma.local [spmem:s21], $0x400  }
0x83: {  	_ =	swait.ge [sflag:s11], $0x400  }
0x84: {  	[sflag:s11] =	ssyncset.done $0x0;
	s22 =	rddreg [dreg:$0x15]  }
0x85: {  	[sflag:s11] =	ssyncadd.s32 $0xFFFFFC00;
	s21 =	sshrl.u32 s22, $0x3;
	s22 =	rddreg [dreg:$0xd]  }
0x86: {  	[hbm:s22], [sflag:s20] =	dma.local [spmem:s21], $0x400  }
0x87: {  	_ =	swait.ge [sflag:s11], $0x400  }
0x88: {  	s19 =	sadd.s32 $0x1, s19;
	s22 =	rddreg [dreg:$0x16]  }
0x89: {  	p1 =	sne.s32 s19, s22  }
.Ltmp1:
0x8a: {  	_ = 	snop;
	(pc) =	sbr.rel @!p1 .LBB2_10-.Ltmp1, $3  }
0x8b: {  	_ =	sdelay $0x1  }
0x8c: {  	[sflag:s11] =	ssyncset.done $0x0  }
0x8d: {  	[sflag:s11] =	ssyncadd.s32 $0xFFFFFC00  }
.LBB2_1:
0x8e: {  	s20 =	rddreg [dreg:$0xe];
	s21 =	simm.s32 $0x1E200  }
0x8f: {  	[tilespmem:s21], [sflag:$0x9] =	stream.linear.gather [hbm4b:s20+s2], $0x80, $0x38;
	[tilespmem:$0x1E280] =	vst v63  }
0x90: {  	_ =	swait.ge [sflag:s11], $0x80  }
0x91: {  	[sflag:s11] =	ssyncset.done $0x0  }
0x92: {  	[sflag:s11] =	ssyncadd.s32 $0xFFFFFF80  }
0x93: {  	s20 =	simm.s32 $0x0;
	s21 =	simm.s32 $0x200;
	v1 =	vld [tilespmem:$0x1E200]  }
.LBB2_2:
0x94: {  	p1 =	sne.s32 s21, $0x7E00;
	[tilespmem:s20+$0x70] =	vst v0  }
0x95: {  	[tilespmem:s20+$0x0] =	vst v0  }
0x96: {  	[tilespmem:s20+$0x10] =	vst v0  }
.Ltmp2:
0x97: {  	[tilespmem:s20+$0x20] =	vst v0;
	(pc) =	sbr.rel @p1 .LBB2_2-.Ltmp2, $4  }
0x98: {  	[tilespmem:s20+$0x30] =	vst v0  }
0x99: {  	[tilespmem:s20+$0x40] =	vst v0  }
0x9a: {  	[tilespmem:s20+$0x50] =	vst v0  }
0x9b: {  	[tilespmem:s20+$0x60] =	vst v0;
	s20 =	sshra.s32 s21, $0x2;
	s21 =	sadd.s32 $0x200, s21  }
0x9c: {  	(v2sf) =	vpush v1, $0x0;
	_ =	sdelay $0x5  }
0x9d: {  	[tilespmem:s20+$0x70] =	vst v0  }
0x9e: {  	[tilespmem:s20+$0x0] =	vst v0  }
0x9f: {  	[tilespmem:s20+$0x10] =	vst v0  }
0xa0: {  	[tilespmem:s20+$0x20] =	vst v0  }
0xa1: {  	[tilespmem:s20+$0x30] =	vst v0  }
0xa2: {  	[tilespmem:s20+$0x40] =	vst v0  }
0xa3: {  	[tilespmem:s20+$0x50] =	vst v0  }
0xa4: {  	[tilespmem:s20+$0x60] =	vst v0  }
0xa5: {  	[spmem:s24] =	stream.linear.scatter [tilespmem:s2], [sflag:$0x9], $0x2000, $0x38;
	[tilespmem:$0x1E280] =	vst v63  }
0xa6: {  	s20 =	spop (v2sf)  }
0xa7: {  	_ =	swait.ge [sflag:s11], $0x2000  }
0xa8: {  	[sflag:s11] =	ssyncset.done $0x0  }
0xa9: {  	[sflag:s11] =	ssyncadd.s32 $0xFFFFE000  }
0xaa: {  	[spmem:s25] =	stream.linear.scatter [tilespmem:s2], [sflag:$0x9], $0x2000, $0x38;
	[tilespmem:$0x1E280] =	vst v63  }
0xab: {  	_ =	swait.ge [sflag:s11], $0x2000  }
0xac: {  	[sflag:s11] =	ssyncset.done $0x0  }
0xad: {  	[sflag:s11] =	ssyncadd.s32 $0xFFFFE000  }
0xae: {  	[spmem:s26] =	stream.linear.scatter [tilespmem:s2], [sflag:$0x9], $0x2000, $0x38;
	[tilespmem:$0x1E280] =	vst v63  }
0xaf: {  	_ =	swait.ge [sflag:s11], $0x2000  }
0xb0: {  	[sflag:s11] =	ssyncset.done $0x0  }
0xb1: {  	[sflag:s11] =	ssyncadd.s32 $0xFFFFE000  }
0xb2: {  	[spmem:s28] =	stream.linear.scatter [tilespmem:s2], [sflag:$0x9], $0x2000, $0x38;
	[tilespmem:$0x1E280] =	vst v63  }
0xb3: {  	_ =	swait.ge [sflag:s11], $0x2000  }
0xb4: {  	[sflag:s11] =	ssyncset.done $0x0  }
0xb5: {  	[sflag:s11] =	ssyncadd.s32 $0xFFFFE000  }
0xb6: {  	[spmem:s23] =	stream.linear.scatter [tilespmem:s2], [sflag:$0x9], $0x2000, $0x38;
	[tilespmem:$0x1E280] =	vst v63  }
0xb7: {  	_ =	swait.ge [sflag:s11], $0x2000  }
0xb8: {  	[sflag:s11] =	ssyncset.done $0x0  }
0xb9: {  	s21 =	rddreg [dreg:$0x11];
	[sflag:s11] =	ssyncadd.s32 $0xFFFFE000  }
0xba: {  	[spmem:s21] =	stream.linear.scatter [tilespmem:s2], [sflag:$0x9], $0x2000, $0x38;
	[tilespmem:$0x1E280] =	vst v63  }
0xbb: {  	_ =	swait.ge [sflag:s11], $0x2000  }
0xbc: {  	[sflag:s11] =	ssyncset.done $0x0  }
0xbd: {  	s22 =	rddreg [dreg:$0x12];
	[sflag:s11] =	ssyncadd.s32 $0xFFFFE000  }
0xbe: {  	[spmem:s22] =	stream.linear.scatter [tilespmem:s2], [sflag:$0x9], $0x2000, $0x38;
	[tilespmem:$0x1E280] =	vst v63  }
0xbf: {  	_ =	swait.ge [sflag:s11], $0x2000  }
0xc0: {  	[sflag:s11] =	ssyncset.done $0x0  }
0xc1: {  	s23 =	rddreg [dreg:$0x13];
	[sflag:s11] =	ssyncadd.s32 $0xFFFFE000  }
0xc2: {  	[spmem:s23] =	stream.linear.scatter [tilespmem:s2], [sflag:$0x9], $0x2000, $0x38;
	[tilespmem:$0x1E280] =	vst v63  }
0xc3: {  	_ =	swait.ge [sflag:s11], $0x2000  }
0xc4: {  	[sflag:s11] =	ssyncset.done $0x0  }
0xc5: {  	s21 =	smov.u32 s20;
	s22 =	rddreg [dreg:$0x14];
	[sflag:s11] =	ssyncadd.s32 $0xFFFFE000  }
0xc6: {  	[spmem:s22] =	stream.linear.scatter [tilespmem:s2], [sflag:$0x9], $0x2000, $0x38;
	[tilespmem:$0x1E280] =	vst v63  }
0xc7: {  	s21 =	simm.s32 @p0 $0x0;
	_ =	swait.ge [sflag:s11], $0x2000  }
0xc8: {  	s21 =	sshll.u32 s21, $0x7;
	[sflag:s11] =	ssyncset.done $0x0  }
0xc9: {  	s23 =	sand.u32 $0xFFFFFC00, s21;
	s22 =	rddreg [dreg:$0x15];
	[sflag:s11] =	ssyncadd.s32 $0xFFFFE000  }
0xca: {  	[spmem:s22] =	stream.linear.scatter [tilespmem:s2], [sflag:$0x9], $0x2000, $0x38;
	[tilespmem:$0x1E280] =	vst v63  }
0xcb: {  	s22 =	sadd.s32 s30, s23;
	s23 =	sand.u32 $0x380, s21;
	_ =	swait.ge [sflag:s11], $0x2000  }
0xcc: {  	s22 =	sor.u32 s23, s22;
	[sflag:s11] =	ssyncset.done $0x0  }
0xcd: {  	s22 =	sshrl.u32 s22, $0x3;
	[sflag:s11] =	ssyncadd.s32 $0xFFFFE000  }
0xce: {  	s23 =	sadd.s32 s15, s22;
	[bflag:$0x0] =	sbarrier.arrive $0xFFFF  }
0xcf: {  	[tilespmem:s0], [sflag:$0x5] =	stream.linear.gather [hbm4b:s23+s2], $0x80, $0x38;
	[tilespmem:$0x1E280] =	vst v63  }
0xd0: {  	s22 =	sadd.s32 s16, s22  }
0xd1: {  	[tilespmem:s31], [sflag:$0x7] =	stream.linear.gather [hbm4b:s22+s2], $0x80, $0x38;
	[tilespmem:$0x1E280] =	vst v63  }
0xd2: {  	s22 =	sadd.s32 $0x80, s21  }
0xd3: {  	s23 =	sand.u32 $0xFFFFFC00, s22  }
0xd4: {  	s22 =	sand.u32 $0x380, s22;
	s23 =	sadd.s32 s30, s23  }
0xd5: {  	s22 =	sor.u32 s22, s23  }
0xd6: {  	s22 =	sshrl.u32 s22, $0x3  }
0xd7: {  	s23 =	sadd.s32 s15, s22  }
0xd8: {  	[tilespmem:s3], [sflag:$0x6] =	stream.linear.gather [hbm4b:s23+s2], $0x80, $0x38;
	[tilespmem:$0x1E280] =	vst v63  }
0xd9: {  	s23 =	ssub.s32 $0xA0, s20  }
0xda: {  	s22 =	sadd.s32 s16, s22;
	s23 =	smov.u32 @p0 s20  }
0xdb: {  	[tilespmem:s4], [sflag:$0x8] =	stream.linear.gather [hbm4b:s22+s2], $0x80, $0x38;
	[tilespmem:$0x1E280] =	vst v63  }
0xdc: {  	s22 =	sand.u32 $0x1, s23  }
0xdd: {  	p1 =	slt.s32 s23, $0x1;
	_ =	swait.ge [sflag:s5], $0x80;
	p2 =	seq.s32 s22, $0x1  }
0xde: {  	s20 =	sshrl.u32 s23, $0x1F;
	[sflag:s5] =	ssyncset.done $0x0;
	p1 =	por !p1, !p2  }
0xdf: {  	s22 =	simm.s32 $0x1;
	[sflag:s5] =	ssyncadd.s32 $0xFFFFFF80;
	p1 =	por !p1, !p1  }
0xe0: {  	[tilespmem:s7], [sflag:$0x1] =	stream.indirect.gather [hbm4b:s1+s6], $0x80, s0, s6, $0xb8;
	[tilespmem:$0x1E280] =	vst v63  }
0xe1: {  	s20 =	sadd.s32 s20, s23;
	s22 =	simm.s32 @!p1 $0x0  }
0xe2: {  	s20 =	sshra.s32 s20, $0x1;
	s22 =	sxor.u32 $0xFFFFFFFF, s22  }
0xe3: {  	s23 =	sadd.s32 s20, s22  }
0xe4: {  	p1 =	slt.s32 s23, $0x1  }
.Ltmp3:
0xe5: {  	_ = 	snop;
	(pc) =	sbr.rel @p1 .LBB2_9-.Ltmp3, $4  }
0xe6: {  	_ =	swait.ge [sflag:s8], $0x80  }
0xe7: {  	[sflag:s8] =	ssyncset.done $0x0  }
0xe8: {  	[sflag:s8] =	ssyncadd.s32 $0xFFFFFF80  }
0xe9: {  	[tilespmem:s9], [sflag:$0x2] =	stream.indirect.gather [hbm4b:s1+s6], $0x80, s3, s6, $0xb8;
	[tilespmem:$0x1E280] =	vst v63  }
0xea: {  	p2 =	sne.s32 s23, $0x1  }
.Ltmp4:
0xeb: {  	_ = 	snop;
	(pc) =	sbr.rel @!p2 .LBB2_5-.Ltmp4, $4  }
0xec: {  	_ = 	snop  }
0xed: {  	s28 =	smov.u32 s26;
	s20 =	sadd.s32 $0x180, s21  }
0xee: {  	s26 =	smov.u32 s25;
	s25 =	smov.u32 s24;
	s22 =	sadd.s32 $0xFFFFFF80, s20  }
0xef: {  	s21 =	sadd.s32 $0xFFFFFFFF, s23;
	p1 =	por $0x0, $0x0;
	s23 =	sand.u32 $0xFFFFFC00, s22  }
0xf0: {  	s23 =	sadd.s32 s30, s23;
	s22 =	sand.u32 $0x380, s22  }
0xf1: {  	_ =	swait.ge [sflag:s10], $0x4000;
	s22 =	sor.u32 s22, s23  }
0xf2: {  	[sflag:s10] =	ssyncset.done $0x0;
	s22 =	sshrl.u32 s22, $0x3  }
0xf3: {  	[sflag:s10] =	ssyncadd.s32 $0xFFFFC000;
	s24 =	sadd.s32 s15, s22  }
0xf4: {  	[tilespmem:s0], [sflag:$0x5] =	stream.linear.gather [hbm4b:s24+s2], $0x80, $0x38;
	[tilespmem:$0x1E280] =	vst v63  }
0xf5: {  	_ =	swait.ge [sflag:s12], $0x80  }
0xf6: {  	s24 =	sand.u32 $0xFFFFFC00, s20;
	[sflag:s12] =	ssyncset.done $0x0  }
0xf7: {  	s23 =	sadd.s32 s30, s24;
	s24 =	sand.u32 $0x380, s20;
	[sflag:s12] =	ssyncadd.s32 $0xFFFFFF80  }
0xf8: {  	[spmem:s13] =	stream.indirect.scatter.add.f32 [tilespmem:s7], [sflag:$0x3], $0x80, s31, s6, $0xb8;
	[tilespmem:$0x1E280] =	vst v63  }
0xf9: {  	s23 =	sor.u32 s24, s23;
	_ =	swait.ge [sflag:s14], $0x4000  }
0xfa: {  	s24 =	sshrl.u32 s23, $0x3;
	[sflag:s14] =	ssyncset.done $0x0  }
0xfb: {  	s23 =	sadd.s32 s15, s24;
	[sflag:s14] =	ssyncadd.s32 $0xFFFFC000  }
0xfc: {  	[tilespmem:s3], [sflag:$0x6] =	stream.linear.gather [hbm4b:s23+s2], $0x80, $0x38;
	[tilespmem:$0x1E280] =	vst v63  }
0xfd: {  	_ =	swait.ge [sflag:s17], $0x80  }
0xfe: {  	[sflag:s17] =	ssyncset.done $0x0  }
0xff: {  	[sflag:s17] =	ssyncadd.s32 $0xFFFFFF80  }
0x100: {  	[spmem:s13] =	stream.indirect.scatter.add.f32 [tilespmem:s9], [sflag:$0x4], $0x80, s4, s6, $0xb8;
	[tilespmem:$0x1E280] =	vst v63  }
0x101: {  	_ =	swait.ge [sflag:s29], $0x4000  }
0x102: {  	[sflag:s29] =	ssyncset.done $0x0  }
0x103: {  	s22 =	sadd.s32 s16, s22;
	[sflag:s29] =	ssyncadd.s32 $0xFFFFC000  }
0x104: {  	[tilespmem:s31], [sflag:$0x7] =	stream.linear.gather [hbm4b:s22+s2], $0x80, $0x38;
	[tilespmem:$0x1E280] =	vst v63  }
0x105: {  	_ =	swait.ge [sflag:s5], $0x80  }
0x106: {  	p2 =	sne.s32 s21, $0x1;
	[sflag:s5] =	ssyncset.done $0x0  }
.Ltmp5:
0x107: {  	[sflag:s5] =	ssyncadd.s32 $0xFFFFFF80;
	(pc) =	sbr.rel @!p2 .LBB2_8-.Ltmp5, $4  }
0x108: {  	[tilespmem:s7], [sflag:$0x1] =	stream.indirect.gather [hbm4b:s1+s6], $0x80, s0, s6, $0xb8;
	[tilespmem:$0x1E280] =	vst v63  }
0x109: {  	s21 =	sadd.s32 $0xFFFFFFFF, s21;
	s20 =	sadd.s32 $0x100, s20;
	_ =	swait.ge [sflag:s18], $0x4000  }
0x10a: {  	p1 =	por $0x1, $0x1;
	s22 =	sadd.s32 $0xFFFFFF80, s20;
	[sflag:s18] =	ssyncset.done $0x0  }
0x10b: {  	s24 =	sadd.s32 s16, s24;
	s23 =	sand.u32 $0xFFFFFC00, s22;
	[sflag:s18] =	ssyncadd.s32 $0xFFFFC000  }
.LBB2_7:
0x10c: {  	[tilespmem:s4], [sflag:$0x8] =	stream.linear.gather [hbm4b:s24+s2], $0x80, $0x38;
	[tilespmem:$0x1E280] =	vst v63  }
0x10d: {  	s23 =	sadd.s32 s30, s23;
	s22 =	sand.u32 $0x380, s22;
	_ =	swait.ge [sflag:s8], $0x80  }
0x10e: {  	p2 =	sne.s32 s21, $0x1;
	s22 =	sor.u32 s22, s23;
	[sflag:s8] =	ssyncset.done $0x0  }
0x10f: {  	s21 =	sadd.s32 $0xFFFFFFFF, s21;
	s22 =	sshrl.u32 s22, $0x3;
	[sflag:s8] =	ssyncadd.s32 $0xFFFFFF80  }
0x110: {  	[tilespmem:s9], [sflag:$0x2] =	stream.indirect.gather [hbm4b:s1+s6], $0x80, s3, s6, $0xb8;
	[tilespmem:$0x1E280] =	vst v63  }
0x111: {  	_ =	swait.ge [sflag:s10], $0x4000  }
0x112: {  	[sflag:s10] =	ssyncset.done $0x0  }
0x113: {  	s23 =	sadd.s32 s15, s22;
	[sflag:s10] =	ssyncadd.s32 $0xFFFFC000  }
0x114: {  	[tilespmem:s0], [sflag:$0x5] =	stream.linear.gather [hbm4b:s23+s2], $0x80, $0x38;
	[tilespmem:$0x1E280] =	vst v63  }
0x115: {  	_ =	swait.ge [sflag:s12], $0x80  }
0x116: {  	[sflag:s12] =	ssyncset.done $0x0  }
0x117: {  	s23 =	sand.u32 $0xFFFFFC00, s20;
	[sflag:s12] =	ssyncadd.s32 $0xFFFFFF80  }
0x118: {  	[spmem:s13] =	stream.indirect.scatter.add.f32 [tilespmem:s7], [sflag:$0x3], $0x80, s31, s6, $0xb8;
	[tilespmem:$0x1E280] =	vst v63  }
0x119: {  	s24 =	sand.u32 $0x380, s20;
	s23 =	sadd.s32 s30, s23;
	_ =	swait.ge [sflag:s14], $0x4000  }
0x11a: {  	s23 =	sor.u32 s24, s23;
	[sflag:s14] =	ssyncset.done $0x0  }
0x11b: {  	s24 =	sshrl.u32 s23, $0x3;
	[sflag:s14] =	ssyncadd.s32 $0xFFFFC000  }
0x11c: {  	s23 =	sadd.s32 s15, s24  }
0x11d: {  	[tilespmem:s3], [sflag:$0x6] =	stream.linear.gather [hbm4b:s23+s2], $0x80, $0x38;
	[tilespmem:$0x1E280] =	vst v63  }
0x11e: {  	_ =	swait.ge [sflag:s17], $0x80  }
0x11f: {  	[sflag:s17] =	ssyncset.done $0x0  }
0x120: {  	[sflag:s17] =	ssyncadd.s32 $0xFFFFFF80  }
0x121: {  	[spmem:s13] =	stream.indirect.scatter.add.f32 [tilespmem:s9], [sflag:$0x4], $0x80, s4, s6, $0xb8;
	[tilespmem:$0x1E280] =	vst v63  }
0x122: {  	_ =	swait.ge [sflag:s29], $0x4000  }
0x123: {  	s22 =	sadd.s32 s16, s22;
	[sflag:s29] =	ssyncset.done $0x0  }
0x124: {  	[sflag:s29] =	ssyncadd.s32 $0xFFFFC000  }
0x125: {  	[tilespmem:s31], [sflag:$0x7] =	stream.linear.gather [hbm4b:s22+s2], $0x80, $0x38;
	[tilespmem:$0x1E280] =	vst v63  }
0x126: {  	_ =	swait.ge [sflag:s5], $0x80  }
0x127: {  	[sflag:s5] =	ssyncset.done $0x0  }
.Ltmp6:
0x128: {  	[sflag:s5] =	ssyncadd.s32 $0xFFFFFF80;
	(pc) =	sbr.rel @p2 .LBB2_7-.Ltmp6, $4  }
0x129: {  	[tilespmem:s7], [sflag:$0x1] =	stream.indirect.gather [hbm4b:s1+s6], $0x80, s0, s6, $0xb8;
	[tilespmem:$0x1E280] =	vst v63  }
0x12a: {  	s20 =	sadd.s32 $0x100, s20;
	_ =	swait.ge [sflag:s18], $0x4000  }
0x12b: {  	s22 =	sadd.s32 $0xFFFFFF80, s20;
	[sflag:s18] =	ssyncset.done $0x0  }
0x12c: {  	s24 =	sadd.s32 s16, s24;
	s23 =	sand.u32 $0xFFFFFC00, s22;
	[sflag:s18] =	ssyncadd.s32 $0xFFFFC000  }
.Ltmp7:
0x12d: {  	_ = 	snop;
	(pc) =	sbr.rel .LBB2_8-.Ltmp7, $1  }
0x12e: {  	_ =	sdelay $0x3  }
.LBB2_10:
0x12f: {  	_ =	sfence.sel $0x180000  }
0x130: {  	[bflag:$0x0] =	sbarrier.arrive $0xFFFF  }
0x131: {  	_ =	strace $0x9000004A  }
0x132: {  	s0 =	stileid.u32;
	[bflag:$0x2] =	sbarrier.arrive $0xFFFF  }
0x133: {  	p0 =	sne.s32 s0, $0x0;
	s0 =	rddreg [dreg:$0x3]  }
0x134: {  	s0 =	sadd.s32 @!p0 $0x100000, s0  }
0x135: {  	[sflag:s0] =	ssyncadd.tile.s32 @!p0 $0x1;
	_ =	shalt  }
.Lfunc_end2:
_tile_overlayer_lowered:
.L_overlay_start_2:
0x136: {  	(tag) =	ssettag $0x2  }
0x137: {  	s0 =	rddreg [dreg:$0x0];
	s2 =	stileid.u32  }
0x138: {  	s1 =	rddreg [dreg:$0x1];
	p0 =	sne.s32 s2, $0x0  }
0x139: {  	s3 =	rddreg [dreg:$0x2];
	[bflag:$0x3] =	sbarrier.arrive $0xFFFF;
	s2 =	simm.s32 @!p0 $0x1C09  }
0x13a: {  	[timem:s3], [sflag:s2] =	dma.local @!p0 [hbm:s0], s1  }
0x13b: {  	s0 =	simm.s32 @!p0 $0x9  }
0x13c: {  	_ =	swait.ge @!p0 [sflag:s0], s1  }
0x13d: {  	s1 =	ssub.s32 @!p0 $0x0, s1;
	[sflag:s0] =	ssyncset.done @!p0 $0x0  }
0x13e: {  	[sflag:s0] =	ssyncadd.s32 @!p0 s1  }
0x13f: {  	[bflag:$0x3] =	sbarrier.arrive $0xFFFF  }
0x140: {  	_ =	shalt  }

// kernel: kernel.13.cloned.1.call-start
scs
__scs_entry_jumppad:
0x0: {  	(pc) =	sbr.rel $0x88, $3  }
0x1: {  	(tag) =	ssettag $0x0;
	lr =	simm.s32 $0x1  }
0x2: {  	[smem:$0x3F98] =	sst lr;
	_ =	strace $0xD0000000  }
0x3: {  	_ = 	snop  }
0x4: {  	_ = 	snop  }
0x5: {  	_ = 	snop  }
0x6: {  	_ = 	snop  }
0x7: {  	_ = 	snop  }
__scs_overlays_trampoline_lowered:
0x8: {  	[smem:$0x3FA7] =	sst s0  }
0x9: {  	[smem:$0x3FA8] =	sst s1  }
0xa: {  	[smem:$0x3FA9] =	sst s2  }
0xb: {  	[smem:$0x3FAA] =	sst s3  }
0xc: {  	[smem:$0x3FAB] =	sst s4  }
0xd: {  	[smem:$0x3FAC] =	sst s5  }
0xe: {  	[smem:$0x3FAD] =	sst s6  }
0xf: {  	[smem:$0x3FAE] =	sst s7  }
0x10: {  	[smem:$0x3FAF] =	sst s8  }
0x11: {  	[smem:$0x3FB0] =	sst s9;
	s0 =	simm.s32 @!p0 $0x0  }
0x12: {  	s1 =	sld [smem:$0x3F96];
	s0 =	simm.s32 @p0 $0x1  }
0x13: {  	[smem:$0x3FB1] =	sst s0;
	s0 =	simm.s32 @!p1 $0x0  }
0x14: {  	s2 =	sld [smem:$0x3F95];
	s0 =	simm.s32 @p1 $0x1  }
0x15: {  	[smem:$0x3FB2] =	sst s0;
	s0 =	simm.s32 @!p2 $0x0  }
0x16: {  	s3 =	sld [smem:$0x3FDB];
	s0 =	simm.s32 @p2 $0x1  }
0x17: {  	s4 =	simm.s32 $0x1BF5;
	[smem:$0x3FB4] =	sst s0  }
0x18: {  	s0 =	sld [smem:$0x3F97];
	_ =	swait.ge [sflag:s4], $0x0  }
0x19: {  	s7 =	sld [smem:$0x3F98]  }
0x1a: {  	s8 =	sadd.s32 $0xFFFFE003, lr  }
0x1b: {  	s9 =	sadd.s32 $0xFFFFFEF7, lr;
	s5 =	simm.s32 $0xFFFFFFFF;
	p2 =	slt.u32 s8, $0xFFFFF086  }
0x1c: {  	p1 =	slt.u32 s9, $0xF7A;
	s5 =	simm.s32 @!p2 $0x0  }
0x1d: {  	s5 =	simm.s32 @p1 $0x1;
	p0 =	seq.s32 s7, s2  }
0x1e: {  	s7 =	smul.u32 @!p0 $0xF7A, s2;
	p2 =	seq.s32 @!p0 s5, $0x0  }
0x1f: {  	s9 =	smul.u32 $0xF7A, s1;
	s8 =	simm.s32 @!p0 $0x1BF5;
	p2 =	por !p2, p0  }
0x20: {  	[sflag:s8] =	ssyncset.s32 @!p0 $0xFFFFF086;
	s6 =	sadd.s32 @!p0 s3, s7;
	s7 =	simm.s32 @!p0 $0x108  }
0x21: {  	s3 =	sadd.s32 s3, s9;
	s6 =	sadd.s32 @!p0 $0x88, s6;
	s7 =	simm.s32 @p2 $0x1082  }
0x22: {  	[simem:s7], [sflag:s8] =	dma.local @!p0 [hbm:s6], $0xF7A  }
0x23: {  	s9 =	sor.u32 $0xD0000000, s2;
	s6 =	simm.s32 $0x108;
	_ =	swait.ge @!p0 [sflag:s8], $0x0  }
0x24: {  	s3 =	sadd.s32 $0x88, s3;
	s6 =	simm.s32 @!p1 $0x1082;
	[sflag:s4] =	ssyncset.s32 $0xFFFFF086  }
0x25: {  	[simem:s6], [sflag:s4] =	dma.local [hbm:s3], $0xF7A  }
0x26: {  	[smem:$0x3F98] =	sst s1;
	(tag) =	ssettag s2;
	_ =	strace s9  }
0x27: {  	s1 =	sld [smem:$0x3FA8]  }
0x28: {  	s2 =	sld [smem:$0x3FA9]  }
0x29: {  	s4 =	sld [smem:$0x3FAB]  }
0x2a: {  	p0 =	seq.s32 s5, $0x0;
	s5 =	sld [smem:$0x3FAC]  }
0x2b: {  	s6 =	sld [smem:$0x3FAD]  }
0x2c: {  	s7 =	sld [smem:$0x3FAE]  }
0x2d: {  	s3 =	simm.s32 $0x108;
	s8 =	sld [smem:$0x3FAF]  }
0x2e: {  	s3 =	simm.s32 @!p0 $0x1082;
	s9 =	sld [smem:$0x3FB0]  }
0x2f: {  	lr =	sadd.s32 s0, s3;
	s0 =	sld [smem:$0x3FA7]  }
0x30: {  	s3 =	sld [smem:$0x3FAA]  }
0x31: {  	[smem:$0x3FB3] =	sst s10  }
0x32: {  	s10 =	sld [smem:$0x3FB1];
	_ =	sdelay $0x3  }
0x33: {  	p0 =	seq.s32 s10, $0x1;
	s10 =	sld [smem:$0x3FB3];
	_ =	sdelay $0x3  }
0x34: {  	[smem:$0x3FB3] =	sst s10  }
0x35: {  	s10 =	sld [smem:$0x3FB2];
	_ =	sdelay $0x3  }
0x36: {  	p1 =	seq.s32 s10, $0x1;
	s10 =	sld [smem:$0x3FB3];
	_ =	sdelay $0x3  }
0x37: {  	[smem:$0x3FB3] =	sst s10  }
0x38: {  	s10 =	sld [smem:$0x3FB4]  }
0x39: {  	_ = 	snop;
	(pc) =	sbr.ind lr, $3  }
0x3a: {  	_ = 	snop  }
0x3b: {  	_ = 	snop  }
0x3c: {  	p2 =	seq.s32 s10, $0x1;
	s10 =	sld [smem:$0x3FB3]  }
0x3d: {  	_ =	shalt  }
0x3e: {  	_ =	shalt  }
0x3f: {  	_ =	shalt  }
0x40: {  	_ =	shalt  }
0x41: {  	_ =	shalt  }
0x42: {  	_ =	shalt  }
0x43: {  	_ =	shalt  }
0x44: {  	_ =	shalt  }
0x45: {  	_ =	shalt  }
0x46: {  	_ =	shalt  }
0x47: {  	_ =	shalt  }
0x48: {  	_ =	shalt  }
0x49: {  	_ =	shalt  }
0x4a: {  	_ =	shalt  }
0x4b: {  	_ =	shalt  }
0x4c: {  	_ =	shalt  }
0x4d: {  	_ =	shalt  }
0x4e: {  	_ =	shalt  }
0x4f: {  	_ =	shalt  }
0x50: {  	_ =	shalt  }
0x51: {  	_ =	shalt  }
0x52: {  	_ =	shalt  }
0x53: {  	_ =	shalt  }
0x54: {  	_ =	shalt  }
0x55: {  	_ =	shalt  }
0x56: {  	_ =	shalt  }
0x57: {  	_ =	shalt  }
0x58: {  	_ =	shalt  }
0x59: {  	_ =	shalt  }
0x5a: {  	_ =	shalt  }
0x5b: {  	_ =	shalt  }
0x5c: {  	_ =	shalt  }
0x5d: {  	_ =	shalt  }
0x5e: {  	_ =	shalt  }
0x5f: {  	_ =	shalt  }
0x60: {  	_ =	shalt  }
0x61: {  	_ =	shalt  }
0x62: {  	_ =	shalt  }
0x63: {  	_ =	shalt  }
0x64: {  	_ =	shalt  }
0x65: {  	_ =	shalt  }
0x66: {  	_ =	shalt  }
0x67: {  	_ =	shalt  }
0x68: {  	_ =	shalt  }
0x69: {  	_ =	shalt  }
0x6a: {  	_ =	shalt  }
0x6b: {  	_ =	shalt  }
0x6c: {  	_ =	shalt  }
0x6d: {  	_ =	shalt  }
0x6e: {  	_ =	shalt  }
0x6f: {  	_ =	shalt  }
0x70: {  	_ =	shalt  }
0x71: {  	_ =	shalt  }
0x72: {  	_ =	shalt  }
0x73: {  	_ =	shalt  }
0x74: {  	_ =	shalt  }
0x75: {  	_ =	shalt  }
0x76: {  	_ =	shalt  }
0x77: {  	_ =	shalt  }
0x78: {  	_ =	shalt  }
0x79: {  	_ =	shalt  }
0x7a: {  	_ =	shalt  }
0x7b: {  	_ =	shalt  }
0x7c: {  	_ =	shalt  }
0x7d: {  	_ =	shalt  }
0x7e: {  	_ =	shalt  }
0x7f: {  	_ =	shalt  }
0x80: {  	_ =	shalt  }
0x81: {  	_ =	shalt  }
0x82: {  	_ =	shalt  }
0x83: {  	_ =	shalt  }
0x84: {  	_ =	shalt  }
0x85: {  	_ =	shalt  }
0x86: {  	_ =	shalt  }
0x87: {  	_ =	shalt  }
.Lfunc_end0:
.L_simem_size_0:
called_computation.2_lowered:
.L_overlay_start_0:
0x88: {  	s2 =	sld [smem:$0x3FD9]  }
0x89: {  	s3 =	sld [smem:$0x3FFE];
	_ =	sdelay $0x1  }
0x8a: {  	s1 =	srdreg.scid  }
0x8b: {  	s0 =	sand.u32 $0x1, s1  }
0x8c: {  	s17 =	sshll.u32 s0, $0xA;
	s2 =	sadd.s32 s3, s2  }
0x8d: {  	s2 =	sadd.s32 s2, s17  }
0x8e: {  	[smem:$0x3FBF] =	sst s2  }
0x8f: {  	_ = 	snop  }
0x90: {  	s2 =	sld [smem:$0x3FD0];
	(tm) =	ssettm $0x1  }
0x91: {  	s18 =	sld [smem:$0x3FFB];
	_ =	sdelay $0x3  }
0x92: {  	_ =	strace s18  }
0x93: {  	s3 =	sld [smem:$0x3FFC];
	_ =	sdelay $0x3  }
0x94: {  	_ =	strace s3  }
0x95: {  	s3 =	sld [smem:$0x3FFD];
	_ =	sdelay $0x3  }
0x96: {  	_ =	strace s3  }
0x97: {  	_ =	strace $0x8FFFFFFF  }
0x98: {  	s19 =	sld [smem:$0x3FDB];
	_ =	sdelay $0x1  }
0x99: {  	s4 =	simm.s32 $_scs_section_size  }
0x9a: {  	s5 =	simm.s32 $_size__tile_overlayer_lowered;
	s6 =	simm.s32 $_tile_overlayer_lowered  }
0x9b: {  	s22 =	simm.s32 $0x1BFF;
	s21 =	sshll.u32 s6, $0x1;
	s3 =	sadd.s32 s4, s19  }
0x9c: {  	s7 =	simm.s32 $0x0;
	s20 =	sshll.u32 s5, $0x1;
	s5 =	sadd.s32 s21, s3  }
0x9d: {  	[timem:s7], [sflag:s22] =	dma.local [hbm:s5], s20  }
0x9e: {  	_ =	swait.ge [sflag:s22], s20  }
0x9f: {  	s4 =	ssub.s32 $0x0, s20;
	[sflag:s22] =	ssyncset.done $0x0  }
0xa0: {  	[sflag:s22] =	ssyncadd.s32 s4;
	_ =	sdelay $0x1  }
0xa1: {  	s23 =	simm.s32 $0x1B8B  }
0xa2: {  	_ =	swait.ge [sflag:s23], $0x1  }
0xa3: {  	[sflag:s23] =	ssyncset.done $0x0  }
0xa4: {  	s25 =	simm.s32 $0x1B8E;
	s24 =	sld [smem:$0x3FFE];
	[sflag:s23] =	ssyncadd.s32 $0xFFFFFFFF  }
0xa5: {  	s26 =	simm.s32 $execute0_lowered;
	[smem:$0x3FD2] =	sst s25  }
0xa6: {  	s5 =	sshll.u32 s26, $0x1;
	_ =	strace $0x8000004C;
	[dreg:$0x1] =	wrdreg $0xFFFFFFFF  }
0xa7: {  	s28 =	simm.s32 $_size_execute0_lowered;
	s3 =	sadd.s32 s3, s5;
	[dreg:$0x0] =	wrdreg $0x0  }
0xa8: {  	s5 =	sshll.u32 s28, $0x1;
	[dreg:$0x2] =	wrdreg s3  }
0xa9: {  	[dreg:$0x3] =	wrdreg s5  }
0xaa: {  	[dreg:$0x4] =	wrdreg $0xC0  }
0xab: {  	_ =	task [dreg:s7], $0x5FFFF  }
0xac: {  	[dreg:$0x1] =	wrdreg $0xFFFFFFFF  }
0xad: {  	[dreg:$0x0] =	wrdreg $0x60  }
0xae: {  	[dreg:$0x2] =	wrdreg s2  }
0xaf: {  	[dreg:$0x3] =	wrdreg s24  }
0xb0: {  	[dreg:$0x4] =	wrdreg $0xA2000  }
0xb1: {  	[dreg:$0x5] =	wrdreg $0x9  }
0xb2: {  	_ =	task.clear_ibuf [dreg:s7], $0x6FFFF;
	_ =	strace $0x9000004C  }
0xb3: {  	s29 =	simm.s32 $0x9;
	_ =	strace $0x8000004E  }
0xb4: {  	_ =	swait.ge [sflag:s29], $0x1  }
0xb5: {  	[sflag:s29] =	ssyncadd.s32 $0xFFFFFFFF  }
0xb6: {  	_ =	strace $0x9000004E  }
0xb7: {  	_ =	sfence  }
0xb8: {  	s30 =	sld [smem:$0x0];
	_ =	sdelay $0x2  }
0xb9: {  	s31 =	sshll.u32 s1, $0xD;
	s1 =	sshrl.u32 s1, $0x2  }
0xba: {  	s3 =	sand.u32 $0x4000, s31;
	s1 =	sadd.s32 s1, s30  }
0xbb: {  	s0 =	sor.u32 s3, s0;
	s1 =	sshll.u32 s1, $0x11  }
0xbc: {  	s0 =	sor.u32 s1, s0  }
0xbd: {  	s0 =	sadd.s32 $0x8F2B, s0  }
0xbe: {  	[sflag:s0] =	ssyncadd.remote.s32 $0x1  }
0xbf: {  	_ =	sfence.sel $0xFFFF  }
0xc0: {  	[dreg:$0x0] =	wrdreg $0xFFFFFFFF;
	(pc) =	sbr.abs _section_cstart, $3  }
0xc1: {  	[dreg:$0x1] =	wrdreg $0xFFFFFFFF  }
0xc2: {  	_ =	task.clear_ibuf [dreg:s7], $0x2FFFF;
	_ =	strace $0x9FFFFFFF  }
0xc3: {  	(tm) =	ssettm $0x7FFFFFFF  }
tec
execute0_lowered:
.L_overlay_start_1:
0x0: {  	(tag) =	ssettag $0x1  }
0x1: {  	s1 =	rddreg [dreg:$0x0];
	s0 =	srdreg.scid  }
0x2: {  	s3 =	rddreg [dreg:$0x1];
	s19 =	stileid.u32  }
0x3: {  	s2 =	simm.s32 $0x0;
	s31 =	simm.s32 $0x2100;
	s29 =	simm.s32 $0x3  }
0x4: {  	s0 =	sand.u32 $0x1, s0;
	s5 =	smul.u32 $0x14000, s19;
	[smem:$0x7FF] =	sst s2  }
0x5: {  	s7 =	sadd.s32 $0x67400, s3;
	s30 =	smul.u32 $0x5000, s19;
	s4 =	ssub.s32 $0x2, s0  }
0x6: {  	s10 =	smul.u32 $0x140000, s0;
	p0 =	seq.s32 s0, $0x0;
	s0 =	simm.s32 $0x2000  }
0x7: {  	s6 =	sshrl.u32 s4, $0x1;
	s8 =	sadd.s32 $0x4000, s5;
	s9 =	sadd.s32 $0x6000, s5  }
0x8: {  	s11 =	sadd.s32 $0x8000, s5;
	s12 =	sadd.s32 $0xA000, s5;
	s14 =	sadd.s32 $0xC000, s5  }
0x9: {  	s17 =	sadd.s32 $0xE000, s5;
	s18 =	sadd.s32 $0x10000, s5;
	s4 =	ssub.s32 s4, s6  }
0xa: {  	s6 =	sor.u32 $0x2000, s5;
	s13 =	sadd.s32 s5, s10;
	s5 =	sadd.s32 $0x12000, s5  }
0xb: {  	s20 =	sadd.s32 s10, s8;
	s22 =	sadd.s32 s10, s9;
	s24 =	sadd.s32 s10, s11  }
0xc: {  	s26 =	sadd.s32 s10, s12;
	s13 =	sshrl.u32 s13, $0x3;
	s15 =	sadd.s32 s10, s6  }
0xd: {  	s21 =	sshrl.u32 s20, $0x3;
	s23 =	sshrl.u32 s22, $0x3;
	s25 =	sshrl.u32 s24, $0x3  }
0xe: {  	s20 =	sadd.s32 s10, s14;
	s22 =	sadd.s32 s10, s17;
	s24 =	sadd.s32 s10, s18  }
0xf: {  	s10 =	sadd.s32 s10, s5;
	s13 =	sadd.s32 s7, s13;
	s16 =	sshrl.u32 s15, $0x3  }
0x10: {  	s10 =	sshrl.u32 s10, $0x3;
	[dreg:$0x4] =	wrdreg s13;
	s13 =	sadd.s32 s7, s16  }
0x11: {  	s15 =	sadd.s32 $0x5D400, s3;
	[dreg:$0x5] =	wrdreg s13;
	s13 =	sadd.s32 s7, s21  }
0x12: {  	s16 =	sshrl.u32 s26, $0x3;
	[dreg:$0x6] =	wrdreg s13;
	s13 =	sadd.s32 s7, s23  }
0x13: {  	s26 =	smul.u32 $0x50000, s19;
	[dreg:$0x7] =	wrdreg s13;
	s13 =	sadd.s32 s7, s25  }
0x14: {  	s21 =	sshrl.u32 s20, $0x3;
	[dreg:$0x8] =	wrdreg s13;
	s13 =	sadd.s32 s7, s16  }
0x15: {  	s23 =	sshrl.u32 s22, $0x3;
	[dreg:$0x9] =	wrdreg s13;
	s13 =	sadd.s32 s7, s21  }
0x16: {  	s25 =	sshrl.u32 s24, $0x3;
	[dreg:$0xa] =	wrdreg s13;
	s13 =	sadd.s32 s7, s23  }
0x17: {  	s19 =	simm.s32 $0x0;
	[dreg:$0xb] =	wrdreg s13;
	s13 =	sadd.s32 s7, s25  }
0x18: {  	s22 =	smax.u32 s4, $0x1;
	s4 =	simm.s32 $0x2180;
	[dreg:$0xc] =	wrdreg s13  }
0x19: {  	s16 =	sadd.s32 $0x2000, s3;
	s7 =	sadd.s32 s7, s10;
	s13 =	rddreg [dreg:$0x2]  }
0x1a: {  	s3 =	sadd.s32 $0xC000, s3;
	s10 =	sshrl.u32 s26, $0x2;
	[dreg:$0xd] =	wrdreg s7  }
0x1b: {  	s7 =	simm.s32 $0x2200;
	_ =	strace $0x8000004D;
	[dreg:$0xe] =	wrdreg s3  }
0x1c: {  	s24 =	sadd.s32 s10, s13;
	s25 =	sadd.s32 s6, s13;
	s26 =	sadd.s32 s8, s13  }
0x1d: {  	s28 =	sadd.s32 s9, s13;
	s23 =	sadd.s32 s11, s13;
	s12 =	sadd.s32 s12, s13  }
0x1e: {  	s14 =	sadd.s32 s14, s13;
	s17 =	sadd.s32 s17, s13;
	[dreg:$0x16] =	wrdreg s22  }
0x1f: {  	s20 =	sadd.s32 s18, s13;
	s21 =	sadd.s32 s5, s13;
	[dreg:$0x11] =	wrdreg s12  }
0x20: {  	s11 =	simm.s32 $0x9;
	s3 =	simm.s32 $0x2080;
	[dreg:$0x12] =	wrdreg s14  }
.Ltmp0:
0x21: {  	s5 =	simm.s32 $0x5;
	[dreg:$0x13] =	wrdreg s17;
	(pc) =	sbr.rel .LBB2_1-.Ltmp0, $4  }
0x22: {  	s6 =	simm.s32 $0x80;
	s8 =	simm.s32 $0x6;
	[dreg:$0x14] =	wrdreg s20  }
0x23: {  	s9 =	simm.s32 $0x6200;
	s10 =	simm.s32 $0x1;
	[dreg:$0x15] =	wrdreg s21  }
0x24: {  	s18 =	simm.s32 $0x4;
	s12 =	simm.s32 $0x7;
	[dreg:$0xf] =	wrdreg s28  }
0x25: {  	v0 =	vimm.f32 $0.0e+00;
	s14 =	simm.s32 $0x2;
	s17 =	simm.s32 $0x8;
	[dreg:$0x10] =	wrdreg s23  }
.LBB2_5:
0x26: {  	_ = 	snop  }
.LBB2_8:
0x27: {  	[tilespmem:s4], [sflag:$0x8] =	stream.linear.gather @p1 [hbm4b:s24+s2], $0x80, $0x38;
	[tilespmem:$0x1E280] =	vst v63  }
0x28: {  	_ =	swait.ge @p1 [sflag:s8], $0x80  }
0x29: {  	[sflag:s8] =	ssyncset.done @p1 $0x0  }
0x2a: {  	s21 =	sadd.s32 s30, s23;
	s22 =	sand.u32 $0x380, s22;
	[sflag:s8] =	ssyncadd.s32 @p1 $0xFFFFFF80  }
0x2b: {  	[tilespmem:s9], [sflag:$0x2] =	stream.indirect.gather @p1 [hbm4b:s1+s6], $0x80, s3, s6, $0xb8;
	[tilespmem:$0x1E280] =	vst v63  }
0x2c: {  	s21 =	sor.u32 s22, s21;
	_ =	swait.ge [sflag:s10], $0x4000  }
0x2d: {  	s21 =	sshrl.u32 s21, $0x3;
	[sflag:s10] =	ssyncset.done $0x0  }
0x2e: {  	s23 =	sadd.s32 s15, s21;
	[sflag:s10] =	ssyncadd.s32 $0xFFFFC000  }
0x2f: {  	[tilespmem:s0], [sflag:$0x5] =	stream.linear.gather [hbm4b:s23+s2], $0x80, $0x38;
	[tilespmem:$0x1E280] =	vst v63  }
0x30: {  	_ =	swait.ge [sflag:s12], $0x80  }
0x31: {  	s24 =	sand.u32 $0xFFFFFC00, s20;
	[sflag:s12] =	ssyncset.done $0x0  }
0x32: {  	s22 =	sadd.s32 s30, s24;
	s23 =	sand.u32 $0x380, s20;
	[sflag:s12] =	ssyncadd.s32 $0xFFFFFF80  }
0x33: {  	[spmem:s13] =	stream.indirect.scatter.add.f32 [tilespmem:s7], [sflag:$0x3], $0x80, s31, s6, $0xb8;
	[tilespmem:$0x1E280] =	vst v63  }
0x34: {  	s20 =	sor.u32 s23, s22;
	_ =	swait.ge [sflag:s14], $0x4000  }
0x35: {  	s20 =	sshrl.u32 s20, $0x3;
	[sflag:s14] =	ssyncset.done $0x0  }
0x36: {  	s24 =	sadd.s32 s15, s20;
	[sflag:s14] =	ssyncadd.s32 $0xFFFFC000  }
0x37: {  	[tilespmem:s3], [sflag:$0x6] =	stream.linear.gather [hbm4b:s24+s2], $0x80, $0x38;
	[tilespmem:$0x1E280] =	vst v63  }
0x38: {  	_ =	swait.ge [sflag:s17], $0x80  }
0x39: {  	[sflag:s17] =	ssyncset.done $0x0  }
0x3a: {  	[sflag:s17] =	ssyncadd.s32 $0xFFFFFF80  }
0x3b: {  	[spmem:s13] =	stream.indirect.scatter.add.f32 [tilespmem:s9], [sflag:$0x4], $0x80, s4, s6, $0xb8;
	[tilespmem:$0x1E280] =	vst v63  }
0x3c: {  	_ =	swait.ge [sflag:s29], $0x4000  }
0x3d: {  	[sflag:s29] =	ssyncset.done $0x0  }
0x3e: {  	s21 =	sadd.s32 s16, s21;
	[sflag:s29] =	ssyncadd.s32 $0xFFFFC000  }
0x3f: {  	[tilespmem:s31], [sflag:$0x7] =	stream.linear.gather [hbm4b:s21+s2], $0x80, $0x38;
	[tilespmem:$0x1E280] =	vst v63  }
0x40: {  	_ =	swait.ge [sflag:s5], $0x80  }
0x41: {  	[sflag:s5] =	ssyncset.done $0x0  }
0x42: {  	[sflag:s5] =	ssyncadd.s32 $0xFFFFFF80  }
0x43: {  	[tilespmem:s7], [sflag:$0x1] =	stream.indirect.gather [hbm4b:s1+s6], $0x80, s0, s6, $0xb8;
	[tilespmem:$0x1E280] =	vst v63  }
0x44: {  	_ =	swait.ge [sflag:s18], $0x4000  }
0x45: {  	[sflag:s18] =	ssyncset.done $0x0  }
0x46: {  	s20 =	sadd.s32 s16, s20;
	[sflag:s18] =	ssyncadd.s32 $0xFFFFC000  }
0x47: {  	[tilespmem:s4], [sflag:$0x8] =	stream.linear.gather [hbm4b:s20+s2], $0x80, $0x38;
	[tilespmem:$0x1E280] =	vst v63  }
0x48: {  	_ =	swait.ge [sflag:s8], $0x80  }
0x49: {  	s24 =	smov.u32 s25;
	s25 =	smov.u32 s26;
	[sflag:s8] =	ssyncset.done $0x0  }
0x4a: {  	s26 =	smov.u32 s28;
	s28 =	rddreg [dreg:$0xf];
	[sflag:s8] =	ssyncadd.s32 $0xFFFFFF80  }
0x4b: {  	[tilespmem:s9], [sflag:$0x2] =	stream.indirect.gather [hbm4b:s1+s6], $0x80, s3, s6, $0xb8;
	[tilespmem:$0x1E280] =	vst v63  }
.LBB2_9:
0x4c: {  	_ =	swait.ge [sflag:s10], $0x4000  }
0x4d: {  	[sflag:s10] =	ssyncset.done $0x0  }
0x4e: {  	[sflag:s10] =	ssyncadd.s32 $0xFFFFC000  }
0x4f: {  	_ =	swait.ge [sflag:s12], $0x80  }
0x50: {  	[sflag:s12] =	ssyncset.done $0x0  }
0x51: {  	[sflag:s12] =	ssyncadd.s32 $0xFFFFFF80  }
0x52: {  	[spmem:s13] =	stream.indirect.scatter.add.f32 [tilespmem:s7], [sflag:$0x3], $0x80, s31, s6, $0xb8;
	[tilespmem:$0x1E280] =	vst v63  }
0x53: {  	_ =	swait.ge [sflag:s14], $0x4000  }
0x54: {  	[sflag:s14] =	ssyncset.done $0x0  }
0x55: {  	[sflag:s14] =	ssyncadd.s32 $0xFFFFC000  }
0x56: {  	_ =	swait.ge [sflag:s17], $0x80  }
0x57: {  	[sflag:s17] =	ssyncset.done $0x0  }
0x58: {  	[sflag:s17] =	ssyncadd.s32 $0xFFFFFF80  }
0x59: {  	[spmem:s13] =	stream.indirect.scatter.add.f32 [tilespmem:s9], [sflag:$0x4], $0x80, s4, s6, $0xb8;
	[tilespmem:$0x1E280] =	vst v63  }
0x5a: {  	_ =	swait.ge [sflag:s29], $0x4000  }
0x5b: {  	[sflag:s29] =	ssyncset.done $0x0  }
0x5c: {  	[sflag:s29] =	ssyncadd.s32 $0xFFFFC000  }
0x5d: {  	_ =	swait.ge [sflag:s18], $0x4000  }
0x5e: {  	[sflag:s18] =	ssyncset.done $0x0  }
0x5f: {  	s20 =	stileid.u32;
	[sflag:s18] =	ssyncadd.s32 $0xFFFFC000  }
0x60: {  	s20 =	sshll.u32 s20, $0x6;
	[bflag:$0x0] =	sbarrier.arrive $0xFFFF  }
0x61: {  	s21 =	sshrl.u32 s24, $0x3;
	s20 =	sor.u32 $0x1C09, s20;
	s22 =	rddreg [dreg:$0x4]  }
0x62: {  	[hbm:s22], [sflag:s20] =	dma.local [spmem:s21], $0x400  }
0x63: {  	_ =	swait.ge [sflag:s11], $0x400  }
0x64: {  	[sflag:s11] =	ssyncset.done $0x0  }
0x65: {  	s22 =	sshrl.u32 s25, $0x3;
	s23 =	rddreg [dreg:$0x5];
	[sflag:s11] =	ssyncadd.s32 $0xFFFFFC00  }
0x66: {  	[hbm:s23], [sflag:s20] =	dma.local [spmem:s22], $0x400  }
0x67: {  	_ =	swait.ge [sflag:s11], $0x400  }
0x68: {  	[sflag:s11] =	ssyncset.done $0x0  }
0x69: {  	s22 =	sshrl.u32 s26, $0x3;
	s23 =	rddreg [dreg:$0x6];
	[sflag:s11] =	ssyncadd.s32 $0xFFFFFC00  }
0x6a: {  	[hbm:s23], [sflag:s20] =	dma.local [spmem:s22], $0x400  }
0x6b: {  	_ =	swait.ge [sflag:s11], $0x400  }
0x6c: {  	[sflag:s11] =	ssyncset.done $0x0  }
0x6d: {  	s22 =	sshrl.u32 s28, $0x3;
	s23 =	rddreg [dreg:$0x7];
	[sflag:s11] =	ssyncadd.s32 $0xFFFFFC00  }
0x6e: {  	[hbm:s23], [sflag:s20] =	dma.local [spmem:s22], $0x400  }
0x6f: {  	_ =	swait.ge [sflag:s11], $0x400  }
0x70: {  	[sflag:s11] =	ssyncset.done $0x0;
	s23 =	rddreg [dreg:$0x10]  }
0x71: {  	s22 =	rddreg [dreg:$0x8];
	[sflag:s11] =	ssyncadd.s32 $0xFFFFFC00;
	s21 =	sshrl.u32 s23, $0x3  }
0x72: {  	[hbm:s22], [sflag:s20] =	dma.local [spmem:s21], $0x400  }
0x73: {  	_ =	swait.ge [sflag:s11], $0x400  }
0x74: {  	[sflag:s11] =	ssyncset.done $0x0;
	s22 =	rddreg [dreg:$0x11]  }
0x75: {  	[sflag:s11] =	ssyncadd.s32 $0xFFFFFC00;
	s21 =	sshrl.u32 s22, $0x3;
	s22 =	rddreg [dreg:$0x9]  }
0x76: {  	[hbm:s22], [sflag:s20] =	dma.local [spmem:s21], $0x400  }
0x77: {  	_ =	swait.ge [sflag:s11], $0x400  }
0x78: {  	[sflag:s11] =	ssyncset.done $0x0;
	s22 =	rddreg [dreg:$0x12]  }
0x79: {  	[sflag:s11] =	ssyncadd.s32 $0xFFFFFC00;
	s21 =	sshrl.u32 s22, $0x3;
	s22 =	rddreg [dreg:$0xa]  }
0x7a: {  	[hbm:s22], [sflag:s20] =	dma.local [spmem:s21], $0x400  }
0x7b: {  	_ =	swait.ge [sflag:s11], $0x400  }
0x7c: {  	[sflag:s11] =	ssyncset.done $0x0;
	s22 =	rddreg [dreg:$0x13]  }
0x7d: {  	[sflag:s11] =	ssyncadd.s32 $0xFFFFFC00;
	s21 =	sshrl.u32 s22, $0x3;
	s22 =	rddreg [dreg:$0xb]  }
0x7e: {  	[hbm:s22], [sflag:s20] =	dma.local [spmem:s21], $0x400  }
0x7f: {  	_ =	swait.ge [sflag:s11], $0x400  }
0x80: {  	[sflag:s11] =	ssyncset.done $0x0;
	s22 =	rddreg [dreg:$0x14]  }
0x81: {  	[sflag:s11] =	ssyncadd.s32 $0xFFFFFC00;
	s21 =	sshrl.u32 s22, $0x3;
	s22 =	rddreg [dreg:$0xc]  }
0x82: {  	[hbm:s22], [sflag:s20] =	dma.local [spmem:s21], $0x400  }
0x83: {  	_ =	swait.ge [sflag:s11], $0x400  }
0x84: {  	[sflag:s11] =	ssyncset.done $0x0;
	s22 =	rddreg [dreg:$0x15]  }
0x85: {  	[sflag:s11] =	ssyncadd.s32 $0xFFFFFC00;
	s21 =	sshrl.u32 s22, $0x3;
	s22 =	rddreg [dreg:$0xd]  }
0x86: {  	[hbm:s22], [sflag:s20] =	dma.local [spmem:s21], $0x400  }
0x87: {  	_ =	swait.ge [sflag:s11], $0x400  }
0x88: {  	s19 =	sadd.s32 $0x1, s19;
	s22 =	rddreg [dreg:$0x16]  }
0x89: {  	p1 =	sne.s32 s19, s22  }
.Ltmp1:
0x8a: {  	_ = 	snop;
	(pc) =	sbr.rel @!p1 .LBB2_10-.Ltmp1, $3  }
0x8b: {  	_ =	sdelay $0x1  }
0x8c: {  	[sflag:s11] =	ssyncset.done $0x0  }
0x8d: {  	[sflag:s11] =	ssyncadd.s32 $0xFFFFFC00  }
.LBB2_1:
0x8e: {  	s20 =	rddreg [dreg:$0xe];
	s21 =	simm.s32 $0x1E200  }
0x8f: {  	[tilespmem:s21], [sflag:$0x9] =	stream.linear.gather [hbm4b:s20+s2], $0x80, $0x38;
	[tilespmem:$0x1E280] =	vst v63  }
0x90: {  	_ =	swait.ge [sflag:s11], $0x80  }
0x91: {  	[sflag:s11] =	ssyncset.done $0x0  }
0x92: {  	[sflag:s11] =	ssyncadd.s32 $0xFFFFFF80  }
0x93: {  	s20 =	simm.s32 $0x0;
	s21 =	simm.s32 $0x200;
	v1 =	vld [tilespmem:$0x1E200]  }
.LBB2_2:
0x94: {  	p1 =	sne.s32 s21, $0x7E00;
	[tilespmem:s20+$0x70] =	vst v0  }
0x95: {  	[tilespmem:s20+$0x0] =	vst v0  }
0x96: {  	[tilespmem:s20+$0x10] =	vst v0  }
.Ltmp2:
0x97: {  	[tilespmem:s20+$0x20] =	vst v0;
	(pc) =	sbr.rel @p1 .LBB2_2-.Ltmp2, $4  }
0x98: {  	[tilespmem:s20+$0x30] =	vst v0  }
0x99: {  	[tilespmem:s20+$0x40] =	vst v0  }
0x9a: {  	[tilespmem:s20+$0x50] =	vst v0  }
0x9b: {  	[tilespmem:s20+$0x60] =	vst v0;
	s20 =	sshra.s32 s21, $0x2;
	s21 =	sadd.s32 $0x200, s21  }
0x9c: {  	(v2sf) =	vpush v1, $0x0;
	_ =	sdelay $0x5  }
0x9d: {  	[tilespmem:s20+$0x70] =	vst v0  }
0x9e: {  	[tilespmem:s20+$0x0] =	vst v0  }
0x9f: {  	[tilespmem:s20+$0x10] =	vst v0  }
0xa0: {  	[tilespmem:s20+$0x20] =	vst v0  }
0xa1: {  	[tilespmem:s20+$0x30] =	vst v0  }
0xa2: {  	[tilespmem:s20+$0x40] =	vst v0  }
0xa3: {  	[tilespmem:s20+$0x50] =	vst v0  }
0xa4: {  	[tilespmem:s20+$0x60] =	vst v0  }
0xa5: {  	[spmem:s24] =	stream.linear.scatter [tilespmem:s2], [sflag:$0x9], $0x2000, $0x38;
	[tilespmem:$0x1E280] =	vst v63  }
0xa6: {  	s20 =	spop (v2sf)  }
0xa7: {  	_ =	swait.ge [sflag:s11], $0x2000  }
0xa8: {  	[sflag:s11] =	ssyncset.done $0x0  }
0xa9: {  	[sflag:s11] =	ssyncadd.s32 $0xFFFFE000  }
0xaa: {  	[spmem:s25] =	stream.linear.scatter [tilespmem:s2], [sflag:$0x9], $0x2000, $0x38;
	[tilespmem:$0x1E280] =	vst v63  }
0xab: {  	_ =	swait.ge [sflag:s11], $0x2000  }
0xac: {  	[sflag:s11] =	ssyncset.done $0x0  }
0xad: {  	[sflag:s11] =	ssyncadd.s32 $0xFFFFE000  }
0xae: {  	[spmem:s26] =	stream.linear.scatter [tilespmem:s2], [sflag:$0x9], $0x2000, $0x38;
	[tilespmem:$0x1E280] =	vst v63  }
0xaf: {  	_ =	swait.ge [sflag:s11], $0x2000  }
0xb0: {  	[sflag:s11] =	ssyncset.done $0x0  }
0xb1: {  	[sflag:s11] =	ssyncadd.s32 $0xFFFFE000  }
0xb2: {  	[spmem:s28] =	stream.linear.scatter [tilespmem:s2], [sflag:$0x9], $0x2000, $0x38;
	[tilespmem:$0x1E280] =	vst v63  }
0xb3: {  	_ =	swait.ge [sflag:s11], $0x2000  }
0xb4: {  	[sflag:s11] =	ssyncset.done $0x0  }
0xb5: {  	[sflag:s11] =	ssyncadd.s32 $0xFFFFE000  }
0xb6: {  	[spmem:s23] =	stream.linear.scatter [tilespmem:s2], [sflag:$0x9], $0x2000, $0x38;
	[tilespmem:$0x1E280] =	vst v63  }
0xb7: {  	_ =	swait.ge [sflag:s11], $0x2000  }
0xb8: {  	[sflag:s11] =	ssyncset.done $0x0  }
0xb9: {  	s21 =	rddreg [dreg:$0x11];
	[sflag:s11] =	ssyncadd.s32 $0xFFFFE000  }
0xba: {  	[spmem:s21] =	stream.linear.scatter [tilespmem:s2], [sflag:$0x9], $0x2000, $0x38;
	[tilespmem:$0x1E280] =	vst v63  }
0xbb: {  	_ =	swait.ge [sflag:s11], $0x2000  }
0xbc: {  	[sflag:s11] =	ssyncset.done $0x0  }
0xbd: {  	s22 =	rddreg [dreg:$0x12];
	[sflag:s11] =	ssyncadd.s32 $0xFFFFE000  }
0xbe: {  	[spmem:s22] =	stream.linear.scatter [tilespmem:s2], [sflag:$0x9], $0x2000, $0x38;
	[tilespmem:$0x1E280] =	vst v63  }
0xbf: {  	_ =	swait.ge [sflag:s11], $0x2000  }
0xc0: {  	[sflag:s11] =	ssyncset.done $0x0  }
0xc1: {  	s23 =	rddreg [dreg:$0x13];
	[sflag:s11] =	ssyncadd.s32 $0xFFFFE000  }
0xc2: {  	[spmem:s23] =	stream.linear.scatter [tilespmem:s2], [sflag:$0x9], $0x2000, $0x38;
	[tilespmem:$0x1E280] =	vst v63  }
0xc3: {  	_ =	swait.ge [sflag:s11], $0x2000  }
0xc4: {  	[sflag:s11] =	ssyncset.done $0x0  }
0xc5: {  	s21 =	smov.u32 s20;
	s22 =	rddreg [dreg:$0x14];
	[sflag:s11] =	ssyncadd.s32 $0xFFFFE000  }
0xc6: {  	[spmem:s22] =	stream.linear.scatter [tilespmem:s2], [sflag:$0x9], $0x2000, $0x38;
	[tilespmem:$0x1E280] =	vst v63  }
0xc7: {  	s21 =	simm.s32 @p0 $0x0;
	_ =	swait.ge [sflag:s11], $0x2000  }
0xc8: {  	s21 =	sshll.u32 s21, $0x7;
	[sflag:s11] =	ssyncset.done $0x0  }
0xc9: {  	s23 =	sand.u32 $0xFFFFFC00, s21;
	s22 =	rddreg [dreg:$0x15];
	[sflag:s11] =	ssyncadd.s32 $0xFFFFE000  }
0xca: {  	[spmem:s22] =	stream.linear.scatter [tilespmem:s2], [sflag:$0x9], $0x2000, $0x38;
	[tilespmem:$0x1E280] =	vst v63  }
0xcb: {  	s22 =	sadd.s32 s30, s23;
	s23 =	sand.u32 $0x380, s21;
	_ =	swait.ge [sflag:s11], $0x2000  }
0xcc: {  	s22 =	sor.u32 s23, s22;
	[sflag:s11] =	ssyncset.done $0x0  }
0xcd: {  	s22 =	sshrl.u32 s22, $0x3;
	[sflag:s11] =	ssyncadd.s32 $0xFFFFE000  }
0xce: {  	s23 =	sadd.s32 s15, s22;
	[bflag:$0x0] =	sbarrier.arrive $0xFFFF  }
0xcf: {  	[tilespmem:s0], [sflag:$0x5] =	stream.linear.gather [hbm4b:s23+s2], $0x80, $0x38;
	[tilespmem:$0x1E280] =	vst v63  }
0xd0: {  	s22 =	sadd.s32 s16, s22  }
0xd1: {  	[tilespmem:s31], [sflag:$0x7] =	stream.linear.gather [hbm4b:s22+s2], $0x80, $0x38;
	[tilespmem:$0x1E280] =	vst v63  }
0xd2: {  	s22 =	sadd.s32 $0x80, s21  }
0xd3: {  	s23 =	sand.u32 $0xFFFFFC00, s22  }
0xd4: {  	s22 =	sand.u32 $0x380, s22;
	s23 =	sadd.s32 s30, s23  }
0xd5: {  	s22 =	sor.u32 s22, s23  }
0xd6: {  	s22 =	sshrl.u32 s22, $0x3  }
0xd7: {  	s23 =	sadd.s32 s15, s22  }
0xd8: {  	[tilespmem:s3], [sflag:$0x6] =	stream.linear.gather [hbm4b:s23+s2], $0x80, $0x38;
	[tilespmem:$0x1E280] =	vst v63  }
0xd9: {  	s23 =	ssub.s32 $0xA0, s20  }
0xda: {  	s22 =	sadd.s32 s16, s22;
	s23 =	smov.u32 @p0 s20  }
0xdb: {  	[tilespmem:s4], [sflag:$0x8] =	stream.linear.gather [hbm4b:s22+s2], $0x80, $0x38;
	[tilespmem:$0x1E280] =	vst v63  }
0xdc: {  	s22 =	sand.u32 $0x1, s23  }
0xdd: {  	p1 =	slt.s32 s23, $0x1;
	_ =	swait.ge [sflag:s5], $0x80;
	p2 =	seq.s32 s22, $0x1  }
0xde: {  	s20 =	sshrl.u32 s23, $0x1F;
	[sflag:s5] =	ssyncset.done $0x0;
	p1 =	por !p1, !p2  }
0xdf: {  	s22 =	simm.s32 $0x1;
	[sflag:s5] =	ssyncadd.s32 $0xFFFFFF80;
	p1 =	por !p1, !p1  }
0xe0: {  	[tilespmem:s7], [sflag:$0x1] =	stream.indirect.gather [hbm4b:s1+s6], $0x80, s0, s6, $0xb8;
	[tilespmem:$0x1E280] =	vst v63  }
0xe1: {  	s20 =	sadd.s32 s20, s23;
	s22 =	simm.s32 @!p1 $0x0  }
0xe2: {  	s20 =	sshra.s32 s20, $0x1;
	s22 =	sxor.u32 $0xFFFFFFFF, s22  }
0xe3: {  	s23 =	sadd.s32 s20, s22  }
0xe4: {  	p1 =	slt.s32 s23, $0x1  }
.Ltmp3:
0xe5: {  	_ = 	snop;
	(pc) =	sbr.rel @p1 .LBB2_9-.Ltmp3, $4  }
0xe6: {  	_ =	swait.ge [sflag:s8], $0x80  }
0xe7: {  	[sflag:s8] =	ssyncset.done $0x0  }
0xe8: {  	[sflag:s8] =	ssyncadd.s32 $0xFFFFFF80  }
0xe9: {  	[tilespmem:s9], [sflag:$0x2] =	stream.indirect.gather [hbm4b:s1+s6], $0x80, s3, s6, $0xb8;
	[tilespmem:$0x1E280] =	vst v63  }
0xea: {  	p2 =	sne.s32 s23, $0x1  }
.Ltmp4:
0xeb: {  	_ = 	snop;
	(pc) =	sbr.rel @!p2 .LBB2_5-.Ltmp4, $4  }
0xec: {  	_ = 	snop  }
0xed: {  	s28 =	smov.u32 s26;
	s20 =	sadd.s32 $0x180, s21  }
0xee: {  	s26 =	smov.u32 s25;
	s25 =	smov.u32 s24;
	s22 =	sadd.s32 $0xFFFFFF80, s20  }
0xef: {  	s21 =	sadd.s32 $0xFFFFFFFF, s23;
	p1 =	por $0x0, $0x0;
	s23 =	sand.u32 $0xFFFFFC00, s22  }
0xf0: {  	s23 =	sadd.s32 s30, s23;
	s22 =	sand.u32 $0x380, s22  }
0xf1: {  	_ =	swait.ge [sflag:s10], $0x4000;
	s22 =	sor.u32 s22, s23  }
0xf2: {  	[sflag:s10] =	ssyncset.done $0x0;
	s22 =	sshrl.u32 s22, $0x3  }
0xf3: {  	[sflag:s10] =	ssyncadd.s32 $0xFFFFC000;
	s24 =	sadd.s32 s15, s22  }
0xf4: {  	[tilespmem:s0], [sflag:$0x5] =	stream.linear.gather [hbm4b:s24+s2], $0x80, $0x38;
	[tilespmem:$0x1E280] =	vst v63  }
0xf5: {  	_ =	swait.ge [sflag:s12], $0x80  }
0xf6: {  	s24 =	sand.u32 $0xFFFFFC00, s20;
	[sflag:s12] =	ssyncset.done $0x0  }
0xf7: {  	s23 =	sadd.s32 s30, s24;
	s24 =	sand.u32 $0x380, s20;
	[sflag:s12] =	ssyncadd.s32 $0xFFFFFF80  }
0xf8: {  	[spmem:s13] =	stream.indirect.scatter.add.f32 [tilespmem:s7], [sflag:$0x3], $0x80, s31, s6, $0xb8;
	[tilespmem:$0x1E280] =	vst v63  }
0xf9: {  	s23 =	sor.u32 s24, s23;
	_ =	swait.ge [sflag:s14], $0x4000  }
0xfa: {  	s24 =	sshrl.u32 s23, $0x3;
	[sflag:s14] =	ssyncset.done $0x0  }
0xfb: {  	s23 =	sadd.s32 s15, s24;
	[sflag:s14] =	ssyncadd.s32 $0xFFFFC000  }
0xfc: {  	[tilespmem:s3], [sflag:$0x6] =	stream.linear.gather [hbm4b:s23+s2], $0x80, $0x38;
	[tilespmem:$0x1E280] =	vst v63  }
0xfd: {  	_ =	swait.ge [sflag:s17], $0x80  }
0xfe: {  	[sflag:s17] =	ssyncset.done $0x0  }
0xff: {  	[sflag:s17] =	ssyncadd.s32 $0xFFFFFF80  }
0x100: {  	[spmem:s13] =	stream.indirect.scatter.add.f32 [tilespmem:s9], [sflag:$0x4], $0x80, s4, s6, $0xb8;
	[tilespmem:$0x1E280] =	vst v63  }
0x101: {  	_ =	swait.ge [sflag:s29], $0x4000  }
0x102: {  	[sflag:s29] =	ssyncset.done $0x0  }
0x103: {  	s22 =	sadd.s32 s16, s22;
	[sflag:s29] =	ssyncadd.s32 $0xFFFFC000  }
0x104: {  	[tilespmem:s31], [sflag:$0x7] =	stream.linear.gather [hbm4b:s22+s2], $0x80, $0x38;
	[tilespmem:$0x1E280] =	vst v63  }
0x105: {  	_ =	swait.ge [sflag:s5], $0x80  }
0x106: {  	p2 =	sne.s32 s21, $0x1;
	[sflag:s5] =	ssyncset.done $0x0  }
.Ltmp5:
0x107: {  	[sflag:s5] =	ssyncadd.s32 $0xFFFFFF80;
	(pc) =	sbr.rel @!p2 .LBB2_8-.Ltmp5, $4  }
0x108: {  	[tilespmem:s7], [sflag:$0x1] =	stream.indirect.gather [hbm4b:s1+s6], $0x80, s0, s6, $0xb8;
	[tilespmem:$0x1E280] =	vst v63  }
0x109: {  	s21 =	sadd.s32 $0xFFFFFFFF, s21;
	s20 =	sadd.s32 $0x100, s20;
	_ =	swait.ge [sflag:s18], $0x4000  }
0x10a: {  	p1 =	por $0x1, $0x1;
	s22 =	sadd.s32 $0xFFFFFF80, s20;
	[sflag:s18] =	ssyncset.done $0x0  }
0x10b: {  	s24 =	sadd.s32 s16, s24;
	s23 =	sand.u32 $0xFFFFFC00, s22;
	[sflag:s18] =	ssyncadd.s32 $0xFFFFC000  }
.LBB2_7:
0x10c: {  	[tilespmem:s4], [sflag:$0x8] =	stream.linear.gather [hbm4b:s24+s2], $0x80, $0x38;
	[tilespmem:$0x1E280] =	vst v63  }
0x10d: {  	s23 =	sadd.s32 s30, s23;
	s22 =	sand.u32 $0x380, s22;
	_ =	swait.ge [sflag:s8], $0x80  }
0x10e: {  	p2 =	sne.s32 s21, $0x1;
	s22 =	sor.u32 s22, s23;
	[sflag:s8] =	ssyncset.done $0x0  }
0x10f: {  	s21 =	sadd.s32 $0xFFFFFFFF, s21;
	s22 =	sshrl.u32 s22, $0x3;
	[sflag:s8] =	ssyncadd.s32 $0xFFFFFF80  }
0x110: {  	[tilespmem:s9], [sflag:$0x2] =	stream.indirect.gather [hbm4b:s1+s6], $0x80, s3, s6, $0xb8;
	[tilespmem:$0x1E280] =	vst v63  }
0x111: {  	_ =	swait.ge [sflag:s10], $0x4000  }
0x112: {  	[sflag:s10] =	ssyncset.done $0x0  }
0x113: {  	s23 =	sadd.s32 s15, s22;
	[sflag:s10] =	ssyncadd.s32 $0xFFFFC000  }
0x114: {  	[tilespmem:s0], [sflag:$0x5] =	stream.linear.gather [hbm4b:s23+s2], $0x80, $0x38;
	[tilespmem:$0x1E280] =	vst v63  }
0x115: {  	_ =	swait.ge [sflag:s12], $0x80  }
0x116: {  	[sflag:s12] =	ssyncset.done $0x0  }
0x117: {  	s23 =	sand.u32 $0xFFFFFC00, s20;
	[sflag:s12] =	ssyncadd.s32 $0xFFFFFF80  }
0x118: {  	[spmem:s13] =	stream.indirect.scatter.add.f32 [tilespmem:s7], [sflag:$0x3], $0x80, s31, s6, $0xb8;
	[tilespmem:$0x1E280] =	vst v63  }
0x119: {  	s24 =	sand.u32 $0x380, s20;
	s23 =	sadd.s32 s30, s23;
	_ =	swait.ge [sflag:s14], $0x4000  }
0x11a: {  	s23 =	sor.u32 s24, s23;
	[sflag:s14] =	ssyncset.done $0x0  }
0x11b: {  	s24 =	sshrl.u32 s23, $0x3;
	[sflag:s14] =	ssyncadd.s32 $0xFFFFC000  }
0x11c: {  	s23 =	sadd.s32 s15, s24  }
0x11d: {  	[tilespmem:s3], [sflag:$0x6] =	stream.linear.gather [hbm4b:s23+s2], $0x80, $0x38;
	[tilespmem:$0x1E280] =	vst v63  }
0x11e: {  	_ =	swait.ge [sflag:s17], $0x80  }
0x11f: {  	[sflag:s17] =	ssyncset.done $0x0  }
0x120: {  	[sflag:s17] =	ssyncadd.s32 $0xFFFFFF80  }
0x121: {  	[spmem:s13] =	stream.indirect.scatter.add.f32 [tilespmem:s9], [sflag:$0x4], $0x80, s4, s6, $0xb8;
	[tilespmem:$0x1E280] =	vst v63  }
0x122: {  	_ =	swait.ge [sflag:s29], $0x4000  }
0x123: {  	s22 =	sadd.s32 s16, s22;
	[sflag:s29] =	ssyncset.done $0x0  }
0x124: {  	[sflag:s29] =	ssyncadd.s32 $0xFFFFC000  }
0x125: {  	[tilespmem:s31], [sflag:$0x7] =	stream.linear.gather [hbm4b:s22+s2], $0x80, $0x38;
	[tilespmem:$0x1E280] =	vst v63  }
0x126: {  	_ =	swait.ge [sflag:s5], $0x80  }
0x127: {  	[sflag:s5] =	ssyncset.done $0x0  }
.Ltmp6:
0x128: {  	[sflag:s5] =	ssyncadd.s32 $0xFFFFFF80;
	(pc) =	sbr.rel @p2 .LBB2_7-.Ltmp6, $4  }
0x129: {  	[tilespmem:s7], [sflag:$0x1] =	stream.indirect.gather [hbm4b:s1+s6], $0x80, s0, s6, $0xb8;
	[tilespmem:$0x1E280] =	vst v63  }
0x12a: {  	s20 =	sadd.s32 $0x100, s20;
	_ =	swait.ge [sflag:s18], $0x4000  }
0x12b: {  	s22 =	sadd.s32 $0xFFFFFF80, s20;
	[sflag:s18] =	ssyncset.done $0x0  }
0x12c: {  	s24 =	sadd.s32 s16, s24;
	s23 =	sand.u32 $0xFFFFFC00, s22;
	[sflag:s18] =	ssyncadd.s32 $0xFFFFC000  }
.Ltmp7:
0x12d: {  	_ = 	snop;
	(pc) =	sbr.rel .LBB2_8-.Ltmp7, $1  }
0x12e: {  	_ =	sdelay $0x3  }
.LBB2_10:
0x12f: {  	_ =	sfence.sel $0x180000  }
0x130: {  	[bflag:$0x0] =	sbarrier.arrive $0xFFFF  }
0x131: {  	_ =	strace $0x9000004D  }
0x132: {  	s0 =	stileid.u32;
	[bflag:$0x2] =	sbarrier.arrive $0xFFFF  }
0x133: {  	p0 =	sne.s32 s0, $0x0;
	s0 =	rddreg [dreg:$0x3]  }
0x134: {  	s0 =	sadd.s32 @!p0 $0x100000, s0  }
0x135: {  	[sflag:s0] =	ssyncadd.tile.s32 @!p0 $0x1;
	_ =	shalt  }
.Lfunc_end2:
_tile_overlayer_lowered:
.L_overlay_start_2:
0x136: {  	(tag) =	ssettag $0x2  }
0x137: {  	s0 =	rddreg [dreg:$0x0];
	s2 =	stileid.u32  }
0x138: {  	s1 =	rddreg [dreg:$0x1];
	p0 =	sne.s32 s2, $0x0  }
0x139: {  	s3 =	rddreg [dreg:$0x2];
	[bflag:$0x3] =	sbarrier.arrive $0xFFFF;
	s2 =	simm.s32 @!p0 $0x1C09  }
0x13a: {  	[timem:s3], [sflag:s2] =	dma.local @!p0 [hbm:s0], s1  }
0x13b: {  	s0 =	simm.s32 @!p0 $0x9  }
0x13c: {  	_ =	swait.ge @!p0 [sflag:s0], s1  }
0x13d: {  	s1 =	ssub.s32 @!p0 $0x0, s1;
	[sflag:s0] =	ssyncset.done @!p0 $0x0  }
0x13e: {  	[sflag:s0] =	ssyncadd.s32 @!p0 s1  }
0x13f: {  	[bflag:$0x3] =	sbarrier.arrive $0xFFFF  }
0x140: {  	_ =	shalt  }

// kernel: kernel.7.cloned.1.call-start
scs
__scs_entry_jumppad:
0x0: {  	(pc) =	sbr.rel $0x88, $3  }
0x1: {  	(tag) =	ssettag $0x0;
	lr =	simm.s32 $0x1  }
0x2: {  	[smem:$0x3F98] =	sst lr;
	_ =	strace $0xD0000000  }
0x3: {  	_ = 	snop  }
0x4: {  	_ = 	snop  }
0x5: {  	_ = 	snop  }
0x6: {  	_ = 	snop  }
0x7: {  	_ = 	snop  }
__scs_overlays_trampoline_lowered:
0x8: {  	[smem:$0x3FA7] =	sst s0  }
0x9: {  	[smem:$0x3FA8] =	sst s1  }
0xa: {  	[smem:$0x3FA9] =	sst s2  }
0xb: {  	[smem:$0x3FAA] =	sst s3  }
0xc: {  	[smem:$0x3FAB] =	sst s4  }
0xd: {  	[smem:$0x3FAC] =	sst s5  }
0xe: {  	[smem:$0x3FAD] =	sst s6  }
0xf: {  	[smem:$0x3FAE] =	sst s7  }
0x10: {  	[smem:$0x3FAF] =	sst s8  }
0x11: {  	[smem:$0x3FB0] =	sst s9;
	s0 =	simm.s32 @!p0 $0x0  }
0x12: {  	s1 =	sld [smem:$0x3F96];
	s0 =	simm.s32 @p0 $0x1  }
0x13: {  	[smem:$0x3FB1] =	sst s0;
	s0 =	simm.s32 @!p1 $0x0  }
0x14: {  	s2 =	sld [smem:$0x3F95];
	s0 =	simm.s32 @p1 $0x1  }
0x15: {  	[smem:$0x3FB2] =	sst s0;
	s0 =	simm.s32 @!p2 $0x0  }
0x16: {  	s3 =	sld [smem:$0x3FDB];
	s0 =	simm.s32 @p2 $0x1  }
0x17: {  	s4 =	simm.s32 $0x1BF5;
	[smem:$0x3FB4] =	sst s0  }
0x18: {  	s0 =	sld [smem:$0x3F97];
	_ =	swait.ge [sflag:s4], $0x0  }
0x19: {  	s7 =	sld [smem:$0x3F98]  }
0x1a: {  	s8 =	sadd.s32 $0xFFFFE003, lr  }
0x1b: {  	s9 =	sadd.s32 $0xFFFFFEF7, lr;
	s5 =	simm.s32 $0xFFFFFFFF;
	p2 =	slt.u32 s8, $0xFFFFF086  }
0x1c: {  	p1 =	slt.u32 s9, $0xF7A;
	s5 =	simm.s32 @!p2 $0x0  }
0x1d: {  	s5 =	simm.s32 @p1 $0x1;
	p0 =	seq.s32 s7, s2  }
0x1e: {  	s7 =	smul.u32 @!p0 $0xF7A, s2;
	p2 =	seq.s32 @!p0 s5, $0x0  }
0x1f: {  	s9 =	smul.u32 $0xF7A, s1;
	s8 =	simm.s32 @!p0 $0x1BF5;
	p2 =	por !p2, p0  }
0x20: {  	[sflag:s8] =	ssyncset.s32 @!p0 $0xFFFFF086;
	s6 =	sadd.s32 @!p0 s3, s7;
	s7 =	simm.s32 @!p0 $0x108  }
0x21: {  	s3 =	sadd.s32 s3, s9;
	s6 =	sadd.s32 @!p0 $0x88, s6;
	s7 =	simm.s32 @p2 $0x1082  }
0x22: {  	[simem:s7], [sflag:s8] =	dma.local @!p0 [hbm:s6], $0xF7A  }
0x23: {  	s9 =	sor.u32 $0xD0000000, s2;
	s6 =	simm.s32 $0x108;
	_ =	swait.ge @!p0 [sflag:s8], $0x0  }
0x24: {  	s3 =	sadd.s32 $0x88, s3;
	s6 =	simm.s32 @!p1 $0x1082;
	[sflag:s4] =	ssyncset.s32 $0xFFFFF086  }
0x25: {  	[simem:s6], [sflag:s4] =	dma.local [hbm:s3], $0xF7A  }
0x26: {  	[smem:$0x3F98] =	sst s1;
	(tag) =	ssettag s2;
	_ =	strace s9  }
0x27: {  	s1 =	sld [smem:$0x3FA8]  }
0x28: {  	s2 =	sld [smem:$0x3FA9]  }
0x29: {  	s4 =	sld [smem:$0x3FAB]  }
0x2a: {  	p0 =	seq.s32 s5, $0x0;
	s5 =	sld [smem:$0x3FAC]  }
0x2b: {  	s6 =	sld [smem:$0x3FAD]  }
0x2c: {  	s7 =	sld [smem:$0x3FAE]  }
0x2d: {  	s3 =	simm.s32 $0x108;
	s8 =	sld [smem:$0x3FAF]  }
0x2e: {  	s3 =	simm.s32 @!p0 $0x1082;
	s9 =	sld [smem:$0x3FB0]  }
0x2f: {  	lr =	sadd.s32 s0, s3;
	s0 =	sld [smem:$0x3FA7]  }
0x30: {  	s3 =	sld [smem:$0x3FAA]  }
0x31: {  	[smem:$0x3FB3] =	sst s10  }
0x32: {  	s10 =	sld [smem:$0x3FB1];
	_ =	sdelay $0x3  }
0x33: {  	p0 =	seq.s32 s10, $0x1;
	s10 =	sld [smem:$0x3FB3];
	_ =	sdelay $0x3  }
0x34: {  	[smem:$0x3FB3] =	sst s10  }
0x35: {  	s10 =	sld [smem:$0x3FB2];
	_ =	sdelay $0x3  }
0x36: {  	p1 =	seq.s32 s10, $0x1;
	s10 =	sld [smem:$0x3FB3];
	_ =	sdelay $0x3  }
0x37: {  	[smem:$0x3FB3] =	sst s10  }
0x38: {  	s10 =	sld [smem:$0x3FB4]  }
0x39: {  	_ = 	snop;
	(pc) =	sbr.ind lr, $3  }
0x3a: {  	_ = 	snop  }
0x3b: {  	_ = 	snop  }
0x3c: {  	p2 =	seq.s32 s10, $0x1;
	s10 =	sld [smem:$0x3FB3]  }
0x3d: {  	_ =	shalt  }
0x3e: {  	_ =	shalt  }
0x3f: {  	_ =	shalt  }
0x40: {  	_ =	shalt  }
0x41: {  	_ =	shalt  }
0x42: {  	_ =	shalt  }
0x43: {  	_ =	shalt  }
0x44: {  	_ =	shalt  }
0x45: {  	_ =	shalt  }
0x46: {  	_ =	shalt  }
0x47: {  	_ =	shalt  }
0x48: {  	_ =	shalt  }
0x49: {  	_ =	shalt  }
0x4a: {  	_ =	shalt  }
0x4b: {  	_ =	shalt  }
0x4c: {  	_ =	shalt  }
0x4d: {  	_ =	shalt  }
0x4e: {  	_ =	shalt  }
0x4f: {  	_ =	shalt  }
0x50: {  	_ =	shalt  }
0x51: {  	_ =	shalt  }
0x52: {  	_ =	shalt  }
0x53: {  	_ =	shalt  }
0x54: {  	_ =	shalt  }
0x55: {  	_ =	shalt  }
0x56: {  	_ =	shalt  }
0x57: {  	_ =	shalt  }
0x58: {  	_ =	shalt  }
0x59: {  	_ =	shalt  }
0x5a: {  	_ =	shalt  }
0x5b: {  	_ =	shalt  }
0x5c: {  	_ =	shalt  }
0x5d: {  	_ =	shalt  }
0x5e: {  	_ =	shalt  }
0x5f: {  	_ =	shalt  }
0x60: {  	_ =	shalt  }
0x61: {  	_ =	shalt  }
0x62: {  	_ =	shalt  }
0x63: {  	_ =	shalt  }
0x64: {  	_ =	shalt  }
0x65: {  	_ =	shalt  }
0x66: {  	_ =	shalt  }
0x67: {  	_ =	shalt  }
0x68: {  	_ =	shalt  }
0x69: {  	_ =	shalt  }
0x6a: {  	_ =	shalt  }
0x6b: {  	_ =	shalt  }
0x6c: {  	_ =	shalt  }
0x6d: {  	_ =	shalt  }
0x6e: {  	_ =	shalt  }
0x6f: {  	_ =	shalt  }
0x70: {  	_ =	shalt  }
0x71: {  	_ =	shalt  }
0x72: {  	_ =	shalt  }
0x73: {  	_ =	shalt  }
0x74: {  	_ =	shalt  }
0x75: {  	_ =	shalt  }
0x76: {  	_ =	shalt  }
0x77: {  	_ =	shalt  }
0x78: {  	_ =	shalt  }
0x79: {  	_ =	shalt  }
0x7a: {  	_ =	shalt  }
0x7b: {  	_ =	shalt  }
0x7c: {  	_ =	shalt  }
0x7d: {  	_ =	shalt  }
0x7e: {  	_ =	shalt  }
0x7f: {  	_ =	shalt  }
0x80: {  	_ =	shalt  }
0x81: {  	_ =	shalt  }
0x82: {  	_ =	shalt  }
0x83: {  	_ =	shalt  }
0x84: {  	_ =	shalt  }
0x85: {  	_ =	shalt  }
0x86: {  	_ =	shalt  }
0x87: {  	_ =	shalt  }
.Lfunc_end0:
.L_simem_size_0:
called_computation_lowered:
.L_overlay_start_0:
0x88: {  	s2 =	sld [smem:$0x3FD9]  }
0x89: {  	s3 =	sld [smem:$0x3FFE];
	_ =	sdelay $0x1  }
0x8a: {  	s1 =	srdreg.scid  }
0x8b: {  	s0 =	sand.u32 $0x1, s1  }
0x8c: {  	s17 =	sshll.u32 s0, $0xA;
	s2 =	sadd.s32 s3, s2  }
0x8d: {  	s2 =	sadd.s32 s2, s17  }
0x8e: {  	[smem:$0x3FBF] =	sst s2  }
0x8f: {  	_ = 	snop  }
0x90: {  	s2 =	sld [smem:$0x3FC8]  }
0x91: {  	s18 =	sld [smem:$0x3FD0];
	(tm) =	ssettm $0x1  }
0x92: {  	s4 =	sld [smem:$0x3FFB];
	_ =	sdelay $0x3  }
0x93: {  	_ =	strace s4  }
0x94: {  	s4 =	sld [smem:$0x3FFC];
	_ =	sdelay $0x3  }
0x95: {  	_ =	strace s4  }
0x96: {  	s4 =	sld [smem:$0x3FFD];
	_ =	sdelay $0x3  }
0x97: {  	_ =	strace s4  }
0x98: {  	_ =	strace $0x8FFFFFFF  }
0x99: {  	s19 =	sld [smem:$0x3FDB];
	_ =	sdelay $0x1  }
0x9a: {  	s5 =	simm.s32 $_scs_section_size  }
0x9b: {  	s6 =	simm.s32 $_size__tile_overlayer_lowered;
	s7 =	simm.s32 $_tile_overlayer_lowered  }
0x9c: {  	s22 =	simm.s32 $0x1BFF;
	s21 =	sshll.u32 s7, $0x1;
	s4 =	sadd.s32 s5, s19  }
0x9d: {  	s8 =	simm.s32 $0x0;
	s20 =	sshll.u32 s6, $0x1;
	s6 =	sadd.s32 s21, s4  }
0x9e: {  	[timem:s8], [sflag:s22] =	dma.local [hbm:s6], s20  }
0x9f: {  	_ =	swait.ge [sflag:s22], s20  }
0xa0: {  	s5 =	ssub.s32 $0x0, s20;
	[sflag:s22] =	ssyncset.done $0x0  }
0xa1: {  	[sflag:s22] =	ssyncadd.s32 s5;
	_ =	sdelay $0x1  }
0xa2: {  	s23 =	simm.s32 $0x1B8B  }
0xa3: {  	_ =	swait.ge [sflag:s23], $0x1  }
0xa4: {  	[sflag:s23] =	ssyncset.done $0x0  }
0xa5: {  	s25 =	simm.s32 $0x1B8E;
	s24 =	sld [smem:$0x3FFE];
	[sflag:s23] =	ssyncadd.s32 $0xFFFFFFFF  }
0xa6: {  	s26 =	simm.s32 $execute0_lowered;
	[smem:$0x3FD2] =	sst s25  }
0xa7: {  	s6 =	sshll.u32 s26, $0x1;
	_ =	strace $0x80000046;
	[dreg:$0x1] =	wrdreg $0xFFFFFFFF  }
0xa8: {  	s28 =	simm.s32 $_size_execute0_lowered;
	s4 =	sadd.s32 s4, s6;
	[dreg:$0x0] =	wrdreg $0x0  }
0xa9: {  	s6 =	sshll.u32 s28, $0x1;
	[dreg:$0x2] =	wrdreg s4  }
0xaa: {  	[dreg:$0x3] =	wrdreg s6  }
0xab: {  	[dreg:$0x4] =	wrdreg $0xC0  }
0xac: {  	_ =	task [dreg:s8], $0x5FFFF  }
0xad: {  	[dreg:$0x1] =	wrdreg $0xFFFFFFFF  }
0xae: {  	[dreg:$0x0] =	wrdreg $0x60  }
0xaf: {  	[dreg:$0x2] =	wrdreg s2  }
0xb0: {  	[dreg:$0x3] =	wrdreg s18  }
0xb1: {  	[dreg:$0x4] =	wrdreg s24  }
0xb2: {  	[dreg:$0x5] =	wrdreg $0xA2000  }
0xb3: {  	[dreg:$0x6] =	wrdreg $0x1E5000  }
0xb4: {  	[dreg:$0x7] =	wrdreg $0x9  }
0xb5: {  	_ =	task.clear_ibuf [dreg:s8], $0x8FFFF;
	_ =	strace $0x90000046  }
0xb6: {  	s29 =	simm.s32 $0x9;
	_ =	strace $0x80000048  }
0xb7: {  	_ =	swait.ge [sflag:s29], $0x1  }
0xb8: {  	[sflag:s29] =	ssyncadd.s32 $0xFFFFFFFF  }
0xb9: {  	_ =	strace $0x90000048  }
0xba: {  	_ =	sfence  }
0xbb: {  	s30 =	sld [smem:$0x0];
	_ =	sdelay $0x2  }
0xbc: {  	s31 =	sshll.u32 s1, $0xD;
	s1 =	sshrl.u32 s1, $0x2  }
0xbd: {  	s3 =	sand.u32 $0x4000, s31;
	s1 =	sadd.s32 s1, s30  }
0xbe: {  	s0 =	sor.u32 s3, s0;
	s1 =	sshll.u32 s1, $0x11  }
0xbf: {  	s0 =	sor.u32 s1, s0  }
0xc0: {  	s0 =	sadd.s32 $0x8F2B, s0  }
0xc1: {  	[sflag:s0] =	ssyncadd.remote.s32 $0x1  }
0xc2: {  	_ =	sfence.sel $0xFFFF  }
0xc3: {  	[dreg:$0x0] =	wrdreg $0xFFFFFFFF;
	(pc) =	sbr.abs _section_cstart, $3  }
0xc4: {  	[dreg:$0x1] =	wrdreg $0xFFFFFFFF  }
0xc5: {  	_ =	task.clear_ibuf [dreg:s8], $0x2FFFF;
	_ =	strace $0x9FFFFFFF  }
0xc6: {  	(tm) =	ssettm $0x7FFFFFFF  }
0xc7: {  	_ =	shalt  }
tec
execute0_lowered:
.L_overlay_start_1:
0x0: {  	(tag) =	ssettag $0x1  }
0x1: {  	s3 =	rddreg [dreg:$0x2];
	s0 =	simm.s32 $0x0  }
0x2: {  	s1 =	srdreg.scid;
	s23 =	stileid.u32;
	s29 =	simm.s32 $0x1E200  }
0x3: {  	s28 =	simm.s32 $0x8;
	[smem:$0x7FF] =	sst s0;
	s5 =	sadd.s32 $0xD400, s3  }
0x4: {  	s19 =	sadd.s32 $0xC000, s3;
	s4 =	sand.u32 $0x1, s1;
	s7 =	sadd.s32 $0xC200, s3  }
0x5: {  	s2 =	smul.u32 $0x280, s23;
	s8 =	sadd.s32 $0xC600, s3;
	s21 =	sadd.s32 $0xC400, s3  }
0x6: {  	s14 =	smul.u32 $0x14000, s23;
	s1 =	ssub.s32 $0x2, s4;
	p0 =	seq.s32 s4, $0x0  }
0x7: {  	s11 =	smul.u32 $0x140000, s4;
	s6 =	sshrl.u32 s1, $0x1;
	s9 =	sshll.u32 s2, $0x7  }
0x8: {  	s21 =	smov.u32 @p0 s8;
	s1 =	ssub.s32 s1, s6;
	s10 =	sor.u32 $0x2000, s9  }
0x9: {  	s6 =	sadd.s32 $0x4000, s9;
	s12 =	sadd.s32 $0x6000, s9;
	s13 =	sadd.s32 $0x8000, s9  }
0xa: {  	s15 =	sadd.s32 $0xA000, s9;
	s17 =	sadd.s32 $0xC000, s9;
	s18 =	sadd.s32 $0xE000, s9  }
0xb: {  	s20 =	sadd.s32 $0x10000, s9;
	s14 =	sadd.s32 s14, s11;
	s9 =	sadd.s32 $0x12000, s9  }
0xc: {  	[dreg:$0x9] =	wrdreg s21;
	s16 =	sadd.s32 s11, s10;
	s14 =	sshrl.u32 s14, $0x3  }
0xd: {  	s24 =	sadd.s32 s11, s6;
	s25 =	sadd.s32 s11, s12;
	s26 =	sadd.s32 s11, s13  }
0xe: {  	s8 =	sadd.s32 s11, s15;
	s16 =	sshrl.u32 s16, $0x3;
	s14 =	sadd.s32 s5, s14  }
0xf: {  	[dreg:$0xa] =	wrdreg s14;
	s22 =	sadd.s32 s5, s16;
	s14 =	sshrl.u32 s24, $0x3  }
0x10: {  	s16 =	sshrl.u32 s25, $0x3;
	[dreg:$0xb] =	wrdreg s22;
	s14 =	sadd.s32 s5, s14  }
0x11: {  	s24 =	sadd.s32 s11, s20;
	s0 =	sadd.s32 s5, s16;
	[dreg:$0xd] =	wrdreg s14  }
0x12: {  	s22 =	smov.u32 s7;
	s16 =	sadd.s32 s11, s18;
	[dreg:$0xe] =	wrdreg s0  }
0x13: {  	s22 =	smov.u32 @p0 s19;
	s21 =	sshrl.u32 s16, $0x3;
	s16 =	rddreg [dreg:$0x0]  }
0x14: {  	s19 =	smov.u32 @p0 s7;
	s7 =	sshrl.u32 s26, $0x3;
	[dreg:$0xc] =	wrdreg s22  }
0x15: {  	s25 =	sadd.s32 s11, s9;
	[dreg:$0x8] =	wrdreg s19;
	s7 =	sadd.s32 s5, s7  }
0x16: {  	s14 =	sadd.s32 s11, s17;
	s22 =	sadd.s32 s5, s21;
	[dreg:$0xf] =	wrdreg s7  }
0x17: {  	s11 =	sadd.s32 $0xCE00, s3;
	s19 =	sshrl.u32 s14, $0x3;
	[dreg:$0x12] =	wrdreg s22  }
0x18: {  	s7 =	sshrl.u32 s8, $0x3;
	s22 =	rddreg [dreg:$0x3];
	s8 =	sadd.s32 $0xC800, s3  }
0x19: {  	s7 =	sadd.s32 s5, s7;
	s11 =	smov.u32 @p0 s8;
	s8 =	rddreg [dreg:$0x4]  }
0x1a: {  	s30 =	simm.s32 $0x3;
	[dreg:$0x10] =	wrdreg s7;
	s7 =	sadd.s32 s5, s19  }
0x1b: {  	s31 =	simm.s32 $0x9;
	[dreg:$0x11] =	wrdreg s7;
	s7 =	sshrl.u32 s24, $0x3  }
0x1c: {  	s26 =	sshrl.u32 s25, $0x3;
	s19 =	rddreg [dreg:$0x1];
	s7 =	sadd.s32 s5, s7  }
0x1d: {  	s14 =	sshrl.u32 s2, $0x3;
	s5 =	sadd.s32 s5, s26;
	[dreg:$0x13] =	wrdreg s7  }
0x1e: {  	s4 =	ssub.s32 $0x0, s4;
	[dreg:$0x14] =	wrdreg s5;
	s7 =	sadd.s32 s11, s14  }
0x1f: {  	s0 =	smul.u32 $0x50000, s23;
	s24 =	sadd.s32 s10, s22;
	[dreg:$0x15] =	wrdreg s7  }
0x20: {  	s5 =	sadd.s32 s6, s22;
	_ =	strace $0x80000047;
	[dreg:$0x17] =	wrdreg s24  }
0x21: {  	s26 =	smul.u32 $0x5000, s23;
	s6 =	sadd.s32 s12, s22;
	[dreg:$0x18] =	wrdreg s5  }
0x22: {  	s1 =	smax.u32 s1, $0x1;
	s25 =	sadd.s32 $0x2000, s3;
	[dreg:$0x19] =	wrdreg s6  }
0x23: {  	s21 =	sshrl.u32 s0, $0x2;
	s10 =	sadd.s32 s18, s22;
	[dreg:$0x6] =	wrdreg s26  }
0x24: {  	s0 =	simm.s32 $0x0;
	s11 =	sadd.s32 s20, s22;
	[dreg:$0x1d] =	wrdreg s10  }
0x25: {  	s21 =	sadd.s32 s21, s22;
	s18 =	sadd.s32 s9, s22;
	[dreg:$0x1e] =	wrdreg s11  }
0x26: {  	s13 =	sadd.s32 s13, s22;
	s2 =	sadd.s32 s2, s8;
	[dreg:$0x1f] =	wrdreg s18  }
0x27: {  	s15 =	sadd.s32 s15, s22;
	s17 =	sadd.s32 s17, s22;
	[smem:$0x7F8] =	sst s2  }
0x28: {  	p0 =	sne.s32 s23, $0x0;
	s9 =	simm.s32 $0x5;
	[smem:$0x7FD] =	sst s1  }
0x29: {  	s23 =	simm.s32 $0x2200;
	s14 =	sand.u32 $0x2800, s4;
	[dreg:$0x16] =	wrdreg s21  }
0x2a: {  	s12 =	smov.u32 s8;
	s7 =	sadd.s32 s26, s14;
	[dreg:$0x1a] =	wrdreg s13  }
0x2b: {  	s8 =	simm.s32 $0x2000;
	s3 =	sshrl.u32 s7, $0x3;
	[dreg:$0x1b] =	wrdreg s15  }
0x2c: {  	s1 =	simm.s32 $0x2100;
	s11 =	simm.s32 $0x2180;
	[dreg:$0x1c] =	wrdreg s17  }
0x2d: {  	s7 =	simm.s32 $0x80;
	[dreg:$0x7] =	wrdreg s14;
	s18 =	simm.s32 $0x2100  }
0x2e: {  	s10 =	simm.s32 $0x6;
	s6 =	simm.s32 $0x1;
	s24 =	sadd.s32 s19, s3  }
0x2f: {  	s20 =	sor.u32 $0x10, s3;
	s3 =	sadd.s32 s25, s3;
	[smem:$0x7F9] =	sst s24  }
0x30: {  	[smem:$0x7FA] =	sst s3;
	s26 =	sadd.s32 s19, s20;
	s2 =	sadd.s32 s25, s20  }
0x31: {  	s3 =	simm.s32 $0x0;
	s20 =	simm.s32 $0x2180;
	[smem:$0x7FB] =	sst s26  }
0x32: {  	v0 =	vimm.f32 $0.0e+00;
	v1 =	vimm.f32 $1.000000000e+00;
	s24 =	simm.s32 $0x7;
	[smem:$0x7FC] =	sst s2;
	s26 =	simm.s32 $0x1E200  }
.LBB2_1:
0x33: {  	[smem:$0x7F7] =	sst s3;
	s2 =	simm.s32 $0x0;
	s4 =	simm.s32 $0x200  }
.LBB2_2:
0x34: {  	p1 =	sne.s32 s4, $0x7E00;
	[tilespmem:s2+$0x70] =	vst v0  }
0x35: {  	[tilespmem:s2+$0x0] =	vst v0  }
0x36: {  	[tilespmem:s2+$0x10] =	vst v0  }
.Ltmp0:
0x37: {  	[tilespmem:s2+$0x20] =	vst v0;
	(pc) =	sbr.rel @p1 .LBB2_2-.Ltmp0, $4  }
0x38: {  	[tilespmem:s2+$0x30] =	vst v0  }
0x39: {  	[tilespmem:s2+$0x40] =	vst v0  }
0x3a: {  	[tilespmem:s2+$0x50] =	vst v0  }
0x3b: {  	[tilespmem:s2+$0x60] =	vst v0;
	s2 =	sshra.s32 s4, $0x2;
	s4 =	sadd.s32 $0x200, s4  }
0x3c: {  	[tilespmem:s2+$0x70] =	vst v0  }
0x3d: {  	[tilespmem:s2+$0x0] =	vst v0  }
0x3e: {  	[tilespmem:s2+$0x10] =	vst v0  }
0x3f: {  	[tilespmem:s2+$0x20] =	vst v0  }
0x40: {  	[tilespmem:s2+$0x30] =	vst v0  }
0x41: {  	[tilespmem:s2+$0x40] =	vst v0  }
0x42: {  	[tilespmem:s2+$0x50] =	vst v0  }
0x43: {  	[tilespmem:s2+$0x60] =	vst v0;
	s4 =	simm.s32 $0xB  }
0x44: {  	[spmem:s21] =	stream.linear.scatter [tilespmem:s0], [sflag:$0xB], $0x2000, $0x38;
	[tilespmem:$0x1E880] =	vst v63  }
0x45: {  	_ =	swait.ge [sflag:s4], $0x2000  }
0x46: {  	[sflag:s4] =	ssyncset.done $0x0  }
0x47: {  	s21 =	rddreg [dreg:$0x17];
	[sflag:s4] =	ssyncadd.s32 $0xFFFFE000  }
0x48: {  	[spmem:s21] =	stream.linear.scatter [tilespmem:s0], [sflag:$0xB], $0x2000, $0x38;
	[tilespmem:$0x1E880] =	vst v63  }
0x49: {  	_ =	swait.ge [sflag:s4], $0x2000  }
0x4a: {  	[sflag:s4] =	ssyncset.done $0x0  }
0x4b: {  	s3 =	rddreg [dreg:$0x18];
	[sflag:s4] =	ssyncadd.s32 $0xFFFFE000  }
0x4c: {  	[spmem:s3] =	stream.linear.scatter [tilespmem:s0], [sflag:$0xB], $0x2000, $0x38;
	[tilespmem:$0x1E880] =	vst v63  }
0x4d: {  	_ =	swait.ge [sflag:s4], $0x2000  }
0x4e: {  	[sflag:s4] =	ssyncset.done $0x0  }
0x4f: {  	s5 =	rddreg [dreg:$0x19];
	[sflag:s4] =	ssyncadd.s32 $0xFFFFE000  }
0x50: {  	[spmem:s5] =	stream.linear.scatter [tilespmem:s0], [sflag:$0xB], $0x2000, $0x38;
	[tilespmem:$0x1E880] =	vst v63  }
0x51: {  	_ =	swait.ge [sflag:s4], $0x2000  }
0x52: {  	[sflag:s4] =	ssyncset.done $0x0  }
0x53: {  	[sflag:s4] =	ssyncadd.s32 $0xFFFFE000  }
0x54: {  	[spmem:s13] =	stream.linear.scatter [tilespmem:s0], [sflag:$0xB], $0x2000, $0x38;
	[tilespmem:$0x1E880] =	vst v63  }
0x55: {  	_ =	swait.ge [sflag:s4], $0x2000  }
0x56: {  	[sflag:s4] =	ssyncset.done $0x0  }
0x57: {  	[sflag:s4] =	ssyncadd.s32 $0xFFFFE000  }
0x58: {  	[spmem:s15] =	stream.linear.scatter [tilespmem:s0], [sflag:$0xB], $0x2000, $0x38;
	[tilespmem:$0x1E880] =	vst v63  }
0x59: {  	_ =	swait.ge [sflag:s4], $0x2000  }
0x5a: {  	[sflag:s4] =	ssyncset.done $0x0  }
0x5b: {  	[sflag:s4] =	ssyncadd.s32 $0xFFFFE000  }
0x5c: {  	[spmem:s17] =	stream.linear.scatter [tilespmem:s0], [sflag:$0xB], $0x2000, $0x38;
	[tilespmem:$0x1E880] =	vst v63  }
0x5d: {  	_ =	swait.ge [sflag:s4], $0x2000  }
0x5e: {  	[sflag:s4] =	ssyncset.done $0x0  }
0x5f: {  	s15 =	rddreg [dreg:$0x1d];
	[sflag:s4] =	ssyncadd.s32 $0xFFFFE000  }
0x60: {  	[spmem:s15] =	stream.linear.scatter [tilespmem:s0], [sflag:$0xB], $0x2000, $0x38;
	[tilespmem:$0x1E880] =	vst v63  }
0x61: {  	_ =	swait.ge [sflag:s4], $0x2000  }
0x62: {  	[sflag:s4] =	ssyncset.done $0x0  }
0x63: {  	s17 =	rddreg [dreg:$0x1e];
	[sflag:s4] =	ssyncadd.s32 $0xFFFFE000  }
0x64: {  	[spmem:s17] =	stream.linear.scatter [tilespmem:s0], [sflag:$0xB], $0x2000, $0x38;
	[tilespmem:$0x1E880] =	vst v63  }
0x65: {  	_ =	swait.ge [sflag:s4], $0x2000  }
0x66: {  	[sflag:s4] =	ssyncset.done $0x0  }
0x67: {  	s21 =	rddreg [dreg:$0x1f];
	[sflag:s4] =	ssyncadd.s32 $0xFFFFE000  }
0x68: {  	[spmem:s21] =	stream.linear.scatter [tilespmem:s0], [sflag:$0xB], $0x2000, $0x38;
	[tilespmem:$0x1E880] =	vst v63  }
0x69: {  	_ =	swait.ge [sflag:s4], $0x2000  }
0x6a: {  	[sflag:s4] =	ssyncset.done $0x0  }
0x6b: {  	[sflag:s4] =	ssyncadd.s32 $0xFFFFE000  }
0x6c: {  	[tilespmem:$0x1E280] =	vst v0  }
0x6d: {  	[tilespmem:$0x1E290] =	vst v0  }
0x6e: {  	[tilespmem:$0x1E2A0] =	vst v0  }
0x6f: {  	[tilespmem:$0x1E2B0] =	vst v0  }
0x70: {  	[tilespmem:$0x1E2C0] =	vst v0  }
0x71: {  	[tilespmem:$0x1E2D0] =	vst v0  }
0x72: {  	[tilespmem:$0x1E2E0] =	vst v0  }
0x73: {  	[tilespmem:$0x1E2F0] =	vst v0  }
0x74: {  	[tilespmem:$0x1E300] =	vst v0  }
0x75: {  	[tilespmem:$0x1E310] =	vst v0  }
0x76: {  	[tilespmem:$0x1E320] =	vst v0  }
0x77: {  	[tilespmem:$0x1E330] =	vst v0  }
0x78: {  	[tilespmem:$0x1E340] =	vst v0  }
0x79: {  	[tilespmem:$0x1E350] =	vst v0  }
0x7a: {  	[tilespmem:$0x1E360] =	vst v0  }
0x7b: {  	[tilespmem:$0x1E370] =	vst v0  }
0x7c: {  	[tilespmem:$0x1E380] =	vst v0  }
0x7d: {  	[tilespmem:$0x1E390] =	vst v0  }
0x7e: {  	[tilespmem:$0x1E3A0] =	vst v0  }
0x7f: {  	[tilespmem:$0x1E3B0] =	vst v0  }
0x80: {  	[tilespmem:$0x1E3C0] =	vst v0  }
0x81: {  	[tilespmem:$0x1E3D0] =	vst v0  }
0x82: {  	[tilespmem:$0x1E3E0] =	vst v0  }
0x83: {  	[tilespmem:$0x1E3F0] =	vst v0  }
0x84: {  	[tilespmem:$0x1E400] =	vst v0  }
0x85: {  	[tilespmem:$0x1E410] =	vst v0  }
0x86: {  	[tilespmem:$0x1E420] =	vst v0  }
0x87: {  	[tilespmem:$0x1E430] =	vst v0  }
0x88: {  	[tilespmem:$0x1E440] =	vst v0  }
0x89: {  	[tilespmem:$0x1E450] =	vst v0  }
0x8a: {  	[tilespmem:$0x1E460] =	vst v0  }
0x8b: {  	[tilespmem:$0x1E470] =	vst v0  }
0x8c: {  	[tilespmem:$0x1E480] =	vst v0  }
0x8d: {  	[tilespmem:$0x1E490] =	vst v0  }
0x8e: {  	[tilespmem:$0x1E4A0] =	vst v0  }
0x8f: {  	[tilespmem:$0x1E4B0] =	vst v0  }
0x90: {  	[tilespmem:$0x1E4C0] =	vst v0  }
0x91: {  	[tilespmem:$0x1E4D0] =	vst v0  }
0x92: {  	[tilespmem:$0x1E4E0] =	vst v0  }
0x93: {  	[tilespmem:$0x1E4F0] =	vst v0  }
0x94: {  	[tilespmem:$0x1E200] =	vst v1  }
0x95: {  	[tilespmem:$0x1E210] =	vst v1  }
0x96: {  	[tilespmem:$0x1E220] =	vst v1  }
0x97: {  	[tilespmem:$0x1E230] =	vst v1  }
0x98: {  	[tilespmem:$0x1E240] =	vst v1  }
0x99: {  	s3 =	sld [smem:$0x7F8];
	[tilespmem:$0x1E250] =	vst v1  }
0x9a: {  	[tilespmem:$0x1E260] =	vst v1  }
0x9b: {  	s5 =	simm.s32 $0x1E280;
	[tilespmem:$0x1E270] =	vst v1  }
0x9c: {  	[spmem:s3] =	stream.linear.scatter [tilespmem:s5], [sflag:$0xB], $0x280, $0x38;
	[tilespmem:$0x1E880] =	vst v63  }
0x9d: {  	_ =	swait.ge [sflag:s4], $0x280  }
0x9e: {  	s2 =	simm.s32 @!p0 $0x0;
	[sflag:s4] =	ssyncset.done $0x0  }
0x9f: {  	s5 =	rddreg [dreg:$0xc];
	[sflag:s4] =	ssyncadd.s32 $0xFFFFFD80;
	s4 =	simm.s32 @!p0 $0x1E280  }
0xa0: {  	[hbm4b:s5+s2] =	stream.linear.scatter @!p0 [tilespmem:s4], [sflag:$0xB], $0x10, $0x38;
	[tilespmem:$0x1E880] =	vst v63  }
0xa1: {  	s2 =	simm.s32 @!p0 $0xB  }
0xa2: {  	_ =	swait.ge @!p0 [sflag:s2], $0x10  }
0xa3: {  	[sflag:s2] =	ssyncset.done @!p0 $0x0  }
0xa4: {  	[sflag:s2] =	ssyncadd.s32 @!p0 $0xFFFFFFF0  }
0xa5: {  	[bflag:$0x0] =	sbarrier.arrive $0xFFFF  }
0xa6: {  	s5 =	sld [smem:$0x7F9];
	_ =	sdelay $0x1  }
0xa7: {  	s21 =	simm.s32 $0x0;
	s13 =	sld [smem:$0x7FA]  }
0xa8: {  	[tilespmem:s8], [sflag:$0x5] =	stream.linear.gather [hbm4b:s5+s21], $0x80, $0x38;
	[tilespmem:$0x1E880] =	vst v63  }
0xa9: {  	s15 =	sld [smem:$0x7FB]  }
0xaa: {  	[tilespmem:s1], [sflag:$0x7] =	stream.linear.gather [hbm4b:s13+s21], $0x80, $0x38;
	[tilespmem:$0x1E880] =	vst v63  }
0xab: {  	s3 =	simm.s32 $0x2080;
	s17 =	sld [smem:$0x7FC]  }
0xac: {  	[tilespmem:s3], [sflag:$0x6] =	stream.linear.gather [hbm4b:s15+s21], $0x80, $0x38;
	[tilespmem:$0x1E880] =	vst v63  }
0xad: {  	_ = 	snop  }
0xae: {  	[tilespmem:s11], [sflag:$0x8] =	stream.linear.gather [hbm4b:s17+s21], $0x80, $0x38;
	[tilespmem:$0x1E880] =	vst v63  }
0xaf: {  	_ =	swait.ge [sflag:s9], $0x80  }
0xb0: {  	[sflag:s9] =	ssyncset.done $0x0  }
0xb1: {  	s0 =	sadd.s32 $0x180, s14;
	s1 =	simm.s32 $0x6200;
	[sflag:s9] =	ssyncadd.s32 $0xFFFFFF80  }
0xb2: {  	[tilespmem:s23], [sflag:$0x1] =	stream.indirect.gather [hbm4b:s16+s7], $0x80, s8, s7, $0xb8;
	[tilespmem:$0x1E880] =	vst v63  }
0xb3: {  	s13 =	simm.s32 $0x100;
	s11 =	sadd.s32 $0xFFFFFF80, s0;
	_ =	swait.ge [sflag:s10], $0x80  }
0xb4: {  	s4 =	sand.u32 $0xFC00, s11;
	[sflag:s10] =	ssyncset.done $0x0;
	s15 =	rddreg [dreg:$0x6]  }
0xb5: {  	s5 =	sand.u32 $0x300, s13;
	[sflag:s10] =	ssyncadd.s32 $0xFFFFFF80;
	s4 =	sadd.s32 s15, s4  }
0xb6: {  	[tilespmem:s1], [sflag:$0x2] =	stream.indirect.gather [hbm4b:s16+s7], $0x80, s3, s7, $0xb8;
	[tilespmem:$0x1E880] =	vst v63  }
0xb7: {  	s4 =	sor.u32 s5, s4;
	_ =	swait.ge [sflag:s6], $0x4000  }
0xb8: {  	s4 =	sshrl.u32 s4, $0x3;
	[sflag:s6] =	ssyncset.done $0x0  }
0xb9: {  	s17 =	sadd.s32 s19, s4;
	[sflag:s6] =	ssyncadd.s32 $0xFFFFC000  }
0xba: {  	[tilespmem:s8], [sflag:$0x5] =	stream.linear.gather [hbm4b:s17+s21], $0x80, $0x38;
	[tilespmem:$0x1E880] =	vst v63  }
0xbb: {  	_ =	swait.ge [sflag:s24], $0x80  }
0xbc: {  	[sflag:s24] =	ssyncset.done $0x0  }
0xbd: {  	[sflag:s24] =	ssyncadd.s32 $0xFFFFFF80  }
0xbe: {  	[spmem:s22] =	stream.indirect.scatter.add.f32 [tilespmem:s23], [sflag:$0x3], $0x80, s18, s7, $0xb8;
	[tilespmem:$0x1E880] =	vst v63  }
0xbf: {  	s2 =	sand.u32 $0xFC00, s0;
	s11 =	simm.s32 $0x180  }
0xc0: {  	[spmem:s12] =	stream.indirect.scatter.add.f32 [tilespmem:s26], [sflag:$0x9], $0x1, s18, s7, $0xb8;
	[tilespmem:$0x1E880] =	vst v63  }
0xc1: {  	s2 =	sadd.s32 s15, s2;
	s5 =	sand.u32 $0x380, s11;
	s26 =	simm.s32 $0x2  }
0xc2: {  	s2 =	sor.u32 s5, s2;
	_ =	swait.ge [sflag:s26], $0x4000  }
0xc3: {  	s5 =	sshrl.u32 s2, $0x3;
	[sflag:s26] =	ssyncset.done $0x0  }
0xc4: {  	s2 =	sadd.s32 s19, s5;
	[sflag:s26] =	ssyncadd.s32 $0xFFFFC000  }
0xc5: {  	[tilespmem:s3], [sflag:$0x6] =	stream.linear.gather [hbm4b:s2+s21], $0x80, $0x38;
	[tilespmem:$0x1E880] =	vst v63  }
0xc6: {  	_ =	swait.ge [sflag:s28], $0x80  }
0xc7: {  	[sflag:s28] =	ssyncset.done $0x0  }
0xc8: {  	[sflag:s28] =	ssyncadd.s32 $0xFFFFFF80  }
0xc9: {  	[spmem:s22] =	stream.indirect.scatter.add.f32 [tilespmem:s1], [sflag:$0x4], $0x80, s20, s7, $0xb8;
	[tilespmem:$0x1E880] =	vst v63  }
0xca: {  	_ = 	snop  }
0xcb: {  	[spmem:s12] =	stream.indirect.scatter.add.f32 [tilespmem:s29], [sflag:$0xA], $0x1, s20, s7, $0xb8;
	[tilespmem:$0x1E880] =	vst v63  }
0xcc: {  	_ =	swait.ge [sflag:s30], $0x4000  }
0xcd: {  	[sflag:s30] =	ssyncset.done $0x0  }
0xce: {  	[sflag:s30] =	ssyncadd.s32 $0xFFFFC000  }
0xcf: {  	_ =	swait.ge [sflag:s31], $0x80  }
0xd0: {  	[sflag:s31] =	ssyncset.done $0x0  }
0xd1: {  	s13 =	sadd.s32 s25, s4;
	[sflag:s31] =	ssyncadd.s32 $0xFFFFFF80  }
0xd2: {  	[tilespmem:s18], [sflag:$0x7] =	stream.linear.gather [hbm4b:s13+s21], $0x80, $0x38;
	[tilespmem:$0x1E880] =	vst v63  }
0xd3: {  	_ =	swait.ge [sflag:s9], $0x80  }
0xd4: {  	[sflag:s9] =	ssyncset.done $0x0  }
0xd5: {  	s0 =	simm.s32 $0x4;
	[sflag:s9] =	ssyncadd.s32 $0xFFFFFF80  }
0xd6: {  	[tilespmem:s23], [sflag:$0x1] =	stream.indirect.gather [hbm4b:s16+s7], $0x80, s8, s7, $0xb8;
	[tilespmem:$0x1E880] =	vst v63  }
0xd7: {  	_ =	swait.ge [sflag:s0], $0x4000  }
0xd8: {  	[sflag:s0] =	ssyncset.done $0x0  }
0xd9: {  	s11 =	sadd.s32 $0x280, s14;
	s14 =	simm.s32 $0xA;
	[sflag:s0] =	ssyncadd.s32 $0xFFFFC000  }
0xda: {  	s15 =	sadd.s32 $0xFFFFFF80, s11;
	s11 =	sand.u32 $0xFC00, s11;
	_ =	swait.ge [sflag:s14], $0x80  }
0xdb: {  	[smem:$0x7F6] =	sst s11  }
0xdc: {  	s13 =	sadd.s32 s25, s5;
	s5 =	sld [smem:$0x7F6]  }
0xdd: {  	s4 =	simm.s32 $0x380;
	s15 =	sand.u32 $0xFC00, s15  }
0xde: {  	s17 =	simm.s32 $0x200;
	[sflag:s14] =	ssyncset.done $0x0;
	s11 =	rddreg [dreg:$0x6]  }
0xdf: {  	s2 =	simm.s32 $0x280;
	[sflag:s14] =	ssyncadd.s32 $0xFFFFFF80;
	s5 =	sadd.s32 s11, s5  }
.LBB2_4:
0xe0: {  	[tilespmem:s20], [sflag:$0x8] =	stream.linear.gather [hbm4b:s13+s21], $0x80, $0x38;
	[tilespmem:$0x1E880] =	vst v63  }
0xe1: {  	_ =	swait.ge [sflag:s10], $0x80  }
0xe2: {  	s13 =	smov.u32 s4;
	[sflag:s10] =	ssyncset.done $0x0  }
0xe3: {  	s15 =	sadd.s32 s11, s15;
	s17 =	sand.u32 $0x300, s17;
	[sflag:s10] =	ssyncadd.s32 $0xFFFFFF80  }
0xe4: {  	[tilespmem:s1], [sflag:$0x2] =	stream.indirect.gather [hbm4b:s16+s7], $0x80, s3, s7, $0xb8;
	[tilespmem:$0x1E880] =	vst v63  }
0xe5: {  	s11 =	sadd.s32 $0x100, s4;
	s15 =	sor.u32 s17, s15;
	_ =	swait.ge [sflag:s6], $0x4000  }
0xe6: {  	p1 =	sne.s32 s4, $0x2780;
	s4 =	sshrl.u32 s15, $0x3;
	[sflag:s6] =	ssyncset.done $0x0  }
0xe7: {  	s15 =	sadd.s32 s19, s4;
	[sflag:s6] =	ssyncadd.s32 $0xFFFFC000  }
0xe8: {  	[tilespmem:s8], [sflag:$0x5] =	stream.linear.gather [hbm4b:s15+s21], $0x80, $0x38;
	[tilespmem:$0x1E880] =	vst v63  }
0xe9: {  	_ =	swait.ge [sflag:s24], $0x80  }
0xea: {  	[sflag:s24] =	ssyncset.done $0x0  }
0xeb: {  	[sflag:s24] =	ssyncadd.s32 $0xFFFFFF80  }
0xec: {  	[spmem:s22] =	stream.indirect.scatter.add.f32 [tilespmem:s23], [sflag:$0x3], $0x80, s18, s7, $0xb8;
	[tilespmem:$0x1E880] =	vst v63  }
0xed: {  	s17 =	sand.u32 $0x380, s2  }
0xee: {  	[spmem:s12] =	stream.indirect.scatter.add.f32 [tilespmem:s29], [sflag:$0x9], $0x1, s18, s7, $0xb8;
	[tilespmem:$0x1E880] =	vst v63  }
0xef: {  	s5 =	sor.u32 s17, s5;
	_ =	swait.ge [sflag:s26], $0x4000  }
0xf0: {  	s5 =	sshrl.u32 s5, $0x3;
	[sflag:s26] =	ssyncset.done $0x0  }
0xf1: {  	s17 =	sadd.s32 s19, s5;
	[sflag:s26] =	ssyncadd.s32 $0xFFFFC000  }
0xf2: {  	[tilespmem:s3], [sflag:$0x6] =	stream.linear.gather [hbm4b:s17+s21], $0x80, $0x38;
	[tilespmem:$0x1E880] =	vst v63  }
0xf3: {  	_ =	swait.ge [sflag:s28], $0x80  }
0xf4: {  	[sflag:s28] =	ssyncset.done $0x0  }
0xf5: {  	[sflag:s28] =	ssyncadd.s32 $0xFFFFFF80  }
0xf6: {  	[spmem:s22] =	stream.indirect.scatter.add.f32 [tilespmem:s1], [sflag:$0x4], $0x80, s20, s7, $0xb8;
	[tilespmem:$0x1E880] =	vst v63  }
0xf7: {  	_ = 	snop  }
0xf8: {  	[spmem:s12] =	stream.indirect.scatter.add.f32 [tilespmem:s29], [sflag:$0xA], $0x1, s20, s7, $0xb8;
	[tilespmem:$0x1E880] =	vst v63  }
0xf9: {  	_ =	swait.ge [sflag:s30], $0x4000  }
0xfa: {  	[sflag:s30] =	ssyncset.done $0x0  }
0xfb: {  	[sflag:s30] =	ssyncadd.s32 $0xFFFFC000  }
0xfc: {  	_ =	swait.ge [sflag:s31], $0x80  }
0xfd: {  	[sflag:s31] =	ssyncset.done $0x0  }
0xfe: {  	s4 =	sadd.s32 s25, s4;
	[sflag:s31] =	ssyncadd.s32 $0xFFFFFF80  }
0xff: {  	[tilespmem:s18], [sflag:$0x7] =	stream.linear.gather [hbm4b:s4+s21], $0x80, $0x38;
	[tilespmem:$0x1E880] =	vst v63  }
0x100: {  	_ =	swait.ge [sflag:s9], $0x80  }
0x101: {  	[sflag:s9] =	ssyncset.done $0x0  }
0x102: {  	[sflag:s9] =	ssyncadd.s32 $0xFFFFFF80  }
0x103: {  	[tilespmem:s23], [sflag:$0x1] =	stream.indirect.gather [hbm4b:s16+s7], $0x80, s8, s7, $0xb8;
	[tilespmem:$0x1E880] =	vst v63  }
0x104: {  	s2 =	smov.u32 s13;
	_ =	swait.ge [sflag:s0], $0x4000  }
0x105: {  	s17 =	sadd.s32 $0xFFFFFF80, s2;
	[sflag:s0] =	ssyncset.done $0x0  }
.Ltmp1:
0x106: {  	s13 =	rddreg [dreg:$0x7];
	[sflag:s0] =	ssyncadd.s32 $0xFFFFC000;
	(pc) =	sbr.rel @p1 .LBB2_4-.Ltmp1, $4  }
0x107: {  	s4 =	sadd.s32 s2, s13;
	s13 =	sadd.s32 s25, s5;
	_ =	swait.ge [sflag:s14], $0x80  }
0x108: {  	s15 =	sadd.s32 $0xFFFFFF80, s4;
	s4 =	sand.u32 $0xFC00, s4;
	s5 =	rddreg [dreg:$0x6]  }
0x109: {  	[sflag:s14] =	ssyncset.done $0x0;
	s15 =	sand.u32 $0xFC00, s15;
	s5 =	sadd.s32 s5, s4  }
0x10a: {  	[sflag:s14] =	ssyncadd.s32 $0xFFFFFF80;
	s4 =	smov.u32 s11;
	s11 =	rddreg [dreg:$0x6]  }
0x10b: {  	[tilespmem:s20], [sflag:$0x8] =	stream.linear.gather [hbm4b:s13+s21], $0x80, $0x38;
	[tilespmem:$0x1E880] =	vst v63  }
0x10c: {  	_ =	swait.ge [sflag:s10], $0x80  }
0x10d: {  	[sflag:s10] =	ssyncset.done $0x0  }
0x10e: {  	s4 =	sadd.s32 s11, s15;
	s13 =	sand.u32 $0x300, s17;
	[sflag:s10] =	ssyncadd.s32 $0xFFFFFF80  }
0x10f: {  	[tilespmem:s1], [sflag:$0x2] =	stream.indirect.gather [hbm4b:s16+s7], $0x80, s3, s7, $0xb8;
	[tilespmem:$0x1E880] =	vst v63  }
0x110: {  	s4 =	sor.u32 s13, s4;
	_ =	swait.ge [sflag:s6], $0x4000  }
0x111: {  	s4 =	sshrl.u32 s4, $0x3;
	[sflag:s6] =	ssyncset.done $0x0  }
0x112: {  	s15 =	sadd.s32 s19, s4;
	[sflag:s6] =	ssyncadd.s32 $0xFFFFC000  }
0x113: {  	[tilespmem:s8], [sflag:$0x5] =	stream.linear.gather [hbm4b:s15+s21], $0x80, $0x38;
	[tilespmem:$0x1E880] =	vst v63  }
0x114: {  	_ =	swait.ge [sflag:s24], $0x80  }
0x115: {  	[sflag:s24] =	ssyncset.done $0x0  }
0x116: {  	[sflag:s24] =	ssyncadd.s32 $0xFFFFFF80  }
0x117: {  	[spmem:s22] =	stream.indirect.scatter.add.f32 [tilespmem:s23], [sflag:$0x3], $0x80, s18, s7, $0xb8;
	[tilespmem:$0x1E880] =	vst v63  }
0x118: {  	s2 =	sand.u32 $0x380, s2  }
0x119: {  	[spmem:s12] =	stream.indirect.scatter.add.f32 [tilespmem:s29], [sflag:$0x9], $0x1, s18, s7, $0xb8;
	[tilespmem:$0x1E880] =	vst v63  }
0x11a: {  	s2 =	sor.u32 s2, s5;
	_ =	swait.ge [sflag:s26], $0x4000  }
0x11b: {  	s2 =	sshrl.u32 s2, $0x3;
	[sflag:s26] =	ssyncset.done $0x0  }
0x11c: {  	s17 =	sadd.s32 s19, s2;
	[sflag:s26] =	ssyncadd.s32 $0xFFFFC000  }
0x11d: {  	[tilespmem:s3], [sflag:$0x6] =	stream.linear.gather [hbm4b:s17+s21], $0x80, $0x38;
	[tilespmem:$0x1E880] =	vst v63  }
0x11e: {  	_ =	swait.ge [sflag:s28], $0x80  }
0x11f: {  	[sflag:s28] =	ssyncset.done $0x0  }
0x120: {  	[sflag:s28] =	ssyncadd.s32 $0xFFFFFF80  }
0x121: {  	[spmem:s22] =	stream.indirect.scatter.add.f32 [tilespmem:s1], [sflag:$0x4], $0x80, s20, s7, $0xb8;
	[tilespmem:$0x1E880] =	vst v63  }
0x122: {  	_ = 	snop  }
0x123: {  	[spmem:s12] =	stream.indirect.scatter.add.f32 [tilespmem:s29], [sflag:$0xA], $0x1, s20, s7, $0xb8;
	[tilespmem:$0x1E880] =	vst v63  }
0x124: {  	_ =	swait.ge [sflag:s30], $0x4000  }
0x125: {  	[sflag:s30] =	ssyncset.done $0x0  }
0x126: {  	[sflag:s30] =	ssyncadd.s32 $0xFFFFC000  }
0x127: {  	_ =	swait.ge [sflag:s31], $0x80  }
0x128: {  	[sflag:s31] =	ssyncset.done $0x0  }
0x129: {  	s4 =	sadd.s32 s25, s4;
	[sflag:s31] =	ssyncadd.s32 $0xFFFFFF80  }
0x12a: {  	[tilespmem:s18], [sflag:$0x7] =	stream.linear.gather [hbm4b:s4+s21], $0x80, $0x38;
	[tilespmem:$0x1E880] =	vst v63  }
0x12b: {  	_ =	swait.ge [sflag:s9], $0x80  }
0x12c: {  	[sflag:s9] =	ssyncset.done $0x0  }
0x12d: {  	[sflag:s9] =	ssyncadd.s32 $0xFFFFFF80  }
0x12e: {  	[tilespmem:s23], [sflag:$0x1] =	stream.indirect.gather [hbm4b:s16+s7], $0x80, s8, s7, $0xb8;
	[tilespmem:$0x1E880] =	vst v63  }
0x12f: {  	_ =	swait.ge [sflag:s0], $0x4000  }
0x130: {  	[sflag:s0] =	ssyncset.done $0x0  }
0x131: {  	[sflag:s0] =	ssyncadd.s32 $0xFFFFC000  }
0x132: {  	_ =	swait.ge [sflag:s14], $0x80  }
0x133: {  	[sflag:s14] =	ssyncset.done $0x0  }
0x134: {  	s2 =	sadd.s32 s25, s2;
	[sflag:s14] =	ssyncadd.s32 $0xFFFFFF80  }
0x135: {  	[tilespmem:s20], [sflag:$0x8] =	stream.linear.gather [hbm4b:s2+s21], $0x80, $0x38;
	[tilespmem:$0x1E880] =	vst v63  }
0x136: {  	_ =	swait.ge [sflag:s10], $0x80  }
0x137: {  	[sflag:s10] =	ssyncset.done $0x0  }
0x138: {  	[sflag:s10] =	ssyncadd.s32 $0xFFFFFF80  }
0x139: {  	[tilespmem:s1], [sflag:$0x2] =	stream.indirect.gather [hbm4b:s16+s7], $0x80, s3, s7, $0xb8;
	[tilespmem:$0x1E880] =	vst v63  }
0x13a: {  	_ =	swait.ge [sflag:s6], $0x4000  }
0x13b: {  	[sflag:s6] =	ssyncset.done $0x0  }
0x13c: {  	[sflag:s6] =	ssyncadd.s32 $0xFFFFC000  }
0x13d: {  	_ =	swait.ge [sflag:s24], $0x80  }
0x13e: {  	[sflag:s24] =	ssyncset.done $0x0  }
0x13f: {  	[sflag:s24] =	ssyncadd.s32 $0xFFFFFF80  }
0x140: {  	[spmem:s22] =	stream.indirect.scatter.add.f32 [tilespmem:s23], [sflag:$0x3], $0x80, s18, s7, $0xb8;
	[tilespmem:$0x1E880] =	vst v63  }
0x141: {  	_ = 	snop  }
0x142: {  	[spmem:s12] =	stream.indirect.scatter.add.f32 [tilespmem:s29], [sflag:$0x9], $0x1, s18, s7, $0xb8;
	[tilespmem:$0x1E880] =	vst v63  }
0x143: {  	_ =	swait.ge [sflag:s26], $0x4000  }
0x144: {  	[sflag:s26] =	ssyncset.done $0x0  }
0x145: {  	[sflag:s26] =	ssyncadd.s32 $0xFFFFC000  }
0x146: {  	_ =	swait.ge [sflag:s28], $0x80  }
0x147: {  	[sflag:s28] =	ssyncset.done $0x0  }
0x148: {  	[sflag:s28] =	ssyncadd.s32 $0xFFFFFF80  }
0x149: {  	[spmem:s22] =	stream.indirect.scatter.add.f32 [tilespmem:s1], [sflag:$0x4], $0x80, s20, s7, $0xb8;
	[tilespmem:$0x1E880] =	vst v63  }
0x14a: {  	_ = 	snop  }
0x14b: {  	[spmem:s12] =	stream.indirect.scatter.add.f32 [tilespmem:s29], [sflag:$0xA], $0x1, s20, s7, $0xb8;
	[tilespmem:$0x1E880] =	vst v63  }
0x14c: {  	_ =	swait.ge [sflag:s30], $0x4000  }
0x14d: {  	[sflag:s30] =	ssyncset.done $0x0  }
0x14e: {  	[sflag:s30] =	ssyncadd.s32 $0xFFFFC000  }
0x14f: {  	_ =	swait.ge [sflag:s31], $0x80  }
0x150: {  	[sflag:s31] =	ssyncset.done $0x0  }
0x151: {  	[sflag:s31] =	ssyncadd.s32 $0xFFFFFF80  }
0x152: {  	_ =	swait.ge [sflag:s0], $0x4000  }
0x153: {  	[sflag:s0] =	ssyncset.done $0x0  }
0x154: {  	[sflag:s0] =	ssyncadd.s32 $0xFFFFC000  }
0x155: {  	_ =	swait.ge [sflag:s14], $0x80  }
0x156: {  	[sflag:s14] =	ssyncset.done $0x0  }
0x157: {  	[sflag:s14] =	ssyncadd.s32 $0xFFFFFF80  }
0x158: {  	[bflag:$0x0] =	sbarrier.arrive $0xFFFF  }
0x159: {  	s4 =	simm.s32 @!p0 $0x1E200;
	s2 =	simm.s32 @!p0 $0x0;
	s5 =	rddreg [dreg:$0xc]  }
0x15a: {  	[hbm4b:s5+s2] =	stream.linear.scatter @!p0 [tilespmem:s4], [sflag:$0xB], $0x10, $0x38;
	[tilespmem:$0x1E880] =	vst v63  }
0x15b: {  	s4 =	simm.s32 @!p0 $0xB  }
0x15c: {  	_ =	swait.ge @!p0 [sflag:s4], $0x10  }
0x15d: {  	[sflag:s4] =	ssyncset.done @!p0 $0x0  }
0x15e: {  	s5 =	simm.s32 @!p0 $0x1E780;
	s11 =	rddreg [dreg:$0x8];
	[sflag:s4] =	ssyncadd.s32 @!p0 $0xFFFFFFF0  }
0x15f: {  	[tilespmem:s5], [sflag:$0xB] =	stream.linear.gather @!p0 [hbm4b:s11+s2], $0x80, $0x38;
	[tilespmem:$0x1E880] =	vst v63  }
0x160: {  	_ =	swait.ge @!p0 [sflag:s4], $0x80  }
0x161: {  	[sflag:s4] =	ssyncset.done @!p0 $0x0  }
0x162: {  	[sflag:s4] =	ssyncadd.s32 @!p0 $0xFFFFFF80  }
0x163: {  	v2 =	vld @!p0 [tilespmem:$0x1E780];
	_ =	sdelay $0x4  }
0x164: {  	vm0 =	veq.f32 @!p0 v2, $0.0e+00;
	v2 =	vimm.f32 @!p0 $0.0e+00  }
0x165: {  	v2 =	vsel @!p0 vm0, $0x3F800000, v2  }
0x166: {  	s3 =	stileid.u32;
	s5 =	simm.s32 @!p0 $0x1E800;
	s11 =	rddreg [dreg:$0x9];
	[tilespmem:$0x1E800] =	vst @!p0 v2  }
0x167: {  	[hbm4b:s11+s2] =	stream.linear.scatter @!p0 [tilespmem:s5], [sflag:$0xB], $0x80, $0x38;
	[tilespmem:$0x1E880] =	vst v63  }
0x168: {  	s2 =	sshll.u32 s3, $0x6;
	_ =	swait.ge @!p0 [sflag:s4], $0x80  }
0x169: {  	s2 =	sor.u32 $0x1C0B, s2;
	[sflag:s4] =	ssyncset.done @!p0 $0x0;
	s21 =	rddreg [dreg:$0x16]  }
0x16a: {  	s11 =	rddreg [dreg:$0xa];
	[sflag:s4] =	ssyncadd.s32 @!p0 $0xFFFFFF80;
	s5 =	sshrl.u32 s21, $0x3  }
0x16b: {  	[hbm:s11], [sflag:s2] =	dma.local [spmem:s5], $0x400  }
0x16c: {  	s11 =	simm.s32 $0xB  }
0x16d: {  	_ =	swait.ge [sflag:s11], $0x400  }
0x16e: {  	[sflag:s11] =	ssyncset.done $0x0;
	s13 =	rddreg [dreg:$0x17]  }
0x16f: {  	s14 =	rddreg [dreg:$0xb];
	[sflag:s11] =	ssyncadd.s32 $0xFFFFFC00;
	s4 =	sshrl.u32 s13, $0x3  }
0x170: {  	[hbm:s14], [sflag:s2] =	dma.local [spmem:s4], $0x400  }
0x171: {  	_ =	swait.ge [sflag:s11], $0x400  }
0x172: {  	[sflag:s11] =	ssyncset.done $0x0;
	s15 =	rddreg [dreg:$0x18]  }
0x173: {  	s17 =	rddreg [dreg:$0xd];
	[sflag:s11] =	ssyncadd.s32 $0xFFFFFC00;
	s4 =	sshrl.u32 s15, $0x3  }
0x174: {  	[hbm:s17], [sflag:s2] =	dma.local [spmem:s4], $0x400  }
0x175: {  	_ =	swait.ge [sflag:s11], $0x400  }
0x176: {  	[sflag:s11] =	ssyncset.done $0x0;
	s26 =	rddreg [dreg:$0x19]  }
0x177: {  	s0 =	rddreg [dreg:$0xe];
	[sflag:s11] =	ssyncadd.s32 $0xFFFFFC00;
	s4 =	sshrl.u32 s26, $0x3  }
0x178: {  	[hbm:s0], [sflag:s2] =	dma.local [spmem:s4], $0x400  }
0x179: {  	_ =	swait.ge [sflag:s11], $0x400  }
0x17a: {  	[sflag:s11] =	ssyncset.done $0x0;
	s13 =	rddreg [dreg:$0x1a]  }
0x17b: {  	s3 =	rddreg [dreg:$0xf];
	[sflag:s11] =	ssyncadd.s32 $0xFFFFFC00;
	s1 =	sshrl.u32 s13, $0x3  }
0x17c: {  	[hbm:s3], [sflag:s2] =	dma.local [spmem:s1], $0x400  }
0x17d: {  	_ =	swait.ge [sflag:s11], $0x400  }
0x17e: {  	[sflag:s11] =	ssyncset.done $0x0;
	s15 =	rddreg [dreg:$0x1b]  }
0x17f: {  	s17 =	rddreg [dreg:$0x10];
	[sflag:s11] =	ssyncadd.s32 $0xFFFFFC00;
	s14 =	sshrl.u32 s15, $0x3  }
0x180: {  	[hbm:s17], [sflag:s2] =	dma.local [spmem:s14], $0x400  }
0x181: {  	_ =	swait.ge [sflag:s11], $0x400  }
0x182: {  	[sflag:s11] =	ssyncset.done $0x0;
	s17 =	rddreg [dreg:$0x1c]  }
0x183: {  	s0 =	rddreg [dreg:$0x11];
	[sflag:s11] =	ssyncadd.s32 $0xFFFFFC00;
	s26 =	sshrl.u32 s17, $0x3  }
0x184: {  	[hbm:s0], [sflag:s2] =	dma.local [spmem:s26], $0x400  }
0x185: {  	_ =	swait.ge [sflag:s11], $0x400  }
0x186: {  	[sflag:s11] =	ssyncset.done $0x0;
	s1 =	rddreg [dreg:$0x1d]  }
0x187: {  	s3 =	rddreg [dreg:$0x12];
	[sflag:s11] =	ssyncadd.s32 $0xFFFFFC00;
	s4 =	sshrl.u32 s1, $0x3  }
0x188: {  	[hbm:s3], [sflag:s2] =	dma.local [spmem:s4], $0x400  }
0x189: {  	_ =	swait.ge [sflag:s11], $0x400  }
0x18a: {  	[sflag:s11] =	ssyncset.done $0x0;
	s5 =	rddreg [dreg:$0x1e]  }
0x18b: {  	s14 =	rddreg [dreg:$0x13];
	[sflag:s11] =	ssyncadd.s32 $0xFFFFFC00;
	s4 =	sshrl.u32 s5, $0x3  }
0x18c: {  	[hbm:s14], [sflag:s2] =	dma.local [spmem:s4], $0x400  }
0x18d: {  	_ =	swait.ge [sflag:s11], $0x400  }
0x18e: {  	[sflag:s11] =	ssyncset.done $0x0;
	s26 =	rddreg [dreg:$0x1f]  }
0x18f: {  	s0 =	rddreg [dreg:$0x14];
	[sflag:s11] =	ssyncadd.s32 $0xFFFFFC00;
	s4 =	sshrl.u32 s26, $0x3  }
0x190: {  	[hbm:s0], [sflag:s2] =	dma.local [spmem:s4], $0x400  }
0x191: {  	_ =	swait.ge [sflag:s11], $0x400  }
0x192: {  	s1 =	sld [smem:$0x7F8];
	_ =	sdelay $0x1  }
0x193: {  	[sflag:s11] =	ssyncset.done $0x0  }
0x194: {  	s3 =	rddreg [dreg:$0x15];
	[sflag:s11] =	ssyncadd.s32 $0xFFFFFC00;
	s4 =	sshrl.u32 s1, $0x3  }
0x195: {  	[hbm:s3], [sflag:s2] =	dma.local [spmem:s4], $0x50  }
0x196: {  	_ =	swait.ge [sflag:s11], $0x50  }
0x197: {  	s14 =	sld [smem:$0x7F7]  }
0x198: {  	s26 =	sld [smem:$0x7FD];
	_ =	sdelay $0x1  }
0x199: {  	s3 =	sadd.s32 $0x1, s14  }
0x19a: {  	p1 =	sne.s32 s3, s26  }
.Ltmp2:
0x19b: {  	_ = 	snop;
	(pc) =	sbr.rel @p1 .LBB2_1-.Ltmp2, $4  }
0x19c: {  	_ = 	snop  }
0x19d: {  	[sflag:s11] =	ssyncset.done $0x0  }
0x19e: {  	s0 =	simm.s32 $0x0;
	s1 =	simm.s32 $0x2100;
	[sflag:s11] =	ssyncadd.s32 $0xFFFFFFB0  }
0x19f: {  	s11 =	simm.s32 $0x2180;
	s14 =	rddreg [dreg:$0x7];
	s26 =	simm.s32 $0x1E200  }
0x1a0: {  	_ =	sfence.sel $0x180000  }
0x1a1: {  	[bflag:$0x0] =	sbarrier.arrive $0xFFFF  }
0x1a2: {  	_ =	strace $0x90000047  }
0x1a3: {  	[bflag:$0x2] =	sbarrier.arrive $0xFFFF  }
0x1a4: {  	s0 =	rddreg [dreg:$0x5]  }
0x1a5: {  	s0 =	sadd.s32 @!p0 $0x100000, s0  }
0x1a6: {  	[sflag:s0] =	ssyncadd.tile.s32 @!p0 $0x1;
	_ =	shalt  }
.Lfunc_end2:
_tile_overlayer_lowered:
.L_overlay_start_2:
0x1a7: {  	(tag) =	ssettag $0x2  }
0x1a8: {  	s0 =	rddreg [dreg:$0x0];
	s2 =	stileid.u32  }
0x1a9: {  	s1 =	rddreg [dreg:$0x1];
	p0 =	sne.s32 s2, $0x0  }
0x1aa: {  	s3 =	rddreg [dreg:$0x2];
	[bflag:$0x3] =	sbarrier.arrive $0xFFFF;
	s2 =	simm.s32 @!p0 $0x1C0B  }
0x1ab: {  	[timem:s3], [sflag:s2] =	dma.local @!p0 [hbm:s0], s1  }
0x1ac: {  	s0 =	simm.s32 @!p0 $0xB  }
0x1ad: {  	_ =	swait.ge @!p0 [sflag:s0], s1  }
0x1ae: {  	s1 =	ssub.s32 @!p0 $0x0, s1;
	[sflag:s0] =	ssyncset.done @!p0 $0x0  }
0x1af: {  	[sflag:s0] =	ssyncadd.s32 @!p0 s1  }
0x1b0: {  	[bflag:$0x3] =	sbarrier.arrive $0xFFFF  }
0x1b1: {  	_ =	shalt  }

</sc_bundles>
